<compile_context>
chip_gen: v7x
topology: tpu7x:2x2x1
jax: 0.10.2.dev20260603
libtpu: 0.0.44.dev20260713+nightly
codegen_flags: <defaults>
</compile_context>

<pallas_src>
import functools

import jax
import jax.numpy as jnp
from jax import lax
from jax.experimental import pallas as pl
from jax.experimental.pallas import tpu as pltpu
from jax.experimental.pallas import tpu_sc as plsc

D = 128
K = 10
NC = 2
NS = 16
NW = NC * NS
C = 24
BB = 8192
NBUF = 3


def _sc_gather_mean(idx1, features, Bp):
    mesh = plsc.VectorSubcoreMesh(core_axis_name="c", subcore_axis_name="s")

    @functools.partial(
        pl.kernel,
        out_type=(
            jax.ShapeDtypeStruct((Bp, D), jnp.float32),
            jax.ShapeDtypeStruct((Bp, D), jnp.float32),
        ),
        mesh=mesh,
        compiler_params=pltpu.CompilerParams(
            disable_bounds_checks=True, disable_semaphore_checks=True),
        scratch_types=(
            [pltpu.VMEM(((K + 1) * C,), jnp.int32) for _ in range(NBUF)]
            + [pltpu.VMEM((NBUF, (K + 1) * C, D), jnp.float32),
               pltpu.VMEM((NBUF, C, D), jnp.float32)]
            + [pltpu.SemaphoreType.DMA for _ in range(2 * NBUF + 1)]
        ),
    )
    def run(idx_hbm, feat_hbm, self_hbm, mean_hbm, *scr):
        idx_vs = scr[:NBUF]
        rows_v, mean_v = scr[NBUF], scr[NBUF + 1]
        sems_g = scr[NBUF + 2:2 * NBUF + 2]
        sems_i = scr[2 * NBUF + 2:3 * NBUF + 2]
        sem_wb = scr[3 * NBUF + 2]
        wid = lax.axis_index("s") * NC + lax.axis_index("c")
        count = (Bp // C) // NW
        start = wid * count

        def fire_idx(ci, b):
            base = (start + ci) * C
            for j in range(K + 1):
                pltpu.async_copy(idx_hbm.at[pl.ds(j * Bp + base, C)],
                                 idx_vs[b].at[pl.ds(j * C, C)], sems_i[b])

        def wait_idx(b):
            for j in range(K + 1):
                pltpu.make_async_copy(idx_hbm.at[pl.ds(j * Bp, C)],
                                      idx_vs[b].at[pl.ds(j * C, C)],
                                      sems_i[b]).wait()

        def fire_gather(b):
            pltpu.async_copy(feat_hbm.at[idx_vs[b]], rows_v.at[b], sems_g[b])

        def wait_gather(b):
            pltpu.make_async_copy(feat_hbm.at[idx_vs[b]], rows_v.at[b],
                                  sems_g[b]).wait()

        def fire_wb(ci, b):
            base = (start + ci) * C
            pltpu.async_copy(rows_v.at[b].at[pl.ds(0, C)],
                             self_hbm.at[pl.ds(base, C)], sem_wb)
            pltpu.async_copy(mean_v.at[b], mean_hbm.at[pl.ds(base, C)], sem_wb)

        def drain_wb(b):
            pltpu.make_async_copy(rows_v.at[b].at[pl.ds(0, C)],
                                  self_hbm.at[pl.ds(0, C)], sem_wb).wait()
            pltpu.make_async_copy(mean_v.at[b],
                                  mean_hbm.at[pl.ds(0, C)], sem_wb).wait()

        def compute(b):
            def row_body(r, rc):
                for g in range(D // 16):
                    s = pl.ds(g * 16, 16)
                    acc = rows_v[b, C + r, s]
                    for j in range(2, K + 1):
                        acc = acc + rows_v[b, j * C + r, s]
                    mean_v[b, r, s] = acc * jnp.float32(1.0 / K)
                return rc

            lax.fori_loop(0, C, row_body, 0)

        with jax.named_scope("sc_prolog"):
            for j in range(K + 1):
                pltpu.sync_copy(idx_hbm.at[pl.ds(j * Bp + start * C, C)],
                                idx_vs[0].at[pl.ds(j * C, C)])
            for m in range(1, NBUF):
                fire_idx(m, m)
            fire_gather(0)
            for m in range(1, NBUF - 1):
                wait_idx(m)
                fire_gather(m)

        def group_body(i2, carry):
            for b in range(NBUF):
                ci = NBUF * i2 + b
                pb = (b - 1) % NBUF
                wait_gather(b)
                pl.when(ci + NBUF < count)(lambda: fire_idx(ci + NBUF, b))
                pl.when(ci >= 1)(lambda: drain_wb(pb))
                pl.when(ci + NBUF - 1 < count)(lambda: wait_idx(pb))
                pl.when(ci + NBUF - 1 < count)(lambda: fire_gather(pb))
                compute(b)
                fire_wb(ci, b)
            return carry

        with jax.named_scope("sc_loop"):
            lax.fori_loop(0, count // NBUF, group_body, 0)
        with jax.named_scope("sc_epilog"):
            drain_wb(NBUF - 1)

    return run(idx1, features)


def _mm_body(xs_ref, xm_ref, w1_ref, w2_ref, o_ref):
    dn = (((1,), (1,)), ((), ()))
    a = lax.dot_general(w1_ref[...], xs_ref[...], dn,
                        preferred_element_type=jnp.float32)
    b = lax.dot_general(w2_ref[...], xm_ref[...], dn,
                        preferred_element_type=jnp.float32)
    o_ref[...] = jnp.maximum(a + b, 0.0)


def _mm(xs, xm, w1, w2, B):
    nb = (B + BB - 1) // BB
    return pl.pallas_call(
        _mm_body,
        grid=(nb,),
        in_specs=[
            pl.BlockSpec((BB, D), lambda i: (i, 0)),
            pl.BlockSpec((BB, D), lambda i: (i, 0)),
            pl.BlockSpec((D, D), lambda i: (0, 0)),
            pl.BlockSpec((D, D), lambda i: (0, 0)),
        ],
        out_specs=pl.BlockSpec((D, BB), lambda i: (0, i)),
        out_shape=jax.ShapeDtypeStruct((D, B), jnp.float32),
    )(xs, xm, w1, w2)


def kernel(nodes, neigh_idx, features, W):
    B = nodes.shape[0]
    step = NW * NBUF * C
    Bp = ((B + step - 1) // step) * step
    nchunks_total = Bp // C

    idxT = jnp.concatenate(
        [nodes[None, :].astype(jnp.int32), neigh_idx.T.astype(jnp.int32)], axis=0)
    pad = (jnp.arange((K + 1) * (Bp - B), dtype=jnp.int32)
           % features.shape[0]).reshape(K + 1, Bp - B)
    idxT = jnp.concatenate([idxT, pad], axis=1)
    idx1 = idxT.reshape((K + 1) * Bp)

    self_f, mean_f = _sc_gather_mean(idx1, features, Bp)
    return _mm(self_f, mean_f, W[:, :D], W[:, D:], B)

# --- scband reference (transcript-rebuilt; emitter-appended) ---
"""Pipeline reference for scband-encoder-91053306675298 (READ-ONLY COPY).

The authoritative reference and input builder live on the scoring server;
editing this copy changes nothing except your own understanding.
"""

import jax, jax.numpy as jnp
import numpy as np

N_NODES = 100000
D_FEAT = 128
EMBED_DIM = 128
BATCH = 50000
NUM_SAMPLE = 10

def setup_inputs(seed: int = 0) -> dict:
    key = jax.random.key(seed)
    k1, k2, k3, k4 = jax.random.split(key, 4)
    nodes = jax.random.randint(k1, (BATCH,), 0, N_NODES, dtype=jnp.int64) if jax.config.jax_enable_x64 else jax.random.randint(k1, (BATCH,), 0, N_NODES).astype(jnp.int32)
    neigh_idx = jax.random.randint(k2, (BATCH, NUM_SAMPLE), 0, N_NODES).astype(nodes.dtype)
    features = jax.random.normal(k3, (N_NODES, D_FEAT), dtype=jnp.float32)
    # xavier_uniform-like init for weight [embed_dim, 2*feat_dim]
    fan_in, fan_out = 2 * D_FEAT, EMBED_DIM
    limit = float(np.sqrt(6.0 / (fan_in + fan_out)))
    W = jax.random.uniform(k4, (EMBED_DIM, 2 * D_FEAT), dtype=jnp.float32, minval=-limit, maxval=limit)
    return {"nodes": nodes, "neigh_idx": neigh_idx, "features": features, "W": W}

def reference(nodes, neigh_idx, features, W):
    # Aggregator: mean of sampled neighbor features (GraphSAGE MeanAggregator)
    neigh_feats = jnp.mean(jnp.take(features, neigh_idx, axis=0), axis=1)  # [B, d]
    # Self features (gcn=False path): embedding lookup for target nodes
    self_feats = jnp.take(features, nodes, axis=0)  # [B, d]
    combined = jnp.concatenate([self_feats, neigh_feats], axis=1)  # [B, 2d]
    # combined = relu(W @ combined.T) -> [embed_dim, B]
    out = jax.nn.relu(W @ combined.T)
    return out

if __name__ == "__main__":
    import jax
    _d = setup_inputs()
    print(jax.jit(kernel)(*tuple(_d.values())))

</pallas_src>

<mosaic_0001>
#map = affine_map<(d0, d1) -> (0)>
#map1 = affine_map<(d0, d1) -> (0, 0)>
module attributes {stable_mosaic.version = 14 : i64} {
  func.func @run(%arg0: i32, %arg1: i32, %arg2: memref<557568xi32, #tpu.memory_space<hbm>>, %arg3: memref<100000x128xf32, #tpu.memory_space<hbm>>, %arg4: memref<50688x128xf32, #tpu.memory_space<hbm>>, %arg5: memref<50688x128xf32, #tpu.memory_space<hbm>>, %arg6: memref<264xi32, #tpu.memory_space<vmem>>, %arg7: memref<264xi32, #tpu.memory_space<vmem>>, %arg8: memref<264xi32, #tpu.memory_space<vmem>>, %arg9: memref<3x264x128xf32, #tpu.memory_space<vmem>>, %arg10: memref<3x24x128xf32, #tpu.memory_space<vmem>>, %arg11: memref<!tpu.dma_semaphore, #tpu.memory_space<semaphore_mem>>, %arg12: memref<!tpu.dma_semaphore, #tpu.memory_space<semaphore_mem>>, %arg13: memref<!tpu.dma_semaphore, #tpu.memory_space<semaphore_mem>>, %arg14: memref<!tpu.dma_semaphore, #tpu.memory_space<semaphore_mem>>, %arg15: memref<!tpu.dma_semaphore, #tpu.memory_space<semaphore_mem>>, %arg16: memref<!tpu.dma_semaphore, #tpu.memory_space<semaphore_mem>>, %arg17: memref<!tpu.dma_semaphore, #tpu.memory_space<semaphore_mem>>) attributes {dimension_semantics = [#tpu.dimension_semantics<core_parallel>, #tpu.dimension_semantics<subcore_parallel>], iteration_bounds = array<i64: 2, 16>, scalar_prefetch = 0 : i64, scratch_operands = 12 : i64, tpu.core_type = #tpu.core_type<sc_vector_subcore>, window_params = [{transform_indices = #map}, {transform_indices = #map1}, {transform_indices = #map1}, {transform_indices = #map1}]} {
    %mul3A = arith.constant 2 : i32
    %mul3A_0 = arith.muli %arg1, %mul3A : i32
    %add3A = arith.addi %mul3A_0, %arg0 : i32
    %mul3A_1 = arith.constant 66 : i32
    %mul3A_2 = arith.muli %add3A, %mul3A_1 : i32
    "tpu.trace_start"() <{level = 10 : i32, message = "sc_prolog"}> : () -> ()
    %mul3A_3 = arith.constant 24 : i32
    %mul3A_4 = arith.muli %mul3A_2, %mul3A_3 : i32
    %add3A_5 = arith.constant 0 : i32
    %add3A_6 = arith.addi %add3A_5, %mul3A_4 : i32
    "tpu.region"() ({
      %run_scoped3A = tpu.sem_alloc : memref<!tpu.dma_semaphore, #tpu.memory_space<semaphore_mem>>
      %dma_start3A_374 = arith.constant 0 : i32
      %dma_start3A_375 = tpu.memref_slice %arg6[%dma_start3A_374] : memref<264xi32, #tpu.memory_space<vmem>> -> memref<24xi32, #tpu.memory_space<vmem>>
      %dma_start3A_376 = tpu.memref_slice %arg2[%add3A_6] : memref<557568xi32, #tpu.memory_space<hbm>> -> memref<24xi32, #tpu.memory_space<hbm>>
      %dma_start3A_377 = arith.constant 0 : i32
      %dma_start3A_378 = tpu.memref_slice %arg6[%dma_start3A_377] : memref<264xi32, #tpu.memory_space<vmem>> -> memref<24xi32, #tpu.memory_space<vmem>>
      %dma_start3A_379 = tpu.memref_slice %arg2[%add3A_6] : memref<557568xi32, #tpu.memory_space<hbm>> -> memref<24xi32, #tpu.memory_space<hbm>>
      tpu.enqueue_dma source(%dma_start3A_379 : memref<24xi32, #tpu.memory_space<hbm>>) target(%dma_start3A_378 : memref<24xi32, #tpu.memory_space<vmem>>) target_semaphore(%run_scoped3A : memref<!tpu.dma_semaphore, #tpu.memory_space<semaphore_mem>>)
      %dma_wait3A_380 = arith.constant 0 : i32
      %dma_wait3A_381 = tpu.memref_slice %arg6[%dma_wait3A_380] : memref<264xi32, #tpu.memory_space<vmem>> -> memref<24xi32, #tpu.memory_space<vmem>>
      %dma_wait3A_382 = tpu.memref_slice %arg2[%add3A_6] : memref<557568xi32, #tpu.memory_space<hbm>> -> memref<24xi32, #tpu.memory_space<hbm>>
      %dma_wait3A_383 = arith.constant 0 : i32
      %dma_wait3A_384 = tpu.memref_slice %arg6[%dma_wait3A_383] : memref<264xi32, #tpu.memory_space<vmem>> -> memref<24xi32, #tpu.memory_space<vmem>>
      %dma_wait3A_385 = tpu.memref_slice %arg2[%add3A_6] : memref<557568xi32, #tpu.memory_space<hbm>> -> memref<24xi32, #tpu.memory_space<hbm>>
      tpu.wait_dma2 semaphore(%run_scoped3A : memref<!tpu.dma_semaphore, #tpu.memory_space<semaphore_mem>>) src(%dma_wait3A_385 : memref<24xi32, #tpu.memory_space<hbm>>) dst(%dma_wait3A_384 : memref<24xi32, #tpu.memory_space<vmem>>)
      tpu.yield
    }) : () -> ()
    %mul3A_7 = arith.constant 24 : i32
    %mul3A_8 = arith.muli %mul3A_2, %mul3A_7 : i32
    %add3A_9 = arith.constant 50688 : i32
    %add3A_10 = arith.addi %add3A_9, %mul3A_8 : i32
    "tpu.region"() ({
      %run_scoped3A = tpu.sem_alloc : memref<!tpu.dma_semaphore, #tpu.memory_space<semaphore_mem>>
      %dma_start3A_374 = arith.constant 24 : i32
      %dma_start3A_375 = tpu.memref_slice %arg6[%dma_start3A_374] : memref<264xi32, #tpu.memory_space<vmem>> -> memref<24xi32, #tpu.memory_space<vmem>>
      %dma_start3A_376 = tpu.memref_slice %arg2[%add3A_10] : memref<557568xi32, #tpu.memory_space<hbm>> -> memref<24xi32, #tpu.memory_space<hbm>>
      %dma_start3A_377 = arith.constant 24 : i32
      %dma_start3A_378 = tpu.memref_slice %arg6[%dma_start3A_377] : memref<264xi32, #tpu.memory_space<vmem>> -> memref<24xi32, #tpu.memory_space<vmem>>
      %dma_start3A_379 = tpu.memref_slice %arg2[%add3A_10] : memref<557568xi32, #tpu.memory_space<hbm>> -> memref<24xi32, #tpu.memory_space<hbm>>
      tpu.enqueue_dma source(%dma_start3A_379 : memref<24xi32, #tpu.memory_space<hbm>>) target(%dma_start3A_378 : memref<24xi32, #tpu.memory_space<vmem>>) target_semaphore(%run_scoped3A : memref<!tpu.dma_semaphore, #tpu.memory_space<semaphore_mem>>)
      %dma_wait3A_380 = arith.constant 24 : i32
      %dma_wait3A_381 = tpu.memref_slice %arg6[%dma_wait3A_380] : memref<264xi32, #tpu.memory_space<vmem>> -> memref<24xi32, #tpu.memory_space<vmem>>
      %dma_wait3A_382 = tpu.memref_slice %arg2[%add3A_10] : memref<557568xi32, #tpu.memory_space<hbm>> -> memref<24xi32, #tpu.memory_space<hbm>>
      %dma_wait3A_383 = arith.constant 24 : i32
      %dma_wait3A_384 = tpu.memref_slice %arg6[%dma_wait3A_383] : memref<264xi32, #tpu.memory_space<vmem>> -> memref<24xi32, #tpu.memory_space<vmem>>
      %dma_wait3A_385 = tpu.memref_slice %arg2[%add3A_10] : memref<557568xi32, #tpu.memory_space<hbm>> -> memref<24xi32, #tpu.memory_space<hbm>>
      tpu.wait_dma2 semaphore(%run_scoped3A : memref<!tpu.dma_semaphore, #tpu.memory_space<semaphore_mem>>) src(%dma_wait3A_385 : memref<24xi32, #tpu.memory_space<hbm>>) dst(%dma_wait3A_384 : memref<24xi32, #tpu.memory_space<vmem>>)
      tpu.yield
    }) : () -> ()
    %mul3A_11 = arith.constant 24 : i32
    %mul3A_12 = arith.muli %mul3A_2, %mul3A_11 : i32
    %add3A_13 = arith.constant 101376 : i32
    %add3A_14 = arith.addi %add3A_13, %mul3A_12 : i32
    "tpu.region"() ({
      %run_scoped3A = tpu.sem_alloc : memref<!tpu.dma_semaphore, #tpu.memory_space<semaphore_mem>>
      %dma_start3A_374 = arith.constant 48 : i32
      %dma_start3A_375 = tpu.memref_slice %arg6[%dma_start3A_374] : memref<264xi32, #tpu.memory_space<vmem>> -> memref<24xi32, #tpu.memory_space<vmem>>
      %dma_start3A_376 = tpu.memref_slice %arg2[%add3A_14] : memref<557568xi32, #tpu.memory_space<hbm>> -> memref<24xi32, #tpu.memory_space<hbm>>
      %dma_start3A_377 = arith.constant 48 : i32
      %dma_start3A_378 = tpu.memref_slice %arg6[%dma_start3A_377] : memref<264xi32, #tpu.memory_space<vmem>> -> memref<24xi32, #tpu.memory_space<vmem>>
      %dma_start3A_379 = tpu.memref_slice %arg2[%add3A_14] : memref<557568xi32, #tpu.memory_space<hbm>> -> memref<24xi32, #tpu.memory_space<hbm>>
      tpu.enqueue_dma source(%dma_start3A_379 : memref<24xi32, #tpu.memory_space<hbm>>) target(%dma_start3A_378 : memref<24xi32, #tpu.memory_space<vmem>>) target_semaphore(%run_scoped3A : memref<!tpu.dma_semaphore, #tpu.memory_space<semaphore_mem>>)
      %dma_wait3A_380 = arith.constant 48 : i32
      %dma_wait3A_381 = tpu.memref_slice %arg6[%dma_wait3A_380] : memref<264xi32, #tpu.memory_space<vmem>> -> memref<24xi32, #tpu.memory_space<vmem>>
      %dma_wait3A_382 = tpu.memref_slice %arg2[%add3A_14] : memref<557568xi32, #tpu.memory_space<hbm>> -> memref<24xi32, #tpu.memory_space<hbm>>
      %dma_wait3A_383 = arith.constant 48 : i32
      %dma_wait3A_384 = tpu.memref_slice %arg6[%dma_wait3A_383] : memref<264xi32, #tpu.memory_space<vmem>> -> memref<24xi32, #tpu.memory_space<vmem>>
      %dma_wait3A_385 = tpu.memref_slice %arg2[%add3A_14] : memref<557568xi32, #tpu.memory_space<hbm>> -> memref<24xi32, #tpu.memory_space<hbm>>
      tpu.wait_dma2 semaphore(%run_scoped3A : memref<!tpu.dma_semaphore, #tpu.memory_space<semaphore_mem>>) src(%dma_wait3A_385 : memref<24xi32, #tpu.memory_space<hbm>>) dst(%dma_wait3A_384 : memref<24xi32, #tpu.memory_space<vmem>>)
      tpu.yield
    }) : () -> ()
    %mul3A_15 = arith.constant 24 : i32
    %mul3A_16 = arith.muli %mul3A_2, %mul3A_15 : i32
    %add3A_17 = arith.constant 152064 : i32
    %add3A_18 = arith.addi %add3A_17, %mul3A_16 : i32
    "tpu.region"() ({
      %run_scoped3A = tpu.sem_alloc : memref<!tpu.dma_semaphore, #tpu.memory_space<semaphore_mem>>
      %dma_start3A_374 = arith.constant 72 : i32
      %dma_start3A_375 = tpu.memref_slice %arg6[%dma_start3A_374] : memref<264xi32, #tpu.memory_space<vmem>> -> memref<24xi32, #tpu.memory_space<vmem>>
      %dma_start3A_376 = tpu.memref_slice %arg2[%add3A_18] : memref<557568xi32, #tpu.memory_space<hbm>> -> memref<24xi32, #tpu.memory_space<hbm>>
      %dma_start3A_377 = arith.constant 72 : i32
      %dma_start3A_378 = tpu.memref_slice %arg6[%dma_start3A_377] : memref<264xi32, #tpu.memory_space<vmem>> -> memref<24xi32, #tpu.memory_space<vmem>>
      %dma_start3A_379 = tpu.memref_slice %arg2[%add3A_18] : memref<557568xi32, #tpu.memory_space<hbm>> -> memref<24xi32, #tpu.memory_space<hbm>>
      tpu.enqueue_dma source(%dma_start3A_379 : memref<24xi32, #tpu.memory_space<hbm>>) target(%dma_start3A_378 : memref<24xi32, #tpu.memory_space<vmem>>) target_semaphore(%run_scoped3A : memref<!tpu.dma_semaphore, #tpu.memory_space<semaphore_mem>>)
      %dma_wait3A_380 = arith.constant 72 : i32
      %dma_wait3A_381 = tpu.memref_slice %arg6[%dma_wait3A_380] : memref<264xi32, #tpu.memory_space<vmem>> -> memref<24xi32, #tpu.memory_space<vmem>>
      %dma_wait3A_382 = tpu.memref_slice %arg2[%add3A_18] : memref<557568xi32, #tpu.memory_space<hbm>> -> memref<24xi32, #tpu.memory_space<hbm>>
      %dma_wait3A_383 = arith.constant 72 : i32
      %dma_wait3A_384 = tpu.memref_slice %arg6[%dma_wait3A_383] : memref<264xi32, #tpu.memory_space<vmem>> -> memref<24xi32, #tpu.memory_space<vmem>>
      %dma_wait3A_385 = tpu.memref_slice %arg2[%add3A_18] : memref<557568xi32, #tpu.memory_space<hbm>> -> memref<24xi32, #tpu.memory_space<hbm>>
      tpu.wait_dma2 semaphore(%run_scoped3A : memref<!tpu.dma_semaphore, #tpu.memory_space<semaphore_mem>>) src(%dma_wait3A_385 : memref<24xi32, #tpu.memory_space<hbm>>) dst(%dma_wait3A_384 : memref<24xi32, #tpu.memory_space<vmem>>)
      tpu.yield
    }) : () -> ()
    %mul3A_19 = arith.constant 24 : i32
    %mul3A_20 = arith.muli %mul3A_2, %mul3A_19 : i32
    %add3A_21 = arith.constant 202752 : i32
    %add3A_22 = arith.addi %add3A_21, %mul3A_20 : i32
    "tpu.region"() ({
      %run_scoped3A = tpu.sem_alloc : memref<!tpu.dma_semaphore, #tpu.memory_space<semaphore_mem>>
      %dma_start3A_374 = arith.constant 96 : i32
      %dma_start3A_375 = tpu.memref_slice %arg6[%dma_start3A_374] : memref<264xi32, #tpu.memory_space<vmem>> -> memref<24xi32, #tpu.memory_space<vmem>>
      %dma_start3A_376 = tpu.memref_slice %arg2[%add3A_22] : memref<557568xi32, #tpu.memory_space<hbm>> -> memref<24xi32, #tpu.memory_space<hbm>>
      %dma_start3A_377 = arith.constant 96 : i32
      %dma_start3A_378 = tpu.memref_slice %arg6[%dma_start3A_377] : memref<264xi32, #tpu.memory_space<vmem>> -> memref<24xi32, #tpu.memory_space<vmem>>
      %dma_start3A_379 = tpu.memref_slice %arg2[%add3A_22] : memref<557568xi32, #tpu.memory_space<hbm>> -> memref<24xi32, #tpu.memory_space<hbm>>
      tpu.enqueue_dma source(%dma_start3A_379 : memref<24xi32, #tpu.memory_space<hbm>>) target(%dma_start3A_378 : memref<24xi32, #tpu.memory_space<vmem>>) target_semaphore(%run_scoped3A : memref<!tpu.dma_semaphore, #tpu.memory_space<semaphore_mem>>)
      %dma_wait3A_380 = arith.constant 96 : i32
      %dma_wait3A_381 = tpu.memref_slice %arg6[%dma_wait3A_380] : memref<264xi32, #tpu.memory_space<vmem>> -> memref<24xi32, #tpu.memory_space<vmem>>
      %dma_wait3A_382 = tpu.memref_slice %arg2[%add3A_22] : memref<557568xi32, #tpu.memory_space<hbm>> -> memref<24xi32, #tpu.memory_space<hbm>>
      %dma_wait3A_383 = arith.constant 96 : i32
      %dma_wait3A_384 = tpu.memref_slice %arg6[%dma_wait3A_383] : memref<264xi32, #tpu.memory_space<vmem>> -> memref<24xi32, #tpu.memory_space<vmem>>
      %dma_wait3A_385 = tpu.memref_slice %arg2[%add3A_22] : memref<557568xi32, #tpu.memory_space<hbm>> -> memref<24xi32, #tpu.memory_space<hbm>>
      tpu.wait_dma2 semaphore(%run_scoped3A : memref<!tpu.dma_semaphore, #tpu.memory_space<semaphore_mem>>) src(%dma_wait3A_385 : memref<24xi32, #tpu.memory_space<hbm>>) dst(%dma_wait3A_384 : memref<24xi32, #tpu.memory_space<vmem>>)
      tpu.yield
    }) : () -> ()
    %mul3A_23 = arith.constant 24 : i32
    %mul3A_24 = arith.muli %mul3A_2, %mul3A_23 : i32
    %add3A_25 = arith.constant 253440 : i32
    %add3A_26 = arith.addi %add3A_25, %mul3A_24 : i32
    "tpu.region"() ({
      %run_scoped3A = tpu.sem_alloc : memref<!tpu.dma_semaphore, #tpu.memory_space<semaphore_mem>>
      %dma_start3A_374 = arith.constant 120 : i32
      %dma_start3A_375 = tpu.memref_slice %arg6[%dma_start3A_374] : memref<264xi32, #tpu.memory_space<vmem>> -> memref<24xi32, #tpu.memory_space<vmem>>
      %dma_start3A_376 = tpu.memref_slice %arg2[%add3A_26] : memref<557568xi32, #tpu.memory_space<hbm>> -> memref<24xi32, #tpu.memory_space<hbm>>
      %dma_start3A_377 = arith.constant 120 : i32
      %dma_start3A_378 = tpu.memref_slice %arg6[%dma_start3A_377] : memref<264xi32, #tpu.memory_space<vmem>> -> memref<24xi32, #tpu.memory_space<vmem>>
      %dma_start3A_379 = tpu.memref_slice %arg2[%add3A_26] : memref<557568xi32, #tpu.memory_space<hbm>> -> memref<24xi32, #tpu.memory_space<hbm>>
      tpu.enqueue_dma source(%dma_start3A_379 : memref<24xi32, #tpu.memory_space<hbm>>) target(%dma_start3A_378 : memref<24xi32, #tpu.memory_space<vmem>>) target_semaphore(%run_scoped3A : memref<!tpu.dma_semaphore, #tpu.memory_space<semaphore_mem>>)
      %dma_wait3A_380 = arith.constant 120 : i32
      %dma_wait3A_381 = tpu.memref_slice %arg6[%dma_wait3A_380] : memref<264xi32, #tpu.memory_space<vmem>> -> memref<24xi32, #tpu.memory_space<vmem>>
      %dma_wait3A_382 = tpu.memref_slice %arg2[%add3A_26] : memref<557568xi32, #tpu.memory_space<hbm>> -> memref<24xi32, #tpu.memory_space<hbm>>
      %dma_wait3A_383 = arith.constant 120 : i32
      %dma_wait3A_384 = tpu.memref_slice %arg6[%dma_wait3A_383] : memref<264xi32, #tpu.memory_space<vmem>> -> memref<24xi32, #tpu.memory_space<vmem>>
      %dma_wait3A_385 = tpu.memref_slice %arg2[%add3A_26] : memref<557568xi32, #tpu.memory_space<hbm>> -> memref<24xi32, #tpu.memory_space<hbm>>
      tpu.wait_dma2 semaphore(%run_scoped3A : memref<!tpu.dma_semaphore, #tpu.memory_space<semaphore_mem>>) src(%dma_wait3A_385 : memref<24xi32, #tpu.memory_space<hbm>>) dst(%dma_wait3A_384 : memref<24xi32, #tpu.memory_space<vmem>>)
      tpu.yield
    }) : () -> ()
    %mul3A_27 = arith.constant 24 : i32
    %mul3A_28 = arith.muli %mul3A_2, %mul3A_27 : i32
    %add3A_29 = arith.constant 304128 : i32
    %add3A_30 = arith.addi %add3A_29, %mul3A_28 : i32
    "tpu.region"() ({
      %run_scoped3A = tpu.sem_alloc : memref<!tpu.dma_semaphore, #tpu.memory_space<semaphore_mem>>
      %dma_start3A_374 = arith.constant 144 : i32
      %dma_start3A_375 = tpu.memref_slice %arg6[%dma_start3A_374] : memref<264xi32, #tpu.memory_space<vmem>> -> memref<24xi32, #tpu.memory_space<vmem>>
      %dma_start3A_376 = tpu.memref_slice %arg2[%add3A_30] : memref<557568xi32, #tpu.memory_space<hbm>> -> memref<24xi32, #tpu.memory_space<hbm>>
      %dma_start3A_377 = arith.constant 144 : i32
      %dma_start3A_378 = tpu.memref_slice %arg6[%dma_start3A_377] : memref<264xi32, #tpu.memory_space<vmem>> -> memref<24xi32, #tpu.memory_space<vmem>>
      %dma_start3A_379 = tpu.memref_slice %arg2[%add3A_30] : memref<557568xi32, #tpu.memory_space<hbm>> -> memref<24xi32, #tpu.memory_space<hbm>>
      tpu.enqueue_dma source(%dma_start3A_379 : memref<24xi32, #tpu.memory_space<hbm>>) target(%dma_start3A_378 : memref<24xi32, #tpu.memory_space<vmem>>) target_semaphore(%run_scoped3A : memref<!tpu.dma_semaphore, #tpu.memory_space<semaphore_mem>>)
      %dma_wait3A_380 = arith.constant 144 : i32
      %dma_wait3A_381 = tpu.memref_slice %arg6[%dma_wait3A_380] : memref<264xi32, #tpu.memory_space<vmem>> -> memref<24xi32, #tpu.memory_space<vmem>>
      %dma_wait3A_382 = tpu.memref_slice %arg2[%add3A_30] : memref<557568xi32, #tpu.memory_space<hbm>> -> memref<24xi32, #tpu.memory_space<hbm>>
      %dma_wait3A_383 = arith.constant 144 : i32
      %dma_wait3A_384 = tpu.memref_slice %arg6[%dma_wait3A_383] : memref<264xi32, #tpu.memory_space<vmem>> -> memref<24xi32, #tpu.memory_space<vmem>>
      %dma_wait3A_385 = tpu.memref_slice %arg2[%add3A_30] : memref<557568xi32, #tpu.memory_space<hbm>> -> memref<24xi32, #tpu.memory_space<hbm>>
      tpu.wait_dma2 semaphore(%run_scoped3A : memref<!tpu.dma_semaphore, #tpu.memory_space<semaphore_mem>>) src(%dma_wait3A_385 : memref<24xi32, #tpu.memory_space<hbm>>) dst(%dma_wait3A_384 : memref<24xi32, #tpu.memory_space<vmem>>)
      tpu.yield
    }) : () -> ()
    %mul3A_31 = arith.constant 24 : i32
    %mul3A_32 = arith.muli %mul3A_2, %mul3A_31 : i32
    %add3A_33 = arith.constant 354816 : i32
    %add3A_34 = arith.addi %add3A_33, %mul3A_32 : i32
    "tpu.region"() ({
      %run_scoped3A = tpu.sem_alloc : memref<!tpu.dma_semaphore, #tpu.memory_space<semaphore_mem>>
      %dma_start3A_374 = arith.constant 168 : i32
      %dma_start3A_375 = tpu.memref_slice %arg6[%dma_start3A_374] : memref<264xi32, #tpu.memory_space<vmem>> -> memref<24xi32, #tpu.memory_space<vmem>>
      %dma_start3A_376 = tpu.memref_slice %arg2[%add3A_34] : memref<557568xi32, #tpu.memory_space<hbm>> -> memref<24xi32, #tpu.memory_space<hbm>>
      %dma_start3A_377 = arith.constant 168 : i32
      %dma_start3A_378 = tpu.memref_slice %arg6[%dma_start3A_377] : memref<264xi32, #tpu.memory_space<vmem>> -> memref<24xi32, #tpu.memory_space<vmem>>
      %dma_start3A_379 = tpu.memref_slice %arg2[%add3A_34] : memref<557568xi32, #tpu.memory_space<hbm>> -> memref<24xi32, #tpu.memory_space<hbm>>
      tpu.enqueue_dma source(%dma_start3A_379 : memref<24xi32, #tpu.memory_space<hbm>>) target(%dma_start3A_378 : memref<24xi32, #tpu.memory_space<vmem>>) target_semaphore(%run_scoped3A : memref<!tpu.dma_semaphore, #tpu.memory_space<semaphore_mem>>)
      %dma_wait3A_380 = arith.constant 168 : i32
      %dma_wait3A_381 = tpu.memref_slice %arg6[%dma_wait3A_380] : memref<264xi32, #tpu.memory_space<vmem>> -> memref<24xi32, #tpu.memory_space<vmem>>
      %dma_wait3A_382 = tpu.memref_slice %arg2[%add3A_34] : memref<557568xi32, #tpu.memory_space<hbm>> -> memref<24xi32, #tpu.memory_space<hbm>>
      %dma_wait3A_383 = arith.constant 168 : i32
      %dma_wait3A_384 = tpu.memref_slice %arg6[%dma_wait3A_383] : memref<264xi32, #tpu.memory_space<vmem>> -> memref<24xi32, #tpu.memory_space<vmem>>
      %dma_wait3A_385 = tpu.memref_slice %arg2[%add3A_34] : memref<557568xi32, #tpu.memory_space<hbm>> -> memref<24xi32, #tpu.memory_space<hbm>>
      tpu.wait_dma2 semaphore(%run_scoped3A : memref<!tpu.dma_semaphore, #tpu.memory_space<semaphore_mem>>) src(%dma_wait3A_385 : memref<24xi32, #tpu.memory_space<hbm>>) dst(%dma_wait3A_384 : memref<24xi32, #tpu.memory_space<vmem>>)
      tpu.yield
    }) : () -> ()
    %mul3A_35 = arith.constant 24 : i32
    %mul3A_36 = arith.muli %mul3A_2, %mul3A_35 : i32
    %add3A_37 = arith.constant 405504 : i32
    %add3A_38 = arith.addi %add3A_37, %mul3A_36 : i32
    "tpu.region"() ({
      %run_scoped3A = tpu.sem_alloc : memref<!tpu.dma_semaphore, #tpu.memory_space<semaphore_mem>>
      %dma_start3A_374 = arith.constant 192 : i32
      %dma_start3A_375 = tpu.memref_slice %arg6[%dma_start3A_374] : memref<264xi32, #tpu.memory_space<vmem>> -> memref<24xi32, #tpu.memory_space<vmem>>
      %dma_start3A_376 = tpu.memref_slice %arg2[%add3A_38] : memref<557568xi32, #tpu.memory_space<hbm>> -> memref<24xi32, #tpu.memory_space<hbm>>
      %dma_start3A_377 = arith.constant 192 : i32
      %dma_start3A_378 = tpu.memref_slice %arg6[%dma_start3A_377] : memref<264xi32, #tpu.memory_space<vmem>> -> memref<24xi32, #tpu.memory_space<vmem>>
      %dma_start3A_379 = tpu.memref_slice %arg2[%add3A_38] : memref<557568xi32, #tpu.memory_space<hbm>> -> memref<24xi32, #tpu.memory_space<hbm>>
      tpu.enqueue_dma source(%dma_start3A_379 : memref<24xi32, #tpu.memory_space<hbm>>) target(%dma_start3A_378 : memref<24xi32, #tpu.memory_space<vmem>>) target_semaphore(%run_scoped3A : memref<!tpu.dma_semaphore, #tpu.memory_space<semaphore_mem>>)
      %dma_wait3A_380 = arith.constant 192 : i32
      %dma_wait3A_381 = tpu.memref_slice %arg6[%dma_wait3A_380] : memref<264xi32, #tpu.memory_space<vmem>> -> memref<24xi32, #tpu.memory_space<vmem>>
      %dma_wait3A_382 = tpu.memref_slice %arg2[%add3A_38] : memref<557568xi32, #tpu.memory_space<hbm>> -> memref<24xi32, #tpu.memory_space<hbm>>
      %dma_wait3A_383 = arith.constant 192 : i32
      %dma_wait3A_384 = tpu.memref_slice %arg6[%dma_wait3A_383] : memref<264xi32, #tpu.memory_space<vmem>> -> memref<24xi32, #tpu.memory_space<vmem>>
      %dma_wait3A_385 = tpu.memref_slice %arg2[%add3A_38] : memref<557568xi32, #tpu.memory_space<hbm>> -> memref<24xi32, #tpu.memory_space<hbm>>
      tpu.wait_dma2 semaphore(%run_scoped3A : memref<!tpu.dma_semaphore, #tpu.memory_space<semaphore_mem>>) src(%dma_wait3A_385 : memref<24xi32, #tpu.memory_space<hbm>>) dst(%dma_wait3A_384 : memref<24xi32, #tpu.memory_space<vmem>>)
      tpu.yield
    }) : () -> ()
    %mul3A_39 = arith.constant 24 : i32
    %mul3A_40 = arith.muli %mul3A_2, %mul3A_39 : i32
    %add3A_41 = arith.constant 456192 : i32
    %add3A_42 = arith.addi %add3A_41, %mul3A_40 : i32
    "tpu.region"() ({
      %run_scoped3A = tpu.sem_alloc : memref<!tpu.dma_semaphore, #tpu.memory_space<semaphore_mem>>
      %dma_start3A_374 = arith.constant 216 : i32
      %dma_start3A_375 = tpu.memref_slice %arg6[%dma_start3A_374] : memref<264xi32, #tpu.memory_space<vmem>> -> memref<24xi32, #tpu.memory_space<vmem>>
      %dma_start3A_376 = tpu.memref_slice %arg2[%add3A_42] : memref<557568xi32, #tpu.memory_space<hbm>> -> memref<24xi32, #tpu.memory_space<hbm>>
      %dma_start3A_377 = arith.constant 216 : i32
      %dma_start3A_378 = tpu.memref_slice %arg6[%dma_start3A_377] : memref<264xi32, #tpu.memory_space<vmem>> -> memref<24xi32, #tpu.memory_space<vmem>>
      %dma_start3A_379 = tpu.memref_slice %arg2[%add3A_42] : memref<557568xi32, #tpu.memory_space<hbm>> -> memref<24xi32, #tpu.memory_space<hbm>>
      tpu.enqueue_dma source(%dma_start3A_379 : memref<24xi32, #tpu.memory_space<hbm>>) target(%dma_start3A_378 : memref<24xi32, #tpu.memory_space<vmem>>) target_semaphore(%run_scoped3A : memref<!tpu.dma_semaphore, #tpu.memory_space<semaphore_mem>>)
      %dma_wait3A_380 = arith.constant 216 : i32
      %dma_wait3A_381 = tpu.memref_slice %arg6[%dma_wait3A_380] : memref<264xi32, #tpu.memory_space<vmem>> -> memref<24xi32, #tpu.memory_space<vmem>>
      %dma_wait3A_382 = tpu.memref_slice %arg2[%add3A_42] : memref<557568xi32, #tpu.memory_space<hbm>> -> memref<24xi32, #tpu.memory_space<hbm>>
      %dma_wait3A_383 = arith.constant 216 : i32
      %dma_wait3A_384 = tpu.memref_slice %arg6[%dma_wait3A_383] : memref<264xi32, #tpu.memory_space<vmem>> -> memref<24xi32, #tpu.memory_space<vmem>>
      %dma_wait3A_385 = tpu.memref_slice %arg2[%add3A_42] : memref<557568xi32, #tpu.memory_space<hbm>> -> memref<24xi32, #tpu.memory_space<hbm>>
      tpu.wait_dma2 semaphore(%run_scoped3A : memref<!tpu.dma_semaphore, #tpu.memory_space<semaphore_mem>>) src(%dma_wait3A_385 : memref<24xi32, #tpu.memory_space<hbm>>) dst(%dma_wait3A_384 : memref<24xi32, #tpu.memory_space<vmem>>)
      tpu.yield
    }) : () -> ()
    %mul3A_43 = arith.constant 24 : i32
    %mul3A_44 = arith.muli %mul3A_2, %mul3A_43 : i32
    %add3A_45 = arith.constant 506880 : i32
    %add3A_46 = arith.addi %add3A_45, %mul3A_44 : i32
    "tpu.region"() ({
      %run_scoped3A = tpu.sem_alloc : memref<!tpu.dma_semaphore, #tpu.memory_space<semaphore_mem>>
      %dma_start3A_374 = arith.constant 240 : i32
      %dma_start3A_375 = tpu.memref_slice %arg6[%dma_start3A_374] : memref<264xi32, #tpu.memory_space<vmem>> -> memref<24xi32, #tpu.memory_space<vmem>>
      %dma_start3A_376 = tpu.memref_slice %arg2[%add3A_46] : memref<557568xi32, #tpu.memory_space<hbm>> -> memref<24xi32, #tpu.memory_space<hbm>>
      %dma_start3A_377 = arith.constant 240 : i32
      %dma_start3A_378 = tpu.memref_slice %arg6[%dma_start3A_377] : memref<264xi32, #tpu.memory_space<vmem>> -> memref<24xi32, #tpu.memory_space<vmem>>
      %dma_start3A_379 = tpu.memref_slice %arg2[%add3A_46] : memref<557568xi32, #tpu.memory_space<hbm>> -> memref<24xi32, #tpu.memory_space<hbm>>
      tpu.enqueue_dma source(%dma_start3A_379 : memref<24xi32, #tpu.memory_space<hbm>>) target(%dma_start3A_378 : memref<24xi32, #tpu.memory_space<vmem>>) target_semaphore(%run_scoped3A : memref<!tpu.dma_semaphore, #tpu.memory_space<semaphore_mem>>)
      %dma_wait3A_380 = arith.constant 240 : i32
      %dma_wait3A_381 = tpu.memref_slice %arg6[%dma_wait3A_380] : memref<264xi32, #tpu.memory_space<vmem>> -> memref<24xi32, #tpu.memory_space<vmem>>
      %dma_wait3A_382 = tpu.memref_slice %arg2[%add3A_46] : memref<557568xi32, #tpu.memory_space<hbm>> -> memref<24xi32, #tpu.memory_space<hbm>>
      %dma_wait3A_383 = arith.constant 240 : i32
      %dma_wait3A_384 = tpu.memref_slice %arg6[%dma_wait3A_383] : memref<264xi32, #tpu.memory_space<vmem>> -> memref<24xi32, #tpu.memory_space<vmem>>
      %dma_wait3A_385 = tpu.memref_slice %arg2[%add3A_46] : memref<557568xi32, #tpu.memory_space<hbm>> -> memref<24xi32, #tpu.memory_space<hbm>>
      tpu.wait_dma2 semaphore(%run_scoped3A : memref<!tpu.dma_semaphore, #tpu.memory_space<semaphore_mem>>) src(%dma_wait3A_385 : memref<24xi32, #tpu.memory_space<hbm>>) dst(%dma_wait3A_384 : memref<24xi32, #tpu.memory_space<vmem>>)
      tpu.yield
    }) : () -> ()
    %add3A_47 = arith.constant 1 : i32
    %add3A_48 = arith.addi %mul3A_2, %add3A_47 : i32
    %mul3A_49 = arith.constant 24 : i32
    %mul3A_50 = arith.muli %add3A_48, %mul3A_49 : i32
    %add3A_51 = arith.constant 0 : i32
    %add3A_52 = arith.addi %add3A_51, %mul3A_50 : i32
    %dma_start3A = arith.constant 0 : i32
    %dma_start3A_53 = tpu.memref_slice %arg7[%dma_start3A] : memref<264xi32, #tpu.memory_space<vmem>> -> memref<24xi32, #tpu.memory_space<vmem>>
    %dma_start3A_54 = tpu.memref_slice %arg2[%add3A_52] : memref<557568xi32, #tpu.memory_space<hbm>> -> memref<24xi32, #tpu.memory_space<hbm>>
    %dma_start3A_55 = arith.constant 0 : i32
    %dma_start3A_56 = tpu.memref_slice %arg7[%dma_start3A_55] : memref<264xi32, #tpu.memory_space<vmem>> -> memref<24xi32, #tpu.memory_space<vmem>>
    %dma_start3A_57 = tpu.memref_slice %arg2[%add3A_52] : memref<557568xi32, #tpu.memory_space<hbm>> -> memref<24xi32, #tpu.memory_space<hbm>>
    tpu.enqueue_dma source(%dma_start3A_57 : memref<24xi32, #tpu.memory_space<hbm>>) target(%dma_start3A_56 : memref<24xi32, #tpu.memory_space<vmem>>) target_semaphore(%arg15 : memref<!tpu.dma_semaphore, #tpu.memory_space<semaphore_mem>>)
    %add3A_58 = arith.constant 50688 : i32
    %add3A_59 = arith.addi %add3A_58, %mul3A_50 : i32
    %dma_start3A_60 = arith.constant 24 : i32
    %dma_start3A_61 = tpu.memref_slice %arg7[%dma_start3A_60] : memref<264xi32, #tpu.memory_space<vmem>> -> memref<24xi32, #tpu.memory_space<vmem>>
    %dma_start3A_62 = tpu.memref_slice %arg2[%add3A_59] : memref<557568xi32, #tpu.memory_space<hbm>> -> memref<24xi32, #tpu.memory_space<hbm>>
    %dma_start3A_63 = arith.constant 24 : i32
    %dma_start3A_64 = tpu.memref_slice %arg7[%dma_start3A_63] : memref<264xi32, #tpu.memory_space<vmem>> -> memref<24xi32, #tpu.memory_space<vmem>>
    %dma_start3A_65 = tpu.memref_slice %arg2[%add3A_59] : memref<557568xi32, #tpu.memory_space<hbm>> -> memref<24xi32, #tpu.memory_space<hbm>>
    tpu.enqueue_dma source(%dma_start3A_65 : memref<24xi32, #tpu.memory_space<hbm>>) target(%dma_start3A_64 : memref<24xi32, #tpu.memory_space<vmem>>) target_semaphore(%arg15 : memref<!tpu.dma_semaphore, #tpu.memory_space<semaphore_mem>>)
    %add3A_66 = arith.constant 101376 : i32
    %add3A_67 = arith.addi %add3A_66, %mul3A_50 : i32
    %dma_start3A_68 = arith.constant 48 : i32
    %dma_start3A_69 = tpu.memref_slice %arg7[%dma_start3A_68] : memref<264xi32, #tpu.memory_space<vmem>> -> memref<24xi32, #tpu.memory_space<vmem>>
    %dma_start3A_70 = tpu.memref_slice %arg2[%add3A_67] : memref<557568xi32, #tpu.memory_space<hbm>> -> memref<24xi32, #tpu.memory_space<hbm>>
    %dma_start3A_71 = arith.constant 48 : i32
    %dma_start3A_72 = tpu.memref_slice %arg7[%dma_start3A_71] : memref<264xi32, #tpu.memory_space<vmem>> -> memref<24xi32, #tpu.memory_space<vmem>>
    %dma_start3A_73 = tpu.memref_slice %arg2[%add3A_67] : memref<557568xi32, #tpu.memory_space<hbm>> -> memref<24xi32, #tpu.memory_space<hbm>>
    tpu.enqueue_dma source(%dma_start3A_73 : memref<24xi32, #tpu.memory_space<hbm>>) target(%dma_start3A_72 : memref<24xi32, #tpu.memory_space<vmem>>) target_semaphore(%arg15 : memref<!tpu.dma_semaphore, #tpu.memory_space<semaphore_mem>>)
    %add3A_74 = arith.constant 152064 : i32
    %add3A_75 = arith.addi %add3A_74, %mul3A_50 : i32
    %dma_start3A_76 = arith.constant 72 : i32
    %dma_start3A_77 = tpu.memref_slice %arg7[%dma_start3A_76] : memref<264xi32, #tpu.memory_space<vmem>> -> memref<24xi32, #tpu.memory_space<vmem>>
    %dma_start3A_78 = tpu.memref_slice %arg2[%add3A_75] : memref<557568xi32, #tpu.memory_space<hbm>> -> memref<24xi32, #tpu.memory_space<hbm>>
    %dma_start3A_79 = arith.constant 72 : i32
    %dma_start3A_80 = tpu.memref_slice %arg7[%dma_start3A_79] : memref<264xi32, #tpu.memory_space<vmem>> -> memref<24xi32, #tpu.memory_space<vmem>>
    %dma_start3A_81 = tpu.memref_slice %arg2[%add3A_75] : memref<557568xi32, #tpu.memory_space<hbm>> -> memref<24xi32, #tpu.memory_space<hbm>>
    tpu.enqueue_dma source(%dma_start3A_81 : memref<24xi32, #tpu.memory_space<hbm>>) target(%dma_start3A_80 : memref<24xi32, #tpu.memory_space<vmem>>) target_semaphore(%arg15 : memref<!tpu.dma_semaphore, #tpu.memory_space<semaphore_mem>>)
    %add3A_82 = arith.constant 202752 : i32
    %add3A_83 = arith.addi %add3A_82, %mul3A_50 : i32
    %dma_start3A_84 = arith.constant 96 : i32
    %dma_start3A_85 = tpu.memref_slice %arg7[%dma_start3A_84] : memref<264xi32, #tpu.memory_space<vmem>> -> memref<24xi32, #tpu.memory_space<vmem>>
    %dma_start3A_86 = tpu.memref_slice %arg2[%add3A_83] : memref<557568xi32, #tpu.memory_space<hbm>> -> memref<24xi32, #tpu.memory_space<hbm>>
    %dma_start3A_87 = arith.constant 96 : i32
    %dma_start3A_88 = tpu.memref_slice %arg7[%dma_start3A_87] : memref<264xi32, #tpu.memory_space<vmem>> -> memref<24xi32, #tpu.memory_space<vmem>>
    %dma_start3A_89 = tpu.memref_slice %arg2[%add3A_83] : memref<557568xi32, #tpu.memory_space<hbm>> -> memref<24xi32, #tpu.memory_space<hbm>>
    tpu.enqueue_dma source(%dma_start3A_89 : memref<24xi32, #tpu.memory_space<hbm>>) target(%dma_start3A_88 : memref<24xi32, #tpu.memory_space<vmem>>) target_semaphore(%arg15 : memref<!tpu.dma_semaphore, #tpu.memory_space<semaphore_mem>>)
    %add3A_90 = arith.constant 253440 : i32
    %add3A_91 = arith.addi %add3A_90, %mul3A_50 : i32
    %dma_start3A_92 = arith.constant 120 : i32
    %dma_start3A_93 = tpu.memref_slice %arg7[%dma_start3A_92] : memref<264xi32, #tpu.memory_space<vmem>> -> memref<24xi32, #tpu.memory_space<vmem>>
    %dma_start3A_94 = tpu.memref_slice %arg2[%add3A_91] : memref<557568xi32, #tpu.memory_space<hbm>> -> memref<24xi32, #tpu.memory_space<hbm>>
    %dma_start3A_95 = arith.constant 120 : i32
    %dma_start3A_96 = tpu.memref_slice %arg7[%dma_start3A_95] : memref<264xi32, #tpu.memory_space<vmem>> -> memref<24xi32, #tpu.memory_space<vmem>>
    %dma_start3A_97 = tpu.memref_slice %arg2[%add3A_91] : memref<557568xi32, #tpu.memory_space<hbm>> -> memref<24xi32, #tpu.memory_space<hbm>>
    tpu.enqueue_dma source(%dma_start3A_97 : memref<24xi32, #tpu.memory_space<hbm>>) target(%dma_start3A_96 : memref<24xi32, #tpu.memory_space<vmem>>) target_semaphore(%arg15 : memref<!tpu.dma_semaphore, #tpu.memory_space<semaphore_mem>>)
    %add3A_98 = arith.constant 304128 : i32
    %add3A_99 = arith.addi %add3A_98, %mul3A_50 : i32
    %dma_start3A_100 = arith.constant 144 : i32
    %dma_start3A_101 = tpu.memref_slice %arg7[%dma_start3A_100] : memref<264xi32, #tpu.memory_space<vmem>> -> memref<24xi32, #tpu.memory_space<vmem>>
    %dma_start3A_102 = tpu.memref_slice %arg2[%add3A_99] : memref<557568xi32, #tpu.memory_space<hbm>> -> memref<24xi32, #tpu.memory_space<hbm>>
    %dma_start3A_103 = arith.constant 144 : i32
    %dma_start3A_104 = tpu.memref_slice %arg7[%dma_start3A_103] : memref<264xi32, #tpu.memory_space<vmem>> -> memref<24xi32, #tpu.memory_space<vmem>>
    %dma_start3A_105 = tpu.memref_slice %arg2[%add3A_99] : memref<557568xi32, #tpu.memory_space<hbm>> -> memref<24xi32, #tpu.memory_space<hbm>>
    tpu.enqueue_dma source(%dma_start3A_105 : memref<24xi32, #tpu.memory_space<hbm>>) target(%dma_start3A_104 : memref<24xi32, #tpu.memory_space<vmem>>) target_semaphore(%arg15 : memref<!tpu.dma_semaphore, #tpu.memory_space<semaphore_mem>>)
    %add3A_106 = arith.constant 354816 : i32
    %add3A_107 = arith.addi %add3A_106, %mul3A_50 : i32
    %dma_start3A_108 = arith.constant 168 : i32
    %dma_start3A_109 = tpu.memref_slice %arg7[%dma_start3A_108] : memref<264xi32, #tpu.memory_space<vmem>> -> memref<24xi32, #tpu.memory_space<vmem>>
    %dma_start3A_110 = tpu.memref_slice %arg2[%add3A_107] : memref<557568xi32, #tpu.memory_space<hbm>> -> memref<24xi32, #tpu.memory_space<hbm>>
    %dma_start3A_111 = arith.constant 168 : i32
    %dma_start3A_112 = tpu.memref_slice %arg7[%dma_start3A_111] : memref<264xi32, #tpu.memory_space<vmem>> -> memref<24xi32, #tpu.memory_space<vmem>>
    %dma_start3A_113 = tpu.memref_slice %arg2[%add3A_107] : memref<557568xi32, #tpu.memory_space<hbm>> -> memref<24xi32, #tpu.memory_space<hbm>>
    tpu.enqueue_dma source(%dma_start3A_113 : memref<24xi32, #tpu.memory_space<hbm>>) target(%dma_start3A_112 : memref<24xi32, #tpu.memory_space<vmem>>) target_semaphore(%arg15 : memref<!tpu.dma_semaphore, #tpu.memory_space<semaphore_mem>>)
    %add3A_114 = arith.constant 405504 : i32
    %add3A_115 = arith.addi %add3A_114, %mul3A_50 : i32
    %dma_start3A_116 = arith.constant 192 : i32
    %dma_start3A_117 = tpu.memref_slice %arg7[%dma_start3A_116] : memref<264xi32, #tpu.memory_space<vmem>> -> memref<24xi32, #tpu.memory_space<vmem>>
    %dma_start3A_118 = tpu.memref_slice %arg2[%add3A_115] : memref<557568xi32, #tpu.memory_space<hbm>> -> memref<24xi32, #tpu.memory_space<hbm>>
    %dma_start3A_119 = arith.constant 192 : i32
    %dma_start3A_120 = tpu.memref_slice %arg7[%dma_start3A_119] : memref<264xi32, #tpu.memory_space<vmem>> -> memref<24xi32, #tpu.memory_space<vmem>>
    %dma_start3A_121 = tpu.memref_slice %arg2[%add3A_115] : memref<557568xi32, #tpu.memory_space<hbm>> -> memref<24xi32, #tpu.memory_space<hbm>>
    tpu.enqueue_dma source(%dma_start3A_121 : memref<24xi32, #tpu.memory_space<hbm>>) target(%dma_start3A_120 : memref<24xi32, #tpu.memory_space<vmem>>) target_semaphore(%arg15 : memref<!tpu.dma_semaphore, #tpu.memory_space<semaphore_mem>>)
    %add3A_122 = arith.constant 456192 : i32
    %add3A_123 = arith.addi %add3A_122, %mul3A_50 : i32
    %dma_start3A_124 = arith.constant 216 : i32
    %dma_start3A_125 = tpu.memref_slice %arg7[%dma_start3A_124] : memref<264xi32, #tpu.memory_space<vmem>> -> memref<24xi32, #tpu.memory_space<vmem>>
    %dma_start3A_126 = tpu.memref_slice %arg2[%add3A_123] : memref<557568xi32, #tpu.memory_space<hbm>> -> memref<24xi32, #tpu.memory_space<hbm>>
    %dma_start3A_127 = arith.constant 216 : i32
    %dma_start3A_128 = tpu.memref_slice %arg7[%dma_start3A_127] : memref<264xi32, #tpu.memory_space<vmem>> -> memref<24xi32, #tpu.memory_space<vmem>>
    %dma_start3A_129 = tpu.memref_slice %arg2[%add3A_123] : memref<557568xi32, #tpu.memory_space<hbm>> -> memref<24xi32, #tpu.memory_space<hbm>>
    tpu.enqueue_dma source(%dma_start3A_129 : memref<24xi32, #tpu.memory_space<hbm>>) target(%dma_start3A_128 : memref<24xi32, #tpu.memory_space<vmem>>) target_semaphore(%arg15 : memref<!tpu.dma_semaphore, #tpu.memory_space<semaphore_mem>>)
    %add3A_130 = arith.constant 506880 : i32
    %add3A_131 = arith.addi %add3A_130, %mul3A_50 : i32
    %dma_start3A_132 = arith.constant 240 : i32
    %dma_start3A_133 = tpu.memref_slice %arg7[%dma_start3A_132] : memref<264xi32, #tpu.memory_space<vmem>> -> memref<24xi32, #tpu.memory_space<vmem>>
    %dma_start3A_134 = tpu.memref_slice %arg2[%add3A_131] : memref<557568xi32, #tpu.memory_space<hbm>> -> memref<24xi32, #tpu.memory_space<hbm>>
    %dma_start3A_135 = arith.constant 240 : i32
    %dma_start3A_136 = tpu.memref_slice %arg7[%dma_start3A_135] : memref<264xi32, #tpu.memory_space<vmem>> -> memref<24xi32, #tpu.memory_space<vmem>>
    %dma_start3A_137 = tpu.memref_slice %arg2[%add3A_131] : memref<557568xi32, #tpu.memory_space<hbm>> -> memref<24xi32, #tpu.memory_space<hbm>>
    tpu.enqueue_dma source(%dma_start3A_137 : memref<24xi32, #tpu.memory_space<hbm>>) target(%dma_start3A_136 : memref<24xi32, #tpu.memory_space<vmem>>) target_semaphore(%arg15 : memref<!tpu.dma_semaphore, #tpu.memory_space<semaphore_mem>>)
    %add3A_138 = arith.constant 2 : i32
    %add3A_139 = arith.addi %mul3A_2, %add3A_138 : i32
    %mul3A_140 = arith.constant 24 : i32
    %mul3A_141 = arith.muli %add3A_139, %mul3A_140 : i32
    %add3A_142 = arith.constant 0 : i32
    %add3A_143 = arith.addi %add3A_142, %mul3A_141 : i32
    %dma_start3A_144 = arith.constant 0 : i32
    %dma_start3A_145 = tpu.memref_slice %arg8[%dma_start3A_144] : memref<264xi32, #tpu.memory_space<vmem>> -> memref<24xi32, #tpu.memory_space<vmem>>
    %dma_start3A_146 = tpu.memref_slice %arg2[%add3A_143] : memref<557568xi32, #tpu.memory_space<hbm>> -> memref<24xi32, #tpu.memory_space<hbm>>
    %dma_start3A_147 = arith.constant 0 : i32
    %dma_start3A_148 = tpu.memref_slice %arg8[%dma_start3A_147] : memref<264xi32, #tpu.memory_space<vmem>> -> memref<24xi32, #tpu.memory_space<vmem>>
    %dma_start3A_149 = tpu.memref_slice %arg2[%add3A_143] : memref<557568xi32, #tpu.memory_space<hbm>> -> memref<24xi32, #tpu.memory_space<hbm>>
    tpu.enqueue_dma source(%dma_start3A_149 : memref<24xi32, #tpu.memory_space<hbm>>) target(%dma_start3A_148 : memref<24xi32, #tpu.memory_space<vmem>>) target_semaphore(%arg16 : memref<!tpu.dma_semaphore, #tpu.memory_space<semaphore_mem>>)
    %add3A_150 = arith.constant 50688 : i32
    %add3A_151 = arith.addi %add3A_150, %mul3A_141 : i32
    %dma_start3A_152 = arith.constant 24 : i32
    %dma_start3A_153 = tpu.memref_slice %arg8[%dma_start3A_152] : memref<264xi32, #tpu.memory_space<vmem>> -> memref<24xi32, #tpu.memory_space<vmem>>
    %dma_start3A_154 = tpu.memref_slice %arg2[%add3A_151] : memref<557568xi32, #tpu.memory_space<hbm>> -> memref<24xi32, #tpu.memory_space<hbm>>
    %dma_start3A_155 = arith.constant 24 : i32
    %dma_start3A_156 = tpu.memref_slice %arg8[%dma_start3A_155] : memref<264xi32, #tpu.memory_space<vmem>> -> memref<24xi32, #tpu.memory_space<vmem>>
    %dma_start3A_157 = tpu.memref_slice %arg2[%add3A_151] : memref<557568xi32, #tpu.memory_space<hbm>> -> memref<24xi32, #tpu.memory_space<hbm>>
    tpu.enqueue_dma source(%dma_start3A_157 : memref<24xi32, #tpu.memory_space<hbm>>) target(%dma_start3A_156 : memref<24xi32, #tpu.memory_space<vmem>>) target_semaphore(%arg16 : memref<!tpu.dma_semaphore, #tpu.memory_space<semaphore_mem>>)
    %add3A_158 = arith.constant 101376 : i32
    %add3A_159 = arith.addi %add3A_158, %mul3A_141 : i32
    %dma_start3A_160 = arith.constant 48 : i32
    %dma_start3A_161 = tpu.memref_slice %arg8[%dma_start3A_160] : memref<264xi32, #tpu.memory_space<vmem>> -> memref<24xi32, #tpu.memory_space<vmem>>
    %dma_start3A_162 = tpu.memref_slice %arg2[%add3A_159] : memref<557568xi32, #tpu.memory_space<hbm>> -> memref<24xi32, #tpu.memory_space<hbm>>
    %dma_start3A_163 = arith.constant 48 : i32
    %dma_start3A_164 = tpu.memref_slice %arg8[%dma_start3A_163] : memref<264xi32, #tpu.memory_space<vmem>> -> memref<24xi32, #tpu.memory_space<vmem>>
    %dma_start3A_165 = tpu.memref_slice %arg2[%add3A_159] : memref<557568xi32, #tpu.memory_space<hbm>> -> memref<24xi32, #tpu.memory_space<hbm>>
    tpu.enqueue_dma source(%dma_start3A_165 : memref<24xi32, #tpu.memory_space<hbm>>) target(%dma_start3A_164 : memref<24xi32, #tpu.memory_space<vmem>>) target_semaphore(%arg16 : memref<!tpu.dma_semaphore, #tpu.memory_space<semaphore_mem>>)
    %add3A_166 = arith.constant 152064 : i32
    %add3A_167 = arith.addi %add3A_166, %mul3A_141 : i32
    %dma_start3A_168 = arith.constant 72 : i32
    %dma_start3A_169 = tpu.memref_slice %arg8[%dma_start3A_168] : memref<264xi32, #tpu.memory_space<vmem>> -> memref<24xi32, #tpu.memory_space<vmem>>
    %dma_start3A_170 = tpu.memref_slice %arg2[%add3A_167] : memref<557568xi32, #tpu.memory_space<hbm>> -> memref<24xi32, #tpu.memory_space<hbm>>
    %dma_start3A_171 = arith.constant 72 : i32
    %dma_start3A_172 = tpu.memref_slice %arg8[%dma_start3A_171] : memref<264xi32, #tpu.memory_space<vmem>> -> memref<24xi32, #tpu.memory_space<vmem>>
    %dma_start3A_173 = tpu.memref_slice %arg2[%add3A_167] : memref<557568xi32, #tpu.memory_space<hbm>> -> memref<24xi32, #tpu.memory_space<hbm>>
    tpu.enqueue_dma source(%dma_start3A_173 : memref<24xi32, #tpu.memory_space<hbm>>) target(%dma_start3A_172 : memref<24xi32, #tpu.memory_space<vmem>>) target_semaphore(%arg16 : memref<!tpu.dma_semaphore, #tpu.memory_space<semaphore_mem>>)
    %add3A_174 = arith.constant 202752 : i32
    %add3A_175 = arith.addi %add3A_174, %mul3A_141 : i32
    %dma_start3A_176 = arith.constant 96 : i32
    %dma_start3A_177 = tpu.memref_slice %arg8[%dma_start3A_176] : memref<264xi32, #tpu.memory_space<vmem>> -> memref<24xi32, #tpu.memory_space<vmem>>
    %dma_start3A_178 = tpu.memref_slice %arg2[%add3A_175] : memref<557568xi32, #tpu.memory_space<hbm>> -> memref<24xi32, #tpu.memory_space<hbm>>
    %dma_start3A_179 = arith.constant 96 : i32
    %dma_start3A_180 = tpu.memref_slice %arg8[%dma_start3A_179] : memref<264xi32, #tpu.memory_space<vmem>> -> memref<24xi32, #tpu.memory_space<vmem>>
    %dma_start3A_181 = tpu.memref_slice %arg2[%add3A_175] : memref<557568xi32, #tpu.memory_space<hbm>> -> memref<24xi32, #tpu.memory_space<hbm>>
    tpu.enqueue_dma source(%dma_start3A_181 : memref<24xi32, #tpu.memory_space<hbm>>) target(%dma_start3A_180 : memref<24xi32, #tpu.memory_space<vmem>>) target_semaphore(%arg16 : memref<!tpu.dma_semaphore, #tpu.memory_space<semaphore_mem>>)
    %add3A_182 = arith.constant 253440 : i32
    %add3A_183 = arith.addi %add3A_182, %mul3A_141 : i32
    %dma_start3A_184 = arith.constant 120 : i32
    %dma_start3A_185 = tpu.memref_slice %arg8[%dma_start3A_184] : memref<264xi32, #tpu.memory_space<vmem>> -> memref<24xi32, #tpu.memory_space<vmem>>
    %dma_start3A_186 = tpu.memref_slice %arg2[%add3A_183] : memref<557568xi32, #tpu.memory_space<hbm>> -> memref<24xi32, #tpu.memory_space<hbm>>
    %dma_start3A_187 = arith.constant 120 : i32
    %dma_start3A_188 = tpu.memref_slice %arg8[%dma_start3A_187] : memref<264xi32, #tpu.memory_space<vmem>> -> memref<24xi32, #tpu.memory_space<vmem>>
    %dma_start3A_189 = tpu.memref_slice %arg2[%add3A_183] : memref<557568xi32, #tpu.memory_space<hbm>> -> memref<24xi32, #tpu.memory_space<hbm>>
    tpu.enqueue_dma source(%dma_start3A_189 : memref<24xi32, #tpu.memory_space<hbm>>) target(%dma_start3A_188 : memref<24xi32, #tpu.memory_space<vmem>>) target_semaphore(%arg16 : memref<!tpu.dma_semaphore, #tpu.memory_space<semaphore_mem>>)
    %add3A_190 = arith.constant 304128 : i32
    %add3A_191 = arith.addi %add3A_190, %mul3A_141 : i32
    %dma_start3A_192 = arith.constant 144 : i32
    %dma_start3A_193 = tpu.memref_slice %arg8[%dma_start3A_192] : memref<264xi32, #tpu.memory_space<vmem>> -> memref<24xi32, #tpu.memory_space<vmem>>
    %dma_start3A_194 = tpu.memref_slice %arg2[%add3A_191] : memref<557568xi32, #tpu.memory_space<hbm>> -> memref<24xi32, #tpu.memory_space<hbm>>
    %dma_start3A_195 = arith.constant 144 : i32
    %dma_start3A_196 = tpu.memref_slice %arg8[%dma_start3A_195] : memref<264xi32, #tpu.memory_space<vmem>> -> memref<24xi32, #tpu.memory_space<vmem>>
    %dma_start3A_197 = tpu.memref_slice %arg2[%add3A_191] : memref<557568xi32, #tpu.memory_space<hbm>> -> memref<24xi32, #tpu.memory_space<hbm>>
    tpu.enqueue_dma source(%dma_start3A_197 : memref<24xi32, #tpu.memory_space<hbm>>) target(%dma_start3A_196 : memref<24xi32, #tpu.memory_space<vmem>>) target_semaphore(%arg16 : memref<!tpu.dma_semaphore, #tpu.memory_space<semaphore_mem>>)
    %add3A_198 = arith.constant 354816 : i32
    %add3A_199 = arith.addi %add3A_198, %mul3A_141 : i32
    %dma_start3A_200 = arith.constant 168 : i32
    %dma_start3A_201 = tpu.memref_slice %arg8[%dma_start3A_200] : memref<264xi32, #tpu.memory_space<vmem>> -> memref<24xi32, #tpu.memory_space<vmem>>
    %dma_start3A_202 = tpu.memref_slice %arg2[%add3A_199] : memref<557568xi32, #tpu.memory_space<hbm>> -> memref<24xi32, #tpu.memory_space<hbm>>
    %dma_start3A_203 = arith.constant 168 : i32
    %dma_start3A_204 = tpu.memref_slice %arg8[%dma_start3A_203] : memref<264xi32, #tpu.memory_space<vmem>> -> memref<24xi32, #tpu.memory_space<vmem>>
    %dma_start3A_205 = tpu.memref_slice %arg2[%add3A_199] : memref<557568xi32, #tpu.memory_space<hbm>> -> memref<24xi32, #tpu.memory_space<hbm>>
    tpu.enqueue_dma source(%dma_start3A_205 : memref<24xi32, #tpu.memory_space<hbm>>) target(%dma_start3A_204 : memref<24xi32, #tpu.memory_space<vmem>>) target_semaphore(%arg16 : memref<!tpu.dma_semaphore, #tpu.memory_space<semaphore_mem>>)
    %add3A_206 = arith.constant 405504 : i32
    %add3A_207 = arith.addi %add3A_206, %mul3A_141 : i32
    %dma_start3A_208 = arith.constant 192 : i32
    %dma_start3A_209 = tpu.memref_slice %arg8[%dma_start3A_208] : memref<264xi32, #tpu.memory_space<vmem>> -> memref<24xi32, #tpu.memory_space<vmem>>
    %dma_start3A_210 = tpu.memref_slice %arg2[%add3A_207] : memref<557568xi32, #tpu.memory_space<hbm>> -> memref<24xi32, #tpu.memory_space<hbm>>
    %dma_start3A_211 = arith.constant 192 : i32
    %dma_start3A_212 = tpu.memref_slice %arg8[%dma_start3A_211] : memref<264xi32, #tpu.memory_space<vmem>> -> memref<24xi32, #tpu.memory_space<vmem>>
    %dma_start3A_213 = tpu.memref_slice %arg2[%add3A_207] : memref<557568xi32, #tpu.memory_space<hbm>> -> memref<24xi32, #tpu.memory_space<hbm>>
    tpu.enqueue_dma source(%dma_start3A_213 : memref<24xi32, #tpu.memory_space<hbm>>) target(%dma_start3A_212 : memref<24xi32, #tpu.memory_space<vmem>>) target_semaphore(%arg16 : memref<!tpu.dma_semaphore, #tpu.memory_space<semaphore_mem>>)
    %add3A_214 = arith.constant 456192 : i32
    %add3A_215 = arith.addi %add3A_214, %mul3A_141 : i32
    %dma_start3A_216 = arith.constant 216 : i32
    %dma_start3A_217 = tpu.memref_slice %arg8[%dma_start3A_216] : memref<264xi32, #tpu.memory_space<vmem>> -> memref<24xi32, #tpu.memory_space<vmem>>
    %dma_start3A_218 = tpu.memref_slice %arg2[%add3A_215] : memref<557568xi32, #tpu.memory_space<hbm>> -> memref<24xi32, #tpu.memory_space<hbm>>
    %dma_start3A_219 = arith.constant 216 : i32
    %dma_start3A_220 = tpu.memref_slice %arg8[%dma_start3A_219] : memref<264xi32, #tpu.memory_space<vmem>> -> memref<24xi32, #tpu.memory_space<vmem>>
    %dma_start3A_221 = tpu.memref_slice %arg2[%add3A_215] : memref<557568xi32, #tpu.memory_space<hbm>> -> memref<24xi32, #tpu.memory_space<hbm>>
    tpu.enqueue_dma source(%dma_start3A_221 : memref<24xi32, #tpu.memory_space<hbm>>) target(%dma_start3A_220 : memref<24xi32, #tpu.memory_space<vmem>>) target_semaphore(%arg16 : memref<!tpu.dma_semaphore, #tpu.memory_space<semaphore_mem>>)
    %add3A_222 = arith.constant 506880 : i32
    %add3A_223 = arith.addi %add3A_222, %mul3A_141 : i32
    %dma_start3A_224 = arith.constant 240 : i32
    %dma_start3A_225 = tpu.memref_slice %arg8[%dma_start3A_224] : memref<264xi32, #tpu.memory_space<vmem>> -> memref<24xi32, #tpu.memory_space<vmem>>
    %dma_start3A_226 = tpu.memref_slice %arg2[%add3A_223] : memref<557568xi32, #tpu.memory_space<hbm>> -> memref<24xi32, #tpu.memory_space<hbm>>
    %dma_start3A_227 = arith.constant 240 : i32
    %dma_start3A_228 = tpu.memref_slice %arg8[%dma_start3A_227] : memref<264xi32, #tpu.memory_space<vmem>> -> memref<24xi32, #tpu.memory_space<vmem>>
    %dma_start3A_229 = tpu.memref_slice %arg2[%add3A_223] : memref<557568xi32, #tpu.memory_space<hbm>> -> memref<24xi32, #tpu.memory_space<hbm>>
    tpu.enqueue_dma source(%dma_start3A_229 : memref<24xi32, #tpu.memory_space<hbm>>) target(%dma_start3A_228 : memref<24xi32, #tpu.memory_space<vmem>>) target_semaphore(%arg16 : memref<!tpu.dma_semaphore, #tpu.memory_space<semaphore_mem>>)
    %dma_start3A_230 = arith.constant 0 : i32
    %dma_start3A_231 = arith.constant 0 : i32
    %dma_start3A_232 = arith.constant 0 : i32
    %dma_start3A_233 = tpu.memref_slice %arg9[%dma_start3A_230, %dma_start3A_231, %dma_start3A_232] : memref<3x264x128xf32, #tpu.memory_space<vmem>> -> memref<1x264x128xf32, #tpu.memory_space<vmem>>
    %dma_start3A_234 = tpu.memref_squeeze %dma_start3A_233 : memref<1x264x128xf32, #tpu.memory_space<vmem>> -> memref<264x128xf32, #tpu.memory_space<vmem>>
    %dma_start3A_235 = arith.constant 0 : i32
    %dma_start3A_236 = arith.constant 0 : i32
    %dma_start3A_237 = tpu.memref_slice %arg3[%dma_start3A_235, %dma_start3A_236] : memref<100000x128xf32, #tpu.memory_space<hbm>> -> memref<100000x128xf32, #tpu.memory_space<hbm>>
    tpu.enqueue_indirect_dma source(%dma_start3A_237 : memref<100000x128xf32, #tpu.memory_space<hbm>>) target(%dma_start3A_234 : memref<264x128xf32, #tpu.memory_space<vmem>>) offsets(%arg6 : memref<264xi32, #tpu.memory_space<vmem>>) semaphore(%arg11 : memref<!tpu.dma_semaphore, #tpu.memory_space<semaphore_mem>>)
    %dma_wait3A = arith.constant 0 : i32
    %dma_wait3A_238 = tpu.memref_slice %arg7[%dma_wait3A] : memref<264xi32, #tpu.memory_space<vmem>> -> memref<24xi32, #tpu.memory_space<vmem>>
    %dma_wait3A_239 = arith.constant 0 : i32
    %dma_wait3A_240 = tpu.memref_slice %arg2[%dma_wait3A_239] : memref<557568xi32, #tpu.memory_space<hbm>> -> memref<24xi32, #tpu.memory_space<hbm>>
    %dma_wait3A_241 = arith.constant 0 : i32
    %dma_wait3A_242 = tpu.memref_slice %arg7[%dma_wait3A_241] : memref<264xi32, #tpu.memory_space<vmem>> -> memref<24xi32, #tpu.memory_space<vmem>>
    %dma_wait3A_243 = arith.constant 0 : i32
    %dma_wait3A_244 = tpu.memref_slice %arg2[%dma_wait3A_243] : memref<557568xi32, #tpu.memory_space<hbm>> -> memref<24xi32, #tpu.memory_space<hbm>>
    tpu.wait_dma2 semaphore(%arg15 : memref<!tpu.dma_semaphore, #tpu.memory_space<semaphore_mem>>) src(%dma_wait3A_244 : memref<24xi32, #tpu.memory_space<hbm>>) dst(%dma_wait3A_242 : memref<24xi32, #tpu.memory_space<vmem>>)
    %dma_wait3A_245 = arith.constant 24 : i32
    %dma_wait3A_246 = tpu.memref_slice %arg7[%dma_wait3A_245] : memref<264xi32, #tpu.memory_space<vmem>> -> memref<24xi32, #tpu.memory_space<vmem>>
    %dma_wait3A_247 = arith.constant 50688 : i32
    %dma_wait3A_248 = tpu.memref_slice %arg2[%dma_wait3A_247] : memref<557568xi32, #tpu.memory_space<hbm>> -> memref<24xi32, #tpu.memory_space<hbm>>
    %dma_wait3A_249 = arith.constant 24 : i32
    %dma_wait3A_250 = tpu.memref_slice %arg7[%dma_wait3A_249] : memref<264xi32, #tpu.memory_space<vmem>> -> memref<24xi32, #tpu.memory_space<vmem>>
    %dma_wait3A_251 = arith.constant 50688 : i32
    %dma_wait3A_252 = tpu.memref_slice %arg2[%dma_wait3A_251] : memref<557568xi32, #tpu.memory_space<hbm>> -> memref<24xi32, #tpu.memory_space<hbm>>
    tpu.wait_dma2 semaphore(%arg15 : memref<!tpu.dma_semaphore, #tpu.memory_space<semaphore_mem>>) src(%dma_wait3A_252 : memref<24xi32, #tpu.memory_space<hbm>>) dst(%dma_wait3A_250 : memref<24xi32, #tpu.memory_space<vmem>>)
    %dma_wait3A_253 = arith.constant 48 : i32
    %dma_wait3A_254 = tpu.memref_slice %arg7[%dma_wait3A_253] : memref<264xi32, #tpu.memory_space<vmem>> -> memref<24xi32, #tpu.memory_space<vmem>>
    %dma_wait3A_255 = arith.constant 101376 : i32
    %dma_wait3A_256 = tpu.memref_slice %arg2[%dma_wait3A_255] : memref<557568xi32, #tpu.memory_space<hbm>> -> memref<24xi32, #tpu.memory_space<hbm>>
    %dma_wait3A_257 = arith.constant 48 : i32
    %dma_wait3A_258 = tpu.memref_slice %arg7[%dma_wait3A_257] : memref<264xi32, #tpu.memory_space<vmem>> -> memref<24xi32, #tpu.memory_space<vmem>>
    %dma_wait3A_259 = arith.constant 101376 : i32
    %dma_wait3A_260 = tpu.memref_slice %arg2[%dma_wait3A_259] : memref<557568xi32, #tpu.memory_space<hbm>> -> memref<24xi32, #tpu.memory_space<hbm>>
    tpu.wait_dma2 semaphore(%arg15 : memref<!tpu.dma_semaphore, #tpu.memory_space<semaphore_mem>>) src(%dma_wait3A_260 : memref<24xi32, #tpu.memory_space<hbm>>) dst(%dma_wait3A_258 : memref<24xi32, #tpu.memory_space<vmem>>)
    %dma_wait3A_261 = arith.constant 72 : i32
    %dma_wait3A_262 = tpu.memref_slice %arg7[%dma_wait3A_261] : memref<264xi32, #tpu.memory_space<vmem>> -> memref<24xi32, #tpu.memory_space<vmem>>
    %dma_wait3A_263 = arith.constant 152064 : i32
    %dma_wait3A_264 = tpu.memref_slice %arg2[%dma_wait3A_263] : memref<557568xi32, #tpu.memory_space<hbm>> -> memref<24xi32, #tpu.memory_space<hbm>>
    %dma_wait3A_265 = arith.constant 72 : i32
    %dma_wait3A_266 = tpu.memref_slice %arg7[%dma_wait3A_265] : memref<264xi32, #tpu.memory_space<vmem>> -> memref<24xi32, #tpu.memory_space<vmem>>
    %dma_wait3A_267 = arith.constant 152064 : i32
    %dma_wait3A_268 = tpu.memref_slice %arg2[%dma_wait3A_267] : memref<557568xi32, #tpu.memory_space<hbm>> -> memref<24xi32, #tpu.memory_space<hbm>>
    tpu.wait_dma2 semaphore(%arg15 : memref<!tpu.dma_semaphore, #tpu.memory_space<semaphore_mem>>) src(%dma_wait3A_268 : memref<24xi32, #tpu.memory_space<hbm>>) dst(%dma_wait3A_266 : memref<24xi32, #tpu.memory_space<vmem>>)
    %dma_wait3A_269 = arith.constant 96 : i32
    %dma_wait3A_270 = tpu.memref_slice %arg7[%dma_wait3A_269] : memref<264xi32, #tpu.memory_space<vmem>> -> memref<24xi32, #tpu.memory_space<vmem>>
    %dma_wait3A_271 = arith.constant 202752 : i32
    %dma_wait3A_272 = tpu.memref_slice %arg2[%dma_wait3A_271] : memref<557568xi32, #tpu.memory_space<hbm>> -> memref<24xi32, #tpu.memory_space<hbm>>
    %dma_wait3A_273 = arith.constant 96 : i32
    %dma_wait3A_274 = tpu.memref_slice %arg7[%dma_wait3A_273] : memref<264xi32, #tpu.memory_space<vmem>> -> memref<24xi32, #tpu.memory_space<vmem>>
    %dma_wait3A_275 = arith.constant 202752 : i32
    %dma_wait3A_276 = tpu.memref_slice %arg2[%dma_wait3A_275] : memref<557568xi32, #tpu.memory_space<hbm>> -> memref<24xi32, #tpu.memory_space<hbm>>
    tpu.wait_dma2 semaphore(%arg15 : memref<!tpu.dma_semaphore, #tpu.memory_space<semaphore_mem>>) src(%dma_wait3A_276 : memref<24xi32, #tpu.memory_space<hbm>>) dst(%dma_wait3A_274 : memref<24xi32, #tpu.memory_space<vmem>>)
    %dma_wait3A_277 = arith.constant 120 : i32
    %dma_wait3A_278 = tpu.memref_slice %arg7[%dma_wait3A_277] : memref<264xi32, #tpu.memory_space<vmem>> -> memref<24xi32, #tpu.memory_space<vmem>>
    %dma_wait3A_279 = arith.constant 253440 : i32
    %dma_wait3A_280 = tpu.memref_slice %arg2[%dma_wait3A_279] : memref<557568xi32, #tpu.memory_space<hbm>> -> memref<24xi32, #tpu.memory_space<hbm>>
    %dma_wait3A_281 = arith.constant 120 : i32
    %dma_wait3A_282 = tpu.memref_slice %arg7[%dma_wait3A_281] : memref<264xi32, #tpu.memory_space<vmem>> -> memref<24xi32, #tpu.memory_space<vmem>>
    %dma_wait3A_283 = arith.constant 253440 : i32
    %dma_wait3A_284 = tpu.memref_slice %arg2[%dma_wait3A_283] : memref<557568xi32, #tpu.memory_space<hbm>> -> memref<24xi32, #tpu.memory_space<hbm>>
    tpu.wait_dma2 semaphore(%arg15 : memref<!tpu.dma_semaphore, #tpu.memory_space<semaphore_mem>>) src(%dma_wait3A_284 : memref<24xi32, #tpu.memory_space<hbm>>) dst(%dma_wait3A_282 : memref<24xi32, #tpu.memory_space<vmem>>)
    %dma_wait3A_285 = arith.constant 144 : i32
    %dma_wait3A_286 = tpu.memref_slice %arg7[%dma_wait3A_285] : memref<264xi32, #tpu.memory_space<vmem>> -> memref<24xi32, #tpu.memory_space<vmem>>
    %dma_wait3A_287 = arith.constant 304128 : i32
    %dma_wait3A_288 = tpu.memref_slice %arg2[%dma_wait3A_287] : memref<557568xi32, #tpu.memory_space<hbm>> -> memref<24xi32, #tpu.memory_space<hbm>>
    %dma_wait3A_289 = arith.constant 144 : i32
    %dma_wait3A_290 = tpu.memref_slice %arg7[%dma_wait3A_289] : memref<264xi32, #tpu.memory_space<vmem>> -> memref<24xi32, #tpu.memory_space<vmem>>
    %dma_wait3A_291 = arith.constant 304128 : i32
    %dma_wait3A_292 = tpu.memref_slice %arg2[%dma_wait3A_291] : memref<557568xi32, #tpu.memory_space<hbm>> -> memref<24xi32, #tpu.memory_space<hbm>>
    tpu.wait_dma2 semaphore(%arg15 : memref<!tpu.dma_semaphore, #tpu.memory_space<semaphore_mem>>) src(%dma_wait3A_292 : memref<24xi32, #tpu.memory_space<hbm>>) dst(%dma_wait3A_290 : memref<24xi32, #tpu.memory_space<vmem>>)
    %dma_wait3A_293 = arith.constant 168 : i32
    %dma_wait3A_294 = tpu.memref_slice %arg7[%dma_wait3A_293] : memref<264xi32, #tpu.memory_space<vmem>> -> memref<24xi32, #tpu.memory_space<vmem>>
    %dma_wait3A_295 = arith.constant 354816 : i32
    %dma_wait3A_296 = tpu.memref_slice %arg2[%dma_wait3A_295] : memref<557568xi32, #tpu.memory_space<hbm>> -> memref<24xi32, #tpu.memory_space<hbm>>
    %dma_wait3A_297 = arith.constant 168 : i32
    %dma_wait3A_298 = tpu.memref_slice %arg7[%dma_wait3A_297] : memref<264xi32, #tpu.memory_space<vmem>> -> memref<24xi32, #tpu.memory_space<vmem>>
    %dma_wait3A_299 = arith.constant 354816 : i32
    %dma_wait3A_300 = tpu.memref_slice %arg2[%dma_wait3A_299] : memref<557568xi32, #tpu.memory_space<hbm>> -> memref<24xi32, #tpu.memory_space<hbm>>
    tpu.wait_dma2 semaphore(%arg15 : memref<!tpu.dma_semaphore, #tpu.memory_space<semaphore_mem>>) src(%dma_wait3A_300 : memref<24xi32, #tpu.memory_space<hbm>>) dst(%dma_wait3A_298 : memref<24xi32, #tpu.memory_space<vmem>>)
    %dma_wait3A_301 = arith.constant 192 : i32
    %dma_wait3A_302 = tpu.memref_slice %arg7[%dma_wait3A_301] : memref<264xi32, #tpu.memory_space<vmem>> -> memref<24xi32, #tpu.memory_space<vmem>>
    %dma_wait3A_303 = arith.constant 405504 : i32
    %dma_wait3A_304 = tpu.memref_slice %arg2[%dma_wait3A_303] : memref<557568xi32, #tpu.memory_space<hbm>> -> memref<24xi32, #tpu.memory_space<hbm>>
    %dma_wait3A_305 = arith.constant 192 : i32
    %dma_wait3A_306 = tpu.memref_slice %arg7[%dma_wait3A_305] : memref<264xi32, #tpu.memory_space<vmem>> -> memref<24xi32, #tpu.memory_space<vmem>>
    %dma_wait3A_307 = arith.constant 405504 : i32
    %dma_wait3A_308 = tpu.memref_slice %arg2[%dma_wait3A_307] : memref<557568xi32, #tpu.memory_space<hbm>> -> memref<24xi32, #tpu.memory_space<hbm>>
    tpu.wait_dma2 semaphore(%arg15 : memref<!tpu.dma_semaphore, #tpu.memory_space<semaphore_mem>>) src(%dma_wait3A_308 : memref<24xi32, #tpu.memory_space<hbm>>) dst(%dma_wait3A_306 : memref<24xi32, #tpu.memory_space<vmem>>)
    %dma_wait3A_309 = arith.constant 216 : i32
    %dma_wait3A_310 = tpu.memref_slice %arg7[%dma_wait3A_309] : memref<264xi32, #tpu.memory_space<vmem>> -> memref<24xi32, #tpu.memory_space<vmem>>
    %dma_wait3A_311 = arith.constant 456192 : i32
    %dma_wait3A_312 = tpu.memref_slice %arg2[%dma_wait3A_311] : memref<557568xi32, #tpu.memory_space<hbm>> -> memref<24xi32, #tpu.memory_space<hbm>>
    %dma_wait3A_313 = arith.constant 216 : i32
    %dma_wait3A_314 = tpu.memref_slice %arg7[%dma_wait3A_313] : memref<264xi32, #tpu.memory_space<vmem>> -> memref<24xi32, #tpu.memory_space<vmem>>
    %dma_wait3A_315 = arith.constant 456192 : i32
    %dma_wait3A_316 = tpu.memref_slice %arg2[%dma_wait3A_315] : memref<557568xi32, #tpu.memory_space<hbm>> -> memref<24xi32, #tpu.memory_space<hbm>>
    tpu.wait_dma2 semaphore(%arg15 : memref<!tpu.dma_semaphore, #tpu.memory_space<semaphore_mem>>) src(%dma_wait3A_316 : memref<24xi32, #tpu.memory_space<hbm>>) dst(%dma_wait3A_314 : memref<24xi32, #tpu.memory_space<vmem>>)
    %dma_wait3A_317 = arith.constant 240 : i32
    %dma_wait3A_318 = tpu.memref_slice %arg7[%dma_wait3A_317] : memref<264xi32, #tpu.memory_space<vmem>> -> memref<24xi32, #tpu.memory_space<vmem>>
    %dma_wait3A_319 = arith.constant 506880 : i32
    %dma_wait3A_320 = tpu.memref_slice %arg2[%dma_wait3A_319] : memref<557568xi32, #tpu.memory_space<hbm>> -> memref<24xi32, #tpu.memory_space<hbm>>
    %dma_wait3A_321 = arith.constant 240 : i32
    %dma_wait3A_322 = tpu.memref_slice %arg7[%dma_wait3A_321] : memref<264xi32, #tpu.memory_space<vmem>> -> memref<24xi32, #tpu.memory_space<vmem>>
    %dma_wait3A_323 = arith.constant 506880 : i32
    %dma_wait3A_324 = tpu.memref_slice %arg2[%dma_wait3A_323] : memref<557568xi32, #tpu.memory_space<hbm>> -> memref<24xi32, #tpu.memory_space<hbm>>
    tpu.wait_dma2 semaphore(%arg15 : memref<!tpu.dma_semaphore, #tpu.memory_space<semaphore_mem>>) src(%dma_wait3A_324 : memref<24xi32, #tpu.memory_space<hbm>>) dst(%dma_wait3A_322 : memref<24xi32, #tpu.memory_space<vmem>>)
    %dma_start3A_325 = arith.constant 1 : i32
    %dma_start3A_326 = arith.constant 0 : i32
    %dma_start3A_327 = arith.constant 0 : i32
    %dma_start3A_328 = tpu.memref_slice %arg9[%dma_start3A_325, %dma_start3A_326, %dma_start3A_327] : memref<3x264x128xf32, #tpu.memory_space<vmem>> -> memref<1x264x128xf32, #tpu.memory_space<vmem>>
    %dma_start3A_329 = tpu.memref_squeeze %dma_start3A_328 : memref<1x264x128xf32, #tpu.memory_space<vmem>> -> memref<264x128xf32, #tpu.memory_space<vmem>>
    %dma_start3A_330 = arith.constant 0 : i32
    %dma_start3A_331 = arith.constant 0 : i32
    %dma_start3A_332 = tpu.memref_slice %arg3[%dma_start3A_330, %dma_start3A_331] : memref<100000x128xf32, #tpu.memory_space<hbm>> -> memref<100000x128xf32, #tpu.memory_space<hbm>>
    tpu.enqueue_indirect_dma source(%dma_start3A_332 : memref<100000x128xf32, #tpu.memory_space<hbm>>) target(%dma_start3A_329 : memref<264x128xf32, #tpu.memory_space<vmem>>) offsets(%arg7 : memref<264xi32, #tpu.memory_space<vmem>>) semaphore(%arg12 : memref<!tpu.dma_semaphore, #tpu.memory_space<semaphore_mem>>)
    "tpu.trace_stop"() : () -> ()
    "tpu.trace_start"() <{level = 10 : i32, message = "sc_loop"}> : () -> ()
    %scan3A = arith.constant 0 : i32
    %scan3A_333 = arith.constant 0 : i32
    %scan3A_334 = arith.constant 22 : i32
    %scan3A_335 = arith.addi %scan3A_333, %scan3A_334 : i32
    %scan3A_336 = arith.constant 1 : i32
    scf.for %scan3A_374 = %scan3A_333 to %scan3A_335 step %scan3A_336  : i32 {
      %mul3A_375 = arith.constant 3 : i32
      %mul3A_376 = arith.muli %mul3A_375, %scan3A_374 : i32
      %add3A_377 = arith.constant 0 : i32
      %add3A_378 = arith.addi %mul3A_376, %add3A_377 : i32
      %dma_wait3A_379 = arith.constant 0 : i32
      %dma_wait3A_380 = arith.constant 0 : i32
      %dma_wait3A_381 = arith.constant 0 : i32
      %dma_wait3A_382 = tpu.memref_slice %arg9[%dma_wait3A_379, %dma_wait3A_380, %dma_wait3A_381] : memref<3x264x128xf32, #tpu.memory_space<vmem>> -> memref<1x264x128xf32, #tpu.memory_space<vmem>>
      %dma_wait3A_383 = tpu.memref_squeeze %dma_wait3A_382 : memref<1x264x128xf32, #tpu.memory_space<vmem>> -> memref<264x128xf32, #tpu.memory_space<vmem>>
      %dma_wait3A_384 = arith.constant 0 : i32
      %dma_wait3A_385 = arith.constant 0 : i32
      %dma_wait3A_386 = tpu.memref_slice %arg3[%dma_wait3A_384, %dma_wait3A_385] : memref<100000x128xf32, #tpu.memory_space<hbm>> -> memref<100000x128xf32, #tpu.memory_space<hbm>>
      tpu.wait_indirect_dma semaphore(%arg11 : memref<!tpu.dma_semaphore, #tpu.memory_space<semaphore_mem>>) src(%dma_wait3A_386 : memref<100000x128xf32, #tpu.memory_space<hbm>>) dst(%dma_wait3A_383 : memref<264x128xf32, #tpu.memory_space<vmem>>)
      %add3A_387 = arith.constant 3 : i32
      %add3A_388 = arith.addi %add3A_378, %add3A_387 : i32
      %lt3A = arith.constant 66 : i32
      %lt3A_389 = arith.cmpi slt, %add3A_388, %lt3A : i32
      %convert_element_type3A = arith.extui %lt3A_389 : i1 to i32
      %cond3A = arith.constant 0 : i32
      %cond3A_390 = arith.cmpi ne, %convert_element_type3A, %cond3A : i32
      scf.if %cond3A_390 {
        %add3A_619 = arith.constant 3 : i32
        %add3A_620 = arith.addi %add3A_378, %add3A_619 : i32
        %add3A_621 = arith.addi %mul3A_2, %add3A_620 : i32
        %mul3A_622 = arith.constant 24 : i32
        %mul3A_623 = arith.muli %add3A_621, %mul3A_622 : i32
        %add3A_624 = arith.constant 0 : i32
        %add3A_625 = arith.addi %add3A_624, %mul3A_623 : i32
        %dma_start3A_626 = arith.constant 0 : i32
        %dma_start3A_627 = tpu.memref_slice %arg6[%dma_start3A_626] : memref<264xi32, #tpu.memory_space<vmem>> -> memref<24xi32, #tpu.memory_space<vmem>>
        %dma_start3A_628 = tpu.memref_slice %arg2[%add3A_625] : memref<557568xi32, #tpu.memory_space<hbm>> -> memref<24xi32, #tpu.memory_space<hbm>>
        %dma_start3A_629 = arith.constant 0 : i32
        %dma_start3A_630 = tpu.memref_slice %arg6[%dma_start3A_629] : memref<264xi32, #tpu.memory_space<vmem>> -> memref<24xi32, #tpu.memory_space<vmem>>
        %dma_start3A_631 = tpu.memref_slice %arg2[%add3A_625] : memref<557568xi32, #tpu.memory_space<hbm>> -> memref<24xi32, #tpu.memory_space<hbm>>
        tpu.enqueue_dma source(%dma_start3A_631 : memref<24xi32, #tpu.memory_space<hbm>>) target(%dma_start3A_630 : memref<24xi32, #tpu.memory_space<vmem>>) target_semaphore(%arg14 : memref<!tpu.dma_semaphore, #tpu.memory_space<semaphore_mem>>)
        %add3A_632 = arith.constant 50688 : i32
        %add3A_633 = arith.addi %add3A_632, %mul3A_623 : i32
        %dma_start3A_634 = arith.constant 24 : i32
        %dma_start3A_635 = tpu.memref_slice %arg6[%dma_start3A_634] : memref<264xi32, #tpu.memory_space<vmem>> -> memref<24xi32, #tpu.memory_space<vmem>>
        %dma_start3A_636 = tpu.memref_slice %arg2[%add3A_633] : memref<557568xi32, #tpu.memory_space<hbm>> -> memref<24xi32, #tpu.memory_space<hbm>>
        %dma_start3A_637 = arith.constant 24 : i32
        %dma_start3A_638 = tpu.memref_slice %arg6[%dma_start3A_637] : memref<264xi32, #tpu.memory_space<vmem>> -> memref<24xi32, #tpu.memory_space<vmem>>
        %dma_start3A_639 = tpu.memref_slice %arg2[%add3A_633] : memref<557568xi32, #tpu.memory_space<hbm>> -> memref<24xi32, #tpu.memory_space<hbm>>
        tpu.enqueue_dma source(%dma_start3A_639 : memref<24xi32, #tpu.memory_space<hbm>>) target(%dma_start3A_638 : memref<24xi32, #tpu.memory_space<vmem>>) target_semaphore(%arg14 : memref<!tpu.dma_semaphore, #tpu.memory_space<semaphore_mem>>)
        %add3A_640 = arith.constant 101376 : i32
        %add3A_641 = arith.addi %add3A_640, %mul3A_623 : i32
        %dma_start3A_642 = arith.constant 48 : i32
        %dma_start3A_643 = tpu.memref_slice %arg6[%dma_start3A_642] : memref<264xi32, #tpu.memory_space<vmem>> -> memref<24xi32, #tpu.memory_space<vmem>>
        %dma_start3A_644 = tpu.memref_slice %arg2[%add3A_641] : memref<557568xi32, #tpu.memory_space<hbm>> -> memref<24xi32, #tpu.memory_space<hbm>>
        %dma_start3A_645 = arith.constant 48 : i32
        %dma_start3A_646 = tpu.memref_slice %arg6[%dma_start3A_645] : memref<264xi32, #tpu.memory_space<vmem>> -> memref<24xi32, #tpu.memory_space<vmem>>
        %dma_start3A_647 = tpu.memref_slice %arg2[%add3A_641] : memref<557568xi32, #tpu.memory_space<hbm>> -> memref<24xi32, #tpu.memory_space<hbm>>
        tpu.enqueue_dma source(%dma_start3A_647 : memref<24xi32, #tpu.memory_space<hbm>>) target(%dma_start3A_646 : memref<24xi32, #tpu.memory_space<vmem>>) target_semaphore(%arg14 : memref<!tpu.dma_semaphore, #tpu.memory_space<semaphore_mem>>)
        %add3A_648 = arith.constant 152064 : i32
        %add3A_649 = arith.addi %add3A_648, %mul3A_623 : i32
        %dma_start3A_650 = arith.constant 72 : i32
        %dma_start3A_651 = tpu.memref_slice %arg6[%dma_start3A_650] : memref<264xi32, #tpu.memory_space<vmem>> -> memref<24xi32, #tpu.memory_space<vmem>>
        %dma_start3A_652 = tpu.memref_slice %arg2[%add3A_649] : memref<557568xi32, #tpu.memory_space<hbm>> -> memref<24xi32, #tpu.memory_space<hbm>>
        %dma_start3A_653 = arith.constant 72 : i32
        %dma_start3A_654 = tpu.memref_slice %arg6[%dma_start3A_653] : memref<264xi32, #tpu.memory_space<vmem>> -> memref<24xi32, #tpu.memory_space<vmem>>
        %dma_start3A_655 = tpu.memref_slice %arg2[%add3A_649] : memref<557568xi32, #tpu.memory_space<hbm>> -> memref<24xi32, #tpu.memory_space<hbm>>
        tpu.enqueue_dma source(%dma_start3A_655 : memref<24xi32, #tpu.memory_space<hbm>>) target(%dma_start3A_654 : memref<24xi32, #tpu.memory_space<vmem>>) target_semaphore(%arg14 : memref<!tpu.dma_semaphore, #tpu.memory_space<semaphore_mem>>)
        %add3A_656 = arith.constant 202752 : i32
        %add3A_657 = arith.addi %add3A_656, %mul3A_623 : i32
        %dma_start3A_658 = arith.constant 96 : i32
        %dma_start3A_659 = tpu.memref_slice %arg6[%dma_start3A_658] : memref<264xi32, #tpu.memory_space<vmem>> -> memref<24xi32, #tpu.memory_space<vmem>>
        %dma_start3A_660 = tpu.memref_slice %arg2[%add3A_657] : memref<557568xi32, #tpu.memory_space<hbm>> -> memref<24xi32, #tpu.memory_space<hbm>>
        %dma_start3A_661 = arith.constant 96 : i32
        %dma_start3A_662 = tpu.memref_slice %arg6[%dma_start3A_661] : memref<264xi32, #tpu.memory_space<vmem>> -> memref<24xi32, #tpu.memory_space<vmem>>
        %dma_start3A_663 = tpu.memref_slice %arg2[%add3A_657] : memref<557568xi32, #tpu.memory_space<hbm>> -> memref<24xi32, #tpu.memory_space<hbm>>
        tpu.enqueue_dma source(%dma_start3A_663 : memref<24xi32, #tpu.memory_space<hbm>>) target(%dma_start3A_662 : memref<24xi32, #tpu.memory_space<vmem>>) target_semaphore(%arg14 : memref<!tpu.dma_semaphore, #tpu.memory_space<semaphore_mem>>)
        %add3A_664 = arith.constant 253440 : i32
        %add3A_665 = arith.addi %add3A_664, %mul3A_623 : i32
        %dma_start3A_666 = arith.constant 120 : i32
        %dma_start3A_667 = tpu.memref_slice %arg6[%dma_start3A_666] : memref<264xi32, #tpu.memory_space<vmem>> -> memref<24xi32, #tpu.memory_space<vmem>>
        %dma_start3A_668 = tpu.memref_slice %arg2[%add3A_665] : memref<557568xi32, #tpu.memory_space<hbm>> -> memref<24xi32, #tpu.memory_space<hbm>>
        %dma_start3A_669 = arith.constant 120 : i32
        %dma_start3A_670 = tpu.memref_slice %arg6[%dma_start3A_669] : memref<264xi32, #tpu.memory_space<vmem>> -> memref<24xi32, #tpu.memory_space<vmem>>
        %dma_start3A_671 = tpu.memref_slice %arg2[%add3A_665] : memref<557568xi32, #tpu.memory_space<hbm>> -> memref<24xi32, #tpu.memory_space<hbm>>
        tpu.enqueue_dma source(%dma_start3A_671 : memref<24xi32, #tpu.memory_space<hbm>>) target(%dma_start3A_670 : memref<24xi32, #tpu.memory_space<vmem>>) target_semaphore(%arg14 : memref<!tpu.dma_semaphore, #tpu.memory_space<semaphore_mem>>)
        %add3A_672 = arith.constant 304128 : i32
        %add3A_673 = arith.addi %add3A_672, %mul3A_623 : i32
        %dma_start3A_674 = arith.constant 144 : i32
        %dma_start3A_675 = tpu.memref_slice %arg6[%dma_start3A_674] : memref<264xi32, #tpu.memory_space<vmem>> -> memref<24xi32, #tpu.memory_space<vmem>>
        %dma_start3A_676 = tpu.memref_slice %arg2[%add3A_673] : memref<557568xi32, #tpu.memory_space<hbm>> -> memref<24xi32, #tpu.memory_space<hbm>>
        %dma_start3A_677 = arith.constant 144 : i32
        %dma_start3A_678 = tpu.memref_slice %arg6[%dma_start3A_677] : memref<264xi32, #tpu.memory_space<vmem>> -> memref<24xi32, #tpu.memory_space<vmem>>
        %dma_start3A_679 = tpu.memref_slice %arg2[%add3A_673] : memref<557568xi32, #tpu.memory_space<hbm>> -> memref<24xi32, #tpu.memory_space<hbm>>
        tpu.enqueue_dma source(%dma_start3A_679 : memref<24xi32, #tpu.memory_space<hbm>>) target(%dma_start3A_678 : memref<24xi32, #tpu.memory_space<vmem>>) target_semaphore(%arg14 : memref<!tpu.dma_semaphore, #tpu.memory_space<semaphore_mem>>)
        %add3A_680 = arith.constant 354816 : i32
        %add3A_681 = arith.addi %add3A_680, %mul3A_623 : i32
        %dma_start3A_682 = arith.constant 168 : i32
        %dma_start3A_683 = tpu.memref_slice %arg6[%dma_start3A_682] : memref<264xi32, #tpu.memory_space<vmem>> -> memref<24xi32, #tpu.memory_space<vmem>>
        %dma_start3A_684 = tpu.memref_slice %arg2[%add3A_681] : memref<557568xi32, #tpu.memory_space<hbm>> -> memref<24xi32, #tpu.memory_space<hbm>>
        %dma_start3A_685 = arith.constant 168 : i32
        %dma_start3A_686 = tpu.memref_slice %arg6[%dma_start3A_685] : memref<264xi32, #tpu.memory_space<vmem>> -> memref<24xi32, #tpu.memory_space<vmem>>
        %dma_start3A_687 = tpu.memref_slice %arg2[%add3A_681] : memref<557568xi32, #tpu.memory_space<hbm>> -> memref<24xi32, #tpu.memory_space<hbm>>
        tpu.enqueue_dma source(%dma_start3A_687 : memref<24xi32, #tpu.memory_space<hbm>>) target(%dma_start3A_686 : memref<24xi32, #tpu.memory_space<vmem>>) target_semaphore(%arg14 : memref<!tpu.dma_semaphore, #tpu.memory_space<semaphore_mem>>)
        %add3A_688 = arith.constant 405504 : i32
        %add3A_689 = arith.addi %add3A_688, %mul3A_623 : i32
        %dma_start3A_690 = arith.constant 192 : i32
        %dma_start3A_691 = tpu.memref_slice %arg6[%dma_start3A_690] : memref<264xi32, #tpu.memory_space<vmem>> -> memref<24xi32, #tpu.memory_space<vmem>>
        %dma_start3A_692 = tpu.memref_slice %arg2[%add3A_689] : memref<557568xi32, #tpu.memory_space<hbm>> -> memref<24xi32, #tpu.memory_space<hbm>>
        %dma_start3A_693 = arith.constant 192 : i32
        %dma_start3A_694 = tpu.memref_slice %arg6[%dma_start3A_693] : memref<264xi32, #tpu.memory_space<vmem>> -> memref<24xi32, #tpu.memory_space<vmem>>
        %dma_start3A_695 = tpu.memref_slice %arg2[%add3A_689] : memref<557568xi32, #tpu.memory_space<hbm>> -> memref<24xi32, #tpu.memory_space<hbm>>
        tpu.enqueue_dma source(%dma_start3A_695 : memref<24xi32, #tpu.memory_space<hbm>>) target(%dma_start3A_694 : memref<24xi32, #tpu.memory_space<vmem>>) target_semaphore(%arg14 : memref<!tpu.dma_semaphore, #tpu.memory_space<semaphore_mem>>)
        %add3A_696 = arith.constant 456192 : i32
        %add3A_697 = arith.addi %add3A_696, %mul3A_623 : i32
        %dma_start3A_698 = arith.constant 216 : i32
        %dma_start3A_699 = tpu.memref_slice %arg6[%dma_start3A_698] : memref<264xi32, #tpu.memory_space<vmem>> -> memref<24xi32, #tpu.memory_space<vmem>>
        %dma_start3A_700 = tpu.memref_slice %arg2[%add3A_697] : memref<557568xi32, #tpu.memory_space<hbm>> -> memref<24xi32, #tpu.memory_space<hbm>>
        %dma_start3A_701 = arith.constant 216 : i32
        %dma_start3A_702 = tpu.memref_slice %arg6[%dma_start3A_701] : memref<264xi32, #tpu.memory_space<vmem>> -> memref<24xi32, #tpu.memory_space<vmem>>
        %dma_start3A_703 = tpu.memref_slice %arg2[%add3A_697] : memref<557568xi32, #tpu.memory_space<hbm>> -> memref<24xi32, #tpu.memory_space<hbm>>
        tpu.enqueue_dma source(%dma_start3A_703 : memref<24xi32, #tpu.memory_space<hbm>>) target(%dma_start3A_702 : memref<24xi32, #tpu.memory_space<vmem>>) target_semaphore(%arg14 : memref<!tpu.dma_semaphore, #tpu.memory_space<semaphore_mem>>)
        %add3A_704 = arith.constant 506880 : i32
        %add3A_705 = arith.addi %add3A_704, %mul3A_623 : i32
        %dma_start3A_706 = arith.constant 240 : i32
        %dma_start3A_707 = tpu.memref_slice %arg6[%dma_start3A_706] : memref<264xi32, #tpu.memory_space<vmem>> -> memref<24xi32, #tpu.memory_space<vmem>>
        %dma_start3A_708 = tpu.memref_slice %arg2[%add3A_705] : memref<557568xi32, #tpu.memory_space<hbm>> -> memref<24xi32, #tpu.memory_space<hbm>>
        %dma_start3A_709 = arith.constant 240 : i32
        %dma_start3A_710 = tpu.memref_slice %arg6[%dma_start3A_709] : memref<264xi32, #tpu.memory_space<vmem>> -> memref<24xi32, #tpu.memory_space<vmem>>
        %dma_start3A_711 = tpu.memref_slice %arg2[%add3A_705] : memref<557568xi32, #tpu.memory_space<hbm>> -> memref<24xi32, #tpu.memory_space<hbm>>
        tpu.enqueue_dma source(%dma_start3A_711 : memref<24xi32, #tpu.memory_space<hbm>>) target(%dma_start3A_710 : memref<24xi32, #tpu.memory_space<vmem>>) target_semaphore(%arg14 : memref<!tpu.dma_semaphore, #tpu.memory_space<semaphore_mem>>)
      } else {
      }
      %ge3A = arith.constant 1 : i32
      %ge3A_391 = arith.cmpi sge, %add3A_378, %ge3A : i32
      %convert_element_type3A_392 = arith.extui %ge3A_391 : i1 to i32
      %cond3A_393 = arith.constant 0 : i32
      %cond3A_394 = arith.cmpi ne, %convert_element_type3A_392, %cond3A_393 : i32
      scf.if %cond3A_394 {
        %dma_wait3A_619 = arith.constant 2 : i32
        %dma_wait3A_620 = arith.constant 0 : i32
        %dma_wait3A_621 = arith.constant 0 : i32
        %dma_wait3A_622 = tpu.memref_slice %arg9[%dma_wait3A_619, %dma_wait3A_620, %dma_wait3A_621] : memref<3x264x128xf32, #tpu.memory_space<vmem>> -> memref<1x264x128xf32, #tpu.memory_space<vmem>>
        %dma_wait3A_623 = tpu.memref_squeeze %dma_wait3A_622 : memref<1x264x128xf32, #tpu.memory_space<vmem>> -> memref<264x128xf32, #tpu.memory_space<vmem>>
        %dma_wait3A_624 = arith.constant 0 : i32
        %dma_wait3A_625 = arith.constant 0 : i32
        %dma_wait3A_626 = tpu.memref_slice %dma_wait3A_623[%dma_wait3A_624, %dma_wait3A_625] : memref<264x128xf32, #tpu.memory_space<vmem>> -> memref<24x128xf32, #tpu.memory_space<vmem>>
        %dma_wait3A_627 = arith.constant 0 : i32
        %dma_wait3A_628 = arith.constant 0 : i32
        %dma_wait3A_629 = tpu.memref_slice %arg4[%dma_wait3A_627, %dma_wait3A_628] : memref<50688x128xf32, #tpu.memory_space<hbm>> -> memref<24x128xf32, #tpu.memory_space<hbm>>
        %dma_wait3A_630 = arith.constant 0 : i32
        %dma_wait3A_631 = arith.constant 0 : i32
        %dma_wait3A_632 = tpu.memref_slice %arg4[%dma_wait3A_630, %dma_wait3A_631] : memref<50688x128xf32, #tpu.memory_space<hbm>> -> memref<24x128xf32, #tpu.memory_space<hbm>>
        %dma_wait3A_633 = arith.constant 0 : i32
        %dma_wait3A_634 = arith.constant 0 : i32
        %dma_wait3A_635 = tpu.memref_slice %arg9[%dma_wait3A_619, %dma_wait3A_633, %dma_wait3A_634] : memref<3x264x128xf32, #tpu.memory_space<vmem>> -> memref<1x264x128xf32, #tpu.memory_space<vmem>>
        %dma_wait3A_636 = tpu.memref_squeeze %dma_wait3A_635 : memref<1x264x128xf32, #tpu.memory_space<vmem>> -> memref<264x128xf32, #tpu.memory_space<vmem>>
        %dma_wait3A_637 = arith.constant 0 : i32
        %dma_wait3A_638 = arith.constant 0 : i32
        %dma_wait3A_639 = tpu.memref_slice %dma_wait3A_636[%dma_wait3A_637, %dma_wait3A_638] : memref<264x128xf32, #tpu.memory_space<vmem>> -> memref<24x128xf32, #tpu.memory_space<vmem>>
        tpu.wait_dma2 semaphore(%arg17 : memref<!tpu.dma_semaphore, #tpu.memory_space<semaphore_mem>>) src(%dma_wait3A_639 : memref<24x128xf32, #tpu.memory_space<vmem>>) dst(%dma_wait3A_632 : memref<24x128xf32, #tpu.memory_space<hbm>>)
        %dma_wait3A_640 = arith.constant 2 : i32
        %dma_wait3A_641 = arith.constant 0 : i32
        %dma_wait3A_642 = arith.constant 0 : i32
        %dma_wait3A_643 = tpu.memref_slice %arg10[%dma_wait3A_640, %dma_wait3A_641, %dma_wait3A_642] : memref<3x24x128xf32, #tpu.memory_space<vmem>> -> memref<1x24x128xf32, #tpu.memory_space<vmem>>
        %dma_wait3A_644 = tpu.memref_squeeze %dma_wait3A_643 : memref<1x24x128xf32, #tpu.memory_space<vmem>> -> memref<24x128xf32, #tpu.memory_space<vmem>>
        %dma_wait3A_645 = arith.constant 0 : i32
        %dma_wait3A_646 = arith.constant 0 : i32
        %dma_wait3A_647 = tpu.memref_slice %arg5[%dma_wait3A_645, %dma_wait3A_646] : memref<50688x128xf32, #tpu.memory_space<hbm>> -> memref<24x128xf32, #tpu.memory_space<hbm>>
        %dma_wait3A_648 = arith.constant 0 : i32
        %dma_wait3A_649 = arith.constant 0 : i32
        %dma_wait3A_650 = tpu.memref_slice %arg5[%dma_wait3A_648, %dma_wait3A_649] : memref<50688x128xf32, #tpu.memory_space<hbm>> -> memref<24x128xf32, #tpu.memory_space<hbm>>
        %dma_wait3A_651 = arith.constant 0 : i32
        %dma_wait3A_652 = arith.constant 0 : i32
        %dma_wait3A_653 = tpu.memref_slice %arg10[%dma_wait3A_640, %dma_wait3A_651, %dma_wait3A_652] : memref<3x24x128xf32, #tpu.memory_space<vmem>> -> memref<1x24x128xf32, #tpu.memory_space<vmem>>
        %dma_wait3A_654 = tpu.memref_squeeze %dma_wait3A_653 : memref<1x24x128xf32, #tpu.memory_space<vmem>> -> memref<24x128xf32, #tpu.memory_space<vmem>>
        tpu.wait_dma2 semaphore(%arg17 : memref<!tpu.dma_semaphore, #tpu.memory_space<semaphore_mem>>) src(%dma_wait3A_654 : memref<24x128xf32, #tpu.memory_space<vmem>>) dst(%dma_wait3A_650 : memref<24x128xf32, #tpu.memory_space<hbm>>)
      } else {
      }
      %add3A_395 = arith.constant 3 : i32
      %add3A_396 = arith.addi %add3A_378, %add3A_395 : i32
      %sub3A = arith.constant 1 : i32
      %sub3A_397 = arith.subi %add3A_396, %sub3A : i32
      %lt3A_398 = arith.constant 66 : i32
      %lt3A_399 = arith.cmpi slt, %sub3A_397, %lt3A_398 : i32
      %convert_element_type3A_400 = arith.extui %lt3A_399 : i1 to i32
      %cond3A_401 = arith.constant 0 : i32
      %cond3A_402 = arith.cmpi ne, %convert_element_type3A_400, %cond3A_401 : i32
      scf.if %cond3A_402 {
        %dma_wait3A_619 = arith.constant 0 : i32
        %dma_wait3A_620 = tpu.memref_slice %arg8[%dma_wait3A_619] : memref<264xi32, #tpu.memory_space<vmem>> -> memref<24xi32, #tpu.memory_space<vmem>>
        %dma_wait3A_621 = arith.constant 0 : i32
        %dma_wait3A_622 = tpu.memref_slice %arg2[%dma_wait3A_621] : memref<557568xi32, #tpu.memory_space<hbm>> -> memref<24xi32, #tpu.memory_space<hbm>>
        %dma_wait3A_623 = arith.constant 0 : i32
        %dma_wait3A_624 = tpu.memref_slice %arg8[%dma_wait3A_623] : memref<264xi32, #tpu.memory_space<vmem>> -> memref<24xi32, #tpu.memory_space<vmem>>
        %dma_wait3A_625 = arith.constant 0 : i32
        %dma_wait3A_626 = tpu.memref_slice %arg2[%dma_wait3A_625] : memref<557568xi32, #tpu.memory_space<hbm>> -> memref<24xi32, #tpu.memory_space<hbm>>
        tpu.wait_dma2 semaphore(%arg16 : memref<!tpu.dma_semaphore, #tpu.memory_space<semaphore_mem>>) src(%dma_wait3A_626 : memref<24xi32, #tpu.memory_space<hbm>>) dst(%dma_wait3A_624 : memref<24xi32, #tpu.memory_space<vmem>>)
        %dma_wait3A_627 = arith.constant 24 : i32
        %dma_wait3A_628 = tpu.memref_slice %arg8[%dma_wait3A_627] : memref<264xi32, #tpu.memory_space<vmem>> -> memref<24xi32, #tpu.memory_space<vmem>>
        %dma_wait3A_629 = arith.constant 50688 : i32
        %dma_wait3A_630 = tpu.memref_slice %arg2[%dma_wait3A_629] : memref<557568xi32, #tpu.memory_space<hbm>> -> memref<24xi32, #tpu.memory_space<hbm>>
        %dma_wait3A_631 = arith.constant 24 : i32
        %dma_wait3A_632 = tpu.memref_slice %arg8[%dma_wait3A_631] : memref<264xi32, #tpu.memory_space<vmem>> -> memref<24xi32, #tpu.memory_space<vmem>>
        %dma_wait3A_633 = arith.constant 50688 : i32
        %dma_wait3A_634 = tpu.memref_slice %arg2[%dma_wait3A_633] : memref<557568xi32, #tpu.memory_space<hbm>> -> memref<24xi32, #tpu.memory_space<hbm>>
        tpu.wait_dma2 semaphore(%arg16 : memref<!tpu.dma_semaphore, #tpu.memory_space<semaphore_mem>>) src(%dma_wait3A_634 : memref<24xi32, #tpu.memory_space<hbm>>) dst(%dma_wait3A_632 : memref<24xi32, #tpu.memory_space<vmem>>)
        %dma_wait3A_635 = arith.constant 48 : i32
        %dma_wait3A_636 = tpu.memref_slice %arg8[%dma_wait3A_635] : memref<264xi32, #tpu.memory_space<vmem>> -> memref<24xi32, #tpu.memory_space<vmem>>
        %dma_wait3A_637 = arith.constant 101376 : i32
        %dma_wait3A_638 = tpu.memref_slice %arg2[%dma_wait3A_637] : memref<557568xi32, #tpu.memory_space<hbm>> -> memref<24xi32, #tpu.memory_space<hbm>>
        %dma_wait3A_639 = arith.constant 48 : i32
        %dma_wait3A_640 = tpu.memref_slice %arg8[%dma_wait3A_639] : memref<264xi32, #tpu.memory_space<vmem>> -> memref<24xi32, #tpu.memory_space<vmem>>
        %dma_wait3A_641 = arith.constant 101376 : i32
        %dma_wait3A_642 = tpu.memref_slice %arg2[%dma_wait3A_641] : memref<557568xi32, #tpu.memory_space<hbm>> -> memref<24xi32, #tpu.memory_space<hbm>>
        tpu.wait_dma2 semaphore(%arg16 : memref<!tpu.dma_semaphore, #tpu.memory_space<semaphore_mem>>) src(%dma_wait3A_642 : memref<24xi32, #tpu.memory_space<hbm>>) dst(%dma_wait3A_640 : memref<24xi32, #tpu.memory_space<vmem>>)
        %dma_wait3A_643 = arith.constant 72 : i32
        %dma_wait3A_644 = tpu.memref_slice %arg8[%dma_wait3A_643] : memref<264xi32, #tpu.memory_space<vmem>> -> memref<24xi32, #tpu.memory_space<vmem>>
        %dma_wait3A_645 = arith.constant 152064 : i32
        %dma_wait3A_646 = tpu.memref_slice %arg2[%dma_wait3A_645] : memref<557568xi32, #tpu.memory_space<hbm>> -> memref<24xi32, #tpu.memory_space<hbm>>
        %dma_wait3A_647 = arith.constant 72 : i32
        %dma_wait3A_648 = tpu.memref_slice %arg8[%dma_wait3A_647] : memref<264xi32, #tpu.memory_space<vmem>> -> memref<24xi32, #tpu.memory_space<vmem>>
        %dma_wait3A_649 = arith.constant 152064 : i32
        %dma_wait3A_650 = tpu.memref_slice %arg2[%dma_wait3A_649] : memref<557568xi32, #tpu.memory_space<hbm>> -> memref<24xi32, #tpu.memory_space<hbm>>
        tpu.wait_dma2 semaphore(%arg16 : memref<!tpu.dma_semaphore, #tpu.memory_space<semaphore_mem>>) src(%dma_wait3A_650 : memref<24xi32, #tpu.memory_space<hbm>>) dst(%dma_wait3A_648 : memref<24xi32, #tpu.memory_space<vmem>>)
        %dma_wait3A_651 = arith.constant 96 : i32
        %dma_wait3A_652 = tpu.memref_slice %arg8[%dma_wait3A_651] : memref<264xi32, #tpu.memory_space<vmem>> -> memref<24xi32, #tpu.memory_space<vmem>>
        %dma_wait3A_653 = arith.constant 202752 : i32
        %dma_wait3A_654 = tpu.memref_slice %arg2[%dma_wait3A_653] : memref<557568xi32, #tpu.memory_space<hbm>> -> memref<24xi32, #tpu.memory_space<hbm>>
        %dma_wait3A_655 = arith.constant 96 : i32
        %dma_wait3A_656 = tpu.memref_slice %arg8[%dma_wait3A_655] : memref<264xi32, #tpu.memory_space<vmem>> -> memref<24xi32, #tpu.memory_space<vmem>>
        %dma_wait3A_657 = arith.constant 202752 : i32
        %dma_wait3A_658 = tpu.memref_slice %arg2[%dma_wait3A_657] : memref<557568xi32, #tpu.memory_space<hbm>> -> memref<24xi32, #tpu.memory_space<hbm>>
        tpu.wait_dma2 semaphore(%arg16 : memref<!tpu.dma_semaphore, #tpu.memory_space<semaphore_mem>>) src(%dma_wait3A_658 : memref<24xi32, #tpu.memory_space<hbm>>) dst(%dma_wait3A_656 : memref<24xi32, #tpu.memory_space<vmem>>)
        %dma_wait3A_659 = arith.constant 120 : i32
        %dma_wait3A_660 = tpu.memref_slice %arg8[%dma_wait3A_659] : memref<264xi32, #tpu.memory_space<vmem>> -> memref<24xi32, #tpu.memory_space<vmem>>
        %dma_wait3A_661 = arith.constant 253440 : i32
        %dma_wait3A_662 = tpu.memref_slice %arg2[%dma_wait3A_661] : memref<557568xi32, #tpu.memory_space<hbm>> -> memref<24xi32, #tpu.memory_space<hbm>>
        %dma_wait3A_663 = arith.constant 120 : i32
        %dma_wait3A_664 = tpu.memref_slice %arg8[%dma_wait3A_663] : memref<264xi32, #tpu.memory_space<vmem>> -> memref<24xi32, #tpu.memory_space<vmem>>
        %dma_wait3A_665 = arith.constant 253440 : i32
        %dma_wait3A_666 = tpu.memref_slice %arg2[%dma_wait3A_665] : memref<557568xi32, #tpu.memory_space<hbm>> -> memref<24xi32, #tpu.memory_space<hbm>>
        tpu.wait_dma2 semaphore(%arg16 : memref<!tpu.dma_semaphore, #tpu.memory_space<semaphore_mem>>) src(%dma_wait3A_666 : memref<24xi32, #tpu.memory_space<hbm>>) dst(%dma_wait3A_664 : memref<24xi32, #tpu.memory_space<vmem>>)
        %dma_wait3A_667 = arith.constant 144 : i32
        %dma_wait3A_668 = tpu.memref_slice %arg8[%dma_wait3A_667] : memref<264xi32, #tpu.memory_space<vmem>> -> memref<24xi32, #tpu.memory_space<vmem>>
        %dma_wait3A_669 = arith.constant 304128 : i32
        %dma_wait3A_670 = tpu.memref_slice %arg2[%dma_wait3A_669] : memref<557568xi32, #tpu.memory_space<hbm>> -> memref<24xi32, #tpu.memory_space<hbm>>
        %dma_wait3A_671 = arith.constant 144 : i32
        %dma_wait3A_672 = tpu.memref_slice %arg8[%dma_wait3A_671] : memref<264xi32, #tpu.memory_space<vmem>> -> memref<24xi32, #tpu.memory_space<vmem>>
        %dma_wait3A_673 = arith.constant 304128 : i32
        %dma_wait3A_674 = tpu.memref_slice %arg2[%dma_wait3A_673] : memref<557568xi32, #tpu.memory_space<hbm>> -> memref<24xi32, #tpu.memory_space<hbm>>
        tpu.wait_dma2 semaphore(%arg16 : memref<!tpu.dma_semaphore, #tpu.memory_space<semaphore_mem>>) src(%dma_wait3A_674 : memref<24xi32, #tpu.memory_space<hbm>>) dst(%dma_wait3A_672 : memref<24xi32, #tpu.memory_space<vmem>>)
        %dma_wait3A_675 = arith.constant 168 : i32
        %dma_wait3A_676 = tpu.memref_slice %arg8[%dma_wait3A_675] : memref<264xi32, #tpu.memory_space<vmem>> -> memref<24xi32, #tpu.memory_space<vmem>>
        %dma_wait3A_677 = arith.constant 354816 : i32
        %dma_wait3A_678 = tpu.memref_slice %arg2[%dma_wait3A_677] : memref<557568xi32, #tpu.memory_space<hbm>> -> memref<24xi32, #tpu.memory_space<hbm>>
        %dma_wait3A_679 = arith.constant 168 : i32
        %dma_wait3A_680 = tpu.memref_slice %arg8[%dma_wait3A_679] : memref<264xi32, #tpu.memory_space<vmem>> -> memref<24xi32, #tpu.memory_space<vmem>>
        %dma_wait3A_681 = arith.constant 354816 : i32
        %dma_wait3A_682 = tpu.memref_slice %arg2[%dma_wait3A_681] : memref<557568xi32, #tpu.memory_space<hbm>> -> memref<24xi32, #tpu.memory_space<hbm>>
        tpu.wait_dma2 semaphore(%arg16 : memref<!tpu.dma_semaphore, #tpu.memory_space<semaphore_mem>>) src(%dma_wait3A_682 : memref<24xi32, #tpu.memory_space<hbm>>) dst(%dma_wait3A_680 : memref<24xi32, #tpu.memory_space<vmem>>)
        %dma_wait3A_683 = arith.constant 192 : i32
        %dma_wait3A_684 = tpu.memref_slice %arg8[%dma_wait3A_683] : memref<264xi32, #tpu.memory_space<vmem>> -> memref<24xi32, #tpu.memory_space<vmem>>
        %dma_wait3A_685 = arith.constant 405504 : i32
        %dma_wait3A_686 = tpu.memref_slice %arg2[%dma_wait3A_685] : memref<557568xi32, #tpu.memory_space<hbm>> -> memref<24xi32, #tpu.memory_space<hbm>>
        %dma_wait3A_687 = arith.constant 192 : i32
        %dma_wait3A_688 = tpu.memref_slice %arg8[%dma_wait3A_687] : memref<264xi32, #tpu.memory_space<vmem>> -> memref<24xi32, #tpu.memory_space<vmem>>
        %dma_wait3A_689 = arith.constant 405504 : i32
        %dma_wait3A_690 = tpu.memref_slice %arg2[%dma_wait3A_689] : memref<557568xi32, #tpu.memory_space<hbm>> -> memref<24xi32, #tpu.memory_space<hbm>>
        tpu.wait_dma2 semaphore(%arg16 : memref<!tpu.dma_semaphore, #tpu.memory_space<semaphore_mem>>) src(%dma_wait3A_690 : memref<24xi32, #tpu.memory_space<hbm>>) dst(%dma_wait3A_688 : memref<24xi32, #tpu.memory_space<vmem>>)
        %dma_wait3A_691 = arith.constant 216 : i32
        %dma_wait3A_692 = tpu.memref_slice %arg8[%dma_wait3A_691] : memref<264xi32, #tpu.memory_space<vmem>> -> memref<24xi32, #tpu.memory_space<vmem>>
        %dma_wait3A_693 = arith.constant 456192 : i32
        %dma_wait3A_694 = tpu.memref_slice %arg2[%dma_wait3A_693] : memref<557568xi32, #tpu.memory_space<hbm>> -> memref<24xi32, #tpu.memory_space<hbm>>
        %dma_wait3A_695 = arith.constant 216 : i32
        %dma_wait3A_696 = tpu.memref_slice %arg8[%dma_wait3A_695] : memref<264xi32, #tpu.memory_space<vmem>> -> memref<24xi32, #tpu.memory_space<vmem>>
        %dma_wait3A_697 = arith.constant 456192 : i32
        %dma_wait3A_698 = tpu.memref_slice %arg2[%dma_wait3A_697] : memref<557568xi32, #tpu.memory_space<hbm>> -> memref<24xi32, #tpu.memory_space<hbm>>
        tpu.wait_dma2 semaphore(%arg16 : memref<!tpu.dma_semaphore, #tpu.memory_space<semaphore_mem>>) src(%dma_wait3A_698 : memref<24xi32, #tpu.memory_space<hbm>>) dst(%dma_wait3A_696 : memref<24xi32, #tpu.memory_space<vmem>>)
        %dma_wait3A_699 = arith.constant 240 : i32
        %dma_wait3A_700 = tpu.memref_slice %arg8[%dma_wait3A_699] : memref<264xi32, #tpu.memory_space<vmem>> -> memref<24xi32, #tpu.memory_space<vmem>>
        %dma_wait3A_701 = arith.constant 506880 : i32
        %dma_wait3A_702 = tpu.memref_slice %arg2[%dma_wait3A_701] : memref<557568xi32, #tpu.memory_space<hbm>> -> memref<24xi32, #tpu.memory_space<hbm>>
        %dma_wait3A_703 = arith.constant 240 : i32
        %dma_wait3A_704 = tpu.memref_slice %arg8[%dma_wait3A_703] : memref<264xi32, #tpu.memory_space<vmem>> -> memref<24xi32, #tpu.memory_space<vmem>>
        %dma_wait3A_705 = arith.constant 506880 : i32
        %dma_wait3A_706 = tpu.memref_slice %arg2[%dma_wait3A_705] : memref<557568xi32, #tpu.memory_space<hbm>> -> memref<24xi32, #tpu.memory_space<hbm>>
        tpu.wait_dma2 semaphore(%arg16 : memref<!tpu.dma_semaphore, #tpu.memory_space<semaphore_mem>>) src(%dma_wait3A_706 : memref<24xi32, #tpu.memory_space<hbm>>) dst(%dma_wait3A_704 : memref<24xi32, #tpu.memory_space<vmem>>)
      } else {
      }
      %add3A_403 = arith.constant 3 : i32
      %add3A_404 = arith.addi %add3A_378, %add3A_403 : i32
      %sub3A_405 = arith.constant 1 : i32
      %sub3A_406 = arith.subi %add3A_404, %sub3A_405 : i32
      %lt3A_407 = arith.constant 66 : i32
      %lt3A_408 = arith.cmpi slt, %sub3A_406, %lt3A_407 : i32
      %convert_element_type3A_409 = arith.extui %lt3A_408 : i1 to i32
      %cond3A_410 = arith.constant 0 : i32
      %cond3A_411 = arith.cmpi ne, %convert_element_type3A_409, %cond3A_410 : i32
      scf.if %cond3A_411 {
        %dma_start3A_619 = arith.constant 2 : i32
        %dma_start3A_620 = arith.constant 0 : i32
        %dma_start3A_621 = arith.constant 0 : i32
        %dma_start3A_622 = tpu.memref_slice %arg9[%dma_start3A_619, %dma_start3A_620, %dma_start3A_621] : memref<3x264x128xf32, #tpu.memory_space<vmem>> -> memref<1x264x128xf32, #tpu.memory_space<vmem>>
        %dma_start3A_623 = tpu.memref_squeeze %dma_start3A_622 : memref<1x264x128xf32, #tpu.memory_space<vmem>> -> memref<264x128xf32, #tpu.memory_space<vmem>>
        %dma_start3A_624 = arith.constant 0 : i32
        %dma_start3A_625 = arith.constant 0 : i32
        %dma_start3A_626 = tpu.memref_slice %arg3[%dma_start3A_624, %dma_start3A_625] : memref<100000x128xf32, #tpu.memory_space<hbm>> -> memref<100000x128xf32, #tpu.memory_space<hbm>>
        tpu.enqueue_indirect_dma source(%dma_start3A_626 : memref<100000x128xf32, #tpu.memory_space<hbm>>) target(%dma_start3A_623 : memref<264x128xf32, #tpu.memory_space<vmem>>) offsets(%arg8 : memref<264xi32, #tpu.memory_space<vmem>>) semaphore(%arg13 : memref<!tpu.dma_semaphore, #tpu.memory_space<semaphore_mem>>)
      } else {
      }
      %scan3A_412 = arith.constant 0 : i32
      %scan3A_413 = arith.constant 0 : i32
      %scan3A_414 = arith.constant 24 : i32
      %scan3A_415 = arith.addi %scan3A_413, %scan3A_414 : i32
      %scan3A_416 = arith.constant 1 : i32
      scf.for %scan3A_619 = %scan3A_413 to %scan3A_415 step %scan3A_416  : i32 {
        %add3A_620 = arith.constant 24 : i32
        %add3A_621 = arith.addi %add3A_620, %scan3A_619 : i32
        %get3A = arith.constant 0 : i32
        %get3A_622 = arith.index_cast %get3A : i32 to index
        %get3A_623 = arith.index_cast %add3A_621 : i32 to index
        %get3A_624 = arith.constant 0 : index
        %get3A_625 = tpu.vector_load %arg9[%get3A_622, %get3A_623, %get3A_624] {strides = array<i32>} : memref<3x264x128xf32, #tpu.memory_space<vmem>>, vector<1x1x16xf32>,
        %get3A_626 = vector.shape_cast %get3A_625 : vector<1x1x16xf32> to vector<16xf32>
        %add3A_627 = arith.constant 48 : i32
        %add3A_628 = arith.addi %add3A_627, %scan3A_619 : i32
        %get3A_629 = arith.constant 0 : i32
        %get3A_630 = arith.index_cast %get3A_629 : i32 to index
        %get3A_631 = arith.index_cast %add3A_628 : i32 to index
        %get3A_632 = arith.constant 0 : index
        %get3A_633 = tpu.vector_load %arg9[%get3A_630, %get3A_631, %get3A_632] {strides = array<i32>} : memref<3x264x128xf32, #tpu.memory_space<vmem>>, vector<1x1x16xf32>,
        %get3A_634 = vector.shape_cast %get3A_633 : vector<1x1x16xf32> to vector<16xf32>
        %add3A_635 = arith.addf %get3A_626, %get3A_634 : vector<16xf32>
        %add3A_636 = arith.constant 72 : i32
        %add3A_637 = arith.addi %add3A_636, %scan3A_619 : i32
        %get3A_638 = arith.constant 0 : i32
        %get3A_639 = arith.index_cast %get3A_638 : i32 to index
        %get3A_640 = arith.index_cast %add3A_637 : i32 to index
        %get3A_641 = arith.constant 0 : index
        %get3A_642 = tpu.vector_load %arg9[%get3A_639, %get3A_640, %get3A_641] {strides = array<i32>} : memref<3x264x128xf32, #tpu.memory_space<vmem>>, vector<1x1x16xf32>,
        %get3A_643 = vector.shape_cast %get3A_642 : vector<1x1x16xf32> to vector<16xf32>
        %add3A_644 = arith.addf %add3A_635, %get3A_643 : vector<16xf32>
        %add3A_645 = arith.constant 96 : i32
        %add3A_646 = arith.addi %add3A_645, %scan3A_619 : i32
        %get3A_647 = arith.constant 0 : i32
        %get3A_648 = arith.index_cast %get3A_647 : i32 to index
        %get3A_649 = arith.index_cast %add3A_646 : i32 to index
        %get3A_650 = arith.constant 0 : index
        %get3A_651 = tpu.vector_load %arg9[%get3A_648, %get3A_649, %get3A_650] {strides = array<i32>} : memref<3x264x128xf32, #tpu.memory_space<vmem>>, vector<1x1x16xf32>,
        %get3A_652 = vector.shape_cast %get3A_651 : vector<1x1x16xf32> to vector<16xf32>
        %add3A_653 = arith.addf %add3A_644, %get3A_652 : vector<16xf32>
        %add3A_654 = arith.constant 120 : i32
        %add3A_655 = arith.addi %add3A_654, %scan3A_619 : i32
        %get3A_656 = arith.constant 0 : i32
        %get3A_657 = arith.index_cast %get3A_656 : i32 to index
        %get3A_658 = arith.index_cast %add3A_655 : i32 to index
        %get3A_659 = arith.constant 0 : index
        %get3A_660 = tpu.vector_load %arg9[%get3A_657, %get3A_658, %get3A_659] {strides = array<i32>} : memref<3x264x128xf32, #tpu.memory_space<vmem>>, vector<1x1x16xf32>,
        %get3A_661 = vector.shape_cast %get3A_660 : vector<1x1x16xf32> to vector<16xf32>
        %add3A_662 = arith.addf %add3A_653, %get3A_661 : vector<16xf32>
        %add3A_663 = arith.constant 144 : i32
        %add3A_664 = arith.addi %add3A_663, %scan3A_619 : i32
        %get3A_665 = arith.constant 0 : i32
        %get3A_666 = arith.index_cast %get3A_665 : i32 to index
        %get3A_667 = arith.index_cast %add3A_664 : i32 to index
        %get3A_668 = arith.constant 0 : index
        %get3A_669 = tpu.vector_load %arg9[%get3A_666, %get3A_667, %get3A_668] {strides = array<i32>} : memref<3x264x128xf32, #tpu.memory_space<vmem>>, vector<1x1x16xf32>,
        %get3A_670 = vector.shape_cast %get3A_669 : vector<1x1x16xf32> to vector<16xf32>
        %add3A_671 = arith.addf %add3A_662, %get3A_670 : vector<16xf32>
        %add3A_672 = arith.constant 168 : i32
        %add3A_673 = arith.addi %add3A_672, %scan3A_619 : i32
        %get3A_674 = arith.constant 0 : i32
        %get3A_675 = arith.index_cast %get3A_674 : i32 to index
        %get3A_676 = arith.index_cast %add3A_673 : i32 to index
        %get3A_677 = arith.constant 0 : index
        %get3A_678 = tpu.vector_load %arg9[%get3A_675, %get3A_676, %get3A_677] {strides = array<i32>} : memref<3x264x128xf32, #tpu.memory_space<vmem>>, vector<1x1x16xf32>,
        %get3A_679 = vector.shape_cast %get3A_678 : vector<1x1x16xf32> to vector<16xf32>
        %add3A_680 = arith.addf %add3A_671, %get3A_679 : vector<16xf32>
        %add3A_681 = arith.constant 192 : i32
        %add3A_682 = arith.addi %add3A_681, %scan3A_619 : i32
        %get3A_683 = arith.constant 0 : i32
        %get3A_684 = arith.index_cast %get3A_683 : i32 to index
        %get3A_685 = arith.index_cast %add3A_682 : i32 to index
        %get3A_686 = arith.constant 0 : index
        %get3A_687 = tpu.vector_load %arg9[%get3A_684, %get3A_685, %get3A_686] {strides = array<i32>} : memref<3x264x128xf32, #tpu.memory_space<vmem>>, vector<1x1x16xf32>,
        %get3A_688 = vector.shape_cast %get3A_687 : vector<1x1x16xf32> to vector<16xf32>
        %add3A_689 = arith.addf %add3A_680, %get3A_688 : vector<16xf32>
        %add3A_690 = arith.constant 216 : i32
        %add3A_691 = arith.addi %add3A_690, %scan3A_619 : i32
        %get3A_692 = arith.constant 0 : i32
        %get3A_693 = arith.index_cast %get3A_692 : i32 to index
        %get3A_694 = arith.index_cast %add3A_691 : i32 to index
        %get3A_695 = arith.constant 0 : index
        %get3A_696 = tpu.vector_load %arg9[%get3A_693, %get3A_694, %get3A_695] {strides = array<i32>} : memref<3x264x128xf32, #tpu.memory_space<vmem>>, vector<1x1x16xf32>,
        %get3A_697 = vector.shape_cast %get3A_696 : vector<1x1x16xf32> to vector<16xf32>
        %add3A_698 = arith.addf %add3A_689, %get3A_697 : vector<16xf32>
        %add3A_699 = arith.constant 240 : i32
        %add3A_700 = arith.addi %add3A_699, %scan3A_619 : i32
        %get3A_701 = arith.constant 0 : i32
        %get3A_702 = arith.index_cast %get3A_701 : i32 to index
        %get3A_703 = arith.index_cast %add3A_700 : i32 to index
        %get3A_704 = arith.constant 0 : index
        %get3A_705 = tpu.vector_load %arg9[%get3A_702, %get3A_703, %get3A_704] {strides = array<i32>} : memref<3x264x128xf32, #tpu.memory_space<vmem>>, vector<1x1x16xf32>,
        %get3A_706 = vector.shape_cast %get3A_705 : vector<1x1x16xf32> to vector<16xf32>
        %add3A_707 = arith.addf %add3A_698, %get3A_706 : vector<16xf32>
        %mul3A_708 = arith.constant 1.000000e-01 : f32
        %mul3A_709 = vector.broadcast %mul3A_708 : f32 to vector<16xf32>
        %mul3A_710 = arith.mulf %add3A_707, %mul3A_709 : vector<16xf32>
        %swap3A = arith.constant 0 : i32
        %swap3A_711 = arith.index_cast %swap3A : i32 to index
        %swap3A_712 = arith.index_cast %scan3A_619 : i32 to index
        %swap3A_713 = arith.constant 0 : index
        %swap3A_714 = tpu.vector_load %arg10[%swap3A_711, %swap3A_712, %swap3A_713] {strides = array<i32>} : memref<3x24x128xf32, #tpu.memory_space<vmem>>, vector<1x1x16xf32>,
        %swap3A_715 = vector.shape_cast %swap3A_714 : vector<1x1x16xf32> to vector<16xf32>
        %swap3A_716 = vector.shape_cast %mul3A_710 : vector<16xf32> to vector<1x1x16xf32>
        tpu.vector_store %arg10[%swap3A_711, %swap3A_712, %swap3A_713], %swap3A_716 {strides = array<i32>} : memref<3x24x128xf32, #tpu.memory_space<vmem>>, vector<1x1x16xf32>,
        %add3A_717 = arith.constant 24 : i32
        %add3A_718 = arith.addi %add3A_717, %scan3A_619 : i32
        %get3A_719 = arith.constant 0 : i32
        %get3A_720 = arith.index_cast %get3A_719 : i32 to index
        %get3A_721 = arith.index_cast %add3A_718 : i32 to index
        %get3A_722 = arith.constant 16 : index
        %get3A_723 = tpu.vector_load %arg9[%get3A_720, %get3A_721, %get3A_722] {strides = array<i32>} : memref<3x264x128xf32, #tpu.memory_space<vmem>>, vector<1x1x16xf32>,
        %get3A_724 = vector.shape_cast %get3A_723 : vector<1x1x16xf32> to vector<16xf32>
        %add3A_725 = arith.constant 48 : i32
        %add3A_726 = arith.addi %add3A_725, %scan3A_619 : i32
        %get3A_727 = arith.constant 0 : i32
        %get3A_728 = arith.index_cast %get3A_727 : i32 to index
        %get3A_729 = arith.index_cast %add3A_726 : i32 to index
        %get3A_730 = arith.constant 16 : index
        %get3A_731 = tpu.vector_load %arg9[%get3A_728, %get3A_729, %get3A_730] {strides = array<i32>} : memref<3x264x128xf32, #tpu.memory_space<vmem>>, vector<1x1x16xf32>,
        %get3A_732 = vector.shape_cast %get3A_731 : vector<1x1x16xf32> to vector<16xf32>
        %add3A_733 = arith.addf %get3A_724, %get3A_732 : vector<16xf32>
        %add3A_734 = arith.constant 72 : i32
        %add3A_735 = arith.addi %add3A_734, %scan3A_619 : i32
        %get3A_736 = arith.constant 0 : i32
        %get3A_737 = arith.index_cast %get3A_736 : i32 to index
        %get3A_738 = arith.index_cast %add3A_735 : i32 to index
        %get3A_739 = arith.constant 16 : index
        %get3A_740 = tpu.vector_load %arg9[%get3A_737, %get3A_738, %get3A_739] {strides = array<i32>} : memref<3x264x128xf32, #tpu.memory_space<vmem>>, vector<1x1x16xf32>,
        %get3A_741 = vector.shape_cast %get3A_740 : vector<1x1x16xf32> to vector<16xf32>
        %add3A_742 = arith.addf %add3A_733, %get3A_741 : vector<16xf32>
        %add3A_743 = arith.constant 96 : i32
        %add3A_744 = arith.addi %add3A_743, %scan3A_619 : i32
        %get3A_745 = arith.constant 0 : i32
        %get3A_746 = arith.index_cast %get3A_745 : i32 to index
        %get3A_747 = arith.index_cast %add3A_744 : i32 to index
        %get3A_748 = arith.constant 16 : index
        %get3A_749 = tpu.vector_load %arg9[%get3A_746, %get3A_747, %get3A_748] {strides = array<i32>} : memref<3x264x128xf32, #tpu.memory_space<vmem>>, vector<1x1x16xf32>,
        %get3A_750 = vector.shape_cast %get3A_749 : vector<1x1x16xf32> to vector<16xf32>
        %add3A_751 = arith.addf %add3A_742, %get3A_750 : vector<16xf32>
        %add3A_752 = arith.constant 120 : i32
        %add3A_753 = arith.addi %add3A_752, %scan3A_619 : i32
        %get3A_754 = arith.constant 0 : i32
        %get3A_755 = arith.index_cast %get3A_754 : i32 to index
        %get3A_756 = arith.index_cast %add3A_753 : i32 to index
        %get3A_757 = arith.constant 16 : index
        %get3A_758 = tpu.vector_load %arg9[%get3A_755, %get3A_756, %get3A_757] {strides = array<i32>} : memref<3x264x128xf32, #tpu.memory_space<vmem>>, vector<1x1x16xf32>,
        %get3A_759 = vector.shape_cast %get3A_758 : vector<1x1x16xf32> to vector<16xf32>
        %add3A_760 = arith.addf %add3A_751, %get3A_759 : vector<16xf32>
        %add3A_761 = arith.constant 144 : i32
        %add3A_762 = arith.addi %add3A_761, %scan3A_619 : i32
        %get3A_763 = arith.constant 0 : i32
        %get3A_764 = arith.index_cast %get3A_763 : i32 to index
        %get3A_765 = arith.index_cast %add3A_762 : i32 to index
        %get3A_766 = arith.constant 16 : index
        %get3A_767 = tpu.vector_load %arg9[%get3A_764, %get3A_765, %get3A_766] {strides = array<i32>} : memref<3x264x128xf32, #tpu.memory_space<vmem>>, vector<1x1x16xf32>,
        %get3A_768 = vector.shape_cast %get3A_767 : vector<1x1x16xf32> to vector<16xf32>
        %add3A_769 = arith.addf %add3A_760, %get3A_768 : vector<16xf32>
        %add3A_770 = arith.constant 168 : i32
        %add3A_771 = arith.addi %add3A_770, %scan3A_619 : i32
        %get3A_772 = arith.constant 0 : i32
        %get3A_773 = arith.index_cast %get3A_772 : i32 to index
        %get3A_774 = arith.index_cast %add3A_771 : i32 to index
        %get3A_775 = arith.constant 16 : index
        %get3A_776 = tpu.vector_load %arg9[%get3A_773, %get3A_774, %get3A_775] {strides = array<i32>} : memref<3x264x128xf32, #tpu.memory_space<vmem>>, vector<1x1x16xf32>,
        %get3A_777 = vector.shape_cast %get3A_776 : vector<1x1x16xf32> to vector<16xf32>
        %add3A_778 = arith.addf %add3A_769, %get3A_777 : vector<16xf32>
        %add3A_779 = arith.constant 192 : i32
        %add3A_780 = arith.addi %add3A_779, %scan3A_619 : i32
        %get3A_781 = arith.constant 0 : i32
        %get3A_782 = arith.index_cast %get3A_781 : i32 to index
        %get3A_783 = arith.index_cast %add3A_780 : i32 to index
        %get3A_784 = arith.constant 16 : index
        %get3A_785 = tpu.vector_load %arg9[%get3A_782, %get3A_783, %get3A_784] {strides = array<i32>} : memref<3x264x128xf32, #tpu.memory_space<vmem>>, vector<1x1x16xf32>,
        %get3A_786 = vector.shape_cast %get3A_785 : vector<1x1x16xf32> to vector<16xf32>
        %add3A_787 = arith.addf %add3A_778, %get3A_786 : vector<16xf32>
        %add3A_788 = arith.constant 216 : i32
        %add3A_789 = arith.addi %add3A_788, %scan3A_619 : i32
        %get3A_790 = arith.constant 0 : i32
        %get3A_791 = arith.index_cast %get3A_790 : i32 to index
        %get3A_792 = arith.index_cast %add3A_789 : i32 to index
        %get3A_793 = arith.constant 16 : index
        %get3A_794 = tpu.vector_load %arg9[%get3A_791, %get3A_792, %get3A_793] {strides = array<i32>} : memref<3x264x128xf32, #tpu.memory_space<vmem>>, vector<1x1x16xf32>,
        %get3A_795 = vector.shape_cast %get3A_794 : vector<1x1x16xf32> to vector<16xf32>
        %add3A_796 = arith.addf %add3A_787, %get3A_795 : vector<16xf32>
        %add3A_797 = arith.constant 240 : i32
        %add3A_798 = arith.addi %add3A_797, %scan3A_619 : i32
        %get3A_799 = arith.constant 0 : i32
        %get3A_800 = arith.index_cast %get3A_799 : i32 to index
        %get3A_801 = arith.index_cast %add3A_798 : i32 to index
        %get3A_802 = arith.constant 16 : index
        %get3A_803 = tpu.vector_load %arg9[%get3A_800, %get3A_801, %get3A_802] {strides = array<i32>} : memref<3x264x128xf32, #tpu.memory_space<vmem>>, vector<1x1x16xf32>,
        %get3A_804 = vector.shape_cast %get3A_803 : vector<1x1x16xf32> to vector<16xf32>
        %add3A_805 = arith.addf %add3A_796, %get3A_804 : vector<16xf32>
        %mul3A_806 = arith.constant 1.000000e-01 : f32
        %mul3A_807 = vector.broadcast %mul3A_806 : f32 to vector<16xf32>
        %mul3A_808 = arith.mulf %add3A_805, %mul3A_807 : vector<16xf32>
        %swap3A_809 = arith.constant 0 : i32
        %swap3A_810 = arith.index_cast %swap3A_809 : i32 to index
        %swap3A_811 = arith.index_cast %scan3A_619 : i32 to index
        %swap3A_812 = arith.constant 16 : index
        %swap3A_813 = tpu.vector_load %arg10[%swap3A_810, %swap3A_811, %swap3A_812] {strides = array<i32>} : memref<3x24x128xf32, #tpu.memory_space<vmem>>, vector<1x1x16xf32>,
        %swap3A_814 = vector.shape_cast %swap3A_813 : vector<1x1x16xf32> to vector<16xf32>
        %swap3A_815 = vector.shape_cast %mul3A_808 : vector<16xf32> to vector<1x1x16xf32>
        tpu.vector_store %arg10[%swap3A_810, %swap3A_811, %swap3A_812], %swap3A_815 {strides = array<i32>} : memref<3x24x128xf32, #tpu.memory_space<vmem>>, vector<1x1x16xf32>,
        %add3A_816 = arith.constant 24 : i32
        %add3A_817 = arith.addi %add3A_816, %scan3A_619 : i32
        %get3A_818 = arith.constant 0 : i32
        %get3A_819 = arith.index_cast %get3A_818 : i32 to index
        %get3A_820 = arith.index_cast %add3A_817 : i32 to index
        %get3A_821 = arith.constant 32 : index
        %get3A_822 = tpu.vector_load %arg9[%get3A_819, %get3A_820, %get3A_821] {strides = array<i32>} : memref<3x264x128xf32, #tpu.memory_space<vmem>>, vector<1x1x16xf32>,
        %get3A_823 = vector.shape_cast %get3A_822 : vector<1x1x16xf32> to vector<16xf32>
        %add3A_824 = arith.constant 48 : i32
        %add3A_825 = arith.addi %add3A_824, %scan3A_619 : i32
        %get3A_826 = arith.constant 0 : i32
        %get3A_827 = arith.index_cast %get3A_826 : i32 to index
        %get3A_828 = arith.index_cast %add3A_825 : i32 to index
        %get3A_829 = arith.constant 32 : index
        %get3A_830 = tpu.vector_load %arg9[%get3A_827, %get3A_828, %get3A_829] {strides = array<i32>} : memref<3x264x128xf32, #tpu.memory_space<vmem>>, vector<1x1x16xf32>,
        %get3A_831 = vector.shape_cast %get3A_830 : vector<1x1x16xf32> to vector<16xf32>
        %add3A_832 = arith.addf %get3A_823, %get3A_831 : vector<16xf32>
        %add3A_833 = arith.constant 72 : i32
        %add3A_834 = arith.addi %add3A_833, %scan3A_619 : i32
        %get3A_835 = arith.constant 0 : i32
        %get3A_836 = arith.index_cast %get3A_835 : i32 to index
        %get3A_837 = arith.index_cast %add3A_834 : i32 to index
        %get3A_838 = arith.constant 32 : index
        %get3A_839 = tpu.vector_load %arg9[%get3A_836, %get3A_837, %get3A_838] {strides = array<i32>} : memref<3x264x128xf32, #tpu.memory_space<vmem>>, vector<1x1x16xf32>,
        %get3A_840 = vector.shape_cast %get3A_839 : vector<1x1x16xf32> to vector<16xf32>
        %add3A_841 = arith.addf %add3A_832, %get3A_840 : vector<16xf32>
        %add3A_842 = arith.constant 96 : i32
        %add3A_843 = arith.addi %add3A_842, %scan3A_619 : i32
        %get3A_844 = arith.constant 0 : i32
        %get3A_845 = arith.index_cast %get3A_844 : i32 to index
        %get3A_846 = arith.index_cast %add3A_843 : i32 to index
        %get3A_847 = arith.constant 32 : index
        %get3A_848 = tpu.vector_load %arg9[%get3A_845, %get3A_846, %get3A_847] {strides = array<i32>} : memref<3x264x128xf32, #tpu.memory_space<vmem>>, vector<1x1x16xf32>,
        %get3A_849 = vector.shape_cast %get3A_848 : vector<1x1x16xf32> to vector<16xf32>
        %add3A_850 = arith.addf %add3A_841, %get3A_849 : vector<16xf32>
        %add3A_851 = arith.constant 120 : i32
        %add3A_852 = arith.addi %add3A_851, %scan3A_619 : i32
        %get3A_853 = arith.constant 0 : i32
        %get3A_854 = arith.index_cast %get3A_853 : i32 to index
        %get3A_855 = arith.index_cast %add3A_852 : i32 to index
        %get3A_856 = arith.constant 32 : index
        %get3A_857 = tpu.vector_load %arg9[%get3A_854, %get3A_855, %get3A_856] {strides = array<i32>} : memref<3x264x128xf32, #tpu.memory_space<vmem>>, vector<1x1x16xf32>,
        %get3A_858 = vector.shape_cast %get3A_857 : vector<1x1x16xf32> to vector<16xf32>
        %add3A_859 = arith.addf %add3A_850, %get3A_858 : vector<16xf32>
        %add3A_860 = arith.constant 144 : i32
        %add3A_861 = arith.addi %add3A_860, %scan3A_619 : i32
        %get3A_862 = arith.constant 0 : i32
        %get3A_863 = arith.index_cast %get3A_862 : i32 to index
        %get3A_864 = arith.index_cast %add3A_861 : i32 to index
        %get3A_865 = arith.constant 32 : index
        %get3A_866 = tpu.vector_load %arg9[%get3A_863, %get3A_864, %get3A_865] {strides = array<i32>} : memref<3x264x128xf32, #tpu.memory_space<vmem>>, vector<1x1x16xf32>,
        %get3A_867 = vector.shape_cast %get3A_866 : vector<1x1x16xf32> to vector<16xf32>
        %add3A_868 = arith.addf %add3A_859, %get3A_867 : vector<16xf32>
        %add3A_869 = arith.constant 168 : i32
        %add3A_870 = arith.addi %add3A_869, %scan3A_619 : i32
        %get3A_871 = arith.constant 0 : i32
        %get3A_872 = arith.index_cast %get3A_871 : i32 to index
        %get3A_873 = arith.index_cast %add3A_870 : i32 to index
        %get3A_874 = arith.constant 32 : index
        %get3A_875 = tpu.vector_load %arg9[%get3A_872, %get3A_873, %get3A_874] {strides = array<i32>} : memref<3x264x128xf32, #tpu.memory_space<vmem>>, vector<1x1x16xf32>,
        %get3A_876 = vector.shape_cast %get3A_875 : vector<1x1x16xf32> to vector<16xf32>
        %add3A_877 = arith.addf %add3A_868, %get3A_876 : vector<16xf32>
        %add3A_878 = arith.constant 192 : i32
        %add3A_879 = arith.addi %add3A_878, %scan3A_619 : i32
        %get3A_880 = arith.constant 0 : i32
        %get3A_881 = arith.index_cast %get3A_880 : i32 to index
        %get3A_882 = arith.index_cast %add3A_879 : i32 to index
        %get3A_883 = arith.constant 32 : index
        %get3A_884 = tpu.vector_load %arg9[%get3A_881, %get3A_882, %get3A_883] {strides = array<i32>} : memref<3x264x128xf32, #tpu.memory_space<vmem>>, vector<1x1x16xf32>,
        %get3A_885 = vector.shape_cast %get3A_884 : vector<1x1x16xf32> to vector<16xf32>
        %add3A_886 = arith.addf %add3A_877, %get3A_885 : vector<16xf32>
        %add3A_887 = arith.constant 216 : i32
        %add3A_888 = arith.addi %add3A_887, %scan3A_619 : i32
        %get3A_889 = arith.constant 0 : i32
        %get3A_890 = arith.index_cast %get3A_889 : i32 to index
        %get3A_891 = arith.index_cast %add3A_888 : i32 to index
        %get3A_892 = arith.constant 32 : index
        %get3A_893 = tpu.vector_load %arg9[%get3A_890, %get3A_891, %get3A_892] {strides = array<i32>} : memref<3x264x128xf32, #tpu.memory_space<vmem>>, vector<1x1x16xf32>,
        %get3A_894 = vector.shape_cast %get3A_893 : vector<1x1x16xf32> to vector<16xf32>
        %add3A_895 = arith.addf %add3A_886, %get3A_894 : vector<16xf32>
        %add3A_896 = arith.constant 240 : i32
        %add3A_897 = arith.addi %add3A_896, %scan3A_619 : i32
        %get3A_898 = arith.constant 0 : i32
        %get3A_899 = arith.index_cast %get3A_898 : i32 to index
        %get3A_900 = arith.index_cast %add3A_897 : i32 to index
        %get3A_901 = arith.constant 32 : index
        %get3A_902 = tpu.vector_load %arg9[%get3A_899, %get3A_900, %get3A_901] {strides = array<i32>} : memref<3x264x128xf32, #tpu.memory_space<vmem>>, vector<1x1x16xf32>,
        %get3A_903 = vector.shape_cast %get3A_902 : vector<1x1x16xf32> to vector<16xf32>
        %add3A_904 = arith.addf %add3A_895, %get3A_903 : vector<16xf32>
        %mul3A_905 = arith.constant 1.000000e-01 : f32
        %mul3A_906 = vector.broadcast %mul3A_905 : f32 to vector<16xf32>
        %mul3A_907 = arith.mulf %add3A_904, %mul3A_906 : vector<16xf32>
        %swap3A_908 = arith.constant 0 : i32
        %swap3A_909 = arith.index_cast %swap3A_908 : i32 to index
        %swap3A_910 = arith.index_cast %scan3A_619 : i32 to index
        %swap3A_911 = arith.constant 32 : index
        %swap3A_912 = tpu.vector_load %arg10[%swap3A_909, %swap3A_910, %swap3A_911] {strides = array<i32>} : memref<3x24x128xf32, #tpu.memory_space<vmem>>, vector<1x1x16xf32>,
        %swap3A_913 = vector.shape_cast %swap3A_912 : vector<1x1x16xf32> to vector<16xf32>
        %swap3A_914 = vector.shape_cast %mul3A_907 : vector<16xf32> to vector<1x1x16xf32>
        tpu.vector_store %arg10[%swap3A_909, %swap3A_910, %swap3A_911], %swap3A_914 {strides = array<i32>} : memref<3x24x128xf32, #tpu.memory_space<vmem>>, vector<1x1x16xf32>,
        %add3A_915 = arith.constant 24 : i32
        %add3A_916 = arith.addi %add3A_915, %scan3A_619 : i32
        %get3A_917 = arith.constant 0 : i32
        %get3A_918 = arith.index_cast %get3A_917 : i32 to index
        %get3A_919 = arith.index_cast %add3A_916 : i32 to index
        %get3A_920 = arith.constant 48 : index
        %get3A_921 = tpu.vector_load %arg9[%get3A_918, %get3A_919, %get3A_920] {strides = array<i32>} : memref<3x264x128xf32, #tpu.memory_space<vmem>>, vector<1x1x16xf32>,
        %get3A_922 = vector.shape_cast %get3A_921 : vector<1x1x16xf32> to vector<16xf32>
        %add3A_923 = arith.constant 48 : i32
        %add3A_924 = arith.addi %add3A_923, %scan3A_619 : i32
        %get3A_925 = arith.constant 0 : i32
        %get3A_926 = arith.index_cast %get3A_925 : i32 to index
        %get3A_927 = arith.index_cast %add3A_924 : i32 to index
        %get3A_928 = arith.constant 48 : index
        %get3A_929 = tpu.vector_load %arg9[%get3A_926, %get3A_927, %get3A_928] {strides = array<i32>} : memref<3x264x128xf32, #tpu.memory_space<vmem>>, vector<1x1x16xf32>,
        %get3A_930 = vector.shape_cast %get3A_929 : vector<1x1x16xf32> to vector<16xf32>
        %add3A_931 = arith.addf %get3A_922, %get3A_930 : vector<16xf32>
        %add3A_932 = arith.constant 72 : i32
        %add3A_933 = arith.addi %add3A_932, %scan3A_619 : i32
        %get3A_934 = arith.constant 0 : i32
        %get3A_935 = arith.index_cast %get3A_934 : i32 to index
        %get3A_936 = arith.index_cast %add3A_933 : i32 to index
        %get3A_937 = arith.constant 48 : index
        %get3A_938 = tpu.vector_load %arg9[%get3A_935, %get3A_936, %get3A_937] {strides = array<i32>} : memref<3x264x128xf32, #tpu.memory_space<vmem>>, vector<1x1x16xf32>,
        %get3A_939 = vector.shape_cast %get3A_938 : vector<1x1x16xf32> to vector<16xf32>
        %add3A_940 = arith.addf %add3A_931, %get3A_939 : vector<16xf32>
        %add3A_941 = arith.constant 96 : i32
        %add3A_942 = arith.addi %add3A_941, %scan3A_619 : i32
        %get3A_943 = arith.constant 0 : i32
        %get3A_944 = arith.index_cast %get3A_943 : i32 to index
        %get3A_945 = arith.index_cast %add3A_942 : i32 to index
        %get3A_946 = arith.constant 48 : index
        %get3A_947 = tpu.vector_load %arg9[%get3A_944, %get3A_945, %get3A_946] {strides = array<i32>} : memref<3x264x128xf32, #tpu.memory_space<vmem>>, vector<1x1x16xf32>,
        %get3A_948 = vector.shape_cast %get3A_947 : vector<1x1x16xf32> to vector<16xf32>
        %add3A_949 = arith.addf %add3A_940, %get3A_948 : vector<16xf32>
        %add3A_950 = arith.constant 120 : i32
        %add3A_951 = arith.addi %add3A_950, %scan3A_619 : i32
        %get3A_952 = arith.constant 0 : i32
        %get3A_953 = arith.index_cast %get3A_952 : i32 to index
        %get3A_954 = arith.index_cast %add3A_951 : i32 to index
        %get3A_955 = arith.constant 48 : index
        %get3A_956 = tpu.vector_load %arg9[%get3A_953, %get3A_954, %get3A_955] {strides = array<i32>} : memref<3x264x128xf32, #tpu.memory_space<vmem>>, vector<1x1x16xf32>,
        %get3A_957 = vector.shape_cast %get3A_956 : vector<1x1x16xf32> to vector<16xf32>
        %add3A_958 = arith.addf %add3A_949, %get3A_957 : vector<16xf32>
        %add3A_959 = arith.constant 144 : i32
        %add3A_960 = arith.addi %add3A_959, %scan3A_619 : i32
        %get3A_961 = arith.constant 0 : i32
        %get3A_962 = arith.index_cast %get3A_961 : i32 to index
        %get3A_963 = arith.index_cast %add3A_960 : i32 to index
        %get3A_964 = arith.constant 48 : index
        %get3A_965 = tpu.vector_load %arg9[%get3A_962, %get3A_963, %get3A_964] {strides = array<i32>} : memref<3x264x128xf32, #tpu.memory_space<vmem>>, vector<1x1x16xf32>,
        %get3A_966 = vector.shape_cast %get3A_965 : vector<1x1x16xf32> to vector<16xf32>
        %add3A_967 = arith.addf %add3A_958, %get3A_966 : vector<16xf32>
        %add3A_968 = arith.constant 168 : i32
        %add3A_969 = arith.addi %add3A_968, %scan3A_619 : i32
        %get3A_970 = arith.constant 0 : i32
        %get3A_971 = arith.index_cast %get3A_970 : i32 to index
        %get3A_972 = arith.index_cast %add3A_969 : i32 to index
        %get3A_973 = arith.constant 48 : index
        %get3A_974 = tpu.vector_load %arg9[%get3A_971, %get3A_972, %get3A_973] {strides = array<i32>} : memref<3x264x128xf32, #tpu.memory_space<vmem>>, vector<1x1x16xf32>,
        %get3A_975 = vector.shape_cast %get3A_974 : vector<1x1x16xf32> to vector<16xf32>
        %add3A_976 = arith.addf %add3A_967, %get3A_975 : vector<16xf32>
        %add3A_977 = arith.constant 192 : i32
        %add3A_978 = arith.addi %add3A_977, %scan3A_619 : i32
        %get3A_979 = arith.constant 0 : i32
        %get3A_980 = arith.index_cast %get3A_979 : i32 to index
        %get3A_981 = arith.index_cast %add3A_978 : i32 to index
        %get3A_982 = arith.constant 48 : index
        %get3A_983 = tpu.vector_load %arg9[%get3A_980, %get3A_981, %get3A_982] {strides = array<i32>} : memref<3x264x128xf32, #tpu.memory_space<vmem>>, vector<1x1x16xf32>,
        %get3A_984 = vector.shape_cast %get3A_983 : vector<1x1x16xf32> to vector<16xf32>
        %add3A_985 = arith.addf %add3A_976, %get3A_984 : vector<16xf32>
        %add3A_986 = arith.constant 216 : i32
        %add3A_987 = arith.addi %add3A_986, %scan3A_619 : i32
        %get3A_988 = arith.constant 0 : i32
        %get3A_989 = arith.index_cast %get3A_988 : i32 to index
        %get3A_990 = arith.index_cast %add3A_987 : i32 to index
        %get3A_991 = arith.constant 48 : index
        %get3A_992 = tpu.vector_load %arg9[%get3A_989, %get3A_990, %get3A_991] {strides = array<i32>} : memref<3x264x128xf32, #tpu.memory_space<vmem>>, vector<1x1x16xf32>,
        %get3A_993 = vector.shape_cast %get3A_992 : vector<1x1x16xf32> to vector<16xf32>
        %add3A_994 = arith.addf %add3A_985, %get3A_993 : vector<16xf32>
        %add3A_995 = arith.constant 240 : i32
        %add3A_996 = arith.addi %add3A_995, %scan3A_619 : i32
        %get3A_997 = arith.constant 0 : i32
        %get3A_998 = arith.index_cast %get3A_997 : i32 to index
        %get3A_999 = arith.index_cast %add3A_996 : i32 to index
        %get3A_1000 = arith.constant 48 : index
        %get3A_1001 = tpu.vector_load %arg9[%get3A_998, %get3A_999, %get3A_1000] {strides = array<i32>} : memref<3x264x128xf32, #tpu.memory_space<vmem>>, vector<1x1x16xf32>,
        %get3A_1002 = vector.shape_cast %get3A_1001 : vector<1x1x16xf32> to vector<16xf32>
        %add3A_1003 = arith.addf %add3A_994, %get3A_1002 : vector<16xf32>
        %mul3A_1004 = arith.constant 1.000000e-01 : f32
        %mul3A_1005 = vector.broadcast %mul3A_1004 : f32 to vector<16xf32>
        %mul3A_1006 = arith.mulf %add3A_1003, %mul3A_1005 : vector<16xf32>
        %swap3A_1007 = arith.constant 0 : i32
        %swap3A_1008 = arith.index_cast %swap3A_1007 : i32 to index
        %swap3A_1009 = arith.index_cast %scan3A_619 : i32 to index
        %swap3A_1010 = arith.constant 48 : index
        %swap3A_1011 = tpu.vector_load %arg10[%swap3A_1008, %swap3A_1009, %swap3A_1010] {strides = array<i32>} : memref<3x24x128xf32, #tpu.memory_space<vmem>>, vector<1x1x16xf32>,
        %swap3A_1012 = vector.shape_cast %swap3A_1011 : vector<1x1x16xf32> to vector<16xf32>
        %swap3A_1013 = vector.shape_cast %mul3A_1006 : vector<16xf32> to vector<1x1x16xf32>
        tpu.vector_store %arg10[%swap3A_1008, %swap3A_1009, %swap3A_1010], %swap3A_1013 {strides = array<i32>} : memref<3x24x128xf32, #tpu.memory_space<vmem>>, vector<1x1x16xf32>,
        %add3A_1014 = arith.constant 24 : i32
        %add3A_1015 = arith.addi %add3A_1014, %scan3A_619 : i32
        %get3A_1016 = arith.constant 0 : i32
        %get3A_1017 = arith.index_cast %get3A_1016 : i32 to index
        %get3A_1018 = arith.index_cast %add3A_1015 : i32 to index
        %get3A_1019 = arith.constant 64 : index
        %get3A_1020 = tpu.vector_load %arg9[%get3A_1017, %get3A_1018, %get3A_1019] {strides = array<i32>} : memref<3x264x128xf32, #tpu.memory_space<vmem>>, vector<1x1x16xf32>,
        %get3A_1021 = vector.shape_cast %get3A_1020 : vector<1x1x16xf32> to vector<16xf32>
        %add3A_1022 = arith.constant 48 : i32
        %add3A_1023 = arith.addi %add3A_1022, %scan3A_619 : i32
        %get3A_1024 = arith.constant 0 : i32
        %get3A_1025 = arith.index_cast %get3A_1024 : i32 to index
        %get3A_1026 = arith.index_cast %add3A_1023 : i32 to index
        %get3A_1027 = arith.constant 64 : index
        %get3A_1028 = tpu.vector_load %arg9[%get3A_1025, %get3A_1026, %get3A_1027] {strides = array<i32>} : memref<3x264x128xf32, #tpu.memory_space<vmem>>, vector<1x1x16xf32>,
        %get3A_1029 = vector.shape_cast %get3A_1028 : vector<1x1x16xf32> to vector<16xf32>
        %add3A_1030 = arith.addf %get3A_1021, %get3A_1029 : vector<16xf32>
        %add3A_1031 = arith.constant 72 : i32
        %add3A_1032 = arith.addi %add3A_1031, %scan3A_619 : i32
        %get3A_1033 = arith.constant 0 : i32
        %get3A_1034 = arith.index_cast %get3A_1033 : i32 to index
        %get3A_1035 = arith.index_cast %add3A_1032 : i32 to index
        %get3A_1036 = arith.constant 64 : index
        %get3A_1037 = tpu.vector_load %arg9[%get3A_1034, %get3A_1035, %get3A_1036] {strides = array<i32>} : memref<3x264x128xf32, #tpu.memory_space<vmem>>, vector<1x1x16xf32>,
        %get3A_1038 = vector.shape_cast %get3A_1037 : vector<1x1x16xf32> to vector<16xf32>
        %add3A_1039 = arith.addf %add3A_1030, %get3A_1038 : vector<16xf32>
        %add3A_1040 = arith.constant 96 : i32
        %add3A_1041 = arith.addi %add3A_1040, %scan3A_619 : i32
        %get3A_1042 = arith.constant 0 : i32
        %get3A_1043 = arith.index_cast %get3A_1042 : i32 to index
        %get3A_1044 = arith.index_cast %add3A_1041 : i32 to index
        %get3A_1045 = arith.constant 64 : index
        %get3A_1046 = tpu.vector_load %arg9[%get3A_1043, %get3A_1044, %get3A_1045] {strides = array<i32>} : memref<3x264x128xf32, #tpu.memory_space<vmem>>, vector<1x1x16xf32>,
        %get3A_1047 = vector.shape_cast %get3A_1046 : vector<1x1x16xf32> to vector<16xf32>
        %add3A_1048 = arith.addf %add3A_1039, %get3A_1047 : vector<16xf32>
        %add3A_1049 = arith.constant 120 : i32
        %add3A_1050 = arith.addi %add3A_1049, %scan3A_619 : i32
        %get3A_1051 = arith.constant 0 : i32
        %get3A_1052 = arith.index_cast %get3A_1051 : i32 to index
        %get3A_1053 = arith.index_cast %add3A_1050 : i32 to index
        %get3A_1054 = arith.constant 64 : index
        %get3A_1055 = tpu.vector_load %arg9[%get3A_1052, %get3A_1053, %get3A_1054] {strides = array<i32>} : memref<3x264x128xf32, #tpu.memory_space<vmem>>, vector<1x1x16xf32>,
        %get3A_1056 = vector.shape_cast %get3A_1055 : vector<1x1x16xf32> to vector<16xf32>
        %add3A_1057 = arith.addf %add3A_1048, %get3A_1056 : vector<16xf32>
        %add3A_1058 = arith.constant 144 : i32
        %add3A_1059 = arith.addi %add3A_1058, %scan3A_619 : i32
        %get3A_1060 = arith.constant 0 : i32
        %get3A_1061 = arith.index_cast %get3A_1060 : i32 to index
        %get3A_1062 = arith.index_cast %add3A_1059 : i32 to index
        %get3A_1063 = arith.constant 64 : index
        %get3A_1064 = tpu.vector_load %arg9[%get3A_1061, %get3A_1062, %get3A_1063] {strides = array<i32>} : memref<3x264x128xf32, #tpu.memory_space<vmem>>, vector<1x1x16xf32>,
        %get3A_1065 = vector.shape_cast %get3A_1064 : vector<1x1x16xf32> to vector<16xf32>
        %add3A_1066 = arith.addf %add3A_1057, %get3A_1065 : vector<16xf32>
        %add3A_1067 = arith.constant 168 : i32
        %add3A_1068 = arith.addi %add3A_1067, %scan3A_619 : i32
        %get3A_1069 = arith.constant 0 : i32
        %get3A_1070 = arith.index_cast %get3A_1069 : i32 to index
        %get3A_1071 = arith.index_cast %add3A_1068 : i32 to index
        %get3A_1072 = arith.constant 64 : index
        %get3A_1073 = tpu.vector_load %arg9[%get3A_1070, %get3A_1071, %get3A_1072] {strides = array<i32>} : memref<3x264x128xf32, #tpu.memory_space<vmem>>, vector<1x1x16xf32>,
        %get3A_1074 = vector.shape_cast %get3A_1073 : vector<1x1x16xf32> to vector<16xf32>
        %add3A_1075 = arith.addf %add3A_1066, %get3A_1074 : vector<16xf32>
        %add3A_1076 = arith.constant 192 : i32
        %add3A_1077 = arith.addi %add3A_1076, %scan3A_619 : i32
        %get3A_1078 = arith.constant 0 : i32
        %get3A_1079 = arith.index_cast %get3A_1078 : i32 to index
        %get3A_1080 = arith.index_cast %add3A_1077 : i32 to index
        %get3A_1081 = arith.constant 64 : index
        %get3A_1082 = tpu.vector_load %arg9[%get3A_1079, %get3A_1080, %get3A_1081] {strides = array<i32>} : memref<3x264x128xf32, #tpu.memory_space<vmem>>, vector<1x1x16xf32>,
        %get3A_1083 = vector.shape_cast %get3A_1082 : vector<1x1x16xf32> to vector<16xf32>
        %add3A_1084 = arith.addf %add3A_1075, %get3A_1083 : vector<16xf32>
        %add3A_1085 = arith.constant 216 : i32
        %add3A_1086 = arith.addi %add3A_1085, %scan3A_619 : i32
        %get3A_1087 = arith.constant 0 : i32
        %get3A_1088 = arith.index_cast %get3A_1087 : i32 to index
        %get3A_1089 = arith.index_cast %add3A_1086 : i32 to index
        %get3A_1090 = arith.constant 64 : index
        %get3A_1091 = tpu.vector_load %arg9[%get3A_1088, %get3A_1089, %get3A_1090] {strides = array<i32>} : memref<3x264x128xf32, #tpu.memory_space<vmem>>, vector<1x1x16xf32>,
        %get3A_1092 = vector.shape_cast %get3A_1091 : vector<1x1x16xf32> to vector<16xf32>
        %add3A_1093 = arith.addf %add3A_1084, %get3A_1092 : vector<16xf32>
        %add3A_1094 = arith.constant 240 : i32
        %add3A_1095 = arith.addi %add3A_1094, %scan3A_619 : i32
        %get3A_1096 = arith.constant 0 : i32
        %get3A_1097 = arith.index_cast %get3A_1096 : i32 to index
        %get3A_1098 = arith.index_cast %add3A_1095 : i32 to index
        %get3A_1099 = arith.constant 64 : index
        %get3A_1100 = tpu.vector_load %arg9[%get3A_1097, %get3A_1098, %get3A_1099] {strides = array<i32>} : memref<3x264x128xf32, #tpu.memory_space<vmem>>, vector<1x1x16xf32>,
        %get3A_1101 = vector.shape_cast %get3A_1100 : vector<1x1x16xf32> to vector<16xf32>
        %add3A_1102 = arith.addf %add3A_1093, %get3A_1101 : vector<16xf32>
        %mul3A_1103 = arith.constant 1.000000e-01 : f32
        %mul3A_1104 = vector.broadcast %mul3A_1103 : f32 to vector<16xf32>
        %mul3A_1105 = arith.mulf %add3A_1102, %mul3A_1104 : vector<16xf32>
        %swap3A_1106 = arith.constant 0 : i32
        %swap3A_1107 = arith.index_cast %swap3A_1106 : i32 to index
        %swap3A_1108 = arith.index_cast %scan3A_619 : i32 to index
        %swap3A_1109 = arith.constant 64 : index
        %swap3A_1110 = tpu.vector_load %arg10[%swap3A_1107, %swap3A_1108, %swap3A_1109] {strides = array<i32>} : memref<3x24x128xf32, #tpu.memory_space<vmem>>, vector<1x1x16xf32>,
        %swap3A_1111 = vector.shape_cast %swap3A_1110 : vector<1x1x16xf32> to vector<16xf32>
        %swap3A_1112 = vector.shape_cast %mul3A_1105 : vector<16xf32> to vector<1x1x16xf32>
        tpu.vector_store %arg10[%swap3A_1107, %swap3A_1108, %swap3A_1109], %swap3A_1112 {strides = array<i32>} : memref<3x24x128xf32, #tpu.memory_space<vmem>>, vector<1x1x16xf32>,
        %add3A_1113 = arith.constant 24 : i32
        %add3A_1114 = arith.addi %add3A_1113, %scan3A_619 : i32
        %get3A_1115 = arith.constant 0 : i32
        %get3A_1116 = arith.index_cast %get3A_1115 : i32 to index
        %get3A_1117 = arith.index_cast %add3A_1114 : i32 to index
        %get3A_1118 = arith.constant 80 : index
        %get3A_1119 = tpu.vector_load %arg9[%get3A_1116, %get3A_1117, %get3A_1118] {strides = array<i32>} : memref<3x264x128xf32, #tpu.memory_space<vmem>>, vector<1x1x16xf32>,
        %get3A_1120 = vector.shape_cast %get3A_1119 : vector<1x1x16xf32> to vector<16xf32>
        %add3A_1121 = arith.constant 48 : i32
        %add3A_1122 = arith.addi %add3A_1121, %scan3A_619 : i32
        %get3A_1123 = arith.constant 0 : i32
        %get3A_1124 = arith.index_cast %get3A_1123 : i32 to index
        %get3A_1125 = arith.index_cast %add3A_1122 : i32 to index
        %get3A_1126 = arith.constant 80 : index
        %get3A_1127 = tpu.vector_load %arg9[%get3A_1124, %get3A_1125, %get3A_1126] {strides = array<i32>} : memref<3x264x128xf32, #tpu.memory_space<vmem>>, vector<1x1x16xf32>,
        %get3A_1128 = vector.shape_cast %get3A_1127 : vector<1x1x16xf32> to vector<16xf32>
        %add3A_1129 = arith.addf %get3A_1120, %get3A_1128 : vector<16xf32>
        %add3A_1130 = arith.constant 72 : i32
        %add3A_1131 = arith.addi %add3A_1130, %scan3A_619 : i32
        %get3A_1132 = arith.constant 0 : i32
        %get3A_1133 = arith.index_cast %get3A_1132 : i32 to index
        %get3A_1134 = arith.index_cast %add3A_1131 : i32 to index
        %get3A_1135 = arith.constant 80 : index
        %get3A_1136 = tpu.vector_load %arg9[%get3A_1133, %get3A_1134, %get3A_1135] {strides = array<i32>} : memref<3x264x128xf32, #tpu.memory_space<vmem>>, vector<1x1x16xf32>,
        %get3A_1137 = vector.shape_cast %get3A_1136 : vector<1x1x16xf32> to vector<16xf32>
        %add3A_1138 = arith.addf %add3A_1129, %get3A_1137 : vector<16xf32>
        %add3A_1139 = arith.constant 96 : i32
        %add3A_1140 = arith.addi %add3A_1139, %scan3A_619 : i32
        %get3A_1141 = arith.constant 0 : i32
        %get3A_1142 = arith.index_cast %get3A_1141 : i32 to index
        %get3A_1143 = arith.index_cast %add3A_1140 : i32 to index
        %get3A_1144 = arith.constant 80 : index
        %get3A_1145 = tpu.vector_load %arg9[%get3A_1142, %get3A_1143, %get3A_1144] {strides = array<i32>} : memref<3x264x128xf32, #tpu.memory_space<vmem>>, vector<1x1x16xf32>,
        %get3A_1146 = vector.shape_cast %get3A_1145 : vector<1x1x16xf32> to vector<16xf32>
        %add3A_1147 = arith.addf %add3A_1138, %get3A_1146 : vector<16xf32>
        %add3A_1148 = arith.constant 120 : i32
        %add3A_1149 = arith.addi %add3A_1148, %scan3A_619 : i32
        %get3A_1150 = arith.constant 0 : i32
        %get3A_1151 = arith.index_cast %get3A_1150 : i32 to index
        %get3A_1152 = arith.index_cast %add3A_1149 : i32 to index
        %get3A_1153 = arith.constant 80 : index
        %get3A_1154 = tpu.vector_load %arg9[%get3A_1151, %get3A_1152, %get3A_1153] {strides = array<i32>} : memref<3x264x128xf32, #tpu.memory_space<vmem>>, vector<1x1x16xf32>,
        %get3A_1155 = vector.shape_cast %get3A_1154 : vector<1x1x16xf32> to vector<16xf32>
        %add3A_1156 = arith.addf %add3A_1147, %get3A_1155 : vector<16xf32>
        %add3A_1157 = arith.constant 144 : i32
        %add3A_1158 = arith.addi %add3A_1157, %scan3A_619 : i32
        %get3A_1159 = arith.constant 0 : i32
        %get3A_1160 = arith.index_cast %get3A_1159 : i32 to index
        %get3A_1161 = arith.index_cast %add3A_1158 : i32 to index
        %get3A_1162 = arith.constant 80 : index
        %get3A_1163 = tpu.vector_load %arg9[%get3A_1160, %get3A_1161, %get3A_1162] {strides = array<i32>} : memref<3x264x128xf32, #tpu.memory_space<vmem>>, vector<1x1x16xf32>,
        %get3A_1164 = vector.shape_cast %get3A_1163 : vector<1x1x16xf32> to vector<16xf32>
        %add3A_1165 = arith.addf %add3A_1156, %get3A_1164 : vector<16xf32>
        %add3A_1166 = arith.constant 168 : i32
        %add3A_1167 = arith.addi %add3A_1166, %scan3A_619 : i32
        %get3A_1168 = arith.constant 0 : i32
        %get3A_1169 = arith.index_cast %get3A_1168 : i32 to index
        %get3A_1170 = arith.index_cast %add3A_1167 : i32 to index
        %get3A_1171 = arith.constant 80 : index
        %get3A_1172 = tpu.vector_load %arg9[%get3A_1169, %get3A_1170, %get3A_1171] {strides = array<i32>} : memref<3x264x128xf32, #tpu.memory_space<vmem>>, vector<1x1x16xf32>,
        %get3A_1173 = vector.shape_cast %get3A_1172 : vector<1x1x16xf32> to vector<16xf32>
        %add3A_1174 = arith.addf %add3A_1165, %get3A_1173 : vector<16xf32>
        %add3A_1175 = arith.constant 192 : i32
        %add3A_1176 = arith.addi %add3A_1175, %scan3A_619 : i32
        %get3A_1177 = arith.constant 0 : i32
        %get3A_1178 = arith.index_cast %get3A_1177 : i32 to index
        %get3A_1179 = arith.index_cast %add3A_1176 : i32 to index
        %get3A_1180 = arith.constant 80 : index
        %get3A_1181 = tpu.vector_load %arg9[%get3A_1178, %get3A_1179, %get3A_1180] {strides = array<i32>} : memref<3x264x128xf32, #tpu.memory_space<vmem>>, vector<1x1x16xf32>,
        %get3A_1182 = vector.shape_cast %get3A_1181 : vector<1x1x16xf32> to vector<16xf32>
        %add3A_1183 = arith.addf %add3A_1174, %get3A_1182 : vector<16xf32>
        %add3A_1184 = arith.constant 216 : i32
        %add3A_1185 = arith.addi %add3A_1184, %scan3A_619 : i32
        %get3A_1186 = arith.constant 0 : i32
        %get3A_1187 = arith.index_cast %get3A_1186 : i32 to index
        %get3A_1188 = arith.index_cast %add3A_1185 : i32 to index
        %get3A_1189 = arith.constant 80 : index
        %get3A_1190 = tpu.vector_load %arg9[%get3A_1187, %get3A_1188, %get3A_1189] {strides = array<i32>} : memref<3x264x128xf32, #tpu.memory_space<vmem>>, vector<1x1x16xf32>,
        %get3A_1191 = vector.shape_cast %get3A_1190 : vector<1x1x16xf32> to vector<16xf32>
        %add3A_1192 = arith.addf %add3A_1183, %get3A_1191 : vector<16xf32>
        %add3A_1193 = arith.constant 240 : i32
        %add3A_1194 = arith.addi %add3A_1193, %scan3A_619 : i32
        %get3A_1195 = arith.constant 0 : i32
        %get3A_1196 = arith.index_cast %get3A_1195 : i32 to index
        %get3A_1197 = arith.index_cast %add3A_1194 : i32 to index
        %get3A_1198 = arith.constant 80 : index
        %get3A_1199 = tpu.vector_load %arg9[%get3A_1196, %get3A_1197, %get3A_1198] {strides = array<i32>} : memref<3x264x128xf32, #tpu.memory_space<vmem>>, vector<1x1x16xf32>,
        %get3A_1200 = vector.shape_cast %get3A_1199 : vector<1x1x16xf32> to vector<16xf32>
        %add3A_1201 = arith.addf %add3A_1192, %get3A_1200 : vector<16xf32>
        %mul3A_1202 = arith.constant 1.000000e-01 : f32
        %mul3A_1203 = vector.broadcast %mul3A_1202 : f32 to vector<16xf32>
        %mul3A_1204 = arith.mulf %add3A_1201, %mul3A_1203 : vector<16xf32>
        %swap3A_1205 = arith.constant 0 : i32
        %swap3A_1206 = arith.index_cast %swap3A_1205 : i32 to index
        %swap3A_1207 = arith.index_cast %scan3A_619 : i32 to index
        %swap3A_1208 = arith.constant 80 : index
        %swap3A_1209 = tpu.vector_load %arg10[%swap3A_1206, %swap3A_1207, %swap3A_1208] {strides = array<i32>} : memref<3x24x128xf32, #tpu.memory_space<vmem>>, vector<1x1x16xf32>,
        %swap3A_1210 = vector.shape_cast %swap3A_1209 : vector<1x1x16xf32> to vector<16xf32>
        %swap3A_1211 = vector.shape_cast %mul3A_1204 : vector<16xf32> to vector<1x1x16xf32>
        tpu.vector_store %arg10[%swap3A_1206, %swap3A_1207, %swap3A_1208], %swap3A_1211 {strides = array<i32>} : memref<3x24x128xf32, #tpu.memory_space<vmem>>, vector<1x1x16xf32>,
        %add3A_1212 = arith.constant 24 : i32
        %add3A_1213 = arith.addi %add3A_1212, %scan3A_619 : i32
        %get3A_1214 = arith.constant 0 : i32
        %get3A_1215 = arith.index_cast %get3A_1214 : i32 to index
        %get3A_1216 = arith.index_cast %add3A_1213 : i32 to index
        %get3A_1217 = arith.constant 96 : index
        %get3A_1218 = tpu.vector_load %arg9[%get3A_1215, %get3A_1216, %get3A_1217] {strides = array<i32>} : memref<3x264x128xf32, #tpu.memory_space<vmem>>, vector<1x1x16xf32>,
        %get3A_1219 = vector.shape_cast %get3A_1218 : vector<1x1x16xf32> to vector<16xf32>
        %add3A_1220 = arith.constant 48 : i32
        %add3A_1221 = arith.addi %add3A_1220, %scan3A_619 : i32
        %get3A_1222 = arith.constant 0 : i32
        %get3A_1223 = arith.index_cast %get3A_1222 : i32 to index
        %get3A_1224 = arith.index_cast %add3A_1221 : i32 to index
        %get3A_1225 = arith.constant 96 : index
        %get3A_1226 = tpu.vector_load %arg9[%get3A_1223, %get3A_1224, %get3A_1225] {strides = array<i32>} : memref<3x264x128xf32, #tpu.memory_space<vmem>>, vector<1x1x16xf32>,
        %get3A_1227 = vector.shape_cast %get3A_1226 : vector<1x1x16xf32> to vector<16xf32>
        %add3A_1228 = arith.addf %get3A_1219, %get3A_1227 : vector<16xf32>
        %add3A_1229 = arith.constant 72 : i32
        %add3A_1230 = arith.addi %add3A_1229, %scan3A_619 : i32
        %get3A_1231 = arith.constant 0 : i32
        %get3A_1232 = arith.index_cast %get3A_1231 : i32 to index
        %get3A_1233 = arith.index_cast %add3A_1230 : i32 to index
        %get3A_1234 = arith.constant 96 : index
        %get3A_1235 = tpu.vector_load %arg9[%get3A_1232, %get3A_1233, %get3A_1234] {strides = array<i32>} : memref<3x264x128xf32, #tpu.memory_space<vmem>>, vector<1x1x16xf32>,
        %get3A_1236 = vector.shape_cast %get3A_1235 : vector<1x1x16xf32> to vector<16xf32>
        %add3A_1237 = arith.addf %add3A_1228, %get3A_1236 : vector<16xf32>
        %add3A_1238 = arith.constant 96 : i32
        %add3A_1239 = arith.addi %add3A_1238, %scan3A_619 : i32
        %get3A_1240 = arith.constant 0 : i32
        %get3A_1241 = arith.index_cast %get3A_1240 : i32 to index
        %get3A_1242 = arith.index_cast %add3A_1239 : i32 to index
        %get3A_1243 = arith.constant 96 : index
        %get3A_1244 = tpu.vector_load %arg9[%get3A_1241, %get3A_1242, %get3A_1243] {strides = array<i32>} : memref<3x264x128xf32, #tpu.memory_space<vmem>>, vector<1x1x16xf32>,
        %get3A_1245 = vector.shape_cast %get3A_1244 : vector<1x1x16xf32> to vector<16xf32>
        %add3A_1246 = arith.addf %add3A_1237, %get3A_1245 : vector<16xf32>
        %add3A_1247 = arith.constant 120 : i32
        %add3A_1248 = arith.addi %add3A_1247, %scan3A_619 : i32
        %get3A_1249 = arith.constant 0 : i32
        %get3A_1250 = arith.index_cast %get3A_1249 : i32 to index
        %get3A_1251 = arith.index_cast %add3A_1248 : i32 to index
        %get3A_1252 = arith.constant 96 : index
        %get3A_1253 = tpu.vector_load %arg9[%get3A_1250, %get3A_1251, %get3A_1252] {strides = array<i32>} : memref<3x264x128xf32, #tpu.memory_space<vmem>>, vector<1x1x16xf32>,
        %get3A_1254 = vector.shape_cast %get3A_1253 : vector<1x1x16xf32> to vector<16xf32>
        %add3A_1255 = arith.addf %add3A_1246, %get3A_1254 : vector<16xf32>
        %add3A_1256 = arith.constant 144 : i32
        %add3A_1257 = arith.addi %add3A_1256, %scan3A_619 : i32
        %get3A_1258 = arith.constant 0 : i32
        %get3A_1259 = arith.index_cast %get3A_1258 : i32 to index
        %get3A_1260 = arith.index_cast %add3A_1257 : i32 to index
        %get3A_1261 = arith.constant 96 : index
        %get3A_1262 = tpu.vector_load %arg9[%get3A_1259, %get3A_1260, %get3A_1261] {strides = array<i32>} : memref<3x264x128xf32, #tpu.memory_space<vmem>>, vector<1x1x16xf32>,
        %get3A_1263 = vector.shape_cast %get3A_1262 : vector<1x1x16xf32> to vector<16xf32>
        %add3A_1264 = arith.addf %add3A_1255, %get3A_1263 : vector<16xf32>
        %add3A_1265 = arith.constant 168 : i32
        %add3A_1266 = arith.addi %add3A_1265, %scan3A_619 : i32
        %get3A_1267 = arith.constant 0 : i32
        %get3A_1268 = arith.index_cast %get3A_1267 : i32 to index
        %get3A_1269 = arith.index_cast %add3A_1266 : i32 to index
        %get3A_1270 = arith.constant 96 : index
        %get3A_1271 = tpu.vector_load %arg9[%get3A_1268, %get3A_1269, %get3A_1270] {strides = array<i32>} : memref<3x264x128xf32, #tpu.memory_space<vmem>>, vector<1x1x16xf32>,
        %get3A_1272 = vector.shape_cast %get3A_1271 : vector<1x1x16xf32> to vector<16xf32>
        %add3A_1273 = arith.addf %add3A_1264, %get3A_1272 : vector<16xf32>
        %add3A_1274 = arith.constant 192 : i32
        %add3A_1275 = arith.addi %add3A_1274, %scan3A_619 : i32
        %get3A_1276 = arith.constant 0 : i32
        %get3A_1277 = arith.index_cast %get3A_1276 : i32 to index
        %get3A_1278 = arith.index_cast %add3A_1275 : i32 to index
        %get3A_1279 = arith.constant 96 : index
        %get3A_1280 = tpu.vector_load %arg9[%get3A_1277, %get3A_1278, %get3A_1279] {strides = array<i32>} : memref<3x264x128xf32, #tpu.memory_space<vmem>>, vector<1x1x16xf32>,
        %get3A_1281 = vector.shape_cast %get3A_1280 : vector<1x1x16xf32> to vector<16xf32>
        %add3A_1282 = arith.addf %add3A_1273, %get3A_1281 : vector<16xf32>
        %add3A_1283 = arith.constant 216 : i32
        %add3A_1284 = arith.addi %add3A_1283, %scan3A_619 : i32
        %get3A_1285 = arith.constant 0 : i32
        %get3A_1286 = arith.index_cast %get3A_1285 : i32 to index
        %get3A_1287 = arith.index_cast %add3A_1284 : i32 to index
        %get3A_1288 = arith.constant 96 : index
        %get3A_1289 = tpu.vector_load %arg9[%get3A_1286, %get3A_1287, %get3A_1288] {strides = array<i32>} : memref<3x264x128xf32, #tpu.memory_space<vmem>>, vector<1x1x16xf32>,
        %get3A_1290 = vector.shape_cast %get3A_1289 : vector<1x1x16xf32> to vector<16xf32>
        %add3A_1291 = arith.addf %add3A_1282, %get3A_1290 : vector<16xf32>
        %add3A_1292 = arith.constant 240 : i32
        %add3A_1293 = arith.addi %add3A_1292, %scan3A_619 : i32
        %get3A_1294 = arith.constant 0 : i32
        %get3A_1295 = arith.index_cast %get3A_1294 : i32 to index
        %get3A_1296 = arith.index_cast %add3A_1293 : i32 to index
        %get3A_1297 = arith.constant 96 : index
        %get3A_1298 = tpu.vector_load %arg9[%get3A_1295, %get3A_1296, %get3A_1297] {strides = array<i32>} : memref<3x264x128xf32, #tpu.memory_space<vmem>>, vector<1x1x16xf32>,
        %get3A_1299 = vector.shape_cast %get3A_1298 : vector<1x1x16xf32> to vector<16xf32>
        %add3A_1300 = arith.addf %add3A_1291, %get3A_1299 : vector<16xf32>
        %mul3A_1301 = arith.constant 1.000000e-01 : f32
        %mul3A_1302 = vector.broadcast %mul3A_1301 : f32 to vector<16xf32>
        %mul3A_1303 = arith.mulf %add3A_1300, %mul3A_1302 : vector<16xf32>
        %swap3A_1304 = arith.constant 0 : i32
        %swap3A_1305 = arith.index_cast %swap3A_1304 : i32 to index
        %swap3A_1306 = arith.index_cast %scan3A_619 : i32 to index
        %swap3A_1307 = arith.constant 96 : index
        %swap3A_1308 = tpu.vector_load %arg10[%swap3A_1305, %swap3A_1306, %swap3A_1307] {strides = array<i32>} : memref<3x24x128xf32, #tpu.memory_space<vmem>>, vector<1x1x16xf32>,
        %swap3A_1309 = vector.shape_cast %swap3A_1308 : vector<1x1x16xf32> to vector<16xf32>
        %swap3A_1310 = vector.shape_cast %mul3A_1303 : vector<16xf32> to vector<1x1x16xf32>
        tpu.vector_store %arg10[%swap3A_1305, %swap3A_1306, %swap3A_1307], %swap3A_1310 {strides = array<i32>} : memref<3x24x128xf32, #tpu.memory_space<vmem>>, vector<1x1x16xf32>,
        %add3A_1311 = arith.constant 24 : i32
        %add3A_1312 = arith.addi %add3A_1311, %scan3A_619 : i32
        %get3A_1313 = arith.constant 0 : i32
        %get3A_1314 = arith.index_cast %get3A_1313 : i32 to index
        %get3A_1315 = arith.index_cast %add3A_1312 : i32 to index
        %get3A_1316 = arith.constant 112 : index
        %get3A_1317 = tpu.vector_load %arg9[%get3A_1314, %get3A_1315, %get3A_1316] {strides = array<i32>} : memref<3x264x128xf32, #tpu.memory_space<vmem>>, vector<1x1x16xf32>,
        %get3A_1318 = vector.shape_cast %get3A_1317 : vector<1x1x16xf32> to vector<16xf32>
        %add3A_1319 = arith.constant 48 : i32
        %add3A_1320 = arith.addi %add3A_1319, %scan3A_619 : i32
        %get3A_1321 = arith.constant 0 : i32
        %get3A_1322 = arith.index_cast %get3A_1321 : i32 to index
        %get3A_1323 = arith.index_cast %add3A_1320 : i32 to index
        %get3A_1324 = arith.constant 112 : index
        %get3A_1325 = tpu.vector_load %arg9[%get3A_1322, %get3A_1323, %get3A_1324] {strides = array<i32>} : memref<3x264x128xf32, #tpu.memory_space<vmem>>, vector<1x1x16xf32>,
        %get3A_1326 = vector.shape_cast %get3A_1325 : vector<1x1x16xf32> to vector<16xf32>
        %add3A_1327 = arith.addf %get3A_1318, %get3A_1326 : vector<16xf32>
        %add3A_1328 = arith.constant 72 : i32
        %add3A_1329 = arith.addi %add3A_1328, %scan3A_619 : i32
        %get3A_1330 = arith.constant 0 : i32
        %get3A_1331 = arith.index_cast %get3A_1330 : i32 to index
        %get3A_1332 = arith.index_cast %add3A_1329 : i32 to index
        %get3A_1333 = arith.constant 112 : index
        %get3A_1334 = tpu.vector_load %arg9[%get3A_1331, %get3A_1332, %get3A_1333] {strides = array<i32>} : memref<3x264x128xf32, #tpu.memory_space<vmem>>, vector<1x1x16xf32>,
        %get3A_1335 = vector.shape_cast %get3A_1334 : vector<1x1x16xf32> to vector<16xf32>
        %add3A_1336 = arith.addf %add3A_1327, %get3A_1335 : vector<16xf32>
        %add3A_1337 = arith.constant 96 : i32
        %add3A_1338 = arith.addi %add3A_1337, %scan3A_619 : i32
        %get3A_1339 = arith.constant 0 : i32
        %get3A_1340 = arith.index_cast %get3A_1339 : i32 to index
        %get3A_1341 = arith.index_cast %add3A_1338 : i32 to index
        %get3A_1342 = arith.constant 112 : index
        %get3A_1343 = tpu.vector_load %arg9[%get3A_1340, %get3A_1341, %get3A_1342] {strides = array<i32>} : memref<3x264x128xf32, #tpu.memory_space<vmem>>, vector<1x1x16xf32>,
        %get3A_1344 = vector.shape_cast %get3A_1343 : vector<1x1x16xf32> to vector<16xf32>
        %add3A_1345 = arith.addf %add3A_1336, %get3A_1344 : vector<16xf32>
        %add3A_1346 = arith.constant 120 : i32
        %add3A_1347 = arith.addi %add3A_1346, %scan3A_619 : i32
        %get3A_1348 = arith.constant 0 : i32
        %get3A_1349 = arith.index_cast %get3A_1348 : i32 to index
        %get3A_1350 = arith.index_cast %add3A_1347 : i32 to index
        %get3A_1351 = arith.constant 112 : index
        %get3A_1352 = tpu.vector_load %arg9[%get3A_1349, %get3A_1350, %get3A_1351] {strides = array<i32>} : memref<3x264x128xf32, #tpu.memory_space<vmem>>, vector<1x1x16xf32>,
        %get3A_1353 = vector.shape_cast %get3A_1352 : vector<1x1x16xf32> to vector<16xf32>
        %add3A_1354 = arith.addf %add3A_1345, %get3A_1353 : vector<16xf32>
        %add3A_1355 = arith.constant 144 : i32
        %add3A_1356 = arith.addi %add3A_1355, %scan3A_619 : i32
        %get3A_1357 = arith.constant 0 : i32
        %get3A_1358 = arith.index_cast %get3A_1357 : i32 to index
        %get3A_1359 = arith.index_cast %add3A_1356 : i32 to index
        %get3A_1360 = arith.constant 112 : index
        %get3A_1361 = tpu.vector_load %arg9[%get3A_1358, %get3A_1359, %get3A_1360] {strides = array<i32>} : memref<3x264x128xf32, #tpu.memory_space<vmem>>, vector<1x1x16xf32>,
        %get3A_1362 = vector.shape_cast %get3A_1361 : vector<1x1x16xf32> to vector<16xf32>
        %add3A_1363 = arith.addf %add3A_1354, %get3A_1362 : vector<16xf32>
        %add3A_1364 = arith.constant 168 : i32
        %add3A_1365 = arith.addi %add3A_1364, %scan3A_619 : i32
        %get3A_1366 = arith.constant 0 : i32
        %get3A_1367 = arith.index_cast %get3A_1366 : i32 to index
        %get3A_1368 = arith.index_cast %add3A_1365 : i32 to index
        %get3A_1369 = arith.constant 112 : index
        %get3A_1370 = tpu.vector_load %arg9[%get3A_1367, %get3A_1368, %get3A_1369] {strides = array<i32>} : memref<3x264x128xf32, #tpu.memory_space<vmem>>, vector<1x1x16xf32>,
        %get3A_1371 = vector.shape_cast %get3A_1370 : vector<1x1x16xf32> to vector<16xf32>
        %add3A_1372 = arith.addf %add3A_1363, %get3A_1371 : vector<16xf32>
        %add3A_1373 = arith.constant 192 : i32
        %add3A_1374 = arith.addi %add3A_1373, %scan3A_619 : i32
        %get3A_1375 = arith.constant 0 : i32
        %get3A_1376 = arith.index_cast %get3A_1375 : i32 to index
        %get3A_1377 = arith.index_cast %add3A_1374 : i32 to index
        %get3A_1378 = arith.constant 112 : index
        %get3A_1379 = tpu.vector_load %arg9[%get3A_1376, %get3A_1377, %get3A_1378] {strides = array<i32>} : memref<3x264x128xf32, #tpu.memory_space<vmem>>, vector<1x1x16xf32>,
        %get3A_1380 = vector.shape_cast %get3A_1379 : vector<1x1x16xf32> to vector<16xf32>
        %add3A_1381 = arith.addf %add3A_1372, %get3A_1380 : vector<16xf32>
        %add3A_1382 = arith.constant 216 : i32
        %add3A_1383 = arith.addi %add3A_1382, %scan3A_619 : i32
        %get3A_1384 = arith.constant 0 : i32
        %get3A_1385 = arith.index_cast %get3A_1384 : i32 to index
        %get3A_1386 = arith.index_cast %add3A_1383 : i32 to index
        %get3A_1387 = arith.constant 112 : index
        %get3A_1388 = tpu.vector_load %arg9[%get3A_1385, %get3A_1386, %get3A_1387] {strides = array<i32>} : memref<3x264x128xf32, #tpu.memory_space<vmem>>, vector<1x1x16xf32>,
        %get3A_1389 = vector.shape_cast %get3A_1388 : vector<1x1x16xf32> to vector<16xf32>
        %add3A_1390 = arith.addf %add3A_1381, %get3A_1389 : vector<16xf32>
        %add3A_1391 = arith.constant 240 : i32
        %add3A_1392 = arith.addi %add3A_1391, %scan3A_619 : i32
        %get3A_1393 = arith.constant 0 : i32
        %get3A_1394 = arith.index_cast %get3A_1393 : i32 to index
        %get3A_1395 = arith.index_cast %add3A_1392 : i32 to index
        %get3A_1396 = arith.constant 112 : index
        %get3A_1397 = tpu.vector_load %arg9[%get3A_1394, %get3A_1395, %get3A_1396] {strides = array<i32>} : memref<3x264x128xf32, #tpu.memory_space<vmem>>, vector<1x1x16xf32>,
        %get3A_1398 = vector.shape_cast %get3A_1397 : vector<1x1x16xf32> to vector<16xf32>
        %add3A_1399 = arith.addf %add3A_1390, %get3A_1398 : vector<16xf32>
        %mul3A_1400 = arith.constant 1.000000e-01 : f32
        %mul3A_1401 = vector.broadcast %mul3A_1400 : f32 to vector<16xf32>
        %mul3A_1402 = arith.mulf %add3A_1399, %mul3A_1401 : vector<16xf32>
        %swap3A_1403 = arith.constant 0 : i32
        %swap3A_1404 = arith.index_cast %swap3A_1403 : i32 to index
        %swap3A_1405 = arith.index_cast %scan3A_619 : i32 to index
        %swap3A_1406 = arith.constant 112 : index
        %swap3A_1407 = tpu.vector_load %arg10[%swap3A_1404, %swap3A_1405, %swap3A_1406] {strides = array<i32>} : memref<3x24x128xf32, #tpu.memory_space<vmem>>, vector<1x1x16xf32>,
        %swap3A_1408 = vector.shape_cast %swap3A_1407 : vector<1x1x16xf32> to vector<16xf32>
        %swap3A_1409 = vector.shape_cast %mul3A_1402 : vector<16xf32> to vector<1x1x16xf32>
        tpu.vector_store %arg10[%swap3A_1404, %swap3A_1405, %swap3A_1406], %swap3A_1409 {strides = array<i32>} : memref<3x24x128xf32, #tpu.memory_space<vmem>>, vector<1x1x16xf32>,
      }
      %scan3A_417 = arith.constant 24 : i32
      %add3A_418 = arith.addi %mul3A_2, %add3A_378 : i32
      %mul3A_419 = arith.constant 24 : i32
      %mul3A_420 = arith.muli %add3A_418, %mul3A_419 : i32
      %dma_start3A_421 = arith.constant 0 : i32
      %dma_start3A_422 = arith.constant 0 : i32
      %dma_start3A_423 = arith.constant 0 : i32
      %dma_start3A_424 = tpu.memref_slice %arg9[%dma_start3A_421, %dma_start3A_422, %dma_start3A_423] : memref<3x264x128xf32, #tpu.memory_space<vmem>> -> memref<1x264x128xf32, #tpu.memory_space<vmem>>
      %dma_start3A_425 = tpu.memref_squeeze %dma_start3A_424 : memref<1x264x128xf32, #tpu.memory_space<vmem>> -> memref<264x128xf32, #tpu.memory_space<vmem>>
      %dma_start3A_426 = arith.constant 0 : i32
      %dma_start3A_427 = arith.constant 0 : i32
      %dma_start3A_428 = tpu.memref_slice %dma_start3A_425[%dma_start3A_426, %dma_start3A_427] : memref<264x128xf32, #tpu.memory_space<vmem>> -> memref<24x128xf32, #tpu.memory_space<vmem>>
      %dma_start3A_429 = arith.constant 0 : i32
      %dma_start3A_430 = tpu.memref_slice %arg4[%mul3A_420, %dma_start3A_429] : memref<50688x128xf32, #tpu.memory_space<hbm>> -> memref<24x128xf32, #tpu.memory_space<hbm>>
      %dma_start3A_431 = arith.constant 0 : i32
      %dma_start3A_432 = tpu.memref_slice %arg4[%mul3A_420, %dma_start3A_431] : memref<50688x128xf32, #tpu.memory_space<hbm>> -> memref<24x128xf32, #tpu.memory_space<hbm>>
      %dma_start3A_433 = arith.constant 0 : i32
      %dma_start3A_434 = arith.constant 0 : i32
      %dma_start3A_435 = tpu.memref_slice %arg9[%dma_start3A_421, %dma_start3A_433, %dma_start3A_434] : memref<3x264x128xf32, #tpu.memory_space<vmem>> -> memref<1x264x128xf32, #tpu.memory_space<vmem>>
      %dma_start3A_436 = tpu.memref_squeeze %dma_start3A_435 : memref<1x264x128xf32, #tpu.memory_space<vmem>> -> memref<264x128xf32, #tpu.memory_space<vmem>>
      %dma_start3A_437 = arith.constant 0 : i32
      %dma_start3A_438 = arith.constant 0 : i32
      %dma_start3A_439 = tpu.memref_slice %dma_start3A_436[%dma_start3A_437, %dma_start3A_438] : memref<264x128xf32, #tpu.memory_space<vmem>> -> memref<24x128xf32, #tpu.memory_space<vmem>>
      tpu.enqueue_dma source(%dma_start3A_439 : memref<24x128xf32, #tpu.memory_space<vmem>>) target(%dma_start3A_432 : memref<24x128xf32, #tpu.memory_space<hbm>>) target_semaphore(%arg17 : memref<!tpu.dma_semaphore, #tpu.memory_space<semaphore_mem>>)
      %dma_start3A_440 = arith.constant 0 : i32
      %dma_start3A_441 = arith.constant 0 : i32
      %dma_start3A_442 = arith.constant 0 : i32
      %dma_start3A_443 = tpu.memref_slice %arg10[%dma_start3A_440, %dma_start3A_441, %dma_start3A_442] : memref<3x24x128xf32, #tpu.memory_space<vmem>> -> memref<1x24x128xf32, #tpu.memory_space<vmem>>
      %dma_start3A_444 = tpu.memref_squeeze %dma_start3A_443 : memref<1x24x128xf32, #tpu.memory_space<vmem>> -> memref<24x128xf32, #tpu.memory_space<vmem>>
      %dma_start3A_445 = arith.constant 0 : i32
      %dma_start3A_446 = tpu.memref_slice %arg5[%mul3A_420, %dma_start3A_445] : memref<50688x128xf32, #tpu.memory_space<hbm>> -> memref<24x128xf32, #tpu.memory_space<hbm>>
      %dma_start3A_447 = arith.constant 0 : i32
      %dma_start3A_448 = tpu.memref_slice %arg5[%mul3A_420, %dma_start3A_447] : memref<50688x128xf32, #tpu.memory_space<hbm>> -> memref<24x128xf32, #tpu.memory_space<hbm>>
      %dma_start3A_449 = arith.constant 0 : i32
      %dma_start3A_450 = arith.constant 0 : i32
      %dma_start3A_451 = tpu.memref_slice %arg10[%dma_start3A_440, %dma_start3A_449, %dma_start3A_450] : memref<3x24x128xf32, #tpu.memory_space<vmem>> -> memref<1x24x128xf32, #tpu.memory_space<vmem>>
      %dma_start3A_452 = tpu.memref_squeeze %dma_start3A_451 : memref<1x24x128xf32, #tpu.memory_space<vmem>> -> memref<24x128xf32, #tpu.memory_space<vmem>>
      tpu.enqueue_dma source(%dma_start3A_452 : memref<24x128xf32, #tpu.memory_space<vmem>>) target(%dma_start3A_448 : memref<24x128xf32, #tpu.memory_space<hbm>>) target_semaphore(%arg17 : memref<!tpu.dma_semaphore, #tpu.memory_space<semaphore_mem>>)
      %mul3A_453 = arith.constant 3 : i32
      %mul3A_454 = arith.muli %mul3A_453, %scan3A_374 : i32
      %add3A_455 = arith.constant 1 : i32
      %add3A_456 = arith.addi %mul3A_454, %add3A_455 : i32
      %dma_wait3A_457 = arith.constant 1 : i32
      %dma_wait3A_458 = arith.constant 0 : i32
      %dma_wait3A_459 = arith.constant 0 : i32
      %dma_wait3A_460 = tpu.memref_slice %arg9[%dma_wait3A_457, %dma_wait3A_458, %dma_wait3A_459] : memref<3x264x128xf32, #tpu.memory_space<vmem>> -> memref<1x264x128xf32, #tpu.memory_space<vmem>>
      %dma_wait3A_461 = tpu.memref_squeeze %dma_wait3A_460 : memref<1x264x128xf32, #tpu.memory_space<vmem>> -> memref<264x128xf32, #tpu.memory_space<vmem>>
      %dma_wait3A_462 = arith.constant 0 : i32
      %dma_wait3A_463 = arith.constant 0 : i32
      %dma_wait3A_464 = tpu.memref_slice %arg3[%dma_wait3A_462, %dma_wait3A_463] : memref<100000x128xf32, #tpu.memory_space<hbm>> -> memref<100000x128xf32, #tpu.memory_space<hbm>>
      tpu.wait_indirect_dma semaphore(%arg12 : memref<!tpu.dma_semaphore, #tpu.memory_space<semaphore_mem>>) src(%dma_wait3A_464 : memref<100000x128xf32, #tpu.memory_space<hbm>>) dst(%dma_wait3A_461 : memref<264x128xf32, #tpu.memory_space<vmem>>)
      %add3A_465 = arith.constant 3 : i32
      %add3A_466 = arith.addi %add3A_456, %add3A_465 : i32
      %lt3A_467 = arith.constant 66 : i32
      %lt3A_468 = arith.cmpi slt, %add3A_466, %lt3A_467 : i32
      %convert_element_type3A_469 = arith.extui %lt3A_468 : i1 to i32
      %cond3A_470 = arith.constant 0 : i32
      %cond3A_471 = arith.cmpi ne, %convert_element_type3A_469, %cond3A_470 : i32
      scf.if %cond3A_471 {
        %add3A_619 = arith.constant 3 : i32
        %add3A_620 = arith.addi %add3A_456, %add3A_619 : i32
        %add3A_621 = arith.addi %mul3A_2, %add3A_620 : i32
        %mul3A_622 = arith.constant 24 : i32
        %mul3A_623 = arith.muli %add3A_621, %mul3A_622 : i32
        %add3A_624 = arith.constant 0 : i32
        %add3A_625 = arith.addi %add3A_624, %mul3A_623 : i32
        %dma_start3A_626 = arith.constant 0 : i32
        %dma_start3A_627 = tpu.memref_slice %arg7[%dma_start3A_626] : memref<264xi32, #tpu.memory_space<vmem>> -> memref<24xi32, #tpu.memory_space<vmem>>
        %dma_start3A_628 = tpu.memref_slice %arg2[%add3A_625] : memref<557568xi32, #tpu.memory_space<hbm>> -> memref<24xi32, #tpu.memory_space<hbm>>
        %dma_start3A_629 = arith.constant 0 : i32
        %dma_start3A_630 = tpu.memref_slice %arg7[%dma_start3A_629] : memref<264xi32, #tpu.memory_space<vmem>> -> memref<24xi32, #tpu.memory_space<vmem>>
        %dma_start3A_631 = tpu.memref_slice %arg2[%add3A_625] : memref<557568xi32, #tpu.memory_space<hbm>> -> memref<24xi32, #tpu.memory_space<hbm>>
        tpu.enqueue_dma source(%dma_start3A_631 : memref<24xi32, #tpu.memory_space<hbm>>) target(%dma_start3A_630 : memref<24xi32, #tpu.memory_space<vmem>>) target_semaphore(%arg15 : memref<!tpu.dma_semaphore, #tpu.memory_space<semaphore_mem>>)
        %add3A_632 = arith.constant 50688 : i32
        %add3A_633 = arith.addi %add3A_632, %mul3A_623 : i32
        %dma_start3A_634 = arith.constant 24 : i32
        %dma_start3A_635 = tpu.memref_slice %arg7[%dma_start3A_634] : memref<264xi32, #tpu.memory_space<vmem>> -> memref<24xi32, #tpu.memory_space<vmem>>
        %dma_start3A_636 = tpu.memref_slice %arg2[%add3A_633] : memref<557568xi32, #tpu.memory_space<hbm>> -> memref<24xi32, #tpu.memory_space<hbm>>
        %dma_start3A_637 = arith.constant 24 : i32
        %dma_start3A_638 = tpu.memref_slice %arg7[%dma_start3A_637] : memref<264xi32, #tpu.memory_space<vmem>> -> memref<24xi32, #tpu.memory_space<vmem>>
        %dma_start3A_639 = tpu.memref_slice %arg2[%add3A_633] : memref<557568xi32, #tpu.memory_space<hbm>> -> memref<24xi32, #tpu.memory_space<hbm>>
        tpu.enqueue_dma source(%dma_start3A_639 : memref<24xi32, #tpu.memory_space<hbm>>) target(%dma_start3A_638 : memref<24xi32, #tpu.memory_space<vmem>>) target_semaphore(%arg15 : memref<!tpu.dma_semaphore, #tpu.memory_space<semaphore_mem>>)
        %add3A_640 = arith.constant 101376 : i32
        %add3A_641 = arith.addi %add3A_640, %mul3A_623 : i32
        %dma_start3A_642 = arith.constant 48 : i32
        %dma_start3A_643 = tpu.memref_slice %arg7[%dma_start3A_642] : memref<264xi32, #tpu.memory_space<vmem>> -> memref<24xi32, #tpu.memory_space<vmem>>
        %dma_start3A_644 = tpu.memref_slice %arg2[%add3A_641] : memref<557568xi32, #tpu.memory_space<hbm>> -> memref<24xi32, #tpu.memory_space<hbm>>
        %dma_start3A_645 = arith.constant 48 : i32
        %dma_start3A_646 = tpu.memref_slice %arg7[%dma_start3A_645] : memref<264xi32, #tpu.memory_space<vmem>> -> memref<24xi32, #tpu.memory_space<vmem>>
        %dma_start3A_647 = tpu.memref_slice %arg2[%add3A_641] : memref<557568xi32, #tpu.memory_space<hbm>> -> memref<24xi32, #tpu.memory_space<hbm>>
        tpu.enqueue_dma source(%dma_start3A_647 : memref<24xi32, #tpu.memory_space<hbm>>) target(%dma_start3A_646 : memref<24xi32, #tpu.memory_space<vmem>>) target_semaphore(%arg15 : memref<!tpu.dma_semaphore, #tpu.memory_space<semaphore_mem>>)
        %add3A_648 = arith.constant 152064 : i32
        %add3A_649 = arith.addi %add3A_648, %mul3A_623 : i32
        %dma_start3A_650 = arith.constant 72 : i32
        %dma_start3A_651 = tpu.memref_slice %arg7[%dma_start3A_650] : memref<264xi32, #tpu.memory_space<vmem>> -> memref<24xi32, #tpu.memory_space<vmem>>
        %dma_start3A_652 = tpu.memref_slice %arg2[%add3A_649] : memref<557568xi32, #tpu.memory_space<hbm>> -> memref<24xi32, #tpu.memory_space<hbm>>
        %dma_start3A_653 = arith.constant 72 : i32
        %dma_start3A_654 = tpu.memref_slice %arg7[%dma_start3A_653] : memref<264xi32, #tpu.memory_space<vmem>> -> memref<24xi32, #tpu.memory_space<vmem>>
        %dma_start3A_655 = tpu.memref_slice %arg2[%add3A_649] : memref<557568xi32, #tpu.memory_space<hbm>> -> memref<24xi32, #tpu.memory_space<hbm>>
        tpu.enqueue_dma source(%dma_start3A_655 : memref<24xi32, #tpu.memory_space<hbm>>) target(%dma_start3A_654 : memref<24xi32, #tpu.memory_space<vmem>>) target_semaphore(%arg15 : memref<!tpu.dma_semaphore, #tpu.memory_space<semaphore_mem>>)
        %add3A_656 = arith.constant 202752 : i32
        %add3A_657 = arith.addi %add3A_656, %mul3A_623 : i32
        %dma_start3A_658 = arith.constant 96 : i32
        %dma_start3A_659 = tpu.memref_slice %arg7[%dma_start3A_658] : memref<264xi32, #tpu.memory_space<vmem>> -> memref<24xi32, #tpu.memory_space<vmem>>
        %dma_start3A_660 = tpu.memref_slice %arg2[%add3A_657] : memref<557568xi32, #tpu.memory_space<hbm>> -> memref<24xi32, #tpu.memory_space<hbm>>
        %dma_start3A_661 = arith.constant 96 : i32
        %dma_start3A_662 = tpu.memref_slice %arg7[%dma_start3A_661] : memref<264xi32, #tpu.memory_space<vmem>> -> memref<24xi32, #tpu.memory_space<vmem>>
        %dma_start3A_663 = tpu.memref_slice %arg2[%add3A_657] : memref<557568xi32, #tpu.memory_space<hbm>> -> memref<24xi32, #tpu.memory_space<hbm>>
        tpu.enqueue_dma source(%dma_start3A_663 : memref<24xi32, #tpu.memory_space<hbm>>) target(%dma_start3A_662 : memref<24xi32, #tpu.memory_space<vmem>>) target_semaphore(%arg15 : memref<!tpu.dma_semaphore, #tpu.memory_space<semaphore_mem>>)
        %add3A_664 = arith.constant 253440 : i32
        %add3A_665 = arith.addi %add3A_664, %mul3A_623 : i32
        %dma_start3A_666 = arith.constant 120 : i32
        %dma_start3A_667 = tpu.memref_slice %arg7[%dma_start3A_666] : memref<264xi32, #tpu.memory_space<vmem>> -> memref<24xi32, #tpu.memory_space<vmem>>
        %dma_start3A_668 = tpu.memref_slice %arg2[%add3A_665] : memref<557568xi32, #tpu.memory_space<hbm>> -> memref<24xi32, #tpu.memory_space<hbm>>
        %dma_start3A_669 = arith.constant 120 : i32
        %dma_start3A_670 = tpu.memref_slice %arg7[%dma_start3A_669] : memref<264xi32, #tpu.memory_space<vmem>> -> memref<24xi32, #tpu.memory_space<vmem>>
        %dma_start3A_671 = tpu.memref_slice %arg2[%add3A_665] : memref<557568xi32, #tpu.memory_space<hbm>> -> memref<24xi32, #tpu.memory_space<hbm>>
        tpu.enqueue_dma source(%dma_start3A_671 : memref<24xi32, #tpu.memory_space<hbm>>) target(%dma_start3A_670 : memref<24xi32, #tpu.memory_space<vmem>>) target_semaphore(%arg15 : memref<!tpu.dma_semaphore, #tpu.memory_space<semaphore_mem>>)
        %add3A_672 = arith.constant 304128 : i32
        %add3A_673 = arith.addi %add3A_672, %mul3A_623 : i32
        %dma_start3A_674 = arith.constant 144 : i32
        %dma_start3A_675 = tpu.memref_slice %arg7[%dma_start3A_674] : memref<264xi32, #tpu.memory_space<vmem>> -> memref<24xi32, #tpu.memory_space<vmem>>
        %dma_start3A_676 = tpu.memref_slice %arg2[%add3A_673] : memref<557568xi32, #tpu.memory_space<hbm>> -> memref<24xi32, #tpu.memory_space<hbm>>
        %dma_start3A_677 = arith.constant 144 : i32
        %dma_start3A_678 = tpu.memref_slice %arg7[%dma_start3A_677] : memref<264xi32, #tpu.memory_space<vmem>> -> memref<24xi32, #tpu.memory_space<vmem>>
        %dma_start3A_679 = tpu.memref_slice %arg2[%add3A_673] : memref<557568xi32, #tpu.memory_space<hbm>> -> memref<24xi32, #tpu.memory_space<hbm>>
        tpu.enqueue_dma source(%dma_start3A_679 : memref<24xi32, #tpu.memory_space<hbm>>) target(%dma_start3A_678 : memref<24xi32, #tpu.memory_space<vmem>>) target_semaphore(%arg15 : memref<!tpu.dma_semaphore, #tpu.memory_space<semaphore_mem>>)
        %add3A_680 = arith.constant 354816 : i32
        %add3A_681 = arith.addi %add3A_680, %mul3A_623 : i32
        %dma_start3A_682 = arith.constant 168 : i32
        %dma_start3A_683 = tpu.memref_slice %arg7[%dma_start3A_682] : memref<264xi32, #tpu.memory_space<vmem>> -> memref<24xi32, #tpu.memory_space<vmem>>
        %dma_start3A_684 = tpu.memref_slice %arg2[%add3A_681] : memref<557568xi32, #tpu.memory_space<hbm>> -> memref<24xi32, #tpu.memory_space<hbm>>
        %dma_start3A_685 = arith.constant 168 : i32
        %dma_start3A_686 = tpu.memref_slice %arg7[%dma_start3A_685] : memref<264xi32, #tpu.memory_space<vmem>> -> memref<24xi32, #tpu.memory_space<vmem>>
        %dma_start3A_687 = tpu.memref_slice %arg2[%add3A_681] : memref<557568xi32, #tpu.memory_space<hbm>> -> memref<24xi32, #tpu.memory_space<hbm>>
        tpu.enqueue_dma source(%dma_start3A_687 : memref<24xi32, #tpu.memory_space<hbm>>) target(%dma_start3A_686 : memref<24xi32, #tpu.memory_space<vmem>>) target_semaphore(%arg15 : memref<!tpu.dma_semaphore, #tpu.memory_space<semaphore_mem>>)
        %add3A_688 = arith.constant 405504 : i32
        %add3A_689 = arith.addi %add3A_688, %mul3A_623 : i32
        %dma_start3A_690 = arith.constant 192 : i32
        %dma_start3A_691 = tpu.memref_slice %arg7[%dma_start3A_690] : memref<264xi32, #tpu.memory_space<vmem>> -> memref<24xi32, #tpu.memory_space<vmem>>
        %dma_start3A_692 = tpu.memref_slice %arg2[%add3A_689] : memref<557568xi32, #tpu.memory_space<hbm>> -> memref<24xi32, #tpu.memory_space<hbm>>
        %dma_start3A_693 = arith.constant 192 : i32
        %dma_start3A_694 = tpu.memref_slice %arg7[%dma_start3A_693] : memref<264xi32, #tpu.memory_space<vmem>> -> memref<24xi32, #tpu.memory_space<vmem>>
        %dma_start3A_695 = tpu.memref_slice %arg2[%add3A_689] : memref<557568xi32, #tpu.memory_space<hbm>> -> memref<24xi32, #tpu.memory_space<hbm>>
        tpu.enqueue_dma source(%dma_start3A_695 : memref<24xi32, #tpu.memory_space<hbm>>) target(%dma_start3A_694 : memref<24xi32, #tpu.memory_space<vmem>>) target_semaphore(%arg15 : memref<!tpu.dma_semaphore, #tpu.memory_space<semaphore_mem>>)
        %add3A_696 = arith.constant 456192 : i32
        %add3A_697 = arith.addi %add3A_696, %mul3A_623 : i32
        %dma_start3A_698 = arith.constant 216 : i32
        %dma_start3A_699 = tpu.memref_slice %arg7[%dma_start3A_698] : memref<264xi32, #tpu.memory_space<vmem>> -> memref<24xi32, #tpu.memory_space<vmem>>
        %dma_start3A_700 = tpu.memref_slice %arg2[%add3A_697] : memref<557568xi32, #tpu.memory_space<hbm>> -> memref<24xi32, #tpu.memory_space<hbm>>
        %dma_start3A_701 = arith.constant 216 : i32
        %dma_start3A_702 = tpu.memref_slice %arg7[%dma_start3A_701] : memref<264xi32, #tpu.memory_space<vmem>> -> memref<24xi32, #tpu.memory_space<vmem>>
        %dma_start3A_703 = tpu.memref_slice %arg2[%add3A_697] : memref<557568xi32, #tpu.memory_space<hbm>> -> memref<24xi32, #tpu.memory_space<hbm>>
        tpu.enqueue_dma source(%dma_start3A_703 : memref<24xi32, #tpu.memory_space<hbm>>) target(%dma_start3A_702 : memref<24xi32, #tpu.memory_space<vmem>>) target_semaphore(%arg15 : memref<!tpu.dma_semaphore, #tpu.memory_space<semaphore_mem>>)
        %add3A_704 = arith.constant 506880 : i32
        %add3A_705 = arith.addi %add3A_704, %mul3A_623 : i32
        %dma_start3A_706 = arith.constant 240 : i32
        %dma_start3A_707 = tpu.memref_slice %arg7[%dma_start3A_706] : memref<264xi32, #tpu.memory_space<vmem>> -> memref<24xi32, #tpu.memory_space<vmem>>
        %dma_start3A_708 = tpu.memref_slice %arg2[%add3A_705] : memref<557568xi32, #tpu.memory_space<hbm>> -> memref<24xi32, #tpu.memory_space<hbm>>
        %dma_start3A_709 = arith.constant 240 : i32
        %dma_start3A_710 = tpu.memref_slice %arg7[%dma_start3A_709] : memref<264xi32, #tpu.memory_space<vmem>> -> memref<24xi32, #tpu.memory_space<vmem>>
        %dma_start3A_711 = tpu.memref_slice %arg2[%add3A_705] : memref<557568xi32, #tpu.memory_space<hbm>> -> memref<24xi32, #tpu.memory_space<hbm>>
        tpu.enqueue_dma source(%dma_start3A_711 : memref<24xi32, #tpu.memory_space<hbm>>) target(%dma_start3A_710 : memref<24xi32, #tpu.memory_space<vmem>>) target_semaphore(%arg15 : memref<!tpu.dma_semaphore, #tpu.memory_space<semaphore_mem>>)
      } else {
      }
      %ge3A_472 = arith.constant 1 : i32
      %ge3A_473 = arith.cmpi sge, %add3A_456, %ge3A_472 : i32
      %convert_element_type3A_474 = arith.extui %ge3A_473 : i1 to i32
      %cond3A_475 = arith.constant 0 : i32
      %cond3A_476 = arith.cmpi ne, %convert_element_type3A_474, %cond3A_475 : i32
      scf.if %cond3A_476 {
        %dma_wait3A_619 = arith.constant 0 : i32
        %dma_wait3A_620 = arith.constant 0 : i32
        %dma_wait3A_621 = arith.constant 0 : i32
        %dma_wait3A_622 = tpu.memref_slice %arg9[%dma_wait3A_619, %dma_wait3A_620, %dma_wait3A_621] : memref<3x264x128xf32, #tpu.memory_space<vmem>> -> memref<1x264x128xf32, #tpu.memory_space<vmem>>
        %dma_wait3A_623 = tpu.memref_squeeze %dma_wait3A_622 : memref<1x264x128xf32, #tpu.memory_space<vmem>> -> memref<264x128xf32, #tpu.memory_space<vmem>>
        %dma_wait3A_624 = arith.constant 0 : i32
        %dma_wait3A_625 = arith.constant 0 : i32
        %dma_wait3A_626 = tpu.memref_slice %dma_wait3A_623[%dma_wait3A_624, %dma_wait3A_625] : memref<264x128xf32, #tpu.memory_space<vmem>> -> memref<24x128xf32, #tpu.memory_space<vmem>>
        %dma_wait3A_627 = arith.constant 0 : i32
        %dma_wait3A_628 = arith.constant 0 : i32
        %dma_wait3A_629 = tpu.memref_slice %arg4[%dma_wait3A_627, %dma_wait3A_628] : memref<50688x128xf32, #tpu.memory_space<hbm>> -> memref<24x128xf32, #tpu.memory_space<hbm>>
        %dma_wait3A_630 = arith.constant 0 : i32
        %dma_wait3A_631 = arith.constant 0 : i32
        %dma_wait3A_632 = tpu.memref_slice %arg4[%dma_wait3A_630, %dma_wait3A_631] : memref<50688x128xf32, #tpu.memory_space<hbm>> -> memref<24x128xf32, #tpu.memory_space<hbm>>
        %dma_wait3A_633 = arith.constant 0 : i32
        %dma_wait3A_634 = arith.constant 0 : i32
        %dma_wait3A_635 = tpu.memref_slice %arg9[%dma_wait3A_619, %dma_wait3A_633, %dma_wait3A_634] : memref<3x264x128xf32, #tpu.memory_space<vmem>> -> memref<1x264x128xf32, #tpu.memory_space<vmem>>
        %dma_wait3A_636 = tpu.memref_squeeze %dma_wait3A_635 : memref<1x264x128xf32, #tpu.memory_space<vmem>> -> memref<264x128xf32, #tpu.memory_space<vmem>>
        %dma_wait3A_637 = arith.constant 0 : i32
        %dma_wait3A_638 = arith.constant 0 : i32
        %dma_wait3A_639 = tpu.memref_slice %dma_wait3A_636[%dma_wait3A_637, %dma_wait3A_638] : memref<264x128xf32, #tpu.memory_space<vmem>> -> memref<24x128xf32, #tpu.memory_space<vmem>>
        tpu.wait_dma2 semaphore(%arg17 : memref<!tpu.dma_semaphore, #tpu.memory_space<semaphore_mem>>) src(%dma_wait3A_639 : memref<24x128xf32, #tpu.memory_space<vmem>>) dst(%dma_wait3A_632 : memref<24x128xf32, #tpu.memory_space<hbm>>)
        %dma_wait3A_640 = arith.constant 0 : i32
        %dma_wait3A_641 = arith.constant 0 : i32
        %dma_wait3A_642 = arith.constant 0 : i32
        %dma_wait3A_643 = tpu.memref_slice %arg10[%dma_wait3A_640, %dma_wait3A_641, %dma_wait3A_642] : memref<3x24x128xf32, #tpu.memory_space<vmem>> -> memref<1x24x128xf32, #tpu.memory_space<vmem>>
        %dma_wait3A_644 = tpu.memref_squeeze %dma_wait3A_643 : memref<1x24x128xf32, #tpu.memory_space<vmem>> -> memref<24x128xf32, #tpu.memory_space<vmem>>
        %dma_wait3A_645 = arith.constant 0 : i32
        %dma_wait3A_646 = arith.constant 0 : i32
        %dma_wait3A_647 = tpu.memref_slice %arg5[%dma_wait3A_645, %dma_wait3A_646] : memref<50688x128xf32, #tpu.memory_space<hbm>> -> memref<24x128xf32, #tpu.memory_space<hbm>>
        %dma_wait3A_648 = arith.constant 0 : i32
        %dma_wait3A_649 = arith.constant 0 : i32
        %dma_wait3A_650 = tpu.memref_slice %arg5[%dma_wait3A_648, %dma_wait3A_649] : memref<50688x128xf32, #tpu.memory_space<hbm>> -> memref<24x128xf32, #tpu.memory_space<hbm>>
        %dma_wait3A_651 = arith.constant 0 : i32
        %dma_wait3A_652 = arith.constant 0 : i32
        %dma_wait3A_653 = tpu.memref_slice %arg10[%dma_wait3A_640, %dma_wait3A_651, %dma_wait3A_652] : memref<3x24x128xf32, #tpu.memory_space<vmem>> -> memref<1x24x128xf32, #tpu.memory_space<vmem>>
        %dma_wait3A_654 = tpu.memref_squeeze %dma_wait3A_653 : memref<1x24x128xf32, #tpu.memory_space<vmem>> -> memref<24x128xf32, #tpu.memory_space<vmem>>
        tpu.wait_dma2 semaphore(%arg17 : memref<!tpu.dma_semaphore, #tpu.memory_space<semaphore_mem>>) src(%dma_wait3A_654 : memref<24x128xf32, #tpu.memory_space<vmem>>) dst(%dma_wait3A_650 : memref<24x128xf32, #tpu.memory_space<hbm>>)
      } else {
      }
      %add3A_477 = arith.constant 3 : i32
      %add3A_478 = arith.addi %add3A_456, %add3A_477 : i32
      %sub3A_479 = arith.constant 1 : i32
      %sub3A_480 = arith.subi %add3A_478, %sub3A_479 : i32
      %lt3A_481 = arith.constant 66 : i32
      %lt3A_482 = arith.cmpi slt, %sub3A_480, %lt3A_481 : i32
      %convert_element_type3A_483 = arith.extui %lt3A_482 : i1 to i32
      %cond3A_484 = arith.constant 0 : i32
      %cond3A_485 = arith.cmpi ne, %convert_element_type3A_483, %cond3A_484 : i32
      scf.if %cond3A_485 {
        %dma_wait3A_619 = arith.constant 0 : i32
        %dma_wait3A_620 = tpu.memref_slice %arg6[%dma_wait3A_619] : memref<264xi32, #tpu.memory_space<vmem>> -> memref<24xi32, #tpu.memory_space<vmem>>
        %dma_wait3A_621 = arith.constant 0 : i32
        %dma_wait3A_622 = tpu.memref_slice %arg2[%dma_wait3A_621] : memref<557568xi32, #tpu.memory_space<hbm>> -> memref<24xi32, #tpu.memory_space<hbm>>
        %dma_wait3A_623 = arith.constant 0 : i32
        %dma_wait3A_624 = tpu.memref_slice %arg6[%dma_wait3A_623] : memref<264xi32, #tpu.memory_space<vmem>> -> memref<24xi32, #tpu.memory_space<vmem>>
        %dma_wait3A_625 = arith.constant 0 : i32
        %dma_wait3A_626 = tpu.memref_slice %arg2[%dma_wait3A_625] : memref<557568xi32, #tpu.memory_space<hbm>> -> memref<24xi32, #tpu.memory_space<hbm>>
        tpu.wait_dma2 semaphore(%arg14 : memref<!tpu.dma_semaphore, #tpu.memory_space<semaphore_mem>>) src(%dma_wait3A_626 : memref<24xi32, #tpu.memory_space<hbm>>) dst(%dma_wait3A_624 : memref<24xi32, #tpu.memory_space<vmem>>)
        %dma_wait3A_627 = arith.constant 24 : i32
        %dma_wait3A_628 = tpu.memref_slice %arg6[%dma_wait3A_627] : memref<264xi32, #tpu.memory_space<vmem>> -> memref<24xi32, #tpu.memory_space<vmem>>
        %dma_wait3A_629 = arith.constant 50688 : i32
        %dma_wait3A_630 = tpu.memref_slice %arg2[%dma_wait3A_629] : memref<557568xi32, #tpu.memory_space<hbm>> -> memref<24xi32, #tpu.memory_space<hbm>>
        %dma_wait3A_631 = arith.constant 24 : i32
        %dma_wait3A_632 = tpu.memref_slice %arg6[%dma_wait3A_631] : memref<264xi32, #tpu.memory_space<vmem>> -> memref<24xi32, #tpu.memory_space<vmem>>
        %dma_wait3A_633 = arith.constant 50688 : i32
        %dma_wait3A_634 = tpu.memref_slice %arg2[%dma_wait3A_633] : memref<557568xi32, #tpu.memory_space<hbm>> -> memref<24xi32, #tpu.memory_space<hbm>>
        tpu.wait_dma2 semaphore(%arg14 : memref<!tpu.dma_semaphore, #tpu.memory_space<semaphore_mem>>) src(%dma_wait3A_634 : memref<24xi32, #tpu.memory_space<hbm>>) dst(%dma_wait3A_632 : memref<24xi32, #tpu.memory_space<vmem>>)
        %dma_wait3A_635 = arith.constant 48 : i32
        %dma_wait3A_636 = tpu.memref_slice %arg6[%dma_wait3A_635] : memref<264xi32, #tpu.memory_space<vmem>> -> memref<24xi32, #tpu.memory_space<vmem>>
        %dma_wait3A_637 = arith.constant 101376 : i32
        %dma_wait3A_638 = tpu.memref_slice %arg2[%dma_wait3A_637] : memref<557568xi32, #tpu.memory_space<hbm>> -> memref<24xi32, #tpu.memory_space<hbm>>
        %dma_wait3A_639 = arith.constant 48 : i32
        %dma_wait3A_640 = tpu.memref_slice %arg6[%dma_wait3A_639] : memref<264xi32, #tpu.memory_space<vmem>> -> memref<24xi32, #tpu.memory_space<vmem>>
        %dma_wait3A_641 = arith.constant 101376 : i32
        %dma_wait3A_642 = tpu.memref_slice %arg2[%dma_wait3A_641] : memref<557568xi32, #tpu.memory_space<hbm>> -> memref<24xi32, #tpu.memory_space<hbm>>
        tpu.wait_dma2 semaphore(%arg14 : memref<!tpu.dma_semaphore, #tpu.memory_space<semaphore_mem>>) src(%dma_wait3A_642 : memref<24xi32, #tpu.memory_space<hbm>>) dst(%dma_wait3A_640 : memref<24xi32, #tpu.memory_space<vmem>>)
        %dma_wait3A_643 = arith.constant 72 : i32
        %dma_wait3A_644 = tpu.memref_slice %arg6[%dma_wait3A_643] : memref<264xi32, #tpu.memory_space<vmem>> -> memref<24xi32, #tpu.memory_space<vmem>>
        %dma_wait3A_645 = arith.constant 152064 : i32
        %dma_wait3A_646 = tpu.memref_slice %arg2[%dma_wait3A_645] : memref<557568xi32, #tpu.memory_space<hbm>> -> memref<24xi32, #tpu.memory_space<hbm>>
        %dma_wait3A_647 = arith.constant 72 : i32
        %dma_wait3A_648 = tpu.memref_slice %arg6[%dma_wait3A_647] : memref<264xi32, #tpu.memory_space<vmem>> -> memref<24xi32, #tpu.memory_space<vmem>>
        %dma_wait3A_649 = arith.constant 152064 : i32
        %dma_wait3A_650 = tpu.memref_slice %arg2[%dma_wait3A_649] : memref<557568xi32, #tpu.memory_space<hbm>> -> memref<24xi32, #tpu.memory_space<hbm>>
        tpu.wait_dma2 semaphore(%arg14 : memref<!tpu.dma_semaphore, #tpu.memory_space<semaphore_mem>>) src(%dma_wait3A_650 : memref<24xi32, #tpu.memory_space<hbm>>) dst(%dma_wait3A_648 : memref<24xi32, #tpu.memory_space<vmem>>)
        %dma_wait3A_651 = arith.constant 96 : i32
        %dma_wait3A_652 = tpu.memref_slice %arg6[%dma_wait3A_651] : memref<264xi32, #tpu.memory_space<vmem>> -> memref<24xi32, #tpu.memory_space<vmem>>
        %dma_wait3A_653 = arith.constant 202752 : i32
        %dma_wait3A_654 = tpu.memref_slice %arg2[%dma_wait3A_653] : memref<557568xi32, #tpu.memory_space<hbm>> -> memref<24xi32, #tpu.memory_space<hbm>>
        %dma_wait3A_655 = arith.constant 96 : i32
        %dma_wait3A_656 = tpu.memref_slice %arg6[%dma_wait3A_655] : memref<264xi32, #tpu.memory_space<vmem>> -> memref<24xi32, #tpu.memory_space<vmem>>
        %dma_wait3A_657 = arith.constant 202752 : i32
        %dma_wait3A_658 = tpu.memref_slice %arg2[%dma_wait3A_657] : memref<557568xi32, #tpu.memory_space<hbm>> -> memref<24xi32, #tpu.memory_space<hbm>>
        tpu.wait_dma2 semaphore(%arg14 : memref<!tpu.dma_semaphore, #tpu.memory_space<semaphore_mem>>) src(%dma_wait3A_658 : memref<24xi32, #tpu.memory_space<hbm>>) dst(%dma_wait3A_656 : memref<24xi32, #tpu.memory_space<vmem>>)
        %dma_wait3A_659 = arith.constant 120 : i32
        %dma_wait3A_660 = tpu.memref_slice %arg6[%dma_wait3A_659] : memref<264xi32, #tpu.memory_space<vmem>> -> memref<24xi32, #tpu.memory_space<vmem>>
        %dma_wait3A_661 = arith.constant 253440 : i32
        %dma_wait3A_662 = tpu.memref_slice %arg2[%dma_wait3A_661] : memref<557568xi32, #tpu.memory_space<hbm>> -> memref<24xi32, #tpu.memory_space<hbm>>
        %dma_wait3A_663 = arith.constant 120 : i32
        %dma_wait3A_664 = tpu.memref_slice %arg6[%dma_wait3A_663] : memref<264xi32, #tpu.memory_space<vmem>> -> memref<24xi32, #tpu.memory_space<vmem>>
        %dma_wait3A_665 = arith.constant 253440 : i32
        %dma_wait3A_666 = tpu.memref_slice %arg2[%dma_wait3A_665] : memref<557568xi32, #tpu.memory_space<hbm>> -> memref<24xi32, #tpu.memory_space<hbm>>
        tpu.wait_dma2 semaphore(%arg14 : memref<!tpu.dma_semaphore, #tpu.memory_space<semaphore_mem>>) src(%dma_wait3A_666 : memref<24xi32, #tpu.memory_space<hbm>>) dst(%dma_wait3A_664 : memref<24xi32, #tpu.memory_space<vmem>>)
        %dma_wait3A_667 = arith.constant 144 : i32
        %dma_wait3A_668 = tpu.memref_slice %arg6[%dma_wait3A_667] : memref<264xi32, #tpu.memory_space<vmem>> -> memref<24xi32, #tpu.memory_space<vmem>>
        %dma_wait3A_669 = arith.constant 304128 : i32
        %dma_wait3A_670 = tpu.memref_slice %arg2[%dma_wait3A_669] : memref<557568xi32, #tpu.memory_space<hbm>> -> memref<24xi32, #tpu.memory_space<hbm>>
        %dma_wait3A_671 = arith.constant 144 : i32
        %dma_wait3A_672 = tpu.memref_slice %arg6[%dma_wait3A_671] : memref<264xi32, #tpu.memory_space<vmem>> -> memref<24xi32, #tpu.memory_space<vmem>>
        %dma_wait3A_673 = arith.constant 304128 : i32
        %dma_wait3A_674 = tpu.memref_slice %arg2[%dma_wait3A_673] : memref<557568xi32, #tpu.memory_space<hbm>> -> memref<24xi32, #tpu.memory_space<hbm>>
        tpu.wait_dma2 semaphore(%arg14 : memref<!tpu.dma_semaphore, #tpu.memory_space<semaphore_mem>>) src(%dma_wait3A_674 : memref<24xi32, #tpu.memory_space<hbm>>) dst(%dma_wait3A_672 : memref<24xi32, #tpu.memory_space<vmem>>)
        %dma_wait3A_675 = arith.constant 168 : i32
        %dma_wait3A_676 = tpu.memref_slice %arg6[%dma_wait3A_675] : memref<264xi32, #tpu.memory_space<vmem>> -> memref<24xi32, #tpu.memory_space<vmem>>
        %dma_wait3A_677 = arith.constant 354816 : i32
        %dma_wait3A_678 = tpu.memref_slice %arg2[%dma_wait3A_677] : memref<557568xi32, #tpu.memory_space<hbm>> -> memref<24xi32, #tpu.memory_space<hbm>>
        %dma_wait3A_679 = arith.constant 168 : i32
        %dma_wait3A_680 = tpu.memref_slice %arg6[%dma_wait3A_679] : memref<264xi32, #tpu.memory_space<vmem>> -> memref<24xi32, #tpu.memory_space<vmem>>
        %dma_wait3A_681 = arith.constant 354816 : i32
        %dma_wait3A_682 = tpu.memref_slice %arg2[%dma_wait3A_681] : memref<557568xi32, #tpu.memory_space<hbm>> -> memref<24xi32, #tpu.memory_space<hbm>>
        tpu.wait_dma2 semaphore(%arg14 : memref<!tpu.dma_semaphore, #tpu.memory_space<semaphore_mem>>) src(%dma_wait3A_682 : memref<24xi32, #tpu.memory_space<hbm>>) dst(%dma_wait3A_680 : memref<24xi32, #tpu.memory_space<vmem>>)
        %dma_wait3A_683 = arith.constant 192 : i32
        %dma_wait3A_684 = tpu.memref_slice %arg6[%dma_wait3A_683] : memref<264xi32, #tpu.memory_space<vmem>> -> memref<24xi32, #tpu.memory_space<vmem>>
        %dma_wait3A_685 = arith.constant 405504 : i32
        %dma_wait3A_686 = tpu.memref_slice %arg2[%dma_wait3A_685] : memref<557568xi32, #tpu.memory_space<hbm>> -> memref<24xi32, #tpu.memory_space<hbm>>
        %dma_wait3A_687 = arith.constant 192 : i32
        %dma_wait3A_688 = tpu.memref_slice %arg6[%dma_wait3A_687] : memref<264xi32, #tpu.memory_space<vmem>> -> memref<24xi32, #tpu.memory_space<vmem>>
        %dma_wait3A_689 = arith.constant 405504 : i32
        %dma_wait3A_690 = tpu.memref_slice %arg2[%dma_wait3A_689] : memref<557568xi32, #tpu.memory_space<hbm>> -> memref<24xi32, #tpu.memory_space<hbm>>
        tpu.wait_dma2 semaphore(%arg14 : memref<!tpu.dma_semaphore, #tpu.memory_space<semaphore_mem>>) src(%dma_wait3A_690 : memref<24xi32, #tpu.memory_space<hbm>>) dst(%dma_wait3A_688 : memref<24xi32, #tpu.memory_space<vmem>>)
        %dma_wait3A_691 = arith.constant 216 : i32
        %dma_wait3A_692 = tpu.memref_slice %arg6[%dma_wait3A_691] : memref<264xi32, #tpu.memory_space<vmem>> -> memref<24xi32, #tpu.memory_space<vmem>>
        %dma_wait3A_693 = arith.constant 456192 : i32
        %dma_wait3A_694 = tpu.memref_slice %arg2[%dma_wait3A_693] : memref<557568xi32, #tpu.memory_space<hbm>> -> memref<24xi32, #tpu.memory_space<hbm>>
        %dma_wait3A_695 = arith.constant 216 : i32
        %dma_wait3A_696 = tpu.memref_slice %arg6[%dma_wait3A_695] : memref<264xi32, #tpu.memory_space<vmem>> -> memref<24xi32, #tpu.memory_space<vmem>>
        %dma_wait3A_697 = arith.constant 456192 : i32
        %dma_wait3A_698 = tpu.memref_slice %arg2[%dma_wait3A_697] : memref<557568xi32, #tpu.memory_space<hbm>> -> memref<24xi32, #tpu.memory_space<hbm>>
        tpu.wait_dma2 semaphore(%arg14 : memref<!tpu.dma_semaphore, #tpu.memory_space<semaphore_mem>>) src(%dma_wait3A_698 : memref<24xi32, #tpu.memory_space<hbm>>) dst(%dma_wait3A_696 : memref<24xi32, #tpu.memory_space<vmem>>)
        %dma_wait3A_699 = arith.constant 240 : i32
        %dma_wait3A_700 = tpu.memref_slice %arg6[%dma_wait3A_699] : memref<264xi32, #tpu.memory_space<vmem>> -> memref<24xi32, #tpu.memory_space<vmem>>
        %dma_wait3A_701 = arith.constant 506880 : i32
        %dma_wait3A_702 = tpu.memref_slice %arg2[%dma_wait3A_701] : memref<557568xi32, #tpu.memory_space<hbm>> -> memref<24xi32, #tpu.memory_space<hbm>>
        %dma_wait3A_703 = arith.constant 240 : i32
        %dma_wait3A_704 = tpu.memref_slice %arg6[%dma_wait3A_703] : memref<264xi32, #tpu.memory_space<vmem>> -> memref<24xi32, #tpu.memory_space<vmem>>
        %dma_wait3A_705 = arith.constant 506880 : i32
        %dma_wait3A_706 = tpu.memref_slice %arg2[%dma_wait3A_705] : memref<557568xi32, #tpu.memory_space<hbm>> -> memref<24xi32, #tpu.memory_space<hbm>>
        tpu.wait_dma2 semaphore(%arg14 : memref<!tpu.dma_semaphore, #tpu.memory_space<semaphore_mem>>) src(%dma_wait3A_706 : memref<24xi32, #tpu.memory_space<hbm>>) dst(%dma_wait3A_704 : memref<24xi32, #tpu.memory_space<vmem>>)
      } else {
      }
      %add3A_486 = arith.constant 3 : i32
      %add3A_487 = arith.addi %add3A_456, %add3A_486 : i32
      %sub3A_488 = arith.constant 1 : i32
      %sub3A_489 = arith.subi %add3A_487, %sub3A_488 : i32
      %lt3A_490 = arith.constant 66 : i32
      %lt3A_491 = arith.cmpi slt, %sub3A_489, %lt3A_490 : i32
      %convert_element_type3A_492 = arith.extui %lt3A_491 : i1 to i32
      %cond3A_493 = arith.constant 0 : i32
      %cond3A_494 = arith.cmpi ne, %convert_element_type3A_492, %cond3A_493 : i32
      scf.if %cond3A_494 {
        %dma_start3A_619 = arith.constant 0 : i32
        %dma_start3A_620 = arith.constant 0 : i32
        %dma_start3A_621 = arith.constant 0 : i32
        %dma_start3A_622 = tpu.memref_slice %arg9[%dma_start3A_619, %dma_start3A_620, %dma_start3A_621] : memref<3x264x128xf32, #tpu.memory_space<vmem>> -> memref<1x264x128xf32, #tpu.memory_space<vmem>>
        %dma_start3A_623 = tpu.memref_squeeze %dma_start3A_622 : memref<1x264x128xf32, #tpu.memory_space<vmem>> -> memref<264x128xf32, #tpu.memory_space<vmem>>
        %dma_start3A_624 = arith.constant 0 : i32
        %dma_start3A_625 = arith.constant 0 : i32
        %dma_start3A_626 = tpu.memref_slice %arg3[%dma_start3A_624, %dma_start3A_625] : memref<100000x128xf32, #tpu.memory_space<hbm>> -> memref<100000x128xf32, #tpu.memory_space<hbm>>
        tpu.enqueue_indirect_dma source(%dma_start3A_626 : memref<100000x128xf32, #tpu.memory_space<hbm>>) target(%dma_start3A_623 : memref<264x128xf32, #tpu.memory_space<vmem>>) offsets(%arg6 : memref<264xi32, #tpu.memory_space<vmem>>) semaphore(%arg11 : memref<!tpu.dma_semaphore, #tpu.memory_space<semaphore_mem>>)
      } else {
      }
      %scan3A_495 = arith.constant 0 : i32
      %scan3A_496 = arith.constant 0 : i32
      %scan3A_497 = arith.constant 24 : i32
      %scan3A_498 = arith.addi %scan3A_496, %scan3A_497 : i32
      %scan3A_499 = arith.constant 1 : i32
      scf.for %scan3A_619 = %scan3A_496 to %scan3A_498 step %scan3A_499  : i32 {
        %add3A_620 = arith.constant 24 : i32
        %add3A_621 = arith.addi %add3A_620, %scan3A_619 : i32
        %get3A = arith.constant 1 : i32
        %get3A_622 = arith.index_cast %get3A : i32 to index
        %get3A_623 = arith.index_cast %add3A_621 : i32 to index
        %get3A_624 = arith.constant 0 : index
        %get3A_625 = tpu.vector_load %arg9[%get3A_622, %get3A_623, %get3A_624] {strides = array<i32>} : memref<3x264x128xf32, #tpu.memory_space<vmem>>, vector<1x1x16xf32>,
        %get3A_626 = vector.shape_cast %get3A_625 : vector<1x1x16xf32> to vector<16xf32>
        %add3A_627 = arith.constant 48 : i32
        %add3A_628 = arith.addi %add3A_627, %scan3A_619 : i32
        %get3A_629 = arith.constant 1 : i32
        %get3A_630 = arith.index_cast %get3A_629 : i32 to index
        %get3A_631 = arith.index_cast %add3A_628 : i32 to index
        %get3A_632 = arith.constant 0 : index
        %get3A_633 = tpu.vector_load %arg9[%get3A_630, %get3A_631, %get3A_632] {strides = array<i32>} : memref<3x264x128xf32, #tpu.memory_space<vmem>>, vector<1x1x16xf32>,
        %get3A_634 = vector.shape_cast %get3A_633 : vector<1x1x16xf32> to vector<16xf32>
        %add3A_635 = arith.addf %get3A_626, %get3A_634 : vector<16xf32>
        %add3A_636 = arith.constant 72 : i32
        %add3A_637 = arith.addi %add3A_636, %scan3A_619 : i32
        %get3A_638 = arith.constant 1 : i32
        %get3A_639 = arith.index_cast %get3A_638 : i32 to index
        %get3A_640 = arith.index_cast %add3A_637 : i32 to index
        %get3A_641 = arith.constant 0 : index
        %get3A_642 = tpu.vector_load %arg9[%get3A_639, %get3A_640, %get3A_641] {strides = array<i32>} : memref<3x264x128xf32, #tpu.memory_space<vmem>>, vector<1x1x16xf32>,
        %get3A_643 = vector.shape_cast %get3A_642 : vector<1x1x16xf32> to vector<16xf32>
        %add3A_644 = arith.addf %add3A_635, %get3A_643 : vector<16xf32>
        %add3A_645 = arith.constant 96 : i32
        %add3A_646 = arith.addi %add3A_645, %scan3A_619 : i32
        %get3A_647 = arith.constant 1 : i32
        %get3A_648 = arith.index_cast %get3A_647 : i32 to index
        %get3A_649 = arith.index_cast %add3A_646 : i32 to index
        %get3A_650 = arith.constant 0 : index
        %get3A_651 = tpu.vector_load %arg9[%get3A_648, %get3A_649, %get3A_650] {strides = array<i32>} : memref<3x264x128xf32, #tpu.memory_space<vmem>>, vector<1x1x16xf32>,
        %get3A_652 = vector.shape_cast %get3A_651 : vector<1x1x16xf32> to vector<16xf32>
        %add3A_653 = arith.addf %add3A_644, %get3A_652 : vector<16xf32>
        %add3A_654 = arith.constant 120 : i32
        %add3A_655 = arith.addi %add3A_654, %scan3A_619 : i32
        %get3A_656 = arith.constant 1 : i32
        %get3A_657 = arith.index_cast %get3A_656 : i32 to index
        %get3A_658 = arith.index_cast %add3A_655 : i32 to index
        %get3A_659 = arith.constant 0 : index
        %get3A_660 = tpu.vector_load %arg9[%get3A_657, %get3A_658, %get3A_659] {strides = array<i32>} : memref<3x264x128xf32, #tpu.memory_space<vmem>>, vector<1x1x16xf32>,
        %get3A_661 = vector.shape_cast %get3A_660 : vector<1x1x16xf32> to vector<16xf32>
        %add3A_662 = arith.addf %add3A_653, %get3A_661 : vector<16xf32>
        %add3A_663 = arith.constant 144 : i32
        %add3A_664 = arith.addi %add3A_663, %scan3A_619 : i32
        %get3A_665 = arith.constant 1 : i32
        %get3A_666 = arith.index_cast %get3A_665 : i32 to index
        %get3A_667 = arith.index_cast %add3A_664 : i32 to index
        %get3A_668 = arith.constant 0 : index
        %get3A_669 = tpu.vector_load %arg9[%get3A_666, %get3A_667, %get3A_668] {strides = array<i32>} : memref<3x264x128xf32, #tpu.memory_space<vmem>>, vector<1x1x16xf32>,
        %get3A_670 = vector.shape_cast %get3A_669 : vector<1x1x16xf32> to vector<16xf32>
        %add3A_671 = arith.addf %add3A_662, %get3A_670 : vector<16xf32>
        %add3A_672 = arith.constant 168 : i32
        %add3A_673 = arith.addi %add3A_672, %scan3A_619 : i32
        %get3A_674 = arith.constant 1 : i32
        %get3A_675 = arith.index_cast %get3A_674 : i32 to index
        %get3A_676 = arith.index_cast %add3A_673 : i32 to index
        %get3A_677 = arith.constant 0 : index
        %get3A_678 = tpu.vector_load %arg9[%get3A_675, %get3A_676, %get3A_677] {strides = array<i32>} : memref<3x264x128xf32, #tpu.memory_space<vmem>>, vector<1x1x16xf32>,
        %get3A_679 = vector.shape_cast %get3A_678 : vector<1x1x16xf32> to vector<16xf32>
        %add3A_680 = arith.addf %add3A_671, %get3A_679 : vector<16xf32>
        %add3A_681 = arith.constant 192 : i32
        %add3A_682 = arith.addi %add3A_681, %scan3A_619 : i32
        %get3A_683 = arith.constant 1 : i32
        %get3A_684 = arith.index_cast %get3A_683 : i32 to index
        %get3A_685 = arith.index_cast %add3A_682 : i32 to index
        %get3A_686 = arith.constant 0 : index
        %get3A_687 = tpu.vector_load %arg9[%get3A_684, %get3A_685, %get3A_686] {strides = array<i32>} : memref<3x264x128xf32, #tpu.memory_space<vmem>>, vector<1x1x16xf32>,
        %get3A_688 = vector.shape_cast %get3A_687 : vector<1x1x16xf32> to vector<16xf32>
        %add3A_689 = arith.addf %add3A_680, %get3A_688 : vector<16xf32>
        %add3A_690 = arith.constant 216 : i32
        %add3A_691 = arith.addi %add3A_690, %scan3A_619 : i32
        %get3A_692 = arith.constant 1 : i32
        %get3A_693 = arith.index_cast %get3A_692 : i32 to index
        %get3A_694 = arith.index_cast %add3A_691 : i32 to index
        %get3A_695 = arith.constant 0 : index
        %get3A_696 = tpu.vector_load %arg9[%get3A_693, %get3A_694, %get3A_695] {strides = array<i32>} : memref<3x264x128xf32, #tpu.memory_space<vmem>>, vector<1x1x16xf32>,
        %get3A_697 = vector.shape_cast %get3A_696 : vector<1x1x16xf32> to vector<16xf32>
        %add3A_698 = arith.addf %add3A_689, %get3A_697 : vector<16xf32>
        %add3A_699 = arith.constant 240 : i32
        %add3A_700 = arith.addi %add3A_699, %scan3A_619 : i32
        %get3A_701 = arith.constant 1 : i32
        %get3A_702 = arith.index_cast %get3A_701 : i32 to index
        %get3A_703 = arith.index_cast %add3A_700 : i32 to index
        %get3A_704 = arith.constant 0 : index
        %get3A_705 = tpu.vector_load %arg9[%get3A_702, %get3A_703, %get3A_704] {strides = array<i32>} : memref<3x264x128xf32, #tpu.memory_space<vmem>>, vector<1x1x16xf32>,
        %get3A_706 = vector.shape_cast %get3A_705 : vector<1x1x16xf32> to vector<16xf32>
        %add3A_707 = arith.addf %add3A_698, %get3A_706 : vector<16xf32>
        %mul3A_708 = arith.constant 1.000000e-01 : f32
        %mul3A_709 = vector.broadcast %mul3A_708 : f32 to vector<16xf32>
        %mul3A_710 = arith.mulf %add3A_707, %mul3A_709 : vector<16xf32>
        %swap3A = arith.constant 1 : i32
        %swap3A_711 = arith.index_cast %swap3A : i32 to index
        %swap3A_712 = arith.index_cast %scan3A_619 : i32 to index
        %swap3A_713 = arith.constant 0 : index
        %swap3A_714 = tpu.vector_load %arg10[%swap3A_711, %swap3A_712, %swap3A_713] {strides = array<i32>} : memref<3x24x128xf32, #tpu.memory_space<vmem>>, vector<1x1x16xf32>,
        %swap3A_715 = vector.shape_cast %swap3A_714 : vector<1x1x16xf32> to vector<16xf32>
        %swap3A_716 = vector.shape_cast %mul3A_710 : vector<16xf32> to vector<1x1x16xf32>
        tpu.vector_store %arg10[%swap3A_711, %swap3A_712, %swap3A_713], %swap3A_716 {strides = array<i32>} : memref<3x24x128xf32, #tpu.memory_space<vmem>>, vector<1x1x16xf32>,
        %add3A_717 = arith.constant 24 : i32
        %add3A_718 = arith.addi %add3A_717, %scan3A_619 : i32
        %get3A_719 = arith.constant 1 : i32
        %get3A_720 = arith.index_cast %get3A_719 : i32 to index
        %get3A_721 = arith.index_cast %add3A_718 : i32 to index
        %get3A_722 = arith.constant 16 : index
        %get3A_723 = tpu.vector_load %arg9[%get3A_720, %get3A_721, %get3A_722] {strides = array<i32>} : memref<3x264x128xf32, #tpu.memory_space<vmem>>, vector<1x1x16xf32>,
        %get3A_724 = vector.shape_cast %get3A_723 : vector<1x1x16xf32> to vector<16xf32>
        %add3A_725 = arith.constant 48 : i32
        %add3A_726 = arith.addi %add3A_725, %scan3A_619 : i32
        %get3A_727 = arith.constant 1 : i32
        %get3A_728 = arith.index_cast %get3A_727 : i32 to index
        %get3A_729 = arith.index_cast %add3A_726 : i32 to index
        %get3A_730 = arith.constant 16 : index
        %get3A_731 = tpu.vector_load %arg9[%get3A_728, %get3A_729, %get3A_730] {strides = array<i32>} : memref<3x264x128xf32, #tpu.memory_space<vmem>>, vector<1x1x16xf32>,
        %get3A_732 = vector.shape_cast %get3A_731 : vector<1x1x16xf32> to vector<16xf32>
        %add3A_733 = arith.addf %get3A_724, %get3A_732 : vector<16xf32>
        %add3A_734 = arith.constant 72 : i32
        %add3A_735 = arith.addi %add3A_734, %scan3A_619 : i32
        %get3A_736 = arith.constant 1 : i32
        %get3A_737 = arith.index_cast %get3A_736 : i32 to index
        %get3A_738 = arith.index_cast %add3A_735 : i32 to index
        %get3A_739 = arith.constant 16 : index
        %get3A_740 = tpu.vector_load %arg9[%get3A_737, %get3A_738, %get3A_739] {strides = array<i32>} : memref<3x264x128xf32, #tpu.memory_space<vmem>>, vector<1x1x16xf32>,
        %get3A_741 = vector.shape_cast %get3A_740 : vector<1x1x16xf32> to vector<16xf32>
        %add3A_742 = arith.addf %add3A_733, %get3A_741 : vector<16xf32>
        %add3A_743 = arith.constant 96 : i32
        %add3A_744 = arith.addi %add3A_743, %scan3A_619 : i32
        %get3A_745 = arith.constant 1 : i32
        %get3A_746 = arith.index_cast %get3A_745 : i32 to index
        %get3A_747 = arith.index_cast %add3A_744 : i32 to index
        %get3A_748 = arith.constant 16 : index
        %get3A_749 = tpu.vector_load %arg9[%get3A_746, %get3A_747, %get3A_748] {strides = array<i32>} : memref<3x264x128xf32, #tpu.memory_space<vmem>>, vector<1x1x16xf32>,
        %get3A_750 = vector.shape_cast %get3A_749 : vector<1x1x16xf32> to vector<16xf32>
        %add3A_751 = arith.addf %add3A_742, %get3A_750 : vector<16xf32>
        %add3A_752 = arith.constant 120 : i32
        %add3A_753 = arith.addi %add3A_752, %scan3A_619 : i32
        %get3A_754 = arith.constant 1 : i32
        %get3A_755 = arith.index_cast %get3A_754 : i32 to index
        %get3A_756 = arith.index_cast %add3A_753 : i32 to index
        %get3A_757 = arith.constant 16 : index
        %get3A_758 = tpu.vector_load %arg9[%get3A_755, %get3A_756, %get3A_757] {strides = array<i32>} : memref<3x264x128xf32, #tpu.memory_space<vmem>>, vector<1x1x16xf32>,
        %get3A_759 = vector.shape_cast %get3A_758 : vector<1x1x16xf32> to vector<16xf32>
        %add3A_760 = arith.addf %add3A_751, %get3A_759 : vector<16xf32>
        %add3A_761 = arith.constant 144 : i32
        %add3A_762 = arith.addi %add3A_761, %scan3A_619 : i32
        %get3A_763 = arith.constant 1 : i32
        %get3A_764 = arith.index_cast %get3A_763 : i32 to index
        %get3A_765 = arith.index_cast %add3A_762 : i32 to index
        %get3A_766 = arith.constant 16 : index
        %get3A_767 = tpu.vector_load %arg9[%get3A_764, %get3A_765, %get3A_766] {strides = array<i32>} : memref<3x264x128xf32, #tpu.memory_space<vmem>>, vector<1x1x16xf32>,
        %get3A_768 = vector.shape_cast %get3A_767 : vector<1x1x16xf32> to vector<16xf32>
        %add3A_769 = arith.addf %add3A_760, %get3A_768 : vector<16xf32>
        %add3A_770 = arith.constant 168 : i32
        %add3A_771 = arith.addi %add3A_770, %scan3A_619 : i32
        %get3A_772 = arith.constant 1 : i32
        %get3A_773 = arith.index_cast %get3A_772 : i32 to index
        %get3A_774 = arith.index_cast %add3A_771 : i32 to index
        %get3A_775 = arith.constant 16 : index
        %get3A_776 = tpu.vector_load %arg9[%get3A_773, %get3A_774, %get3A_775] {strides = array<i32>} : memref<3x264x128xf32, #tpu.memory_space<vmem>>, vector<1x1x16xf32>,
        %get3A_777 = vector.shape_cast %get3A_776 : vector<1x1x16xf32> to vector<16xf32>
        %add3A_778 = arith.addf %add3A_769, %get3A_777 : vector<16xf32>
        %add3A_779 = arith.constant 192 : i32
        %add3A_780 = arith.addi %add3A_779, %scan3A_619 : i32
        %get3A_781 = arith.constant 1 : i32
        %get3A_782 = arith.index_cast %get3A_781 : i32 to index
        %get3A_783 = arith.index_cast %add3A_780 : i32 to index
        %get3A_784 = arith.constant 16 : index
        %get3A_785 = tpu.vector_load %arg9[%get3A_782, %get3A_783, %get3A_784] {strides = array<i32>} : memref<3x264x128xf32, #tpu.memory_space<vmem>>, vector<1x1x16xf32>,
        %get3A_786 = vector.shape_cast %get3A_785 : vector<1x1x16xf32> to vector<16xf32>
        %add3A_787 = arith.addf %add3A_778, %get3A_786 : vector<16xf32>
        %add3A_788 = arith.constant 216 : i32
        %add3A_789 = arith.addi %add3A_788, %scan3A_619 : i32
        %get3A_790 = arith.constant 1 : i32
        %get3A_791 = arith.index_cast %get3A_790 : i32 to index
        %get3A_792 = arith.index_cast %add3A_789 : i32 to index
        %get3A_793 = arith.constant 16 : index
        %get3A_794 = tpu.vector_load %arg9[%get3A_791, %get3A_792, %get3A_793] {strides = array<i32>} : memref<3x264x128xf32, #tpu.memory_space<vmem>>, vector<1x1x16xf32>,
        %get3A_795 = vector.shape_cast %get3A_794 : vector<1x1x16xf32> to vector<16xf32>
        %add3A_796 = arith.addf %add3A_787, %get3A_795 : vector<16xf32>
        %add3A_797 = arith.constant 240 : i32
        %add3A_798 = arith.addi %add3A_797, %scan3A_619 : i32
        %get3A_799 = arith.constant 1 : i32
        %get3A_800 = arith.index_cast %get3A_799 : i32 to index
        %get3A_801 = arith.index_cast %add3A_798 : i32 to index
        %get3A_802 = arith.constant 16 : index
        %get3A_803 = tpu.vector_load %arg9[%get3A_800, %get3A_801, %get3A_802] {strides = array<i32>} : memref<3x264x128xf32, #tpu.memory_space<vmem>>, vector<1x1x16xf32>,
        %get3A_804 = vector.shape_cast %get3A_803 : vector<1x1x16xf32> to vector<16xf32>
        %add3A_805 = arith.addf %add3A_796, %get3A_804 : vector<16xf32>
        %mul3A_806 = arith.constant 1.000000e-01 : f32
        %mul3A_807 = vector.broadcast %mul3A_806 : f32 to vector<16xf32>
        %mul3A_808 = arith.mulf %add3A_805, %mul3A_807 : vector<16xf32>
        %swap3A_809 = arith.constant 1 : i32
        %swap3A_810 = arith.index_cast %swap3A_809 : i32 to index
        %swap3A_811 = arith.index_cast %scan3A_619 : i32 to index
        %swap3A_812 = arith.constant 16 : index
        %swap3A_813 = tpu.vector_load %arg10[%swap3A_810, %swap3A_811, %swap3A_812] {strides = array<i32>} : memref<3x24x128xf32, #tpu.memory_space<vmem>>, vector<1x1x16xf32>,
        %swap3A_814 = vector.shape_cast %swap3A_813 : vector<1x1x16xf32> to vector<16xf32>
        %swap3A_815 = vector.shape_cast %mul3A_808 : vector<16xf32> to vector<1x1x16xf32>
        tpu.vector_store %arg10[%swap3A_810, %swap3A_811, %swap3A_812], %swap3A_815 {strides = array<i32>} : memref<3x24x128xf32, #tpu.memory_space<vmem>>, vector<1x1x16xf32>,
        %add3A_816 = arith.constant 24 : i32
        %add3A_817 = arith.addi %add3A_816, %scan3A_619 : i32
        %get3A_818 = arith.constant 1 : i32
        %get3A_819 = arith.index_cast %get3A_818 : i32 to index
        %get3A_820 = arith.index_cast %add3A_817 : i32 to index
        %get3A_821 = arith.constant 32 : index
        %get3A_822 = tpu.vector_load %arg9[%get3A_819, %get3A_820, %get3A_821] {strides = array<i32>} : memref<3x264x128xf32, #tpu.memory_space<vmem>>, vector<1x1x16xf32>,
        %get3A_823 = vector.shape_cast %get3A_822 : vector<1x1x16xf32> to vector<16xf32>
        %add3A_824 = arith.constant 48 : i32
        %add3A_825 = arith.addi %add3A_824, %scan3A_619 : i32
        %get3A_826 = arith.constant 1 : i32
        %get3A_827 = arith.index_cast %get3A_826 : i32 to index
        %get3A_828 = arith.index_cast %add3A_825 : i32 to index
        %get3A_829 = arith.constant 32 : index
        %get3A_830 = tpu.vector_load %arg9[%get3A_827, %get3A_828, %get3A_829] {strides = array<i32>} : memref<3x264x128xf32, #tpu.memory_space<vmem>>, vector<1x1x16xf32>,
        %get3A_831 = vector.shape_cast %get3A_830 : vector<1x1x16xf32> to vector<16xf32>
        %add3A_832 = arith.addf %get3A_823, %get3A_831 : vector<16xf32>
        %add3A_833 = arith.constant 72 : i32
        %add3A_834 = arith.addi %add3A_833, %scan3A_619 : i32
        %get3A_835 = arith.constant 1 : i32
        %get3A_836 = arith.index_cast %get3A_835 : i32 to index
        %get3A_837 = arith.index_cast %add3A_834 : i32 to index
        %get3A_838 = arith.constant 32 : index
        %get3A_839 = tpu.vector_load %arg9[%get3A_836, %get3A_837, %get3A_838] {strides = array<i32>} : memref<3x264x128xf32, #tpu.memory_space<vmem>>, vector<1x1x16xf32>,
        %get3A_840 = vector.shape_cast %get3A_839 : vector<1x1x16xf32> to vector<16xf32>
        %add3A_841 = arith.addf %add3A_832, %get3A_840 : vector<16xf32>
        %add3A_842 = arith.constant 96 : i32
        %add3A_843 = arith.addi %add3A_842, %scan3A_619 : i32
        %get3A_844 = arith.constant 1 : i32
        %get3A_845 = arith.index_cast %get3A_844 : i32 to index
        %get3A_846 = arith.index_cast %add3A_843 : i32 to index
        %get3A_847 = arith.constant 32 : index
        %get3A_848 = tpu.vector_load %arg9[%get3A_845, %get3A_846, %get3A_847] {strides = array<i32>} : memref<3x264x128xf32, #tpu.memory_space<vmem>>, vector<1x1x16xf32>,
        %get3A_849 = vector.shape_cast %get3A_848 : vector<1x1x16xf32> to vector<16xf32>
        %add3A_850 = arith.addf %add3A_841, %get3A_849 : vector<16xf32>
        %add3A_851 = arith.constant 120 : i32
        %add3A_852 = arith.addi %add3A_851, %scan3A_619 : i32
        %get3A_853 = arith.constant 1 : i32
        %get3A_854 = arith.index_cast %get3A_853 : i32 to index
        %get3A_855 = arith.index_cast %add3A_852 : i32 to index
        %get3A_856 = arith.constant 32 : index
        %get3A_857 = tpu.vector_load %arg9[%get3A_854, %get3A_855, %get3A_856] {strides = array<i32>} : memref<3x264x128xf32, #tpu.memory_space<vmem>>, vector<1x1x16xf32>,
        %get3A_858 = vector.shape_cast %get3A_857 : vector<1x1x16xf32> to vector<16xf32>
        %add3A_859 = arith.addf %add3A_850, %get3A_858 : vector<16xf32>
        %add3A_860 = arith.constant 144 : i32
        %add3A_861 = arith.addi %add3A_860, %scan3A_619 : i32
        %get3A_862 = arith.constant 1 : i32
        %get3A_863 = arith.index_cast %get3A_862 : i32 to index
        %get3A_864 = arith.index_cast %add3A_861 : i32 to index
        %get3A_865 = arith.constant 32 : index
        %get3A_866 = tpu.vector_load %arg9[%get3A_863, %get3A_864, %get3A_865] {strides = array<i32>} : memref<3x264x128xf32, #tpu.memory_space<vmem>>, vector<1x1x16xf32>,
        %get3A_867 = vector.shape_cast %get3A_866 : vector<1x1x16xf32> to vector<16xf32>
        %add3A_868 = arith.addf %add3A_859, %get3A_867 : vector<16xf32>
        %add3A_869 = arith.constant 168 : i32
        %add3A_870 = arith.addi %add3A_869, %scan3A_619 : i32
        %get3A_871 = arith.constant 1 : i32
        %get3A_872 = arith.index_cast %get3A_871 : i32 to index
        %get3A_873 = arith.index_cast %add3A_870 : i32 to index
        %get3A_874 = arith.constant 32 : index
        %get3A_875 = tpu.vector_load %arg9[%get3A_872, %get3A_873, %get3A_874] {strides = array<i32>} : memref<3x264x128xf32, #tpu.memory_space<vmem>>, vector<1x1x16xf32>,
        %get3A_876 = vector.shape_cast %get3A_875 : vector<1x1x16xf32> to vector<16xf32>
        %add3A_877 = arith.addf %add3A_868, %get3A_876 : vector<16xf32>
        %add3A_878 = arith.constant 192 : i32
        %add3A_879 = arith.addi %add3A_878, %scan3A_619 : i32
        %get3A_880 = arith.constant 1 : i32
        %get3A_881 = arith.index_cast %get3A_880 : i32 to index
        %get3A_882 = arith.index_cast %add3A_879 : i32 to index
        %get3A_883 = arith.constant 32 : index
        %get3A_884 = tpu.vector_load %arg9[%get3A_881, %get3A_882, %get3A_883] {strides = array<i32>} : memref<3x264x128xf32, #tpu.memory_space<vmem>>, vector<1x1x16xf32>,
        %get3A_885 = vector.shape_cast %get3A_884 : vector<1x1x16xf32> to vector<16xf32>
        %add3A_886 = arith.addf %add3A_877, %get3A_885 : vector<16xf32>
        %add3A_887 = arith.constant 216 : i32
        %add3A_888 = arith.addi %add3A_887, %scan3A_619 : i32
        %get3A_889 = arith.constant 1 : i32
        %get3A_890 = arith.index_cast %get3A_889 : i32 to index
        %get3A_891 = arith.index_cast %add3A_888 : i32 to index
        %get3A_892 = arith.constant 32 : index
        %get3A_893 = tpu.vector_load %arg9[%get3A_890, %get3A_891, %get3A_892] {strides = array<i32>} : memref<3x264x128xf32, #tpu.memory_space<vmem>>, vector<1x1x16xf32>,
        %get3A_894 = vector.shape_cast %get3A_893 : vector<1x1x16xf32> to vector<16xf32>
        %add3A_895 = arith.addf %add3A_886, %get3A_894 : vector<16xf32>
        %add3A_896 = arith.constant 240 : i32
        %add3A_897 = arith.addi %add3A_896, %scan3A_619 : i32
        %get3A_898 = arith.constant 1 : i32
        %get3A_899 = arith.index_cast %get3A_898 : i32 to index
        %get3A_900 = arith.index_cast %add3A_897 : i32 to index
        %get3A_901 = arith.constant 32 : index
        %get3A_902 = tpu.vector_load %arg9[%get3A_899, %get3A_900, %get3A_901] {strides = array<i32>} : memref<3x264x128xf32, #tpu.memory_space<vmem>>, vector<1x1x16xf32>,
        %get3A_903 = vector.shape_cast %get3A_902 : vector<1x1x16xf32> to vector<16xf32>
        %add3A_904 = arith.addf %add3A_895, %get3A_903 : vector<16xf32>
        %mul3A_905 = arith.constant 1.000000e-01 : f32
        %mul3A_906 = vector.broadcast %mul3A_905 : f32 to vector<16xf32>
        %mul3A_907 = arith.mulf %add3A_904, %mul3A_906 : vector<16xf32>
        %swap3A_908 = arith.constant 1 : i32
        %swap3A_909 = arith.index_cast %swap3A_908 : i32 to index
        %swap3A_910 = arith.index_cast %scan3A_619 : i32 to index
        %swap3A_911 = arith.constant 32 : index
        %swap3A_912 = tpu.vector_load %arg10[%swap3A_909, %swap3A_910, %swap3A_911] {strides = array<i32>} : memref<3x24x128xf32, #tpu.memory_space<vmem>>, vector<1x1x16xf32>,
        %swap3A_913 = vector.shape_cast %swap3A_912 : vector<1x1x16xf32> to vector<16xf32>
        %swap3A_914 = vector.shape_cast %mul3A_907 : vector<16xf32> to vector<1x1x16xf32>
        tpu.vector_store %arg10[%swap3A_909, %swap3A_910, %swap3A_911], %swap3A_914 {strides = array<i32>} : memref<3x24x128xf32, #tpu.memory_space<vmem>>, vector<1x1x16xf32>,
        %add3A_915 = arith.constant 24 : i32
        %add3A_916 = arith.addi %add3A_915, %scan3A_619 : i32
        %get3A_917 = arith.constant 1 : i32
        %get3A_918 = arith.index_cast %get3A_917 : i32 to index
        %get3A_919 = arith.index_cast %add3A_916 : i32 to index
        %get3A_920 = arith.constant 48 : index
        %get3A_921 = tpu.vector_load %arg9[%get3A_918, %get3A_919, %get3A_920] {strides = array<i32>} : memref<3x264x128xf32, #tpu.memory_space<vmem>>, vector<1x1x16xf32>,
        %get3A_922 = vector.shape_cast %get3A_921 : vector<1x1x16xf32> to vector<16xf32>
        %add3A_923 = arith.constant 48 : i32
        %add3A_924 = arith.addi %add3A_923, %scan3A_619 : i32
        %get3A_925 = arith.constant 1 : i32
        %get3A_926 = arith.index_cast %get3A_925 : i32 to index
        %get3A_927 = arith.index_cast %add3A_924 : i32 to index
        %get3A_928 = arith.constant 48 : index
        %get3A_929 = tpu.vector_load %arg9[%get3A_926, %get3A_927, %get3A_928] {strides = array<i32>} : memref<3x264x128xf32, #tpu.memory_space<vmem>>, vector<1x1x16xf32>,
        %get3A_930 = vector.shape_cast %get3A_929 : vector<1x1x16xf32> to vector<16xf32>
        %add3A_931 = arith.addf %get3A_922, %get3A_930 : vector<16xf32>
        %add3A_932 = arith.constant 72 : i32
        %add3A_933 = arith.addi %add3A_932, %scan3A_619 : i32
        %get3A_934 = arith.constant 1 : i32
        %get3A_935 = arith.index_cast %get3A_934 : i32 to index
        %get3A_936 = arith.index_cast %add3A_933 : i32 to index
        %get3A_937 = arith.constant 48 : index
        %get3A_938 = tpu.vector_load %arg9[%get3A_935, %get3A_936, %get3A_937] {strides = array<i32>} : memref<3x264x128xf32, #tpu.memory_space<vmem>>, vector<1x1x16xf32>,
        %get3A_939 = vector.shape_cast %get3A_938 : vector<1x1x16xf32> to vector<16xf32>
        %add3A_940 = arith.addf %add3A_931, %get3A_939 : vector<16xf32>
        %add3A_941 = arith.constant 96 : i32
        %add3A_942 = arith.addi %add3A_941, %scan3A_619 : i32
        %get3A_943 = arith.constant 1 : i32
        %get3A_944 = arith.index_cast %get3A_943 : i32 to index
        %get3A_945 = arith.index_cast %add3A_942 : i32 to index
        %get3A_946 = arith.constant 48 : index
        %get3A_947 = tpu.vector_load %arg9[%get3A_944, %get3A_945, %get3A_946] {strides = array<i32>} : memref<3x264x128xf32, #tpu.memory_space<vmem>>, vector<1x1x16xf32>,
        %get3A_948 = vector.shape_cast %get3A_947 : vector<1x1x16xf32> to vector<16xf32>
        %add3A_949 = arith.addf %add3A_940, %get3A_948 : vector<16xf32>
        %add3A_950 = arith.constant 120 : i32
        %add3A_951 = arith.addi %add3A_950, %scan3A_619 : i32
        %get3A_952 = arith.constant 1 : i32
        %get3A_953 = arith.index_cast %get3A_952 : i32 to index
        %get3A_954 = arith.index_cast %add3A_951 : i32 to index
        %get3A_955 = arith.constant 48 : index
        %get3A_956 = tpu.vector_load %arg9[%get3A_953, %get3A_954, %get3A_955] {strides = array<i32>} : memref<3x264x128xf32, #tpu.memory_space<vmem>>, vector<1x1x16xf32>,
        %get3A_957 = vector.shape_cast %get3A_956 : vector<1x1x16xf32> to vector<16xf32>
        %add3A_958 = arith.addf %add3A_949, %get3A_957 : vector<16xf32>
        %add3A_959 = arith.constant 144 : i32
        %add3A_960 = arith.addi %add3A_959, %scan3A_619 : i32
        %get3A_961 = arith.constant 1 : i32
        %get3A_962 = arith.index_cast %get3A_961 : i32 to index
        %get3A_963 = arith.index_cast %add3A_960 : i32 to index
        %get3A_964 = arith.constant 48 : index
        %get3A_965 = tpu.vector_load %arg9[%get3A_962, %get3A_963, %get3A_964] {strides = array<i32>} : memref<3x264x128xf32, #tpu.memory_space<vmem>>, vector<1x1x16xf32>,
        %get3A_966 = vector.shape_cast %get3A_965 : vector<1x1x16xf32> to vector<16xf32>
        %add3A_967 = arith.addf %add3A_958, %get3A_966 : vector<16xf32>
        %add3A_968 = arith.constant 168 : i32
        %add3A_969 = arith.addi %add3A_968, %scan3A_619 : i32
        %get3A_970 = arith.constant 1 : i32
        %get3A_971 = arith.index_cast %get3A_970 : i32 to index
        %get3A_972 = arith.index_cast %add3A_969 : i32 to index
        %get3A_973 = arith.constant 48 : index
        %get3A_974 = tpu.vector_load %arg9[%get3A_971, %get3A_972, %get3A_973] {strides = array<i32>} : memref<3x264x128xf32, #tpu.memory_space<vmem>>, vector<1x1x16xf32>,
        %get3A_975 = vector.shape_cast %get3A_974 : vector<1x1x16xf32> to vector<16xf32>
        %add3A_976 = arith.addf %add3A_967, %get3A_975 : vector<16xf32>
        %add3A_977 = arith.constant 192 : i32
        %add3A_978 = arith.addi %add3A_977, %scan3A_619 : i32
        %get3A_979 = arith.constant 1 : i32
        %get3A_980 = arith.index_cast %get3A_979 : i32 to index
        %get3A_981 = arith.index_cast %add3A_978 : i32 to index
        %get3A_982 = arith.constant 48 : index
        %get3A_983 = tpu.vector_load %arg9[%get3A_980, %get3A_981, %get3A_982] {strides = array<i32>} : memref<3x264x128xf32, #tpu.memory_space<vmem>>, vector<1x1x16xf32>,
        %get3A_984 = vector.shape_cast %get3A_983 : vector<1x1x16xf32> to vector<16xf32>
        %add3A_985 = arith.addf %add3A_976, %get3A_984 : vector<16xf32>
        %add3A_986 = arith.constant 216 : i32
        %add3A_987 = arith.addi %add3A_986, %scan3A_619 : i32
        %get3A_988 = arith.constant 1 : i32
        %get3A_989 = arith.index_cast %get3A_988 : i32 to index
        %get3A_990 = arith.index_cast %add3A_987 : i32 to index
        %get3A_991 = arith.constant 48 : index
        %get3A_992 = tpu.vector_load %arg9[%get3A_989, %get3A_990, %get3A_991] {strides = array<i32>} : memref<3x264x128xf32, #tpu.memory_space<vmem>>, vector<1x1x16xf32>,
        %get3A_993 = vector.shape_cast %get3A_992 : vector<1x1x16xf32> to vector<16xf32>
        %add3A_994 = arith.addf %add3A_985, %get3A_993 : vector<16xf32>
        %add3A_995 = arith.constant 240 : i32
        %add3A_996 = arith.addi %add3A_995, %scan3A_619 : i32
        %get3A_997 = arith.constant 1 : i32
        %get3A_998 = arith.index_cast %get3A_997 : i32 to index
        %get3A_999 = arith.index_cast %add3A_996 : i32 to index
        %get3A_1000 = arith.constant 48 : index
        %get3A_1001 = tpu.vector_load %arg9[%get3A_998, %get3A_999, %get3A_1000] {strides = array<i32>} : memref<3x264x128xf32, #tpu.memory_space<vmem>>, vector<1x1x16xf32>,
        %get3A_1002 = vector.shape_cast %get3A_1001 : vector<1x1x16xf32> to vector<16xf32>
        %add3A_1003 = arith.addf %add3A_994, %get3A_1002 : vector<16xf32>
        %mul3A_1004 = arith.constant 1.000000e-01 : f32
        %mul3A_1005 = vector.broadcast %mul3A_1004 : f32 to vector<16xf32>
        %mul3A_1006 = arith.mulf %add3A_1003, %mul3A_1005 : vector<16xf32>
        %swap3A_1007 = arith.constant 1 : i32
        %swap3A_1008 = arith.index_cast %swap3A_1007 : i32 to index
        %swap3A_1009 = arith.index_cast %scan3A_619 : i32 to index
        %swap3A_1010 = arith.constant 48 : index
        %swap3A_1011 = tpu.vector_load %arg10[%swap3A_1008, %swap3A_1009, %swap3A_1010] {strides = array<i32>} : memref<3x24x128xf32, #tpu.memory_space<vmem>>, vector<1x1x16xf32>,
        %swap3A_1012 = vector.shape_cast %swap3A_1011 : vector<1x1x16xf32> to vector<16xf32>
        %swap3A_1013 = vector.shape_cast %mul3A_1006 : vector<16xf32> to vector<1x1x16xf32>
        tpu.vector_store %arg10[%swap3A_1008, %swap3A_1009, %swap3A_1010], %swap3A_1013 {strides = array<i32>} : memref<3x24x128xf32, #tpu.memory_space<vmem>>, vector<1x1x16xf32>,
        %add3A_1014 = arith.constant 24 : i32
        %add3A_1015 = arith.addi %add3A_1014, %scan3A_619 : i32
        %get3A_1016 = arith.constant 1 : i32
        %get3A_1017 = arith.index_cast %get3A_1016 : i32 to index
        %get3A_1018 = arith.index_cast %add3A_1015 : i32 to index
        %get3A_1019 = arith.constant 64 : index
        %get3A_1020 = tpu.vector_load %arg9[%get3A_1017, %get3A_1018, %get3A_1019] {strides = array<i32>} : memref<3x264x128xf32, #tpu.memory_space<vmem>>, vector<1x1x16xf32>,
        %get3A_1021 = vector.shape_cast %get3A_1020 : vector<1x1x16xf32> to vector<16xf32>
        %add3A_1022 = arith.constant 48 : i32
        %add3A_1023 = arith.addi %add3A_1022, %scan3A_619 : i32
        %get3A_1024 = arith.constant 1 : i32
        %get3A_1025 = arith.index_cast %get3A_1024 : i32 to index
        %get3A_1026 = arith.index_cast %add3A_1023 : i32 to index
        %get3A_1027 = arith.constant 64 : index
        %get3A_1028 = tpu.vector_load %arg9[%get3A_1025, %get3A_1026, %get3A_1027] {strides = array<i32>} : memref<3x264x128xf32, #tpu.memory_space<vmem>>, vector<1x1x16xf32>,
        %get3A_1029 = vector.shape_cast %get3A_1028 : vector<1x1x16xf32> to vector<16xf32>
        %add3A_1030 = arith.addf %get3A_1021, %get3A_1029 : vector<16xf32>
        %add3A_1031 = arith.constant 72 : i32
        %add3A_1032 = arith.addi %add3A_1031, %scan3A_619 : i32
        %get3A_1033 = arith.constant 1 : i32
        %get3A_1034 = arith.index_cast %get3A_1033 : i32 to index
        %get3A_1035 = arith.index_cast %add3A_1032 : i32 to index
        %get3A_1036 = arith.constant 64 : index
        %get3A_1037 = tpu.vector_load %arg9[%get3A_1034, %get3A_1035, %get3A_1036] {strides = array<i32>} : memref<3x264x128xf32, #tpu.memory_space<vmem>>, vector<1x1x16xf32>,
        %get3A_1038 = vector.shape_cast %get3A_1037 : vector<1x1x16xf32> to vector<16xf32>
        %add3A_1039 = arith.addf %add3A_1030, %get3A_1038 : vector<16xf32>
        %add3A_1040 = arith.constant 96 : i32
        %add3A_1041 = arith.addi %add3A_1040, %scan3A_619 : i32
        %get3A_1042 = arith.constant 1 : i32
        %get3A_1043 = arith.index_cast %get3A_1042 : i32 to index
        %get3A_1044 = arith.index_cast %add3A_1041 : i32 to index
        %get3A_1045 = arith.constant 64 : index
        %get3A_1046 = tpu.vector_load %arg9[%get3A_1043, %get3A_1044, %get3A_1045] {strides = array<i32>} : memref<3x264x128xf32, #tpu.memory_space<vmem>>, vector<1x1x16xf32>,
        %get3A_1047 = vector.shape_cast %get3A_1046 : vector<1x1x16xf32> to vector<16xf32>
        %add3A_1048 = arith.addf %add3A_1039, %get3A_1047 : vector<16xf32>
        %add3A_1049 = arith.constant 120 : i32
        %add3A_1050 = arith.addi %add3A_1049, %scan3A_619 : i32
        %get3A_1051 = arith.constant 1 : i32
        %get3A_1052 = arith.index_cast %get3A_1051 : i32 to index
        %get3A_1053 = arith.index_cast %add3A_1050 : i32 to index
        %get3A_1054 = arith.constant 64 : index
        %get3A_1055 = tpu.vector_load %arg9[%get3A_1052, %get3A_1053, %get3A_1054] {strides = array<i32>} : memref<3x264x128xf32, #tpu.memory_space<vmem>>, vector<1x1x16xf32>,
        %get3A_1056 = vector.shape_cast %get3A_1055 : vector<1x1x16xf32> to vector<16xf32>
        %add3A_1057 = arith.addf %add3A_1048, %get3A_1056 : vector<16xf32>
        %add3A_1058 = arith.constant 144 : i32
        %add3A_1059 = arith.addi %add3A_1058, %scan3A_619 : i32
        %get3A_1060 = arith.constant 1 : i32
        %get3A_1061 = arith.index_cast %get3A_1060 : i32 to index
        %get3A_1062 = arith.index_cast %add3A_1059 : i32 to index
        %get3A_1063 = arith.constant 64 : index
        %get3A_1064 = tpu.vector_load %arg9[%get3A_1061, %get3A_1062, %get3A_1063] {strides = array<i32>} : memref<3x264x128xf32, #tpu.memory_space<vmem>>, vector<1x1x16xf32>,
        %get3A_1065 = vector.shape_cast %get3A_1064 : vector<1x1x16xf32> to vector<16xf32>
        %add3A_1066 = arith.addf %add3A_1057, %get3A_1065 : vector<16xf32>
        %add3A_1067 = arith.constant 168 : i32
        %add3A_1068 = arith.addi %add3A_1067, %scan3A_619 : i32
        %get3A_1069 = arith.constant 1 : i32
        %get3A_1070 = arith.index_cast %get3A_1069 : i32 to index
        %get3A_1071 = arith.index_cast %add3A_1068 : i32 to index
        %get3A_1072 = arith.constant 64 : index
        %get3A_1073 = tpu.vector_load %arg9[%get3A_1070, %get3A_1071, %get3A_1072] {strides = array<i32>} : memref<3x264x128xf32, #tpu.memory_space<vmem>>, vector<1x1x16xf32>,
        %get3A_1074 = vector.shape_cast %get3A_1073 : vector<1x1x16xf32> to vector<16xf32>
        %add3A_1075 = arith.addf %add3A_1066, %get3A_1074 : vector<16xf32>
        %add3A_1076 = arith.constant 192 : i32
        %add3A_1077 = arith.addi %add3A_1076, %scan3A_619 : i32
        %get3A_1078 = arith.constant 1 : i32
        %get3A_1079 = arith.index_cast %get3A_1078 : i32 to index
        %get3A_1080 = arith.index_cast %add3A_1077 : i32 to index
        %get3A_1081 = arith.constant 64 : index
        %get3A_1082 = tpu.vector_load %arg9[%get3A_1079, %get3A_1080, %get3A_1081] {strides = array<i32>} : memref<3x264x128xf32, #tpu.memory_space<vmem>>, vector<1x1x16xf32>,
        %get3A_1083 = vector.shape_cast %get3A_1082 : vector<1x1x16xf32> to vector<16xf32>
        %add3A_1084 = arith.addf %add3A_1075, %get3A_1083 : vector<16xf32>
        %add3A_1085 = arith.constant 216 : i32
        %add3A_1086 = arith.addi %add3A_1085, %scan3A_619 : i32
        %get3A_1087 = arith.constant 1 : i32
        %get3A_1088 = arith.index_cast %get3A_1087 : i32 to index
        %get3A_1089 = arith.index_cast %add3A_1086 : i32 to index
        %get3A_1090 = arith.constant 64 : index
        %get3A_1091 = tpu.vector_load %arg9[%get3A_1088, %get3A_1089, %get3A_1090] {strides = array<i32>} : memref<3x264x128xf32, #tpu.memory_space<vmem>>, vector<1x1x16xf32>,
        %get3A_1092 = vector.shape_cast %get3A_1091 : vector<1x1x16xf32> to vector<16xf32>
        %add3A_1093 = arith.addf %add3A_1084, %get3A_1092 : vector<16xf32>
        %add3A_1094 = arith.constant 240 : i32
        %add3A_1095 = arith.addi %add3A_1094, %scan3A_619 : i32
        %get3A_1096 = arith.constant 1 : i32
        %get3A_1097 = arith.index_cast %get3A_1096 : i32 to index
        %get3A_1098 = arith.index_cast %add3A_1095 : i32 to index
        %get3A_1099 = arith.constant 64 : index
        %get3A_1100 = tpu.vector_load %arg9[%get3A_1097, %get3A_1098, %get3A_1099] {strides = array<i32>} : memref<3x264x128xf32, #tpu.memory_space<vmem>>, vector<1x1x16xf32>,
        %get3A_1101 = vector.shape_cast %get3A_1100 : vector<1x1x16xf32> to vector<16xf32>
        %add3A_1102 = arith.addf %add3A_1093, %get3A_1101 : vector<16xf32>
        %mul3A_1103 = arith.constant 1.000000e-01 : f32
        %mul3A_1104 = vector.broadcast %mul3A_1103 : f32 to vector<16xf32>
        %mul3A_1105 = arith.mulf %add3A_1102, %mul3A_1104 : vector<16xf32>
        %swap3A_1106 = arith.constant 1 : i32
        %swap3A_1107 = arith.index_cast %swap3A_1106 : i32 to index
        %swap3A_1108 = arith.index_cast %scan3A_619 : i32 to index
        %swap3A_1109 = arith.constant 64 : index
        %swap3A_1110 = tpu.vector_load %arg10[%swap3A_1107, %swap3A_1108, %swap3A_1109] {strides = array<i32>} : memref<3x24x128xf32, #tpu.memory_space<vmem>>, vector<1x1x16xf32>,
        %swap3A_1111 = vector.shape_cast %swap3A_1110 : vector<1x1x16xf32> to vector<16xf32>
        %swap3A_1112 = vector.shape_cast %mul3A_1105 : vector<16xf32> to vector<1x1x16xf32>
        tpu.vector_store %arg10[%swap3A_1107, %swap3A_1108, %swap3A_1109], %swap3A_1112 {strides = array<i32>} : memref<3x24x128xf32, #tpu.memory_space<vmem>>, vector<1x1x16xf32>,
        %add3A_1113 = arith.constant 24 : i32
        %add3A_1114 = arith.addi %add3A_1113, %scan3A_619 : i32
        %get3A_1115 = arith.constant 1 : i32
        %get3A_1116 = arith.index_cast %get3A_1115 : i32 to index
        %get3A_1117 = arith.index_cast %add3A_1114 : i32 to index
        %get3A_1118 = arith.constant 80 : index
        %get3A_1119 = tpu.vector_load %arg9[%get3A_1116, %get3A_1117, %get3A_1118] {strides = array<i32>} : memref<3x264x128xf32, #tpu.memory_space<vmem>>, vector<1x1x16xf32>,
        %get3A_1120 = vector.shape_cast %get3A_1119 : vector<1x1x16xf32> to vector<16xf32>
        %add3A_1121 = arith.constant 48 : i32
        %add3A_1122 = arith.addi %add3A_1121, %scan3A_619 : i32
        %get3A_1123 = arith.constant 1 : i32
        %get3A_1124 = arith.index_cast %get3A_1123 : i32 to index
        %get3A_1125 = arith.index_cast %add3A_1122 : i32 to index
        %get3A_1126 = arith.constant 80 : index
        %get3A_1127 = tpu.vector_load %arg9[%get3A_1124, %get3A_1125, %get3A_1126] {strides = array<i32>} : memref<3x264x128xf32, #tpu.memory_space<vmem>>, vector<1x1x16xf32>,
        %get3A_1128 = vector.shape_cast %get3A_1127 : vector<1x1x16xf32> to vector<16xf32>
        %add3A_1129 = arith.addf %get3A_1120, %get3A_1128 : vector<16xf32>
        %add3A_1130 = arith.constant 72 : i32
        %add3A_1131 = arith.addi %add3A_1130, %scan3A_619 : i32
        %get3A_1132 = arith.constant 1 : i32
        %get3A_1133 = arith.index_cast %get3A_1132 : i32 to index
        %get3A_1134 = arith.index_cast %add3A_1131 : i32 to index
        %get3A_1135 = arith.constant 80 : index
        %get3A_1136 = tpu.vector_load %arg9[%get3A_1133, %get3A_1134, %get3A_1135] {strides = array<i32>} : memref<3x264x128xf32, #tpu.memory_space<vmem>>, vector<1x1x16xf32>,
        %get3A_1137 = vector.shape_cast %get3A_1136 : vector<1x1x16xf32> to vector<16xf32>
        %add3A_1138 = arith.addf %add3A_1129, %get3A_1137 : vector<16xf32>
        %add3A_1139 = arith.constant 96 : i32
        %add3A_1140 = arith.addi %add3A_1139, %scan3A_619 : i32
        %get3A_1141 = arith.constant 1 : i32
        %get3A_1142 = arith.index_cast %get3A_1141 : i32 to index
        %get3A_1143 = arith.index_cast %add3A_1140 : i32 to index
        %get3A_1144 = arith.constant 80 : index
        %get3A_1145 = tpu.vector_load %arg9[%get3A_1142, %get3A_1143, %get3A_1144] {strides = array<i32>} : memref<3x264x128xf32, #tpu.memory_space<vmem>>, vector<1x1x16xf32>,
        %get3A_1146 = vector.shape_cast %get3A_1145 : vector<1x1x16xf32> to vector<16xf32>
        %add3A_1147 = arith.addf %add3A_1138, %get3A_1146 : vector<16xf32>
        %add3A_1148 = arith.constant 120 : i32
        %add3A_1149 = arith.addi %add3A_1148, %scan3A_619 : i32
        %get3A_1150 = arith.constant 1 : i32
        %get3A_1151 = arith.index_cast %get3A_1150 : i32 to index
        %get3A_1152 = arith.index_cast %add3A_1149 : i32 to index
        %get3A_1153 = arith.constant 80 : index
        %get3A_1154 = tpu.vector_load %arg9[%get3A_1151, %get3A_1152, %get3A_1153] {strides = array<i32>} : memref<3x264x128xf32, #tpu.memory_space<vmem>>, vector<1x1x16xf32>,
        %get3A_1155 = vector.shape_cast %get3A_1154 : vector<1x1x16xf32> to vector<16xf32>
        %add3A_1156 = arith.addf %add3A_1147, %get3A_1155 : vector<16xf32>
        %add3A_1157 = arith.constant 144 : i32
        %add3A_1158 = arith.addi %add3A_1157, %scan3A_619 : i32
        %get3A_1159 = arith.constant 1 : i32
        %get3A_1160 = arith.index_cast %get3A_1159 : i32 to index
        %get3A_1161 = arith.index_cast %add3A_1158 : i32 to index
        %get3A_1162 = arith.constant 80 : index
        %get3A_1163 = tpu.vector_load %arg9[%get3A_1160, %get3A_1161, %get3A_1162] {strides = array<i32>} : memref<3x264x128xf32, #tpu.memory_space<vmem>>, vector<1x1x16xf32>,
        %get3A_1164 = vector.shape_cast %get3A_1163 : vector<1x1x16xf32> to vector<16xf32>
        %add3A_1165 = arith.addf %add3A_1156, %get3A_1164 : vector<16xf32>
        %add3A_1166 = arith.constant 168 : i32
        %add3A_1167 = arith.addi %add3A_1166, %scan3A_619 : i32
        %get3A_1168 = arith.constant 1 : i32
        %get3A_1169 = arith.index_cast %get3A_1168 : i32 to index
        %get3A_1170 = arith.index_cast %add3A_1167 : i32 to index
        %get3A_1171 = arith.constant 80 : index
        %get3A_1172 = tpu.vector_load %arg9[%get3A_1169, %get3A_1170, %get3A_1171] {strides = array<i32>} : memref<3x264x128xf32, #tpu.memory_space<vmem>>, vector<1x1x16xf32>,
        %get3A_1173 = vector.shape_cast %get3A_1172 : vector<1x1x16xf32> to vector<16xf32>
        %add3A_1174 = arith.addf %add3A_1165, %get3A_1173 : vector<16xf32>
        %add3A_1175 = arith.constant 192 : i32
        %add3A_1176 = arith.addi %add3A_1175, %scan3A_619 : i32
        %get3A_1177 = arith.constant 1 : i32
        %get3A_1178 = arith.index_cast %get3A_1177 : i32 to index
        %get3A_1179 = arith.index_cast %add3A_1176 : i32 to index
        %get3A_1180 = arith.constant 80 : index
        %get3A_1181 = tpu.vector_load %arg9[%get3A_1178, %get3A_1179, %get3A_1180] {strides = array<i32>} : memref<3x264x128xf32, #tpu.memory_space<vmem>>, vector<1x1x16xf32>,
        %get3A_1182 = vector.shape_cast %get3A_1181 : vector<1x1x16xf32> to vector<16xf32>
        %add3A_1183 = arith.addf %add3A_1174, %get3A_1182 : vector<16xf32>
        %add3A_1184 = arith.constant 216 : i32
        %add3A_1185 = arith.addi %add3A_1184, %scan3A_619 : i32
        %get3A_1186 = arith.constant 1 : i32
        %get3A_1187 = arith.index_cast %get3A_1186 : i32 to index
        %get3A_1188 = arith.index_cast %add3A_1185 : i32 to index
        %get3A_1189 = arith.constant 80 : index
        %get3A_1190 = tpu.vector_load %arg9[%get3A_1187, %get3A_1188, %get3A_1189] {strides = array<i32>} : memref<3x264x128xf32, #tpu.memory_space<vmem>>, vector<1x1x16xf32>,
        %get3A_1191 = vector.shape_cast %get3A_1190 : vector<1x1x16xf32> to vector<16xf32>
        %add3A_1192 = arith.addf %add3A_1183, %get3A_1191 : vector<16xf32>
        %add3A_1193 = arith.constant 240 : i32
        %add3A_1194 = arith.addi %add3A_1193, %scan3A_619 : i32
        %get3A_1195 = arith.constant 1 : i32
        %get3A_1196 = arith.index_cast %get3A_1195 : i32 to index
        %get3A_1197 = arith.index_cast %add3A_1194 : i32 to index
        %get3A_1198 = arith.constant 80 : index
        %get3A_1199 = tpu.vector_load %arg9[%get3A_1196, %get3A_1197, %get3A_1198] {strides = array<i32>} : memref<3x264x128xf32, #tpu.memory_space<vmem>>, vector<1x1x16xf32>,
        %get3A_1200 = vector.shape_cast %get3A_1199 : vector<1x1x16xf32> to vector<16xf32>
        %add3A_1201 = arith.addf %add3A_1192, %get3A_1200 : vector<16xf32>
        %mul3A_1202 = arith.constant 1.000000e-01 : f32
        %mul3A_1203 = vector.broadcast %mul3A_1202 : f32 to vector<16xf32>
        %mul3A_1204 = arith.mulf %add3A_1201, %mul3A_1203 : vector<16xf32>
        %swap3A_1205 = arith.constant 1 : i32
        %swap3A_1206 = arith.index_cast %swap3A_1205 : i32 to index
        %swap3A_1207 = arith.index_cast %scan3A_619 : i32 to index
        %swap3A_1208 = arith.constant 80 : index
        %swap3A_1209 = tpu.vector_load %arg10[%swap3A_1206, %swap3A_1207, %swap3A_1208] {strides = array<i32>} : memref<3x24x128xf32, #tpu.memory_space<vmem>>, vector<1x1x16xf32>,
        %swap3A_1210 = vector.shape_cast %swap3A_1209 : vector<1x1x16xf32> to vector<16xf32>
        %swap3A_1211 = vector.shape_cast %mul3A_1204 : vector<16xf32> to vector<1x1x16xf32>
        tpu.vector_store %arg10[%swap3A_1206, %swap3A_1207, %swap3A_1208], %swap3A_1211 {strides = array<i32>} : memref<3x24x128xf32, #tpu.memory_space<vmem>>, vector<1x1x16xf32>,
        %add3A_1212 = arith.constant 24 : i32
        %add3A_1213 = arith.addi %add3A_1212, %scan3A_619 : i32
        %get3A_1214 = arith.constant 1 : i32
        %get3A_1215 = arith.index_cast %get3A_1214 : i32 to index
        %get3A_1216 = arith.index_cast %add3A_1213 : i32 to index
        %get3A_1217 = arith.constant 96 : index
        %get3A_1218 = tpu.vector_load %arg9[%get3A_1215, %get3A_1216, %get3A_1217] {strides = array<i32>} : memref<3x264x128xf32, #tpu.memory_space<vmem>>, vector<1x1x16xf32>,
        %get3A_1219 = vector.shape_cast %get3A_1218 : vector<1x1x16xf32> to vector<16xf32>
        %add3A_1220 = arith.constant 48 : i32
        %add3A_1221 = arith.addi %add3A_1220, %scan3A_619 : i32
        %get3A_1222 = arith.constant 1 : i32
        %get3A_1223 = arith.index_cast %get3A_1222 : i32 to index
        %get3A_1224 = arith.index_cast %add3A_1221 : i32 to index
        %get3A_1225 = arith.constant 96 : index
        %get3A_1226 = tpu.vector_load %arg9[%get3A_1223, %get3A_1224, %get3A_1225] {strides = array<i32>} : memref<3x264x128xf32, #tpu.memory_space<vmem>>, vector<1x1x16xf32>,
        %get3A_1227 = vector.shape_cast %get3A_1226 : vector<1x1x16xf32> to vector<16xf32>
        %add3A_1228 = arith.addf %get3A_1219, %get3A_1227 : vector<16xf32>
        %add3A_1229 = arith.constant 72 : i32
        %add3A_1230 = arith.addi %add3A_1229, %scan3A_619 : i32
        %get3A_1231 = arith.constant 1 : i32
        %get3A_1232 = arith.index_cast %get3A_1231 : i32 to index
        %get3A_1233 = arith.index_cast %add3A_1230 : i32 to index
        %get3A_1234 = arith.constant 96 : index
        %get3A_1235 = tpu.vector_load %arg9[%get3A_1232, %get3A_1233, %get3A_1234] {strides = array<i32>} : memref<3x264x128xf32, #tpu.memory_space<vmem>>, vector<1x1x16xf32>,
        %get3A_1236 = vector.shape_cast %get3A_1235 : vector<1x1x16xf32> to vector<16xf32>
        %add3A_1237 = arith.addf %add3A_1228, %get3A_1236 : vector<16xf32>
        %add3A_1238 = arith.constant 96 : i32
        %add3A_1239 = arith.addi %add3A_1238, %scan3A_619 : i32
        %get3A_1240 = arith.constant 1 : i32
        %get3A_1241 = arith.index_cast %get3A_1240 : i32 to index
        %get3A_1242 = arith.index_cast %add3A_1239 : i32 to index
        %get3A_1243 = arith.constant 96 : index
        %get3A_1244 = tpu.vector_load %arg9[%get3A_1241, %get3A_1242, %get3A_1243] {strides = array<i32>} : memref<3x264x128xf32, #tpu.memory_space<vmem>>, vector<1x1x16xf32>,
        %get3A_1245 = vector.shape_cast %get3A_1244 : vector<1x1x16xf32> to vector<16xf32>
        %add3A_1246 = arith.addf %add3A_1237, %get3A_1245 : vector<16xf32>
        %add3A_1247 = arith.constant 120 : i32
        %add3A_1248 = arith.addi %add3A_1247, %scan3A_619 : i32
        %get3A_1249 = arith.constant 1 : i32
        %get3A_1250 = arith.index_cast %get3A_1249 : i32 to index
        %get3A_1251 = arith.index_cast %add3A_1248 : i32 to index
        %get3A_1252 = arith.constant 96 : index
        %get3A_1253 = tpu.vector_load %arg9[%get3A_1250, %get3A_1251, %get3A_1252] {strides = array<i32>} : memref<3x264x128xf32, #tpu.memory_space<vmem>>, vector<1x1x16xf32>,
        %get3A_1254 = vector.shape_cast %get3A_1253 : vector<1x1x16xf32> to vector<16xf32>
        %add3A_1255 = arith.addf %add3A_1246, %get3A_1254 : vector<16xf32>
        %add3A_1256 = arith.constant 144 : i32
        %add3A_1257 = arith.addi %add3A_1256, %scan3A_619 : i32
        %get3A_1258 = arith.constant 1 : i32
        %get3A_1259 = arith.index_cast %get3A_1258 : i32 to index
        %get3A_1260 = arith.index_cast %add3A_1257 : i32 to index
        %get3A_1261 = arith.constant 96 : index
        %get3A_1262 = tpu.vector_load %arg9[%get3A_1259, %get3A_1260, %get3A_1261] {strides = array<i32>} : memref<3x264x128xf32, #tpu.memory_space<vmem>>, vector<1x1x16xf32>,
        %get3A_1263 = vector.shape_cast %get3A_1262 : vector<1x1x16xf32> to vector<16xf32>
        %add3A_1264 = arith.addf %add3A_1255, %get3A_1263 : vector<16xf32>
        %add3A_1265 = arith.constant 168 : i32
        %add3A_1266 = arith.addi %add3A_1265, %scan3A_619 : i32
        %get3A_1267 = arith.constant 1 : i32
        %get3A_1268 = arith.index_cast %get3A_1267 : i32 to index
        %get3A_1269 = arith.index_cast %add3A_1266 : i32 to index
        %get3A_1270 = arith.constant 96 : index
        %get3A_1271 = tpu.vector_load %arg9[%get3A_1268, %get3A_1269, %get3A_1270] {strides = array<i32>} : memref<3x264x128xf32, #tpu.memory_space<vmem>>, vector<1x1x16xf32>,
        %get3A_1272 = vector.shape_cast %get3A_1271 : vector<1x1x16xf32> to vector<16xf32>
        %add3A_1273 = arith.addf %add3A_1264, %get3A_1272 : vector<16xf32>
        %add3A_1274 = arith.constant 192 : i32
        %add3A_1275 = arith.addi %add3A_1274, %scan3A_619 : i32
        %get3A_1276 = arith.constant 1 : i32
        %get3A_1277 = arith.index_cast %get3A_1276 : i32 to index
        %get3A_1278 = arith.index_cast %add3A_1275 : i32 to index
        %get3A_1279 = arith.constant 96 : index
        %get3A_1280 = tpu.vector_load %arg9[%get3A_1277, %get3A_1278, %get3A_1279] {strides = array<i32>} : memref<3x264x128xf32, #tpu.memory_space<vmem>>, vector<1x1x16xf32>,
        %get3A_1281 = vector.shape_cast %get3A_1280 : vector<1x1x16xf32> to vector<16xf32>
        %add3A_1282 = arith.addf %add3A_1273, %get3A_1281 : vector<16xf32>
        %add3A_1283 = arith.constant 216 : i32
        %add3A_1284 = arith.addi %add3A_1283, %scan3A_619 : i32
        %get3A_1285 = arith.constant 1 : i32
        %get3A_1286 = arith.index_cast %get3A_1285 : i32 to index
        %get3A_1287 = arith.index_cast %add3A_1284 : i32 to index
        %get3A_1288 = arith.constant 96 : index
        %get3A_1289 = tpu.vector_load %arg9[%get3A_1286, %get3A_1287, %get3A_1288] {strides = array<i32>} : memref<3x264x128xf32, #tpu.memory_space<vmem>>, vector<1x1x16xf32>,
        %get3A_1290 = vector.shape_cast %get3A_1289 : vector<1x1x16xf32> to vector<16xf32>
        %add3A_1291 = arith.addf %add3A_1282, %get3A_1290 : vector<16xf32>
        %add3A_1292 = arith.constant 240 : i32
        %add3A_1293 = arith.addi %add3A_1292, %scan3A_619 : i32
        %get3A_1294 = arith.constant 1 : i32
        %get3A_1295 = arith.index_cast %get3A_1294 : i32 to index
        %get3A_1296 = arith.index_cast %add3A_1293 : i32 to index
        %get3A_1297 = arith.constant 96 : index
        %get3A_1298 = tpu.vector_load %arg9[%get3A_1295, %get3A_1296, %get3A_1297] {strides = array<i32>} : memref<3x264x128xf32, #tpu.memory_space<vmem>>, vector<1x1x16xf32>,
        %get3A_1299 = vector.shape_cast %get3A_1298 : vector<1x1x16xf32> to vector<16xf32>
        %add3A_1300 = arith.addf %add3A_1291, %get3A_1299 : vector<16xf32>
        %mul3A_1301 = arith.constant 1.000000e-01 : f32
        %mul3A_1302 = vector.broadcast %mul3A_1301 : f32 to vector<16xf32>
        %mul3A_1303 = arith.mulf %add3A_1300, %mul3A_1302 : vector<16xf32>
        %swap3A_1304 = arith.constant 1 : i32
        %swap3A_1305 = arith.index_cast %swap3A_1304 : i32 to index
        %swap3A_1306 = arith.index_cast %scan3A_619 : i32 to index
        %swap3A_1307 = arith.constant 96 : index
        %swap3A_1308 = tpu.vector_load %arg10[%swap3A_1305, %swap3A_1306, %swap3A_1307] {strides = array<i32>} : memref<3x24x128xf32, #tpu.memory_space<vmem>>, vector<1x1x16xf32>,
        %swap3A_1309 = vector.shape_cast %swap3A_1308 : vector<1x1x16xf32> to vector<16xf32>
        %swap3A_1310 = vector.shape_cast %mul3A_1303 : vector<16xf32> to vector<1x1x16xf32>
        tpu.vector_store %arg10[%swap3A_1305, %swap3A_1306, %swap3A_1307], %swap3A_1310 {strides = array<i32>} : memref<3x24x128xf32, #tpu.memory_space<vmem>>, vector<1x1x16xf32>,
        %add3A_1311 = arith.constant 24 : i32
        %add3A_1312 = arith.addi %add3A_1311, %scan3A_619 : i32
        %get3A_1313 = arith.constant 1 : i32
        %get3A_1314 = arith.index_cast %get3A_1313 : i32 to index
        %get3A_1315 = arith.index_cast %add3A_1312 : i32 to index
        %get3A_1316 = arith.constant 112 : index
        %get3A_1317 = tpu.vector_load %arg9[%get3A_1314, %get3A_1315, %get3A_1316] {strides = array<i32>} : memref<3x264x128xf32, #tpu.memory_space<vmem>>, vector<1x1x16xf32>,
        %get3A_1318 = vector.shape_cast %get3A_1317 : vector<1x1x16xf32> to vector<16xf32>
        %add3A_1319 = arith.constant 48 : i32
        %add3A_1320 = arith.addi %add3A_1319, %scan3A_619 : i32
        %get3A_1321 = arith.constant 1 : i32
        %get3A_1322 = arith.index_cast %get3A_1321 : i32 to index
        %get3A_1323 = arith.index_cast %add3A_1320 : i32 to index
        %get3A_1324 = arith.constant 112 : index
        %get3A_1325 = tpu.vector_load %arg9[%get3A_1322, %get3A_1323, %get3A_1324] {strides = array<i32>} : memref<3x264x128xf32, #tpu.memory_space<vmem>>, vector<1x1x16xf32>,
        %get3A_1326 = vector.shape_cast %get3A_1325 : vector<1x1x16xf32> to vector<16xf32>
        %add3A_1327 = arith.addf %get3A_1318, %get3A_1326 : vector<16xf32>
        %add3A_1328 = arith.constant 72 : i32
        %add3A_1329 = arith.addi %add3A_1328, %scan3A_619 : i32
        %get3A_1330 = arith.constant 1 : i32
        %get3A_1331 = arith.index_cast %get3A_1330 : i32 to index
        %get3A_1332 = arith.index_cast %add3A_1329 : i32 to index
        %get3A_1333 = arith.constant 112 : index
        %get3A_1334 = tpu.vector_load %arg9[%get3A_1331, %get3A_1332, %get3A_1333] {strides = array<i32>} : memref<3x264x128xf32, #tpu.memory_space<vmem>>, vector<1x1x16xf32>,
        %get3A_1335 = vector.shape_cast %get3A_1334 : vector<1x1x16xf32> to vector<16xf32>
        %add3A_1336 = arith.addf %add3A_1327, %get3A_1335 : vector<16xf32>
        %add3A_1337 = arith.constant 96 : i32
        %add3A_1338 = arith.addi %add3A_1337, %scan3A_619 : i32
        %get3A_1339 = arith.constant 1 : i32
        %get3A_1340 = arith.index_cast %get3A_1339 : i32 to index
        %get3A_1341 = arith.index_cast %add3A_1338 : i32 to index
        %get3A_1342 = arith.constant 112 : index
        %get3A_1343 = tpu.vector_load %arg9[%get3A_1340, %get3A_1341, %get3A_1342] {strides = array<i32>} : memref<3x264x128xf32, #tpu.memory_space<vmem>>, vector<1x1x16xf32>,
        %get3A_1344 = vector.shape_cast %get3A_1343 : vector<1x1x16xf32> to vector<16xf32>
        %add3A_1345 = arith.addf %add3A_1336, %get3A_1344 : vector<16xf32>
        %add3A_1346 = arith.constant 120 : i32
        %add3A_1347 = arith.addi %add3A_1346, %scan3A_619 : i32
        %get3A_1348 = arith.constant 1 : i32
        %get3A_1349 = arith.index_cast %get3A_1348 : i32 to index
        %get3A_1350 = arith.index_cast %add3A_1347 : i32 to index
        %get3A_1351 = arith.constant 112 : index
        %get3A_1352 = tpu.vector_load %arg9[%get3A_1349, %get3A_1350, %get3A_1351] {strides = array<i32>} : memref<3x264x128xf32, #tpu.memory_space<vmem>>, vector<1x1x16xf32>,
        %get3A_1353 = vector.shape_cast %get3A_1352 : vector<1x1x16xf32> to vector<16xf32>
        %add3A_1354 = arith.addf %add3A_1345, %get3A_1353 : vector<16xf32>
        %add3A_1355 = arith.constant 144 : i32
        %add3A_1356 = arith.addi %add3A_1355, %scan3A_619 : i32
        %get3A_1357 = arith.constant 1 : i32
        %get3A_1358 = arith.index_cast %get3A_1357 : i32 to index
        %get3A_1359 = arith.index_cast %add3A_1356 : i32 to index
        %get3A_1360 = arith.constant 112 : index
        %get3A_1361 = tpu.vector_load %arg9[%get3A_1358, %get3A_1359, %get3A_1360] {strides = array<i32>} : memref<3x264x128xf32, #tpu.memory_space<vmem>>, vector<1x1x16xf32>,
        %get3A_1362 = vector.shape_cast %get3A_1361 : vector<1x1x16xf32> to vector<16xf32>
        %add3A_1363 = arith.addf %add3A_1354, %get3A_1362 : vector<16xf32>
        %add3A_1364 = arith.constant 168 : i32
        %add3A_1365 = arith.addi %add3A_1364, %scan3A_619 : i32
        %get3A_1366 = arith.constant 1 : i32
        %get3A_1367 = arith.index_cast %get3A_1366 : i32 to index
        %get3A_1368 = arith.index_cast %add3A_1365 : i32 to index
        %get3A_1369 = arith.constant 112 : index
        %get3A_1370 = tpu.vector_load %arg9[%get3A_1367, %get3A_1368, %get3A_1369] {strides = array<i32>} : memref<3x264x128xf32, #tpu.memory_space<vmem>>, vector<1x1x16xf32>,
        %get3A_1371 = vector.shape_cast %get3A_1370 : vector<1x1x16xf32> to vector<16xf32>
        %add3A_1372 = arith.addf %add3A_1363, %get3A_1371 : vector<16xf32>
        %add3A_1373 = arith.constant 192 : i32
        %add3A_1374 = arith.addi %add3A_1373, %scan3A_619 : i32
        %get3A_1375 = arith.constant 1 : i32
        %get3A_1376 = arith.index_cast %get3A_1375 : i32 to index
        %get3A_1377 = arith.index_cast %add3A_1374 : i32 to index
        %get3A_1378 = arith.constant 112 : index
        %get3A_1379 = tpu.vector_load %arg9[%get3A_1376, %get3A_1377, %get3A_1378] {strides = array<i32>} : memref<3x264x128xf32, #tpu.memory_space<vmem>>, vector<1x1x16xf32>,
        %get3A_1380 = vector.shape_cast %get3A_1379 : vector<1x1x16xf32> to vector<16xf32>
        %add3A_1381 = arith.addf %add3A_1372, %get3A_1380 : vector<16xf32>
        %add3A_1382 = arith.constant 216 : i32
        %add3A_1383 = arith.addi %add3A_1382, %scan3A_619 : i32
        %get3A_1384 = arith.constant 1 : i32
        %get3A_1385 = arith.index_cast %get3A_1384 : i32 to index
        %get3A_1386 = arith.index_cast %add3A_1383 : i32 to index
        %get3A_1387 = arith.constant 112 : index
        %get3A_1388 = tpu.vector_load %arg9[%get3A_1385, %get3A_1386, %get3A_1387] {strides = array<i32>} : memref<3x264x128xf32, #tpu.memory_space<vmem>>, vector<1x1x16xf32>,
        %get3A_1389 = vector.shape_cast %get3A_1388 : vector<1x1x16xf32> to vector<16xf32>
        %add3A_1390 = arith.addf %add3A_1381, %get3A_1389 : vector<16xf32>
        %add3A_1391 = arith.constant 240 : i32
        %add3A_1392 = arith.addi %add3A_1391, %scan3A_619 : i32
        %get3A_1393 = arith.constant 1 : i32
        %get3A_1394 = arith.index_cast %get3A_1393 : i32 to index
        %get3A_1395 = arith.index_cast %add3A_1392 : i32 to index
        %get3A_1396 = arith.constant 112 : index
        %get3A_1397 = tpu.vector_load %arg9[%get3A_1394, %get3A_1395, %get3A_1396] {strides = array<i32>} : memref<3x264x128xf32, #tpu.memory_space<vmem>>, vector<1x1x16xf32>,
        %get3A_1398 = vector.shape_cast %get3A_1397 : vector<1x1x16xf32> to vector<16xf32>
        %add3A_1399 = arith.addf %add3A_1390, %get3A_1398 : vector<16xf32>
        %mul3A_1400 = arith.constant 1.000000e-01 : f32
        %mul3A_1401 = vector.broadcast %mul3A_1400 : f32 to vector<16xf32>
        %mul3A_1402 = arith.mulf %add3A_1399, %mul3A_1401 : vector<16xf32>
        %swap3A_1403 = arith.constant 1 : i32
        %swap3A_1404 = arith.index_cast %swap3A_1403 : i32 to index
        %swap3A_1405 = arith.index_cast %scan3A_619 : i32 to index
        %swap3A_1406 = arith.constant 112 : index
        %swap3A_1407 = tpu.vector_load %arg10[%swap3A_1404, %swap3A_1405, %swap3A_1406] {strides = array<i32>} : memref<3x24x128xf32, #tpu.memory_space<vmem>>, vector<1x1x16xf32>,
        %swap3A_1408 = vector.shape_cast %swap3A_1407 : vector<1x1x16xf32> to vector<16xf32>
        %swap3A_1409 = vector.shape_cast %mul3A_1402 : vector<16xf32> to vector<1x1x16xf32>
        tpu.vector_store %arg10[%swap3A_1404, %swap3A_1405, %swap3A_1406], %swap3A_1409 {strides = array<i32>} : memref<3x24x128xf32, #tpu.memory_space<vmem>>, vector<1x1x16xf32>,
      }
      %scan3A_500 = arith.constant 24 : i32
      %add3A_501 = arith.addi %mul3A_2, %add3A_456 : i32
      %mul3A_502 = arith.constant 24 : i32
      %mul3A_503 = arith.muli %add3A_501, %mul3A_502 : i32
      %dma_start3A_504 = arith.constant 1 : i32
      %dma_start3A_505 = arith.constant 0 : i32
      %dma_start3A_506 = arith.constant 0 : i32
      %dma_start3A_507 = tpu.memref_slice %arg9[%dma_start3A_504, %dma_start3A_505, %dma_start3A_506] : memref<3x264x128xf32, #tpu.memory_space<vmem>> -> memref<1x264x128xf32, #tpu.memory_space<vmem>>
      %dma_start3A_508 = tpu.memref_squeeze %dma_start3A_507 : memref<1x264x128xf32, #tpu.memory_space<vmem>> -> memref<264x128xf32, #tpu.memory_space<vmem>>
      %dma_start3A_509 = arith.constant 0 : i32
      %dma_start3A_510 = arith.constant 0 : i32
      %dma_start3A_511 = tpu.memref_slice %dma_start3A_508[%dma_start3A_509, %dma_start3A_510] : memref<264x128xf32, #tpu.memory_space<vmem>> -> memref<24x128xf32, #tpu.memory_space<vmem>>
      %dma_start3A_512 = arith.constant 0 : i32
      %dma_start3A_513 = tpu.memref_slice %arg4[%mul3A_503, %dma_start3A_512] : memref<50688x128xf32, #tpu.memory_space<hbm>> -> memref<24x128xf32, #tpu.memory_space<hbm>>
      %dma_start3A_514 = arith.constant 0 : i32
      %dma_start3A_515 = tpu.memref_slice %arg4[%mul3A_503, %dma_start3A_514] : memref<50688x128xf32, #tpu.memory_space<hbm>> -> memref<24x128xf32, #tpu.memory_space<hbm>>
      %dma_start3A_516 = arith.constant 0 : i32
      %dma_start3A_517 = arith.constant 0 : i32
      %dma_start3A_518 = tpu.memref_slice %arg9[%dma_start3A_504, %dma_start3A_516, %dma_start3A_517] : memref<3x264x128xf32, #tpu.memory_space<vmem>> -> memref<1x264x128xf32, #tpu.memory_space<vmem>>
      %dma_start3A_519 = tpu.memref_squeeze %dma_start3A_518 : memref<1x264x128xf32, #tpu.memory_space<vmem>> -> memref<264x128xf32, #tpu.memory_space<vmem>>
      %dma_start3A_520 = arith.constant 0 : i32
      %dma_start3A_521 = arith.constant 0 : i32
      %dma_start3A_522 = tpu.memref_slice %dma_start3A_519[%dma_start3A_520, %dma_start3A_521] : memref<264x128xf32, #tpu.memory_space<vmem>> -> memref<24x128xf32, #tpu.memory_space<vmem>>
      tpu.enqueue_dma source(%dma_start3A_522 : memref<24x128xf32, #tpu.memory_space<vmem>>) target(%dma_start3A_515 : memref<24x128xf32, #tpu.memory_space<hbm>>) target_semaphore(%arg17 : memref<!tpu.dma_semaphore, #tpu.memory_space<semaphore_mem>>)
      %dma_start3A_523 = arith.constant 1 : i32
      %dma_start3A_524 = arith.constant 0 : i32
      %dma_start3A_525 = arith.constant 0 : i32
      %dma_start3A_526 = tpu.memref_slice %arg10[%dma_start3A_523, %dma_start3A_524, %dma_start3A_525] : memref<3x24x128xf32, #tpu.memory_space<vmem>> -> memref<1x24x128xf32, #tpu.memory_space<vmem>>
      %dma_start3A_527 = tpu.memref_squeeze %dma_start3A_526 : memref<1x24x128xf32, #tpu.memory_space<vmem>> -> memref<24x128xf32, #tpu.memory_space<vmem>>
      %dma_start3A_528 = arith.constant 0 : i32
      %dma_start3A_529 = tpu.memref_slice %arg5[%mul3A_503, %dma_start3A_528] : memref<50688x128xf32, #tpu.memory_space<hbm>> -> memref<24x128xf32, #tpu.memory_space<hbm>>
      %dma_start3A_530 = arith.constant 0 : i32
      %dma_start3A_531 = tpu.memref_slice %arg5[%mul3A_503, %dma_start3A_530] : memref<50688x128xf32, #tpu.memory_space<hbm>> -> memref<24x128xf32, #tpu.memory_space<hbm>>
      %dma_start3A_532 = arith.constant 0 : i32
      %dma_start3A_533 = arith.constant 0 : i32
      %dma_start3A_534 = tpu.memref_slice %arg10[%dma_start3A_523, %dma_start3A_532, %dma_start3A_533] : memref<3x24x128xf32, #tpu.memory_space<vmem>> -> memref<1x24x128xf32, #tpu.memory_space<vmem>>
      %dma_start3A_535 = tpu.memref_squeeze %dma_start3A_534 : memref<1x24x128xf32, #tpu.memory_space<vmem>> -> memref<24x128xf32, #tpu.memory_space<vmem>>
      tpu.enqueue_dma source(%dma_start3A_535 : memref<24x128xf32, #tpu.memory_space<vmem>>) target(%dma_start3A_531 : memref<24x128xf32, #tpu.memory_space<hbm>>) target_semaphore(%arg17 : memref<!tpu.dma_semaphore, #tpu.memory_space<semaphore_mem>>)
      %mul3A_536 = arith.constant 3 : i32
      %mul3A_537 = arith.muli %mul3A_536, %scan3A_374 : i32
      %add3A_538 = arith.constant 2 : i32
      %add3A_539 = arith.addi %mul3A_537, %add3A_538 : i32
      %dma_wait3A_540 = arith.constant 2 : i32
      %dma_wait3A_541 = arith.constant 0 : i32
      %dma_wait3A_542 = arith.constant 0 : i32
      %dma_wait3A_543 = tpu.memref_slice %arg9[%dma_wait3A_540, %dma_wait3A_541, %dma_wait3A_542] : memref<3x264x128xf32, #tpu.memory_space<vmem>> -> memref<1x264x128xf32, #tpu.memory_space<vmem>>
      %dma_wait3A_544 = tpu.memref_squeeze %dma_wait3A_543 : memref<1x264x128xf32, #tpu.memory_space<vmem>> -> memref<264x128xf32, #tpu.memory_space<vmem>>
      %dma_wait3A_545 = arith.constant 0 : i32
      %dma_wait3A_546 = arith.constant 0 : i32
      %dma_wait3A_547 = tpu.memref_slice %arg3[%dma_wait3A_545, %dma_wait3A_546] : memref<100000x128xf32, #tpu.memory_space<hbm>> -> memref<100000x128xf32, #tpu.memory_space<hbm>>
      tpu.wait_indirect_dma semaphore(%arg13 : memref<!tpu.dma_semaphore, #tpu.memory_space<semaphore_mem>>) src(%dma_wait3A_547 : memref<100000x128xf32, #tpu.memory_space<hbm>>) dst(%dma_wait3A_544 : memref<264x128xf32, #tpu.memory_space<vmem>>)
      %add3A_548 = arith.constant 3 : i32
      %add3A_549 = arith.addi %add3A_539, %add3A_548 : i32
      %lt3A_550 = arith.constant 66 : i32
      %lt3A_551 = arith.cmpi slt, %add3A_549, %lt3A_550 : i32
      %convert_element_type3A_552 = arith.extui %lt3A_551 : i1 to i32
      %cond3A_553 = arith.constant 0 : i32
      %cond3A_554 = arith.cmpi ne, %convert_element_type3A_552, %cond3A_553 : i32
      scf.if %cond3A_554 {
        %add3A_619 = arith.constant 3 : i32
        %add3A_620 = arith.addi %add3A_539, %add3A_619 : i32
        %add3A_621 = arith.addi %mul3A_2, %add3A_620 : i32
        %mul3A_622 = arith.constant 24 : i32
        %mul3A_623 = arith.muli %add3A_621, %mul3A_622 : i32
        %add3A_624 = arith.constant 0 : i32
        %add3A_625 = arith.addi %add3A_624, %mul3A_623 : i32
        %dma_start3A_626 = arith.constant 0 : i32
        %dma_start3A_627 = tpu.memref_slice %arg8[%dma_start3A_626] : memref<264xi32, #tpu.memory_space<vmem>> -> memref<24xi32, #tpu.memory_space<vmem>>
        %dma_start3A_628 = tpu.memref_slice %arg2[%add3A_625] : memref<557568xi32, #tpu.memory_space<hbm>> -> memref<24xi32, #tpu.memory_space<hbm>>
        %dma_start3A_629 = arith.constant 0 : i32
        %dma_start3A_630 = tpu.memref_slice %arg8[%dma_start3A_629] : memref<264xi32, #tpu.memory_space<vmem>> -> memref<24xi32, #tpu.memory_space<vmem>>
        %dma_start3A_631 = tpu.memref_slice %arg2[%add3A_625] : memref<557568xi32, #tpu.memory_space<hbm>> -> memref<24xi32, #tpu.memory_space<hbm>>
        tpu.enqueue_dma source(%dma_start3A_631 : memref<24xi32, #tpu.memory_space<hbm>>) target(%dma_start3A_630 : memref<24xi32, #tpu.memory_space<vmem>>) target_semaphore(%arg16 : memref<!tpu.dma_semaphore, #tpu.memory_space<semaphore_mem>>)
        %add3A_632 = arith.constant 50688 : i32
        %add3A_633 = arith.addi %add3A_632, %mul3A_623 : i32
        %dma_start3A_634 = arith.constant 24 : i32
        %dma_start3A_635 = tpu.memref_slice %arg8[%dma_start3A_634] : memref<264xi32, #tpu.memory_space<vmem>> -> memref<24xi32, #tpu.memory_space<vmem>>
        %dma_start3A_636 = tpu.memref_slice %arg2[%add3A_633] : memref<557568xi32, #tpu.memory_space<hbm>> -> memref<24xi32, #tpu.memory_space<hbm>>
        %dma_start3A_637 = arith.constant 24 : i32
        %dma_start3A_638 = tpu.memref_slice %arg8[%dma_start3A_637] : memref<264xi32, #tpu.memory_space<vmem>> -> memref<24xi32, #tpu.memory_space<vmem>>
        %dma_start3A_639 = tpu.memref_slice %arg2[%add3A_633] : memref<557568xi32, #tpu.memory_space<hbm>> -> memref<24xi32, #tpu.memory_space<hbm>>
        tpu.enqueue_dma source(%dma_start3A_639 : memref<24xi32, #tpu.memory_space<hbm>>) target(%dma_start3A_638 : memref<24xi32, #tpu.memory_space<vmem>>) target_semaphore(%arg16 : memref<!tpu.dma_semaphore, #tpu.memory_space<semaphore_mem>>)
        %add3A_640 = arith.constant 101376 : i32
        %add3A_641 = arith.addi %add3A_640, %mul3A_623 : i32
        %dma_start3A_642 = arith.constant 48 : i32
        %dma_start3A_643 = tpu.memref_slice %arg8[%dma_start3A_642] : memref<264xi32, #tpu.memory_space<vmem>> -> memref<24xi32, #tpu.memory_space<vmem>>
        %dma_start3A_644 = tpu.memref_slice %arg2[%add3A_641] : memref<557568xi32, #tpu.memory_space<hbm>> -> memref<24xi32, #tpu.memory_space<hbm>>
        %dma_start3A_645 = arith.constant 48 : i32
        %dma_start3A_646 = tpu.memref_slice %arg8[%dma_start3A_645] : memref<264xi32, #tpu.memory_space<vmem>> -> memref<24xi32, #tpu.memory_space<vmem>>
        %dma_start3A_647 = tpu.memref_slice %arg2[%add3A_641] : memref<557568xi32, #tpu.memory_space<hbm>> -> memref<24xi32, #tpu.memory_space<hbm>>
        tpu.enqueue_dma source(%dma_start3A_647 : memref<24xi32, #tpu.memory_space<hbm>>) target(%dma_start3A_646 : memref<24xi32, #tpu.memory_space<vmem>>) target_semaphore(%arg16 : memref<!tpu.dma_semaphore, #tpu.memory_space<semaphore_mem>>)
        %add3A_648 = arith.constant 152064 : i32
        %add3A_649 = arith.addi %add3A_648, %mul3A_623 : i32
        %dma_start3A_650 = arith.constant 72 : i32
        %dma_start3A_651 = tpu.memref_slice %arg8[%dma_start3A_650] : memref<264xi32, #tpu.memory_space<vmem>> -> memref<24xi32, #tpu.memory_space<vmem>>
        %dma_start3A_652 = tpu.memref_slice %arg2[%add3A_649] : memref<557568xi32, #tpu.memory_space<hbm>> -> memref<24xi32, #tpu.memory_space<hbm>>
        %dma_start3A_653 = arith.constant 72 : i32
        %dma_start3A_654 = tpu.memref_slice %arg8[%dma_start3A_653] : memref<264xi32, #tpu.memory_space<vmem>> -> memref<24xi32, #tpu.memory_space<vmem>>
        %dma_start3A_655 = tpu.memref_slice %arg2[%add3A_649] : memref<557568xi32, #tpu.memory_space<hbm>> -> memref<24xi32, #tpu.memory_space<hbm>>
        tpu.enqueue_dma source(%dma_start3A_655 : memref<24xi32, #tpu.memory_space<hbm>>) target(%dma_start3A_654 : memref<24xi32, #tpu.memory_space<vmem>>) target_semaphore(%arg16 : memref<!tpu.dma_semaphore, #tpu.memory_space<semaphore_mem>>)
        %add3A_656 = arith.constant 202752 : i32
        %add3A_657 = arith.addi %add3A_656, %mul3A_623 : i32
        %dma_start3A_658 = arith.constant 96 : i32
        %dma_start3A_659 = tpu.memref_slice %arg8[%dma_start3A_658] : memref<264xi32, #tpu.memory_space<vmem>> -> memref<24xi32, #tpu.memory_space<vmem>>
        %dma_start3A_660 = tpu.memref_slice %arg2[%add3A_657] : memref<557568xi32, #tpu.memory_space<hbm>> -> memref<24xi32, #tpu.memory_space<hbm>>
        %dma_start3A_661 = arith.constant 96 : i32
        %dma_start3A_662 = tpu.memref_slice %arg8[%dma_start3A_661] : memref<264xi32, #tpu.memory_space<vmem>> -> memref<24xi32, #tpu.memory_space<vmem>>
        %dma_start3A_663 = tpu.memref_slice %arg2[%add3A_657] : memref<557568xi32, #tpu.memory_space<hbm>> -> memref<24xi32, #tpu.memory_space<hbm>>
        tpu.enqueue_dma source(%dma_start3A_663 : memref<24xi32, #tpu.memory_space<hbm>>) target(%dma_start3A_662 : memref<24xi32, #tpu.memory_space<vmem>>) target_semaphore(%arg16 : memref<!tpu.dma_semaphore, #tpu.memory_space<semaphore_mem>>)
        %add3A_664 = arith.constant 253440 : i32
        %add3A_665 = arith.addi %add3A_664, %mul3A_623 : i32
        %dma_start3A_666 = arith.constant 120 : i32
        %dma_start3A_667 = tpu.memref_slice %arg8[%dma_start3A_666] : memref<264xi32, #tpu.memory_space<vmem>> -> memref<24xi32, #tpu.memory_space<vmem>>
        %dma_start3A_668 = tpu.memref_slice %arg2[%add3A_665] : memref<557568xi32, #tpu.memory_space<hbm>> -> memref<24xi32, #tpu.memory_space<hbm>>
        %dma_start3A_669 = arith.constant 120 : i32
        %dma_start3A_670 = tpu.memref_slice %arg8[%dma_start3A_669] : memref<264xi32, #tpu.memory_space<vmem>> -> memref<24xi32, #tpu.memory_space<vmem>>
        %dma_start3A_671 = tpu.memref_slice %arg2[%add3A_665] : memref<557568xi32, #tpu.memory_space<hbm>> -> memref<24xi32, #tpu.memory_space<hbm>>
        tpu.enqueue_dma source(%dma_start3A_671 : memref<24xi32, #tpu.memory_space<hbm>>) target(%dma_start3A_670 : memref<24xi32, #tpu.memory_space<vmem>>) target_semaphore(%arg16 : memref<!tpu.dma_semaphore, #tpu.memory_space<semaphore_mem>>)
        %add3A_672 = arith.constant 304128 : i32
        %add3A_673 = arith.addi %add3A_672, %mul3A_623 : i32
        %dma_start3A_674 = arith.constant 144 : i32
        %dma_start3A_675 = tpu.memref_slice %arg8[%dma_start3A_674] : memref<264xi32, #tpu.memory_space<vmem>> -> memref<24xi32, #tpu.memory_space<vmem>>
        %dma_start3A_676 = tpu.memref_slice %arg2[%add3A_673] : memref<557568xi32, #tpu.memory_space<hbm>> -> memref<24xi32, #tpu.memory_space<hbm>>
        %dma_start3A_677 = arith.constant 144 : i32
        %dma_start3A_678 = tpu.memref_slice %arg8[%dma_start3A_677] : memref<264xi32, #tpu.memory_space<vmem>> -> memref<24xi32, #tpu.memory_space<vmem>>
        %dma_start3A_679 = tpu.memref_slice %arg2[%add3A_673] : memref<557568xi32, #tpu.memory_space<hbm>> -> memref<24xi32, #tpu.memory_space<hbm>>
        tpu.enqueue_dma source(%dma_start3A_679 : memref<24xi32, #tpu.memory_space<hbm>>) target(%dma_start3A_678 : memref<24xi32, #tpu.memory_space<vmem>>) target_semaphore(%arg16 : memref<!tpu.dma_semaphore, #tpu.memory_space<semaphore_mem>>)
        %add3A_680 = arith.constant 354816 : i32
        %add3A_681 = arith.addi %add3A_680, %mul3A_623 : i32
        %dma_start3A_682 = arith.constant 168 : i32
        %dma_start3A_683 = tpu.memref_slice %arg8[%dma_start3A_682] : memref<264xi32, #tpu.memory_space<vmem>> -> memref<24xi32, #tpu.memory_space<vmem>>
        %dma_start3A_684 = tpu.memref_slice %arg2[%add3A_681] : memref<557568xi32, #tpu.memory_space<hbm>> -> memref<24xi32, #tpu.memory_space<hbm>>
        %dma_start3A_685 = arith.constant 168 : i32
        %dma_start3A_686 = tpu.memref_slice %arg8[%dma_start3A_685] : memref<264xi32, #tpu.memory_space<vmem>> -> memref<24xi32, #tpu.memory_space<vmem>>
        %dma_start3A_687 = tpu.memref_slice %arg2[%add3A_681] : memref<557568xi32, #tpu.memory_space<hbm>> -> memref<24xi32, #tpu.memory_space<hbm>>
        tpu.enqueue_dma source(%dma_start3A_687 : memref<24xi32, #tpu.memory_space<hbm>>) target(%dma_start3A_686 : memref<24xi32, #tpu.memory_space<vmem>>) target_semaphore(%arg16 : memref<!tpu.dma_semaphore, #tpu.memory_space<semaphore_mem>>)
        %add3A_688 = arith.constant 405504 : i32
        %add3A_689 = arith.addi %add3A_688, %mul3A_623 : i32
        %dma_start3A_690 = arith.constant 192 : i32
        %dma_start3A_691 = tpu.memref_slice %arg8[%dma_start3A_690] : memref<264xi32, #tpu.memory_space<vmem>> -> memref<24xi32, #tpu.memory_space<vmem>>
        %dma_start3A_692 = tpu.memref_slice %arg2[%add3A_689] : memref<557568xi32, #tpu.memory_space<hbm>> -> memref<24xi32, #tpu.memory_space<hbm>>
        %dma_start3A_693 = arith.constant 192 : i32
        %dma_start3A_694 = tpu.memref_slice %arg8[%dma_start3A_693] : memref<264xi32, #tpu.memory_space<vmem>> -> memref<24xi32, #tpu.memory_space<vmem>>
        %dma_start3A_695 = tpu.memref_slice %arg2[%add3A_689] : memref<557568xi32, #tpu.memory_space<hbm>> -> memref<24xi32, #tpu.memory_space<hbm>>
        tpu.enqueue_dma source(%dma_start3A_695 : memref<24xi32, #tpu.memory_space<hbm>>) target(%dma_start3A_694 : memref<24xi32, #tpu.memory_space<vmem>>) target_semaphore(%arg16 : memref<!tpu.dma_semaphore, #tpu.memory_space<semaphore_mem>>)
        %add3A_696 = arith.constant 456192 : i32
        %add3A_697 = arith.addi %add3A_696, %mul3A_623 : i32
        %dma_start3A_698 = arith.constant 216 : i32
        %dma_start3A_699 = tpu.memref_slice %arg8[%dma_start3A_698] : memref<264xi32, #tpu.memory_space<vmem>> -> memref<24xi32, #tpu.memory_space<vmem>>
        %dma_start3A_700 = tpu.memref_slice %arg2[%add3A_697] : memref<557568xi32, #tpu.memory_space<hbm>> -> memref<24xi32, #tpu.memory_space<hbm>>
        %dma_start3A_701 = arith.constant 216 : i32
        %dma_start3A_702 = tpu.memref_slice %arg8[%dma_start3A_701] : memref<264xi32, #tpu.memory_space<vmem>> -> memref<24xi32, #tpu.memory_space<vmem>>
        %dma_start3A_703 = tpu.memref_slice %arg2[%add3A_697] : memref<557568xi32, #tpu.memory_space<hbm>> -> memref<24xi32, #tpu.memory_space<hbm>>
        tpu.enqueue_dma source(%dma_start3A_703 : memref<24xi32, #tpu.memory_space<hbm>>) target(%dma_start3A_702 : memref<24xi32, #tpu.memory_space<vmem>>) target_semaphore(%arg16 : memref<!tpu.dma_semaphore, #tpu.memory_space<semaphore_mem>>)
        %add3A_704 = arith.constant 506880 : i32
        %add3A_705 = arith.addi %add3A_704, %mul3A_623 : i32
        %dma_start3A_706 = arith.constant 240 : i32
        %dma_start3A_707 = tpu.memref_slice %arg8[%dma_start3A_706] : memref<264xi32, #tpu.memory_space<vmem>> -> memref<24xi32, #tpu.memory_space<vmem>>
        %dma_start3A_708 = tpu.memref_slice %arg2[%add3A_705] : memref<557568xi32, #tpu.memory_space<hbm>> -> memref<24xi32, #tpu.memory_space<hbm>>
        %dma_start3A_709 = arith.constant 240 : i32
        %dma_start3A_710 = tpu.memref_slice %arg8[%dma_start3A_709] : memref<264xi32, #tpu.memory_space<vmem>> -> memref<24xi32, #tpu.memory_space<vmem>>
        %dma_start3A_711 = tpu.memref_slice %arg2[%add3A_705] : memref<557568xi32, #tpu.memory_space<hbm>> -> memref<24xi32, #tpu.memory_space<hbm>>
        tpu.enqueue_dma source(%dma_start3A_711 : memref<24xi32, #tpu.memory_space<hbm>>) target(%dma_start3A_710 : memref<24xi32, #tpu.memory_space<vmem>>) target_semaphore(%arg16 : memref<!tpu.dma_semaphore, #tpu.memory_space<semaphore_mem>>)
      } else {
      }
      %ge3A_555 = arith.constant 1 : i32
      %ge3A_556 = arith.cmpi sge, %add3A_539, %ge3A_555 : i32
      %convert_element_type3A_557 = arith.extui %ge3A_556 : i1 to i32
      %cond3A_558 = arith.constant 0 : i32
      %cond3A_559 = arith.cmpi ne, %convert_element_type3A_557, %cond3A_558 : i32
      scf.if %cond3A_559 {
        %dma_wait3A_619 = arith.constant 1 : i32
        %dma_wait3A_620 = arith.constant 0 : i32
        %dma_wait3A_621 = arith.constant 0 : i32
        %dma_wait3A_622 = tpu.memref_slice %arg9[%dma_wait3A_619, %dma_wait3A_620, %dma_wait3A_621] : memref<3x264x128xf32, #tpu.memory_space<vmem>> -> memref<1x264x128xf32, #tpu.memory_space<vmem>>
        %dma_wait3A_623 = tpu.memref_squeeze %dma_wait3A_622 : memref<1x264x128xf32, #tpu.memory_space<vmem>> -> memref<264x128xf32, #tpu.memory_space<vmem>>
        %dma_wait3A_624 = arith.constant 0 : i32
        %dma_wait3A_625 = arith.constant 0 : i32
        %dma_wait3A_626 = tpu.memref_slice %dma_wait3A_623[%dma_wait3A_624, %dma_wait3A_625] : memref<264x128xf32, #tpu.memory_space<vmem>> -> memref<24x128xf32, #tpu.memory_space<vmem>>
        %dma_wait3A_627 = arith.constant 0 : i32
        %dma_wait3A_628 = arith.constant 0 : i32
        %dma_wait3A_629 = tpu.memref_slice %arg4[%dma_wait3A_627, %dma_wait3A_628] : memref<50688x128xf32, #tpu.memory_space<hbm>> -> memref<24x128xf32, #tpu.memory_space<hbm>>
        %dma_wait3A_630 = arith.constant 0 : i32
        %dma_wait3A_631 = arith.constant 0 : i32
        %dma_wait3A_632 = tpu.memref_slice %arg4[%dma_wait3A_630, %dma_wait3A_631] : memref<50688x128xf32, #tpu.memory_space<hbm>> -> memref<24x128xf32, #tpu.memory_space<hbm>>
        %dma_wait3A_633 = arith.constant 0 : i32
        %dma_wait3A_634 = arith.constant 0 : i32
        %dma_wait3A_635 = tpu.memref_slice %arg9[%dma_wait3A_619, %dma_wait3A_633, %dma_wait3A_634] : memref<3x264x128xf32, #tpu.memory_space<vmem>> -> memref<1x264x128xf32, #tpu.memory_space<vmem>>
        %dma_wait3A_636 = tpu.memref_squeeze %dma_wait3A_635 : memref<1x264x128xf32, #tpu.memory_space<vmem>> -> memref<264x128xf32, #tpu.memory_space<vmem>>
        %dma_wait3A_637 = arith.constant 0 : i32
        %dma_wait3A_638 = arith.constant 0 : i32
        %dma_wait3A_639 = tpu.memref_slice %dma_wait3A_636[%dma_wait3A_637, %dma_wait3A_638] : memref<264x128xf32, #tpu.memory_space<vmem>> -> memref<24x128xf32, #tpu.memory_space<vmem>>
        tpu.wait_dma2 semaphore(%arg17 : memref<!tpu.dma_semaphore, #tpu.memory_space<semaphore_mem>>) src(%dma_wait3A_639 : memref<24x128xf32, #tpu.memory_space<vmem>>) dst(%dma_wait3A_632 : memref<24x128xf32, #tpu.memory_space<hbm>>)
        %dma_wait3A_640 = arith.constant 1 : i32
        %dma_wait3A_641 = arith.constant 0 : i32
        %dma_wait3A_642 = arith.constant 0 : i32
        %dma_wait3A_643 = tpu.memref_slice %arg10[%dma_wait3A_640, %dma_wait3A_641, %dma_wait3A_642] : memref<3x24x128xf32, #tpu.memory_space<vmem>> -> memref<1x24x128xf32, #tpu.memory_space<vmem>>
        %dma_wait3A_644 = tpu.memref_squeeze %dma_wait3A_643 : memref<1x24x128xf32, #tpu.memory_space<vmem>> -> memref<24x128xf32, #tpu.memory_space<vmem>>
        %dma_wait3A_645 = arith.constant 0 : i32
        %dma_wait3A_646 = arith.constant 0 : i32
        %dma_wait3A_647 = tpu.memref_slice %arg5[%dma_wait3A_645, %dma_wait3A_646] : memref<50688x128xf32, #tpu.memory_space<hbm>> -> memref<24x128xf32, #tpu.memory_space<hbm>>
        %dma_wait3A_648 = arith.constant 0 : i32
        %dma_wait3A_649 = arith.constant 0 : i32
        %dma_wait3A_650 = tpu.memref_slice %arg5[%dma_wait3A_648, %dma_wait3A_649] : memref<50688x128xf32, #tpu.memory_space<hbm>> -> memref<24x128xf32, #tpu.memory_space<hbm>>
        %dma_wait3A_651 = arith.constant 0 : i32
        %dma_wait3A_652 = arith.constant 0 : i32
        %dma_wait3A_653 = tpu.memref_slice %arg10[%dma_wait3A_640, %dma_wait3A_651, %dma_wait3A_652] : memref<3x24x128xf32, #tpu.memory_space<vmem>> -> memref<1x24x128xf32, #tpu.memory_space<vmem>>
        %dma_wait3A_654 = tpu.memref_squeeze %dma_wait3A_653 : memref<1x24x128xf32, #tpu.memory_space<vmem>> -> memref<24x128xf32, #tpu.memory_space<vmem>>
        tpu.wait_dma2 semaphore(%arg17 : memref<!tpu.dma_semaphore, #tpu.memory_space<semaphore_mem>>) src(%dma_wait3A_654 : memref<24x128xf32, #tpu.memory_space<vmem>>) dst(%dma_wait3A_650 : memref<24x128xf32, #tpu.memory_space<hbm>>)
      } else {
      }
      %add3A_560 = arith.constant 3 : i32
      %add3A_561 = arith.addi %add3A_539, %add3A_560 : i32
      %sub3A_562 = arith.constant 1 : i32
      %sub3A_563 = arith.subi %add3A_561, %sub3A_562 : i32
      %lt3A_564 = arith.constant 66 : i32
      %lt3A_565 = arith.cmpi slt, %sub3A_563, %lt3A_564 : i32
      %convert_element_type3A_566 = arith.extui %lt3A_565 : i1 to i32
      %cond3A_567 = arith.constant 0 : i32
      %cond3A_568 = arith.cmpi ne, %convert_element_type3A_566, %cond3A_567 : i32
      scf.if %cond3A_568 {
        %dma_wait3A_619 = arith.constant 0 : i32
        %dma_wait3A_620 = tpu.memref_slice %arg7[%dma_wait3A_619] : memref<264xi32, #tpu.memory_space<vmem>> -> memref<24xi32, #tpu.memory_space<vmem>>
        %dma_wait3A_621 = arith.constant 0 : i32
        %dma_wait3A_622 = tpu.memref_slice %arg2[%dma_wait3A_621] : memref<557568xi32, #tpu.memory_space<hbm>> -> memref<24xi32, #tpu.memory_space<hbm>>
        %dma_wait3A_623 = arith.constant 0 : i32
        %dma_wait3A_624 = tpu.memref_slice %arg7[%dma_wait3A_623] : memref<264xi32, #tpu.memory_space<vmem>> -> memref<24xi32, #tpu.memory_space<vmem>>
        %dma_wait3A_625 = arith.constant 0 : i32
        %dma_wait3A_626 = tpu.memref_slice %arg2[%dma_wait3A_625] : memref<557568xi32, #tpu.memory_space<hbm>> -> memref<24xi32, #tpu.memory_space<hbm>>
        tpu.wait_dma2 semaphore(%arg15 : memref<!tpu.dma_semaphore, #tpu.memory_space<semaphore_mem>>) src(%dma_wait3A_626 : memref<24xi32, #tpu.memory_space<hbm>>) dst(%dma_wait3A_624 : memref<24xi32, #tpu.memory_space<vmem>>)
        %dma_wait3A_627 = arith.constant 24 : i32
        %dma_wait3A_628 = tpu.memref_slice %arg7[%dma_wait3A_627] : memref<264xi32, #tpu.memory_space<vmem>> -> memref<24xi32, #tpu.memory_space<vmem>>
        %dma_wait3A_629 = arith.constant 50688 : i32
        %dma_wait3A_630 = tpu.memref_slice %arg2[%dma_wait3A_629] : memref<557568xi32, #tpu.memory_space<hbm>> -> memref<24xi32, #tpu.memory_space<hbm>>
        %dma_wait3A_631 = arith.constant 24 : i32
        %dma_wait3A_632 = tpu.memref_slice %arg7[%dma_wait3A_631] : memref<264xi32, #tpu.memory_space<vmem>> -> memref<24xi32, #tpu.memory_space<vmem>>
        %dma_wait3A_633 = arith.constant 50688 : i32
        %dma_wait3A_634 = tpu.memref_slice %arg2[%dma_wait3A_633] : memref<557568xi32, #tpu.memory_space<hbm>> -> memref<24xi32, #tpu.memory_space<hbm>>
        tpu.wait_dma2 semaphore(%arg15 : memref<!tpu.dma_semaphore, #tpu.memory_space<semaphore_mem>>) src(%dma_wait3A_634 : memref<24xi32, #tpu.memory_space<hbm>>) dst(%dma_wait3A_632 : memref<24xi32, #tpu.memory_space<vmem>>)
        %dma_wait3A_635 = arith.constant 48 : i32
        %dma_wait3A_636 = tpu.memref_slice %arg7[%dma_wait3A_635] : memref<264xi32, #tpu.memory_space<vmem>> -> memref<24xi32, #tpu.memory_space<vmem>>
        %dma_wait3A_637 = arith.constant 101376 : i32
        %dma_wait3A_638 = tpu.memref_slice %arg2[%dma_wait3A_637] : memref<557568xi32, #tpu.memory_space<hbm>> -> memref<24xi32, #tpu.memory_space<hbm>>
        %dma_wait3A_639 = arith.constant 48 : i32
        %dma_wait3A_640 = tpu.memref_slice %arg7[%dma_wait3A_639] : memref<264xi32, #tpu.memory_space<vmem>> -> memref<24xi32, #tpu.memory_space<vmem>>
        %dma_wait3A_641 = arith.constant 101376 : i32
        %dma_wait3A_642 = tpu.memref_slice %arg2[%dma_wait3A_641] : memref<557568xi32, #tpu.memory_space<hbm>> -> memref<24xi32, #tpu.memory_space<hbm>>
        tpu.wait_dma2 semaphore(%arg15 : memref<!tpu.dma_semaphore, #tpu.memory_space<semaphore_mem>>) src(%dma_wait3A_642 : memref<24xi32, #tpu.memory_space<hbm>>) dst(%dma_wait3A_640 : memref<24xi32, #tpu.memory_space<vmem>>)
        %dma_wait3A_643 = arith.constant 72 : i32
        %dma_wait3A_644 = tpu.memref_slice %arg7[%dma_wait3A_643] : memref<264xi32, #tpu.memory_space<vmem>> -> memref<24xi32, #tpu.memory_space<vmem>>
        %dma_wait3A_645 = arith.constant 152064 : i32
        %dma_wait3A_646 = tpu.memref_slice %arg2[%dma_wait3A_645] : memref<557568xi32, #tpu.memory_space<hbm>> -> memref<24xi32, #tpu.memory_space<hbm>>
        %dma_wait3A_647 = arith.constant 72 : i32
        %dma_wait3A_648 = tpu.memref_slice %arg7[%dma_wait3A_647] : memref<264xi32, #tpu.memory_space<vmem>> -> memref<24xi32, #tpu.memory_space<vmem>>
        %dma_wait3A_649 = arith.constant 152064 : i32
        %dma_wait3A_650 = tpu.memref_slice %arg2[%dma_wait3A_649] : memref<557568xi32, #tpu.memory_space<hbm>> -> memref<24xi32, #tpu.memory_space<hbm>>
        tpu.wait_dma2 semaphore(%arg15 : memref<!tpu.dma_semaphore, #tpu.memory_space<semaphore_mem>>) src(%dma_wait3A_650 : memref<24xi32, #tpu.memory_space<hbm>>) dst(%dma_wait3A_648 : memref<24xi32, #tpu.memory_space<vmem>>)
        %dma_wait3A_651 = arith.constant 96 : i32
        %dma_wait3A_652 = tpu.memref_slice %arg7[%dma_wait3A_651] : memref<264xi32, #tpu.memory_space<vmem>> -> memref<24xi32, #tpu.memory_space<vmem>>
        %dma_wait3A_653 = arith.constant 202752 : i32
        %dma_wait3A_654 = tpu.memref_slice %arg2[%dma_wait3A_653] : memref<557568xi32, #tpu.memory_space<hbm>> -> memref<24xi32, #tpu.memory_space<hbm>>
        %dma_wait3A_655 = arith.constant 96 : i32
        %dma_wait3A_656 = tpu.memref_slice %arg7[%dma_wait3A_655] : memref<264xi32, #tpu.memory_space<vmem>> -> memref<24xi32, #tpu.memory_space<vmem>>
        %dma_wait3A_657 = arith.constant 202752 : i32
        %dma_wait3A_658 = tpu.memref_slice %arg2[%dma_wait3A_657] : memref<557568xi32, #tpu.memory_space<hbm>> -> memref<24xi32, #tpu.memory_space<hbm>>
        tpu.wait_dma2 semaphore(%arg15 : memref<!tpu.dma_semaphore, #tpu.memory_space<semaphore_mem>>) src(%dma_wait3A_658 : memref<24xi32, #tpu.memory_space<hbm>>) dst(%dma_wait3A_656 : memref<24xi32, #tpu.memory_space<vmem>>)
        %dma_wait3A_659 = arith.constant 120 : i32
        %dma_wait3A_660 = tpu.memref_slice %arg7[%dma_wait3A_659] : memref<264xi32, #tpu.memory_space<vmem>> -> memref<24xi32, #tpu.memory_space<vmem>>
        %dma_wait3A_661 = arith.constant 253440 : i32
        %dma_wait3A_662 = tpu.memref_slice %arg2[%dma_wait3A_661] : memref<557568xi32, #tpu.memory_space<hbm>> -> memref<24xi32, #tpu.memory_space<hbm>>
        %dma_wait3A_663 = arith.constant 120 : i32
        %dma_wait3A_664 = tpu.memref_slice %arg7[%dma_wait3A_663] : memref<264xi32, #tpu.memory_space<vmem>> -> memref<24xi32, #tpu.memory_space<vmem>>
        %dma_wait3A_665 = arith.constant 253440 : i32
        %dma_wait3A_666 = tpu.memref_slice %arg2[%dma_wait3A_665] : memref<557568xi32, #tpu.memory_space<hbm>> -> memref<24xi32, #tpu.memory_space<hbm>>
        tpu.wait_dma2 semaphore(%arg15 : memref<!tpu.dma_semaphore, #tpu.memory_space<semaphore_mem>>) src(%dma_wait3A_666 : memref<24xi32, #tpu.memory_space<hbm>>) dst(%dma_wait3A_664 : memref<24xi32, #tpu.memory_space<vmem>>)
        %dma_wait3A_667 = arith.constant 144 : i32
        %dma_wait3A_668 = tpu.memref_slice %arg7[%dma_wait3A_667] : memref<264xi32, #tpu.memory_space<vmem>> -> memref<24xi32, #tpu.memory_space<vmem>>
        %dma_wait3A_669 = arith.constant 304128 : i32
        %dma_wait3A_670 = tpu.memref_slice %arg2[%dma_wait3A_669] : memref<557568xi32, #tpu.memory_space<hbm>> -> memref<24xi32, #tpu.memory_space<hbm>>
        %dma_wait3A_671 = arith.constant 144 : i32
        %dma_wait3A_672 = tpu.memref_slice %arg7[%dma_wait3A_671] : memref<264xi32, #tpu.memory_space<vmem>> -> memref<24xi32, #tpu.memory_space<vmem>>
        %dma_wait3A_673 = arith.constant 304128 : i32
        %dma_wait3A_674 = tpu.memref_slice %arg2[%dma_wait3A_673] : memref<557568xi32, #tpu.memory_space<hbm>> -> memref<24xi32, #tpu.memory_space<hbm>>
        tpu.wait_dma2 semaphore(%arg15 : memref<!tpu.dma_semaphore, #tpu.memory_space<semaphore_mem>>) src(%dma_wait3A_674 : memref<24xi32, #tpu.memory_space<hbm>>) dst(%dma_wait3A_672 : memref<24xi32, #tpu.memory_space<vmem>>)
        %dma_wait3A_675 = arith.constant 168 : i32
        %dma_wait3A_676 = tpu.memref_slice %arg7[%dma_wait3A_675] : memref<264xi32, #tpu.memory_space<vmem>> -> memref<24xi32, #tpu.memory_space<vmem>>
        %dma_wait3A_677 = arith.constant 354816 : i32
        %dma_wait3A_678 = tpu.memref_slice %arg2[%dma_wait3A_677] : memref<557568xi32, #tpu.memory_space<hbm>> -> memref<24xi32, #tpu.memory_space<hbm>>
        %dma_wait3A_679 = arith.constant 168 : i32
        %dma_wait3A_680 = tpu.memref_slice %arg7[%dma_wait3A_679] : memref<264xi32, #tpu.memory_space<vmem>> -> memref<24xi32, #tpu.memory_space<vmem>>
        %dma_wait3A_681 = arith.constant 354816 : i32
        %dma_wait3A_682 = tpu.memref_slice %arg2[%dma_wait3A_681] : memref<557568xi32, #tpu.memory_space<hbm>> -> memref<24xi32, #tpu.memory_space<hbm>>
        tpu.wait_dma2 semaphore(%arg15 : memref<!tpu.dma_semaphore, #tpu.memory_space<semaphore_mem>>) src(%dma_wait3A_682 : memref<24xi32, #tpu.memory_space<hbm>>) dst(%dma_wait3A_680 : memref<24xi32, #tpu.memory_space<vmem>>)
        %dma_wait3A_683 = arith.constant 192 : i32
        %dma_wait3A_684 = tpu.memref_slice %arg7[%dma_wait3A_683] : memref<264xi32, #tpu.memory_space<vmem>> -> memref<24xi32, #tpu.memory_space<vmem>>
        %dma_wait3A_685 = arith.constant 405504 : i32
        %dma_wait3A_686 = tpu.memref_slice %arg2[%dma_wait3A_685] : memref<557568xi32, #tpu.memory_space<hbm>> -> memref<24xi32, #tpu.memory_space<hbm>>
        %dma_wait3A_687 = arith.constant 192 : i32
        %dma_wait3A_688 = tpu.memref_slice %arg7[%dma_wait3A_687] : memref<264xi32, #tpu.memory_space<vmem>> -> memref<24xi32, #tpu.memory_space<vmem>>
        %dma_wait3A_689 = arith.constant 405504 : i32
        %dma_wait3A_690 = tpu.memref_slice %arg2[%dma_wait3A_689] : memref<557568xi32, #tpu.memory_space<hbm>> -> memref<24xi32, #tpu.memory_space<hbm>>
        tpu.wait_dma2 semaphore(%arg15 : memref<!tpu.dma_semaphore, #tpu.memory_space<semaphore_mem>>) src(%dma_wait3A_690 : memref<24xi32, #tpu.memory_space<hbm>>) dst(%dma_wait3A_688 : memref<24xi32, #tpu.memory_space<vmem>>)
        %dma_wait3A_691 = arith.constant 216 : i32
        %dma_wait3A_692 = tpu.memref_slice %arg7[%dma_wait3A_691] : memref<264xi32, #tpu.memory_space<vmem>> -> memref<24xi32, #tpu.memory_space<vmem>>
        %dma_wait3A_693 = arith.constant 456192 : i32
        %dma_wait3A_694 = tpu.memref_slice %arg2[%dma_wait3A_693] : memref<557568xi32, #tpu.memory_space<hbm>> -> memref<24xi32, #tpu.memory_space<hbm>>
        %dma_wait3A_695 = arith.constant 216 : i32
        %dma_wait3A_696 = tpu.memref_slice %arg7[%dma_wait3A_695] : memref<264xi32, #tpu.memory_space<vmem>> -> memref<24xi32, #tpu.memory_space<vmem>>
        %dma_wait3A_697 = arith.constant 456192 : i32
        %dma_wait3A_698 = tpu.memref_slice %arg2[%dma_wait3A_697] : memref<557568xi32, #tpu.memory_space<hbm>> -> memref<24xi32, #tpu.memory_space<hbm>>
        tpu.wait_dma2 semaphore(%arg15 : memref<!tpu.dma_semaphore, #tpu.memory_space<semaphore_mem>>) src(%dma_wait3A_698 : memref<24xi32, #tpu.memory_space<hbm>>) dst(%dma_wait3A_696 : memref<24xi32, #tpu.memory_space<vmem>>)
        %dma_wait3A_699 = arith.constant 240 : i32
        %dma_wait3A_700 = tpu.memref_slice %arg7[%dma_wait3A_699] : memref<264xi32, #tpu.memory_space<vmem>> -> memref<24xi32, #tpu.memory_space<vmem>>
        %dma_wait3A_701 = arith.constant 506880 : i32
        %dma_wait3A_702 = tpu.memref_slice %arg2[%dma_wait3A_701] : memref<557568xi32, #tpu.memory_space<hbm>> -> memref<24xi32, #tpu.memory_space<hbm>>
        %dma_wait3A_703 = arith.constant 240 : i32
        %dma_wait3A_704 = tpu.memref_slice %arg7[%dma_wait3A_703] : memref<264xi32, #tpu.memory_space<vmem>> -> memref<24xi32, #tpu.memory_space<vmem>>
        %dma_wait3A_705 = arith.constant 506880 : i32
        %dma_wait3A_706 = tpu.memref_slice %arg2[%dma_wait3A_705] : memref<557568xi32, #tpu.memory_space<hbm>> -> memref<24xi32, #tpu.memory_space<hbm>>
        tpu.wait_dma2 semaphore(%arg15 : memref<!tpu.dma_semaphore, #tpu.memory_space<semaphore_mem>>) src(%dma_wait3A_706 : memref<24xi32, #tpu.memory_space<hbm>>) dst(%dma_wait3A_704 : memref<24xi32, #tpu.memory_space<vmem>>)
      } else {
      }
      %add3A_569 = arith.constant 3 : i32
      %add3A_570 = arith.addi %add3A_539, %add3A_569 : i32
      %sub3A_571 = arith.constant 1 : i32
      %sub3A_572 = arith.subi %add3A_570, %sub3A_571 : i32
      %lt3A_573 = arith.constant 66 : i32
      %lt3A_574 = arith.cmpi slt, %sub3A_572, %lt3A_573 : i32
      %convert_element_type3A_575 = arith.extui %lt3A_574 : i1 to i32
      %cond3A_576 = arith.constant 0 : i32
      %cond3A_577 = arith.cmpi ne, %convert_element_type3A_575, %cond3A_576 : i32
      scf.if %cond3A_577 {
        %dma_start3A_619 = arith.constant 1 : i32
        %dma_start3A_620 = arith.constant 0 : i32
        %dma_start3A_621 = arith.constant 0 : i32
        %dma_start3A_622 = tpu.memref_slice %arg9[%dma_start3A_619, %dma_start3A_620, %dma_start3A_621] : memref<3x264x128xf32, #tpu.memory_space<vmem>> -> memref<1x264x128xf32, #tpu.memory_space<vmem>>
        %dma_start3A_623 = tpu.memref_squeeze %dma_start3A_622 : memref<1x264x128xf32, #tpu.memory_space<vmem>> -> memref<264x128xf32, #tpu.memory_space<vmem>>
        %dma_start3A_624 = arith.constant 0 : i32
        %dma_start3A_625 = arith.constant 0 : i32
        %dma_start3A_626 = tpu.memref_slice %arg3[%dma_start3A_624, %dma_start3A_625] : memref<100000x128xf32, #tpu.memory_space<hbm>> -> memref<100000x128xf32, #tpu.memory_space<hbm>>
        tpu.enqueue_indirect_dma source(%dma_start3A_626 : memref<100000x128xf32, #tpu.memory_space<hbm>>) target(%dma_start3A_623 : memref<264x128xf32, #tpu.memory_space<vmem>>) offsets(%arg7 : memref<264xi32, #tpu.memory_space<vmem>>) semaphore(%arg12 : memref<!tpu.dma_semaphore, #tpu.memory_space<semaphore_mem>>)
      } else {
      }
      %scan3A_578 = arith.constant 0 : i32
      %scan3A_579 = arith.constant 0 : i32
      %scan3A_580 = arith.constant 24 : i32
      %scan3A_581 = arith.addi %scan3A_579, %scan3A_580 : i32
      %scan3A_582 = arith.constant 1 : i32
      scf.for %scan3A_619 = %scan3A_579 to %scan3A_581 step %scan3A_582  : i32 {
        %add3A_620 = arith.constant 24 : i32
        %add3A_621 = arith.addi %add3A_620, %scan3A_619 : i32
        %get3A = arith.constant 2 : i32
        %get3A_622 = arith.index_cast %get3A : i32 to index
        %get3A_623 = arith.index_cast %add3A_621 : i32 to index
        %get3A_624 = arith.constant 0 : index
        %get3A_625 = tpu.vector_load %arg9[%get3A_622, %get3A_623, %get3A_624] {strides = array<i32>} : memref<3x264x128xf32, #tpu.memory_space<vmem>>, vector<1x1x16xf32>,
        %get3A_626 = vector.shape_cast %get3A_625 : vector<1x1x16xf32> to vector<16xf32>
        %add3A_627 = arith.constant 48 : i32
        %add3A_628 = arith.addi %add3A_627, %scan3A_619 : i32
        %get3A_629 = arith.constant 2 : i32
        %get3A_630 = arith.index_cast %get3A_629 : i32 to index
        %get3A_631 = arith.index_cast %add3A_628 : i32 to index
        %get3A_632 = arith.constant 0 : index
        %get3A_633 = tpu.vector_load %arg9[%get3A_630, %get3A_631, %get3A_632] {strides = array<i32>} : memref<3x264x128xf32, #tpu.memory_space<vmem>>, vector<1x1x16xf32>,
        %get3A_634 = vector.shape_cast %get3A_633 : vector<1x1x16xf32> to vector<16xf32>
        %add3A_635 = arith.addf %get3A_626, %get3A_634 : vector<16xf32>
        %add3A_636 = arith.constant 72 : i32
        %add3A_637 = arith.addi %add3A_636, %scan3A_619 : i32
        %get3A_638 = arith.constant 2 : i32
        %get3A_639 = arith.index_cast %get3A_638 : i32 to index
        %get3A_640 = arith.index_cast %add3A_637 : i32 to index
        %get3A_641 = arith.constant 0 : index
        %get3A_642 = tpu.vector_load %arg9[%get3A_639, %get3A_640, %get3A_641] {strides = array<i32>} : memref<3x264x128xf32, #tpu.memory_space<vmem>>, vector<1x1x16xf32>,
        %get3A_643 = vector.shape_cast %get3A_642 : vector<1x1x16xf32> to vector<16xf32>
        %add3A_644 = arith.addf %add3A_635, %get3A_643 : vector<16xf32>
        %add3A_645 = arith.constant 96 : i32
        %add3A_646 = arith.addi %add3A_645, %scan3A_619 : i32
        %get3A_647 = arith.constant 2 : i32
        %get3A_648 = arith.index_cast %get3A_647 : i32 to index
        %get3A_649 = arith.index_cast %add3A_646 : i32 to index
        %get3A_650 = arith.constant 0 : index
        %get3A_651 = tpu.vector_load %arg9[%get3A_648, %get3A_649, %get3A_650] {strides = array<i32>} : memref<3x264x128xf32, #tpu.memory_space<vmem>>, vector<1x1x16xf32>,
        %get3A_652 = vector.shape_cast %get3A_651 : vector<1x1x16xf32> to vector<16xf32>
        %add3A_653 = arith.addf %add3A_644, %get3A_652 : vector<16xf32>
        %add3A_654 = arith.constant 120 : i32
        %add3A_655 = arith.addi %add3A_654, %scan3A_619 : i32
        %get3A_656 = arith.constant 2 : i32
        %get3A_657 = arith.index_cast %get3A_656 : i32 to index
        %get3A_658 = arith.index_cast %add3A_655 : i32 to index
        %get3A_659 = arith.constant 0 : index
        %get3A_660 = tpu.vector_load %arg9[%get3A_657, %get3A_658, %get3A_659] {strides = array<i32>} : memref<3x264x128xf32, #tpu.memory_space<vmem>>, vector<1x1x16xf32>,
        %get3A_661 = vector.shape_cast %get3A_660 : vector<1x1x16xf32> to vector<16xf32>
        %add3A_662 = arith.addf %add3A_653, %get3A_661 : vector<16xf32>
        %add3A_663 = arith.constant 144 : i32
        %add3A_664 = arith.addi %add3A_663, %scan3A_619 : i32
        %get3A_665 = arith.constant 2 : i32
        %get3A_666 = arith.index_cast %get3A_665 : i32 to index
        %get3A_667 = arith.index_cast %add3A_664 : i32 to index
        %get3A_668 = arith.constant 0 : index
        %get3A_669 = tpu.vector_load %arg9[%get3A_666, %get3A_667, %get3A_668] {strides = array<i32>} : memref<3x264x128xf32, #tpu.memory_space<vmem>>, vector<1x1x16xf32>,
        %get3A_670 = vector.shape_cast %get3A_669 : vector<1x1x16xf32> to vector<16xf32>
        %add3A_671 = arith.addf %add3A_662, %get3A_670 : vector<16xf32>
        %add3A_672 = arith.constant 168 : i32
        %add3A_673 = arith.addi %add3A_672, %scan3A_619 : i32
        %get3A_674 = arith.constant 2 : i32
        %get3A_675 = arith.index_cast %get3A_674 : i32 to index
        %get3A_676 = arith.index_cast %add3A_673 : i32 to index
        %get3A_677 = arith.constant 0 : index
        %get3A_678 = tpu.vector_load %arg9[%get3A_675, %get3A_676, %get3A_677] {strides = array<i32>} : memref<3x264x128xf32, #tpu.memory_space<vmem>>, vector<1x1x16xf32>,
        %get3A_679 = vector.shape_cast %get3A_678 : vector<1x1x16xf32> to vector<16xf32>
        %add3A_680 = arith.addf %add3A_671, %get3A_679 : vector<16xf32>
        %add3A_681 = arith.constant 192 : i32
        %add3A_682 = arith.addi %add3A_681, %scan3A_619 : i32
        %get3A_683 = arith.constant 2 : i32
        %get3A_684 = arith.index_cast %get3A_683 : i32 to index
        %get3A_685 = arith.index_cast %add3A_682 : i32 to index
        %get3A_686 = arith.constant 0 : index
        %get3A_687 = tpu.vector_load %arg9[%get3A_684, %get3A_685, %get3A_686] {strides = array<i32>} : memref<3x264x128xf32, #tpu.memory_space<vmem>>, vector<1x1x16xf32>,
        %get3A_688 = vector.shape_cast %get3A_687 : vector<1x1x16xf32> to vector<16xf32>
        %add3A_689 = arith.addf %add3A_680, %get3A_688 : vector<16xf32>
        %add3A_690 = arith.constant 216 : i32
        %add3A_691 = arith.addi %add3A_690, %scan3A_619 : i32
        %get3A_692 = arith.constant 2 : i32
        %get3A_693 = arith.index_cast %get3A_692 : i32 to index
        %get3A_694 = arith.index_cast %add3A_691 : i32 to index
        %get3A_695 = arith.constant 0 : index
        %get3A_696 = tpu.vector_load %arg9[%get3A_693, %get3A_694, %get3A_695] {strides = array<i32>} : memref<3x264x128xf32, #tpu.memory_space<vmem>>, vector<1x1x16xf32>,
        %get3A_697 = vector.shape_cast %get3A_696 : vector<1x1x16xf32> to vector<16xf32>
        %add3A_698 = arith.addf %add3A_689, %get3A_697 : vector<16xf32>
        %add3A_699 = arith.constant 240 : i32
        %add3A_700 = arith.addi %add3A_699, %scan3A_619 : i32
        %get3A_701 = arith.constant 2 : i32
        %get3A_702 = arith.index_cast %get3A_701 : i32 to index
        %get3A_703 = arith.index_cast %add3A_700 : i32 to index
        %get3A_704 = arith.constant 0 : index
        %get3A_705 = tpu.vector_load %arg9[%get3A_702, %get3A_703, %get3A_704] {strides = array<i32>} : memref<3x264x128xf32, #tpu.memory_space<vmem>>, vector<1x1x16xf32>,
        %get3A_706 = vector.shape_cast %get3A_705 : vector<1x1x16xf32> to vector<16xf32>
        %add3A_707 = arith.addf %add3A_698, %get3A_706 : vector<16xf32>
        %mul3A_708 = arith.constant 1.000000e-01 : f32
        %mul3A_709 = vector.broadcast %mul3A_708 : f32 to vector<16xf32>
        %mul3A_710 = arith.mulf %add3A_707, %mul3A_709 : vector<16xf32>
        %swap3A = arith.constant 2 : i32
        %swap3A_711 = arith.index_cast %swap3A : i32 to index
        %swap3A_712 = arith.index_cast %scan3A_619 : i32 to index
        %swap3A_713 = arith.constant 0 : index
        %swap3A_714 = tpu.vector_load %arg10[%swap3A_711, %swap3A_712, %swap3A_713] {strides = array<i32>} : memref<3x24x128xf32, #tpu.memory_space<vmem>>, vector<1x1x16xf32>,
        %swap3A_715 = vector.shape_cast %swap3A_714 : vector<1x1x16xf32> to vector<16xf32>
        %swap3A_716 = vector.shape_cast %mul3A_710 : vector<16xf32> to vector<1x1x16xf32>
        tpu.vector_store %arg10[%swap3A_711, %swap3A_712, %swap3A_713], %swap3A_716 {strides = array<i32>} : memref<3x24x128xf32, #tpu.memory_space<vmem>>, vector<1x1x16xf32>,
        %add3A_717 = arith.constant 24 : i32
        %add3A_718 = arith.addi %add3A_717, %scan3A_619 : i32
        %get3A_719 = arith.constant 2 : i32
        %get3A_720 = arith.index_cast %get3A_719 : i32 to index
        %get3A_721 = arith.index_cast %add3A_718 : i32 to index
        %get3A_722 = arith.constant 16 : index
        %get3A_723 = tpu.vector_load %arg9[%get3A_720, %get3A_721, %get3A_722] {strides = array<i32>} : memref<3x264x128xf32, #tpu.memory_space<vmem>>, vector<1x1x16xf32>,
        %get3A_724 = vector.shape_cast %get3A_723 : vector<1x1x16xf32> to vector<16xf32>
        %add3A_725 = arith.constant 48 : i32
        %add3A_726 = arith.addi %add3A_725, %scan3A_619 : i32
        %get3A_727 = arith.constant 2 : i32
        %get3A_728 = arith.index_cast %get3A_727 : i32 to index
        %get3A_729 = arith.index_cast %add3A_726 : i32 to index
        %get3A_730 = arith.constant 16 : index
        %get3A_731 = tpu.vector_load %arg9[%get3A_728, %get3A_729, %get3A_730] {strides = array<i32>} : memref<3x264x128xf32, #tpu.memory_space<vmem>>, vector<1x1x16xf32>,
        %get3A_732 = vector.shape_cast %get3A_731 : vector<1x1x16xf32> to vector<16xf32>
        %add3A_733 = arith.addf %get3A_724, %get3A_732 : vector<16xf32>
        %add3A_734 = arith.constant 72 : i32
        %add3A_735 = arith.addi %add3A_734, %scan3A_619 : i32
        %get3A_736 = arith.constant 2 : i32
        %get3A_737 = arith.index_cast %get3A_736 : i32 to index
        %get3A_738 = arith.index_cast %add3A_735 : i32 to index
        %get3A_739 = arith.constant 16 : index
        %get3A_740 = tpu.vector_load %arg9[%get3A_737, %get3A_738, %get3A_739] {strides = array<i32>} : memref<3x264x128xf32, #tpu.memory_space<vmem>>, vector<1x1x16xf32>,
        %get3A_741 = vector.shape_cast %get3A_740 : vector<1x1x16xf32> to vector<16xf32>
        %add3A_742 = arith.addf %add3A_733, %get3A_741 : vector<16xf32>
        %add3A_743 = arith.constant 96 : i32
        %add3A_744 = arith.addi %add3A_743, %scan3A_619 : i32
        %get3A_745 = arith.constant 2 : i32
        %get3A_746 = arith.index_cast %get3A_745 : i32 to index
        %get3A_747 = arith.index_cast %add3A_744 : i32 to index
        %get3A_748 = arith.constant 16 : index
        %get3A_749 = tpu.vector_load %arg9[%get3A_746, %get3A_747, %get3A_748] {strides = array<i32>} : memref<3x264x128xf32, #tpu.memory_space<vmem>>, vector<1x1x16xf32>,
        %get3A_750 = vector.shape_cast %get3A_749 : vector<1x1x16xf32> to vector<16xf32>
        %add3A_751 = arith.addf %add3A_742, %get3A_750 : vector<16xf32>
        %add3A_752 = arith.constant 120 : i32
        %add3A_753 = arith.addi %add3A_752, %scan3A_619 : i32
        %get3A_754 = arith.constant 2 : i32
        %get3A_755 = arith.index_cast %get3A_754 : i32 to index
        %get3A_756 = arith.index_cast %add3A_753 : i32 to index
        %get3A_757 = arith.constant 16 : index
        %get3A_758 = tpu.vector_load %arg9[%get3A_755, %get3A_756, %get3A_757] {strides = array<i32>} : memref<3x264x128xf32, #tpu.memory_space<vmem>>, vector<1x1x16xf32>,
        %get3A_759 = vector.shape_cast %get3A_758 : vector<1x1x16xf32> to vector<16xf32>
        %add3A_760 = arith.addf %add3A_751, %get3A_759 : vector<16xf32>
        %add3A_761 = arith.constant 144 : i32
        %add3A_762 = arith.addi %add3A_761, %scan3A_619 : i32
        %get3A_763 = arith.constant 2 : i32
        %get3A_764 = arith.index_cast %get3A_763 : i32 to index
        %get3A_765 = arith.index_cast %add3A_762 : i32 to index
        %get3A_766 = arith.constant 16 : index
        %get3A_767 = tpu.vector_load %arg9[%get3A_764, %get3A_765, %get3A_766] {strides = array<i32>} : memref<3x264x128xf32, #tpu.memory_space<vmem>>, vector<1x1x16xf32>,
        %get3A_768 = vector.shape_cast %get3A_767 : vector<1x1x16xf32> to vector<16xf32>
        %add3A_769 = arith.addf %add3A_760, %get3A_768 : vector<16xf32>
        %add3A_770 = arith.constant 168 : i32
        %add3A_771 = arith.addi %add3A_770, %scan3A_619 : i32
        %get3A_772 = arith.constant 2 : i32
        %get3A_773 = arith.index_cast %get3A_772 : i32 to index
        %get3A_774 = arith.index_cast %add3A_771 : i32 to index
        %get3A_775 = arith.constant 16 : index
        %get3A_776 = tpu.vector_load %arg9[%get3A_773, %get3A_774, %get3A_775] {strides = array<i32>} : memref<3x264x128xf32, #tpu.memory_space<vmem>>, vector<1x1x16xf32>,
        %get3A_777 = vector.shape_cast %get3A_776 : vector<1x1x16xf32> to vector<16xf32>
        %add3A_778 = arith.addf %add3A_769, %get3A_777 : vector<16xf32>
        %add3A_779 = arith.constant 192 : i32
        %add3A_780 = arith.addi %add3A_779, %scan3A_619 : i32
        %get3A_781 = arith.constant 2 : i32
        %get3A_782 = arith.index_cast %get3A_781 : i32 to index
        %get3A_783 = arith.index_cast %add3A_780 : i32 to index
        %get3A_784 = arith.constant 16 : index
        %get3A_785 = tpu.vector_load %arg9[%get3A_782, %get3A_783, %get3A_784] {strides = array<i32>} : memref<3x264x128xf32, #tpu.memory_space<vmem>>, vector<1x1x16xf32>,
        %get3A_786 = vector.shape_cast %get3A_785 : vector<1x1x16xf32> to vector<16xf32>
        %add3A_787 = arith.addf %add3A_778, %get3A_786 : vector<16xf32>
        %add3A_788 = arith.constant 216 : i32
        %add3A_789 = arith.addi %add3A_788, %scan3A_619 : i32
        %get3A_790 = arith.constant 2 : i32
        %get3A_791 = arith.index_cast %get3A_790 : i32 to index
        %get3A_792 = arith.index_cast %add3A_789 : i32 to index
        %get3A_793 = arith.constant 16 : index
        %get3A_794 = tpu.vector_load %arg9[%get3A_791, %get3A_792, %get3A_793] {strides = array<i32>} : memref<3x264x128xf32, #tpu.memory_space<vmem>>, vector<1x1x16xf32>,
        %get3A_795 = vector.shape_cast %get3A_794 : vector<1x1x16xf32> to vector<16xf32>
        %add3A_796 = arith.addf %add3A_787, %get3A_795 : vector<16xf32>
        %add3A_797 = arith.constant 240 : i32
        %add3A_798 = arith.addi %add3A_797, %scan3A_619 : i32
        %get3A_799 = arith.constant 2 : i32
        %get3A_800 = arith.index_cast %get3A_799 : i32 to index
        %get3A_801 = arith.index_cast %add3A_798 : i32 to index
        %get3A_802 = arith.constant 16 : index
        %get3A_803 = tpu.vector_load %arg9[%get3A_800, %get3A_801, %get3A_802] {strides = array<i32>} : memref<3x264x128xf32, #tpu.memory_space<vmem>>, vector<1x1x16xf32>,
        %get3A_804 = vector.shape_cast %get3A_803 : vector<1x1x16xf32> to vector<16xf32>
        %add3A_805 = arith.addf %add3A_796, %get3A_804 : vector<16xf32>
        %mul3A_806 = arith.constant 1.000000e-01 : f32
        %mul3A_807 = vector.broadcast %mul3A_806 : f32 to vector<16xf32>
        %mul3A_808 = arith.mulf %add3A_805, %mul3A_807 : vector<16xf32>
        %swap3A_809 = arith.constant 2 : i32
        %swap3A_810 = arith.index_cast %swap3A_809 : i32 to index
        %swap3A_811 = arith.index_cast %scan3A_619 : i32 to index
        %swap3A_812 = arith.constant 16 : index
        %swap3A_813 = tpu.vector_load %arg10[%swap3A_810, %swap3A_811, %swap3A_812] {strides = array<i32>} : memref<3x24x128xf32, #tpu.memory_space<vmem>>, vector<1x1x16xf32>,
        %swap3A_814 = vector.shape_cast %swap3A_813 : vector<1x1x16xf32> to vector<16xf32>
        %swap3A_815 = vector.shape_cast %mul3A_808 : vector<16xf32> to vector<1x1x16xf32>
        tpu.vector_store %arg10[%swap3A_810, %swap3A_811, %swap3A_812], %swap3A_815 {strides = array<i32>} : memref<3x24x128xf32, #tpu.memory_space<vmem>>, vector<1x1x16xf32>,
        %add3A_816 = arith.constant 24 : i32
        %add3A_817 = arith.addi %add3A_816, %scan3A_619 : i32
        %get3A_818 = arith.constant 2 : i32
        %get3A_819 = arith.index_cast %get3A_818 : i32 to index
        %get3A_820 = arith.index_cast %add3A_817 : i32 to index
        %get3A_821 = arith.constant 32 : index
        %get3A_822 = tpu.vector_load %arg9[%get3A_819, %get3A_820, %get3A_821] {strides = array<i32>} : memref<3x264x128xf32, #tpu.memory_space<vmem>>, vector<1x1x16xf32>,
        %get3A_823 = vector.shape_cast %get3A_822 : vector<1x1x16xf32> to vector<16xf32>
        %add3A_824 = arith.constant 48 : i32
        %add3A_825 = arith.addi %add3A_824, %scan3A_619 : i32
        %get3A_826 = arith.constant 2 : i32
        %get3A_827 = arith.index_cast %get3A_826 : i32 to index
        %get3A_828 = arith.index_cast %add3A_825 : i32 to index
        %get3A_829 = arith.constant 32 : index
        %get3A_830 = tpu.vector_load %arg9[%get3A_827, %get3A_828, %get3A_829] {strides = array<i32>} : memref<3x264x128xf32, #tpu.memory_space<vmem>>, vector<1x1x16xf32>,
        %get3A_831 = vector.shape_cast %get3A_830 : vector<1x1x16xf32> to vector<16xf32>
        %add3A_832 = arith.addf %get3A_823, %get3A_831 : vector<16xf32>
        %add3A_833 = arith.constant 72 : i32
        %add3A_834 = arith.addi %add3A_833, %scan3A_619 : i32
        %get3A_835 = arith.constant 2 : i32
        %get3A_836 = arith.index_cast %get3A_835 : i32 to index
        %get3A_837 = arith.index_cast %add3A_834 : i32 to index
        %get3A_838 = arith.constant 32 : index
        %get3A_839 = tpu.vector_load %arg9[%get3A_836, %get3A_837, %get3A_838] {strides = array<i32>} : memref<3x264x128xf32, #tpu.memory_space<vmem>>, vector<1x1x16xf32>,
        %get3A_840 = vector.shape_cast %get3A_839 : vector<1x1x16xf32> to vector<16xf32>
        %add3A_841 = arith.addf %add3A_832, %get3A_840 : vector<16xf32>
        %add3A_842 = arith.constant 96 : i32
        %add3A_843 = arith.addi %add3A_842, %scan3A_619 : i32
        %get3A_844 = arith.constant 2 : i32
        %get3A_845 = arith.index_cast %get3A_844 : i32 to index
        %get3A_846 = arith.index_cast %add3A_843 : i32 to index
        %get3A_847 = arith.constant 32 : index
        %get3A_848 = tpu.vector_load %arg9[%get3A_845, %get3A_846, %get3A_847] {strides = array<i32>} : memref<3x264x128xf32, #tpu.memory_space<vmem>>, vector<1x1x16xf32>,
        %get3A_849 = vector.shape_cast %get3A_848 : vector<1x1x16xf32> to vector<16xf32>
        %add3A_850 = arith.addf %add3A_841, %get3A_849 : vector<16xf32>
        %add3A_851 = arith.constant 120 : i32
        %add3A_852 = arith.addi %add3A_851, %scan3A_619 : i32
        %get3A_853 = arith.constant 2 : i32
        %get3A_854 = arith.index_cast %get3A_853 : i32 to index
        %get3A_855 = arith.index_cast %add3A_852 : i32 to index
        %get3A_856 = arith.constant 32 : index
        %get3A_857 = tpu.vector_load %arg9[%get3A_854, %get3A_855, %get3A_856] {strides = array<i32>} : memref<3x264x128xf32, #tpu.memory_space<vmem>>, vector<1x1x16xf32>,
        %get3A_858 = vector.shape_cast %get3A_857 : vector<1x1x16xf32> to vector<16xf32>
        %add3A_859 = arith.addf %add3A_850, %get3A_858 : vector<16xf32>
        %add3A_860 = arith.constant 144 : i32
        %add3A_861 = arith.addi %add3A_860, %scan3A_619 : i32
        %get3A_862 = arith.constant 2 : i32
        %get3A_863 = arith.index_cast %get3A_862 : i32 to index
        %get3A_864 = arith.index_cast %add3A_861 : i32 to index
        %get3A_865 = arith.constant 32 : index
        %get3A_866 = tpu.vector_load %arg9[%get3A_863, %get3A_864, %get3A_865] {strides = array<i32>} : memref<3x264x128xf32, #tpu.memory_space<vmem>>, vector<1x1x16xf32>,
        %get3A_867 = vector.shape_cast %get3A_866 : vector<1x1x16xf32> to vector<16xf32>
        %add3A_868 = arith.addf %add3A_859, %get3A_867 : vector<16xf32>
        %add3A_869 = arith.constant 168 : i32
        %add3A_870 = arith.addi %add3A_869, %scan3A_619 : i32
        %get3A_871 = arith.constant 2 : i32
        %get3A_872 = arith.index_cast %get3A_871 : i32 to index
        %get3A_873 = arith.index_cast %add3A_870 : i32 to index
        %get3A_874 = arith.constant 32 : index
        %get3A_875 = tpu.vector_load %arg9[%get3A_872, %get3A_873, %get3A_874] {strides = array<i32>} : memref<3x264x128xf32, #tpu.memory_space<vmem>>, vector<1x1x16xf32>,
        %get3A_876 = vector.shape_cast %get3A_875 : vector<1x1x16xf32> to vector<16xf32>
        %add3A_877 = arith.addf %add3A_868, %get3A_876 : vector<16xf32>
        %add3A_878 = arith.constant 192 : i32
        %add3A_879 = arith.addi %add3A_878, %scan3A_619 : i32
        %get3A_880 = arith.constant 2 : i32
        %get3A_881 = arith.index_cast %get3A_880 : i32 to index
        %get3A_882 = arith.index_cast %add3A_879 : i32 to index
        %get3A_883 = arith.constant 32 : index
        %get3A_884 = tpu.vector_load %arg9[%get3A_881, %get3A_882, %get3A_883] {strides = array<i32>} : memref<3x264x128xf32, #tpu.memory_space<vmem>>, vector<1x1x16xf32>,
        %get3A_885 = vector.shape_cast %get3A_884 : vector<1x1x16xf32> to vector<16xf32>
        %add3A_886 = arith.addf %add3A_877, %get3A_885 : vector<16xf32>
        %add3A_887 = arith.constant 216 : i32
        %add3A_888 = arith.addi %add3A_887, %scan3A_619 : i32
        %get3A_889 = arith.constant 2 : i32
        %get3A_890 = arith.index_cast %get3A_889 : i32 to index
        %get3A_891 = arith.index_cast %add3A_888 : i32 to index
        %get3A_892 = arith.constant 32 : index
        %get3A_893 = tpu.vector_load %arg9[%get3A_890, %get3A_891, %get3A_892] {strides = array<i32>} : memref<3x264x128xf32, #tpu.memory_space<vmem>>, vector<1x1x16xf32>,
        %get3A_894 = vector.shape_cast %get3A_893 : vector<1x1x16xf32> to vector<16xf32>
        %add3A_895 = arith.addf %add3A_886, %get3A_894 : vector<16xf32>
        %add3A_896 = arith.constant 240 : i32
        %add3A_897 = arith.addi %add3A_896, %scan3A_619 : i32
        %get3A_898 = arith.constant 2 : i32
        %get3A_899 = arith.index_cast %get3A_898 : i32 to index
        %get3A_900 = arith.index_cast %add3A_897 : i32 to index
        %get3A_901 = arith.constant 32 : index
        %get3A_902 = tpu.vector_load %arg9[%get3A_899, %get3A_900, %get3A_901] {strides = array<i32>} : memref<3x264x128xf32, #tpu.memory_space<vmem>>, vector<1x1x16xf32>,
        %get3A_903 = vector.shape_cast %get3A_902 : vector<1x1x16xf32> to vector<16xf32>
        %add3A_904 = arith.addf %add3A_895, %get3A_903 : vector<16xf32>
        %mul3A_905 = arith.constant 1.000000e-01 : f32
        %mul3A_906 = vector.broadcast %mul3A_905 : f32 to vector<16xf32>
        %mul3A_907 = arith.mulf %add3A_904, %mul3A_906 : vector<16xf32>
        %swap3A_908 = arith.constant 2 : i32
        %swap3A_909 = arith.index_cast %swap3A_908 : i32 to index
        %swap3A_910 = arith.index_cast %scan3A_619 : i32 to index
        %swap3A_911 = arith.constant 32 : index
        %swap3A_912 = tpu.vector_load %arg10[%swap3A_909, %swap3A_910, %swap3A_911] {strides = array<i32>} : memref<3x24x128xf32, #tpu.memory_space<vmem>>, vector<1x1x16xf32>,
        %swap3A_913 = vector.shape_cast %swap3A_912 : vector<1x1x16xf32> to vector<16xf32>
        %swap3A_914 = vector.shape_cast %mul3A_907 : vector<16xf32> to vector<1x1x16xf32>
        tpu.vector_store %arg10[%swap3A_909, %swap3A_910, %swap3A_911], %swap3A_914 {strides = array<i32>} : memref<3x24x128xf32, #tpu.memory_space<vmem>>, vector<1x1x16xf32>,
        %add3A_915 = arith.constant 24 : i32
        %add3A_916 = arith.addi %add3A_915, %scan3A_619 : i32
        %get3A_917 = arith.constant 2 : i32
        %get3A_918 = arith.index_cast %get3A_917 : i32 to index
        %get3A_919 = arith.index_cast %add3A_916 : i32 to index
        %get3A_920 = arith.constant 48 : index
        %get3A_921 = tpu.vector_load %arg9[%get3A_918, %get3A_919, %get3A_920] {strides = array<i32>} : memref<3x264x128xf32, #tpu.memory_space<vmem>>, vector<1x1x16xf32>,
        %get3A_922 = vector.shape_cast %get3A_921 : vector<1x1x16xf32> to vector<16xf32>
        %add3A_923 = arith.constant 48 : i32
        %add3A_924 = arith.addi %add3A_923, %scan3A_619 : i32
        %get3A_925 = arith.constant 2 : i32
        %get3A_926 = arith.index_cast %get3A_925 : i32 to index
        %get3A_927 = arith.index_cast %add3A_924 : i32 to index
        %get3A_928 = arith.constant 48 : index
        %get3A_929 = tpu.vector_load %arg9[%get3A_926, %get3A_927, %get3A_928] {strides = array<i32>} : memref<3x264x128xf32, #tpu.memory_space<vmem>>, vector<1x1x16xf32>,
        %get3A_930 = vector.shape_cast %get3A_929 : vector<1x1x16xf32> to vector<16xf32>
        %add3A_931 = arith.addf %get3A_922, %get3A_930 : vector<16xf32>
        %add3A_932 = arith.constant 72 : i32
        %add3A_933 = arith.addi %add3A_932, %scan3A_619 : i32
        %get3A_934 = arith.constant 2 : i32
        %get3A_935 = arith.index_cast %get3A_934 : i32 to index
        %get3A_936 = arith.index_cast %add3A_933 : i32 to index
        %get3A_937 = arith.constant 48 : index
        %get3A_938 = tpu.vector_load %arg9[%get3A_935, %get3A_936, %get3A_937] {strides = array<i32>} : memref<3x264x128xf32, #tpu.memory_space<vmem>>, vector<1x1x16xf32>,
        %get3A_939 = vector.shape_cast %get3A_938 : vector<1x1x16xf32> to vector<16xf32>
        %add3A_940 = arith.addf %add3A_931, %get3A_939 : vector<16xf32>
        %add3A_941 = arith.constant 96 : i32
        %add3A_942 = arith.addi %add3A_941, %scan3A_619 : i32
        %get3A_943 = arith.constant 2 : i32
        %get3A_944 = arith.index_cast %get3A_943 : i32 to index
        %get3A_945 = arith.index_cast %add3A_942 : i32 to index
        %get3A_946 = arith.constant 48 : index
        %get3A_947 = tpu.vector_load %arg9[%get3A_944, %get3A_945, %get3A_946] {strides = array<i32>} : memref<3x264x128xf32, #tpu.memory_space<vmem>>, vector<1x1x16xf32>,
        %get3A_948 = vector.shape_cast %get3A_947 : vector<1x1x16xf32> to vector<16xf32>
        %add3A_949 = arith.addf %add3A_940, %get3A_948 : vector<16xf32>
        %add3A_950 = arith.constant 120 : i32
        %add3A_951 = arith.addi %add3A_950, %scan3A_619 : i32
        %get3A_952 = arith.constant 2 : i32
        %get3A_953 = arith.index_cast %get3A_952 : i32 to index
        %get3A_954 = arith.index_cast %add3A_951 : i32 to index
        %get3A_955 = arith.constant 48 : index
        %get3A_956 = tpu.vector_load %arg9[%get3A_953, %get3A_954, %get3A_955] {strides = array<i32>} : memref<3x264x128xf32, #tpu.memory_space<vmem>>, vector<1x1x16xf32>,
        %get3A_957 = vector.shape_cast %get3A_956 : vector<1x1x16xf32> to vector<16xf32>
        %add3A_958 = arith.addf %add3A_949, %get3A_957 : vector<16xf32>
        %add3A_959 = arith.constant 144 : i32
        %add3A_960 = arith.addi %add3A_959, %scan3A_619 : i32
        %get3A_961 = arith.constant 2 : i32
        %get3A_962 = arith.index_cast %get3A_961 : i32 to index
        %get3A_963 = arith.index_cast %add3A_960 : i32 to index
        %get3A_964 = arith.constant 48 : index
        %get3A_965 = tpu.vector_load %arg9[%get3A_962, %get3A_963, %get3A_964] {strides = array<i32>} : memref<3x264x128xf32, #tpu.memory_space<vmem>>, vector<1x1x16xf32>,
        %get3A_966 = vector.shape_cast %get3A_965 : vector<1x1x16xf32> to vector<16xf32>
        %add3A_967 = arith.addf %add3A_958, %get3A_966 : vector<16xf32>
        %add3A_968 = arith.constant 168 : i32
        %add3A_969 = arith.addi %add3A_968, %scan3A_619 : i32
        %get3A_970 = arith.constant 2 : i32
        %get3A_971 = arith.index_cast %get3A_970 : i32 to index
        %get3A_972 = arith.index_cast %add3A_969 : i32 to index
        %get3A_973 = arith.constant 48 : index
        %get3A_974 = tpu.vector_load %arg9[%get3A_971, %get3A_972, %get3A_973] {strides = array<i32>} : memref<3x264x128xf32, #tpu.memory_space<vmem>>, vector<1x1x16xf32>,
        %get3A_975 = vector.shape_cast %get3A_974 : vector<1x1x16xf32> to vector<16xf32>
        %add3A_976 = arith.addf %add3A_967, %get3A_975 : vector<16xf32>
        %add3A_977 = arith.constant 192 : i32
        %add3A_978 = arith.addi %add3A_977, %scan3A_619 : i32
        %get3A_979 = arith.constant 2 : i32
        %get3A_980 = arith.index_cast %get3A_979 : i32 to index
        %get3A_981 = arith.index_cast %add3A_978 : i32 to index
        %get3A_982 = arith.constant 48 : index
        %get3A_983 = tpu.vector_load %arg9[%get3A_980, %get3A_981, %get3A_982] {strides = array<i32>} : memref<3x264x128xf32, #tpu.memory_space<vmem>>, vector<1x1x16xf32>,
        %get3A_984 = vector.shape_cast %get3A_983 : vector<1x1x16xf32> to vector<16xf32>
        %add3A_985 = arith.addf %add3A_976, %get3A_984 : vector<16xf32>
        %add3A_986 = arith.constant 216 : i32
        %add3A_987 = arith.addi %add3A_986, %scan3A_619 : i32
        %get3A_988 = arith.constant 2 : i32
        %get3A_989 = arith.index_cast %get3A_988 : i32 to index
        %get3A_990 = arith.index_cast %add3A_987 : i32 to index
        %get3A_991 = arith.constant 48 : index
        %get3A_992 = tpu.vector_load %arg9[%get3A_989, %get3A_990, %get3A_991] {strides = array<i32>} : memref<3x264x128xf32, #tpu.memory_space<vmem>>, vector<1x1x16xf32>,
        %get3A_993 = vector.shape_cast %get3A_992 : vector<1x1x16xf32> to vector<16xf32>
        %add3A_994 = arith.addf %add3A_985, %get3A_993 : vector<16xf32>
        %add3A_995 = arith.constant 240 : i32
        %add3A_996 = arith.addi %add3A_995, %scan3A_619 : i32
        %get3A_997 = arith.constant 2 : i32
        %get3A_998 = arith.index_cast %get3A_997 : i32 to index
        %get3A_999 = arith.index_cast %add3A_996 : i32 to index
        %get3A_1000 = arith.constant 48 : index
        %get3A_1001 = tpu.vector_load %arg9[%get3A_998, %get3A_999, %get3A_1000] {strides = array<i32>} : memref<3x264x128xf32, #tpu.memory_space<vmem>>, vector<1x1x16xf32>,
        %get3A_1002 = vector.shape_cast %get3A_1001 : vector<1x1x16xf32> to vector<16xf32>
        %add3A_1003 = arith.addf %add3A_994, %get3A_1002 : vector<16xf32>
        %mul3A_1004 = arith.constant 1.000000e-01 : f32
        %mul3A_1005 = vector.broadcast %mul3A_1004 : f32 to vector<16xf32>
        %mul3A_1006 = arith.mulf %add3A_1003, %mul3A_1005 : vector<16xf32>
        %swap3A_1007 = arith.constant 2 : i32
        %swap3A_1008 = arith.index_cast %swap3A_1007 : i32 to index
        %swap3A_1009 = arith.index_cast %scan3A_619 : i32 to index
        %swap3A_1010 = arith.constant 48 : index
        %swap3A_1011 = tpu.vector_load %arg10[%swap3A_1008, %swap3A_1009, %swap3A_1010] {strides = array<i32>} : memref<3x24x128xf32, #tpu.memory_space<vmem>>, vector<1x1x16xf32>,
        %swap3A_1012 = vector.shape_cast %swap3A_1011 : vector<1x1x16xf32> to vector<16xf32>
        %swap3A_1013 = vector.shape_cast %mul3A_1006 : vector<16xf32> to vector<1x1x16xf32>
        tpu.vector_store %arg10[%swap3A_1008, %swap3A_1009, %swap3A_1010], %swap3A_1013 {strides = array<i32>} : memref<3x24x128xf32, #tpu.memory_space<vmem>>, vector<1x1x16xf32>,
        %add3A_1014 = arith.constant 24 : i32
        %add3A_1015 = arith.addi %add3A_1014, %scan3A_619 : i32
        %get3A_1016 = arith.constant 2 : i32
        %get3A_1017 = arith.index_cast %get3A_1016 : i32 to index
        %get3A_1018 = arith.index_cast %add3A_1015 : i32 to index
        %get3A_1019 = arith.constant 64 : index
        %get3A_1020 = tpu.vector_load %arg9[%get3A_1017, %get3A_1018, %get3A_1019] {strides = array<i32>} : memref<3x264x128xf32, #tpu.memory_space<vmem>>, vector<1x1x16xf32>,
        %get3A_1021 = vector.shape_cast %get3A_1020 : vector<1x1x16xf32> to vector<16xf32>
        %add3A_1022 = arith.constant 48 : i32
        %add3A_1023 = arith.addi %add3A_1022, %scan3A_619 : i32
        %get3A_1024 = arith.constant 2 : i32
        %get3A_1025 = arith.index_cast %get3A_1024 : i32 to index
        %get3A_1026 = arith.index_cast %add3A_1023 : i32 to index
        %get3A_1027 = arith.constant 64 : index
        %get3A_1028 = tpu.vector_load %arg9[%get3A_1025, %get3A_1026, %get3A_1027] {strides = array<i32>} : memref<3x264x128xf32, #tpu.memory_space<vmem>>, vector<1x1x16xf32>,
        %get3A_1029 = vector.shape_cast %get3A_1028 : vector<1x1x16xf32> to vector<16xf32>
        %add3A_1030 = arith.addf %get3A_1021, %get3A_1029 : vector<16xf32>
        %add3A_1031 = arith.constant 72 : i32
        %add3A_1032 = arith.addi %add3A_1031, %scan3A_619 : i32
        %get3A_1033 = arith.constant 2 : i32
        %get3A_1034 = arith.index_cast %get3A_1033 : i32 to index
        %get3A_1035 = arith.index_cast %add3A_1032 : i32 to index
        %get3A_1036 = arith.constant 64 : index
        %get3A_1037 = tpu.vector_load %arg9[%get3A_1034, %get3A_1035, %get3A_1036] {strides = array<i32>} : memref<3x264x128xf32, #tpu.memory_space<vmem>>, vector<1x1x16xf32>,
        %get3A_1038 = vector.shape_cast %get3A_1037 : vector<1x1x16xf32> to vector<16xf32>
        %add3A_1039 = arith.addf %add3A_1030, %get3A_1038 : vector<16xf32>
        %add3A_1040 = arith.constant 96 : i32
        %add3A_1041 = arith.addi %add3A_1040, %scan3A_619 : i32
        %get3A_1042 = arith.constant 2 : i32
        %get3A_1043 = arith.index_cast %get3A_1042 : i32 to index
        %get3A_1044 = arith.index_cast %add3A_1041 : i32 to index
        %get3A_1045 = arith.constant 64 : index
        %get3A_1046 = tpu.vector_load %arg9[%get3A_1043, %get3A_1044, %get3A_1045] {strides = array<i32>} : memref<3x264x128xf32, #tpu.memory_space<vmem>>, vector<1x1x16xf32>,
        %get3A_1047 = vector.shape_cast %get3A_1046 : vector<1x1x16xf32> to vector<16xf32>
        %add3A_1048 = arith.addf %add3A_1039, %get3A_1047 : vector<16xf32>
        %add3A_1049 = arith.constant 120 : i32
        %add3A_1050 = arith.addi %add3A_1049, %scan3A_619 : i32
        %get3A_1051 = arith.constant 2 : i32
        %get3A_1052 = arith.index_cast %get3A_1051 : i32 to index
        %get3A_1053 = arith.index_cast %add3A_1050 : i32 to index
        %get3A_1054 = arith.constant 64 : index
        %get3A_1055 = tpu.vector_load %arg9[%get3A_1052, %get3A_1053, %get3A_1054] {strides = array<i32>} : memref<3x264x128xf32, #tpu.memory_space<vmem>>, vector<1x1x16xf32>,
        %get3A_1056 = vector.shape_cast %get3A_1055 : vector<1x1x16xf32> to vector<16xf32>
        %add3A_1057 = arith.addf %add3A_1048, %get3A_1056 : vector<16xf32>
        %add3A_1058 = arith.constant 144 : i32
        %add3A_1059 = arith.addi %add3A_1058, %scan3A_619 : i32
        %get3A_1060 = arith.constant 2 : i32
        %get3A_1061 = arith.index_cast %get3A_1060 : i32 to index
        %get3A_1062 = arith.index_cast %add3A_1059 : i32 to index
        %get3A_1063 = arith.constant 64 : index
        %get3A_1064 = tpu.vector_load %arg9[%get3A_1061, %get3A_1062, %get3A_1063] {strides = array<i32>} : memref<3x264x128xf32, #tpu.memory_space<vmem>>, vector<1x1x16xf32>,
        %get3A_1065 = vector.shape_cast %get3A_1064 : vector<1x1x16xf32> to vector<16xf32>
        %add3A_1066 = arith.addf %add3A_1057, %get3A_1065 : vector<16xf32>
        %add3A_1067 = arith.constant 168 : i32
        %add3A_1068 = arith.addi %add3A_1067, %scan3A_619 : i32
        %get3A_1069 = arith.constant 2 : i32
        %get3A_1070 = arith.index_cast %get3A_1069 : i32 to index
        %get3A_1071 = arith.index_cast %add3A_1068 : i32 to index
        %get3A_1072 = arith.constant 64 : index
        %get3A_1073 = tpu.vector_load %arg9[%get3A_1070, %get3A_1071, %get3A_1072] {strides = array<i32>} : memref<3x264x128xf32, #tpu.memory_space<vmem>>, vector<1x1x16xf32>,
        %get3A_1074 = vector.shape_cast %get3A_1073 : vector<1x1x16xf32> to vector<16xf32>
        %add3A_1075 = arith.addf %add3A_1066, %get3A_1074 : vector<16xf32>
        %add3A_1076 = arith.constant 192 : i32
        %add3A_1077 = arith.addi %add3A_1076, %scan3A_619 : i32
        %get3A_1078 = arith.constant 2 : i32
        %get3A_1079 = arith.index_cast %get3A_1078 : i32 to index
        %get3A_1080 = arith.index_cast %add3A_1077 : i32 to index
        %get3A_1081 = arith.constant 64 : index
        %get3A_1082 = tpu.vector_load %arg9[%get3A_1079, %get3A_1080, %get3A_1081] {strides = array<i32>} : memref<3x264x128xf32, #tpu.memory_space<vmem>>, vector<1x1x16xf32>,
        %get3A_1083 = vector.shape_cast %get3A_1082 : vector<1x1x16xf32> to vector<16xf32>
        %add3A_1084 = arith.addf %add3A_1075, %get3A_1083 : vector<16xf32>
        %add3A_1085 = arith.constant 216 : i32
        %add3A_1086 = arith.addi %add3A_1085, %scan3A_619 : i32
        %get3A_1087 = arith.constant 2 : i32
        %get3A_1088 = arith.index_cast %get3A_1087 : i32 to index
        %get3A_1089 = arith.index_cast %add3A_1086 : i32 to index
        %get3A_1090 = arith.constant 64 : index
        %get3A_1091 = tpu.vector_load %arg9[%get3A_1088, %get3A_1089, %get3A_1090] {strides = array<i32>} : memref<3x264x128xf32, #tpu.memory_space<vmem>>, vector<1x1x16xf32>,
        %get3A_1092 = vector.shape_cast %get3A_1091 : vector<1x1x16xf32> to vector<16xf32>
        %add3A_1093 = arith.addf %add3A_1084, %get3A_1092 : vector<16xf32>
        %add3A_1094 = arith.constant 240 : i32
        %add3A_1095 = arith.addi %add3A_1094, %scan3A_619 : i32
        %get3A_1096 = arith.constant 2 : i32
        %get3A_1097 = arith.index_cast %get3A_1096 : i32 to index
        %get3A_1098 = arith.index_cast %add3A_1095 : i32 to index
        %get3A_1099 = arith.constant 64 : index
        %get3A_1100 = tpu.vector_load %arg9[%get3A_1097, %get3A_1098, %get3A_1099] {strides = array<i32>} : memref<3x264x128xf32, #tpu.memory_space<vmem>>, vector<1x1x16xf32>,
        %get3A_1101 = vector.shape_cast %get3A_1100 : vector<1x1x16xf32> to vector<16xf32>
        %add3A_1102 = arith.addf %add3A_1093, %get3A_1101 : vector<16xf32>
        %mul3A_1103 = arith.constant 1.000000e-01 : f32
        %mul3A_1104 = vector.broadcast %mul3A_1103 : f32 to vector<16xf32>
        %mul3A_1105 = arith.mulf %add3A_1102, %mul3A_1104 : vector<16xf32>
        %swap3A_1106 = arith.constant 2 : i32
        %swap3A_1107 = arith.index_cast %swap3A_1106 : i32 to index
        %swap3A_1108 = arith.index_cast %scan3A_619 : i32 to index
        %swap3A_1109 = arith.constant 64 : index
        %swap3A_1110 = tpu.vector_load %arg10[%swap3A_1107, %swap3A_1108, %swap3A_1109] {strides = array<i32>} : memref<3x24x128xf32, #tpu.memory_space<vmem>>, vector<1x1x16xf32>,
        %swap3A_1111 = vector.shape_cast %swap3A_1110 : vector<1x1x16xf32> to vector<16xf32>
        %swap3A_1112 = vector.shape_cast %mul3A_1105 : vector<16xf32> to vector<1x1x16xf32>
        tpu.vector_store %arg10[%swap3A_1107, %swap3A_1108, %swap3A_1109], %swap3A_1112 {strides = array<i32>} : memref<3x24x128xf32, #tpu.memory_space<vmem>>, vector<1x1x16xf32>,
        %add3A_1113 = arith.constant 24 : i32
        %add3A_1114 = arith.addi %add3A_1113, %scan3A_619 : i32
        %get3A_1115 = arith.constant 2 : i32
        %get3A_1116 = arith.index_cast %get3A_1115 : i32 to index
        %get3A_1117 = arith.index_cast %add3A_1114 : i32 to index
        %get3A_1118 = arith.constant 80 : index
        %get3A_1119 = tpu.vector_load %arg9[%get3A_1116, %get3A_1117, %get3A_1118] {strides = array<i32>} : memref<3x264x128xf32, #tpu.memory_space<vmem>>, vector<1x1x16xf32>,
        %get3A_1120 = vector.shape_cast %get3A_1119 : vector<1x1x16xf32> to vector<16xf32>
        %add3A_1121 = arith.constant 48 : i32
        %add3A_1122 = arith.addi %add3A_1121, %scan3A_619 : i32
        %get3A_1123 = arith.constant 2 : i32
        %get3A_1124 = arith.index_cast %get3A_1123 : i32 to index
        %get3A_1125 = arith.index_cast %add3A_1122 : i32 to index
        %get3A_1126 = arith.constant 80 : index
        %get3A_1127 = tpu.vector_load %arg9[%get3A_1124, %get3A_1125, %get3A_1126] {strides = array<i32>} : memref<3x264x128xf32, #tpu.memory_space<vmem>>, vector<1x1x16xf32>,
        %get3A_1128 = vector.shape_cast %get3A_1127 : vector<1x1x16xf32> to vector<16xf32>
        %add3A_1129 = arith.addf %get3A_1120, %get3A_1128 : vector<16xf32>
        %add3A_1130 = arith.constant 72 : i32
        %add3A_1131 = arith.addi %add3A_1130, %scan3A_619 : i32
        %get3A_1132 = arith.constant 2 : i32
        %get3A_1133 = arith.index_cast %get3A_1132 : i32 to index
        %get3A_1134 = arith.index_cast %add3A_1131 : i32 to index
        %get3A_1135 = arith.constant 80 : index
        %get3A_1136 = tpu.vector_load %arg9[%get3A_1133, %get3A_1134, %get3A_1135] {strides = array<i32>} : memref<3x264x128xf32, #tpu.memory_space<vmem>>, vector<1x1x16xf32>,
        %get3A_1137 = vector.shape_cast %get3A_1136 : vector<1x1x16xf32> to vector<16xf32>
        %add3A_1138 = arith.addf %add3A_1129, %get3A_1137 : vector<16xf32>
        %add3A_1139 = arith.constant 96 : i32
        %add3A_1140 = arith.addi %add3A_1139, %scan3A_619 : i32
        %get3A_1141 = arith.constant 2 : i32
        %get3A_1142 = arith.index_cast %get3A_1141 : i32 to index
        %get3A_1143 = arith.index_cast %add3A_1140 : i32 to index
        %get3A_1144 = arith.constant 80 : index
        %get3A_1145 = tpu.vector_load %arg9[%get3A_1142, %get3A_1143, %get3A_1144] {strides = array<i32>} : memref<3x264x128xf32, #tpu.memory_space<vmem>>, vector<1x1x16xf32>,
        %get3A_1146 = vector.shape_cast %get3A_1145 : vector<1x1x16xf32> to vector<16xf32>
        %add3A_1147 = arith.addf %add3A_1138, %get3A_1146 : vector<16xf32>
        %add3A_1148 = arith.constant 120 : i32
        %add3A_1149 = arith.addi %add3A_1148, %scan3A_619 : i32
        %get3A_1150 = arith.constant 2 : i32
        %get3A_1151 = arith.index_cast %get3A_1150 : i32 to index
        %get3A_1152 = arith.index_cast %add3A_1149 : i32 to index
        %get3A_1153 = arith.constant 80 : index
        %get3A_1154 = tpu.vector_load %arg9[%get3A_1151, %get3A_1152, %get3A_1153] {strides = array<i32>} : memref<3x264x128xf32, #tpu.memory_space<vmem>>, vector<1x1x16xf32>,
        %get3A_1155 = vector.shape_cast %get3A_1154 : vector<1x1x16xf32> to vector<16xf32>
        %add3A_1156 = arith.addf %add3A_1147, %get3A_1155 : vector<16xf32>
        %add3A_1157 = arith.constant 144 : i32
        %add3A_1158 = arith.addi %add3A_1157, %scan3A_619 : i32
        %get3A_1159 = arith.constant 2 : i32
        %get3A_1160 = arith.index_cast %get3A_1159 : i32 to index
        %get3A_1161 = arith.index_cast %add3A_1158 : i32 to index
        %get3A_1162 = arith.constant 80 : index
        %get3A_1163 = tpu.vector_load %arg9[%get3A_1160, %get3A_1161, %get3A_1162] {strides = array<i32>} : memref<3x264x128xf32, #tpu.memory_space<vmem>>, vector<1x1x16xf32>,
        %get3A_1164 = vector.shape_cast %get3A_1163 : vector<1x1x16xf32> to vector<16xf32>
        %add3A_1165 = arith.addf %add3A_1156, %get3A_1164 : vector<16xf32>
        %add3A_1166 = arith.constant 168 : i32
        %add3A_1167 = arith.addi %add3A_1166, %scan3A_619 : i32
        %get3A_1168 = arith.constant 2 : i32
        %get3A_1169 = arith.index_cast %get3A_1168 : i32 to index
        %get3A_1170 = arith.index_cast %add3A_1167 : i32 to index
        %get3A_1171 = arith.constant 80 : index
        %get3A_1172 = tpu.vector_load %arg9[%get3A_1169, %get3A_1170, %get3A_1171] {strides = array<i32>} : memref<3x264x128xf32, #tpu.memory_space<vmem>>, vector<1x1x16xf32>,
        %get3A_1173 = vector.shape_cast %get3A_1172 : vector<1x1x16xf32> to vector<16xf32>
        %add3A_1174 = arith.addf %add3A_1165, %get3A_1173 : vector<16xf32>
        %add3A_1175 = arith.constant 192 : i32
        %add3A_1176 = arith.addi %add3A_1175, %scan3A_619 : i32
        %get3A_1177 = arith.constant 2 : i32
        %get3A_1178 = arith.index_cast %get3A_1177 : i32 to index
        %get3A_1179 = arith.index_cast %add3A_1176 : i32 to index
        %get3A_1180 = arith.constant 80 : index
        %get3A_1181 = tpu.vector_load %arg9[%get3A_1178, %get3A_1179, %get3A_1180] {strides = array<i32>} : memref<3x264x128xf32, #tpu.memory_space<vmem>>, vector<1x1x16xf32>,
        %get3A_1182 = vector.shape_cast %get3A_1181 : vector<1x1x16xf32> to vector<16xf32>
        %add3A_1183 = arith.addf %add3A_1174, %get3A_1182 : vector<16xf32>
        %add3A_1184 = arith.constant 216 : i32
        %add3A_1185 = arith.addi %add3A_1184, %scan3A_619 : i32
        %get3A_1186 = arith.constant 2 : i32
        %get3A_1187 = arith.index_cast %get3A_1186 : i32 to index
        %get3A_1188 = arith.index_cast %add3A_1185 : i32 to index
        %get3A_1189 = arith.constant 80 : index
        %get3A_1190 = tpu.vector_load %arg9[%get3A_1187, %get3A_1188, %get3A_1189] {strides = array<i32>} : memref<3x264x128xf32, #tpu.memory_space<vmem>>, vector<1x1x16xf32>,
        %get3A_1191 = vector.shape_cast %get3A_1190 : vector<1x1x16xf32> to vector<16xf32>
        %add3A_1192 = arith.addf %add3A_1183, %get3A_1191 : vector<16xf32>
        %add3A_1193 = arith.constant 240 : i32
        %add3A_1194 = arith.addi %add3A_1193, %scan3A_619 : i32
        %get3A_1195 = arith.constant 2 : i32
        %get3A_1196 = arith.index_cast %get3A_1195 : i32 to index
        %get3A_1197 = arith.index_cast %add3A_1194 : i32 to index
        %get3A_1198 = arith.constant 80 : index
        %get3A_1199 = tpu.vector_load %arg9[%get3A_1196, %get3A_1197, %get3A_1198] {strides = array<i32>} : memref<3x264x128xf32, #tpu.memory_space<vmem>>, vector<1x1x16xf32>,
        %get3A_1200 = vector.shape_cast %get3A_1199 : vector<1x1x16xf32> to vector<16xf32>
        %add3A_1201 = arith.addf %add3A_1192, %get3A_1200 : vector<16xf32>
        %mul3A_1202 = arith.constant 1.000000e-01 : f32
        %mul3A_1203 = vector.broadcast %mul3A_1202 : f32 to vector<16xf32>
        %mul3A_1204 = arith.mulf %add3A_1201, %mul3A_1203 : vector<16xf32>
        %swap3A_1205 = arith.constant 2 : i32
        %swap3A_1206 = arith.index_cast %swap3A_1205 : i32 to index
        %swap3A_1207 = arith.index_cast %scan3A_619 : i32 to index
        %swap3A_1208 = arith.constant 80 : index
        %swap3A_1209 = tpu.vector_load %arg10[%swap3A_1206, %swap3A_1207, %swap3A_1208] {strides = array<i32>} : memref<3x24x128xf32, #tpu.memory_space<vmem>>, vector<1x1x16xf32>,
        %swap3A_1210 = vector.shape_cast %swap3A_1209 : vector<1x1x16xf32> to vector<16xf32>
        %swap3A_1211 = vector.shape_cast %mul3A_1204 : vector<16xf32> to vector<1x1x16xf32>
        tpu.vector_store %arg10[%swap3A_1206, %swap3A_1207, %swap3A_1208], %swap3A_1211 {strides = array<i32>} : memref<3x24x128xf32, #tpu.memory_space<vmem>>, vector<1x1x16xf32>,
        %add3A_1212 = arith.constant 24 : i32
        %add3A_1213 = arith.addi %add3A_1212, %scan3A_619 : i32
        %get3A_1214 = arith.constant 2 : i32
        %get3A_1215 = arith.index_cast %get3A_1214 : i32 to index
        %get3A_1216 = arith.index_cast %add3A_1213 : i32 to index
        %get3A_1217 = arith.constant 96 : index
        %get3A_1218 = tpu.vector_load %arg9[%get3A_1215, %get3A_1216, %get3A_1217] {strides = array<i32>} : memref<3x264x128xf32, #tpu.memory_space<vmem>>, vector<1x1x16xf32>,
        %get3A_1219 = vector.shape_cast %get3A_1218 : vector<1x1x16xf32> to vector<16xf32>
        %add3A_1220 = arith.constant 48 : i32
        %add3A_1221 = arith.addi %add3A_1220, %scan3A_619 : i32
        %get3A_1222 = arith.constant 2 : i32
        %get3A_1223 = arith.index_cast %get3A_1222 : i32 to index
        %get3A_1224 = arith.index_cast %add3A_1221 : i32 to index
        %get3A_1225 = arith.constant 96 : index
        %get3A_1226 = tpu.vector_load %arg9[%get3A_1223, %get3A_1224, %get3A_1225] {strides = array<i32>} : memref<3x264x128xf32, #tpu.memory_space<vmem>>, vector<1x1x16xf32>,
        %get3A_1227 = vector.shape_cast %get3A_1226 : vector<1x1x16xf32> to vector<16xf32>
        %add3A_1228 = arith.addf %get3A_1219, %get3A_1227 : vector<16xf32>
        %add3A_1229 = arith.constant 72 : i32
        %add3A_1230 = arith.addi %add3A_1229, %scan3A_619 : i32
        %get3A_1231 = arith.constant 2 : i32
        %get3A_1232 = arith.index_cast %get3A_1231 : i32 to index
        %get3A_1233 = arith.index_cast %add3A_1230 : i32 to index
        %get3A_1234 = arith.constant 96 : index
        %get3A_1235 = tpu.vector_load %arg9[%get3A_1232, %get3A_1233, %get3A_1234] {strides = array<i32>} : memref<3x264x128xf32, #tpu.memory_space<vmem>>, vector<1x1x16xf32>,
        %get3A_1236 = vector.shape_cast %get3A_1235 : vector<1x1x16xf32> to vector<16xf32>
        %add3A_1237 = arith.addf %add3A_1228, %get3A_1236 : vector<16xf32>
        %add3A_1238 = arith.constant 96 : i32
        %add3A_1239 = arith.addi %add3A_1238, %scan3A_619 : i32
        %get3A_1240 = arith.constant 2 : i32
        %get3A_1241 = arith.index_cast %get3A_1240 : i32 to index
        %get3A_1242 = arith.index_cast %add3A_1239 : i32 to index
        %get3A_1243 = arith.constant 96 : index
        %get3A_1244 = tpu.vector_load %arg9[%get3A_1241, %get3A_1242, %get3A_1243] {strides = array<i32>} : memref<3x264x128xf32, #tpu.memory_space<vmem>>, vector<1x1x16xf32>,
        %get3A_1245 = vector.shape_cast %get3A_1244 : vector<1x1x16xf32> to vector<16xf32>
        %add3A_1246 = arith.addf %add3A_1237, %get3A_1245 : vector<16xf32>
        %add3A_1247 = arith.constant 120 : i32
        %add3A_1248 = arith.addi %add3A_1247, %scan3A_619 : i32
        %get3A_1249 = arith.constant 2 : i32
        %get3A_1250 = arith.index_cast %get3A_1249 : i32 to index
        %get3A_1251 = arith.index_cast %add3A_1248 : i32 to index
        %get3A_1252 = arith.constant 96 : index
        %get3A_1253 = tpu.vector_load %arg9[%get3A_1250, %get3A_1251, %get3A_1252] {strides = array<i32>} : memref<3x264x128xf32, #tpu.memory_space<vmem>>, vector<1x1x16xf32>,
        %get3A_1254 = vector.shape_cast %get3A_1253 : vector<1x1x16xf32> to vector<16xf32>
        %add3A_1255 = arith.addf %add3A_1246, %get3A_1254 : vector<16xf32>
        %add3A_1256 = arith.constant 144 : i32
        %add3A_1257 = arith.addi %add3A_1256, %scan3A_619 : i32
        %get3A_1258 = arith.constant 2 : i32
        %get3A_1259 = arith.index_cast %get3A_1258 : i32 to index
        %get3A_1260 = arith.index_cast %add3A_1257 : i32 to index
        %get3A_1261 = arith.constant 96 : index
        %get3A_1262 = tpu.vector_load %arg9[%get3A_1259, %get3A_1260, %get3A_1261] {strides = array<i32>} : memref<3x264x128xf32, #tpu.memory_space<vmem>>, vector<1x1x16xf32>,
        %get3A_1263 = vector.shape_cast %get3A_1262 : vector<1x1x16xf32> to vector<16xf32>
        %add3A_1264 = arith.addf %add3A_1255, %get3A_1263 : vector<16xf32>
        %add3A_1265 = arith.constant 168 : i32
        %add3A_1266 = arith.addi %add3A_1265, %scan3A_619 : i32
        %get3A_1267 = arith.constant 2 : i32
        %get3A_1268 = arith.index_cast %get3A_1267 : i32 to index
        %get3A_1269 = arith.index_cast %add3A_1266 : i32 to index
        %get3A_1270 = arith.constant 96 : index
        %get3A_1271 = tpu.vector_load %arg9[%get3A_1268, %get3A_1269, %get3A_1270] {strides = array<i32>} : memref<3x264x128xf32, #tpu.memory_space<vmem>>, vector<1x1x16xf32>,
        %get3A_1272 = vector.shape_cast %get3A_1271 : vector<1x1x16xf32> to vector<16xf32>
        %add3A_1273 = arith.addf %add3A_1264, %get3A_1272 : vector<16xf32>
        %add3A_1274 = arith.constant 192 : i32
        %add3A_1275 = arith.addi %add3A_1274, %scan3A_619 : i32
        %get3A_1276 = arith.constant 2 : i32
        %get3A_1277 = arith.index_cast %get3A_1276 : i32 to index
        %get3A_1278 = arith.index_cast %add3A_1275 : i32 to index
        %get3A_1279 = arith.constant 96 : index
        %get3A_1280 = tpu.vector_load %arg9[%get3A_1277, %get3A_1278, %get3A_1279] {strides = array<i32>} : memref<3x264x128xf32, #tpu.memory_space<vmem>>, vector<1x1x16xf32>,
        %get3A_1281 = vector.shape_cast %get3A_1280 : vector<1x1x16xf32> to vector<16xf32>
        %add3A_1282 = arith.addf %add3A_1273, %get3A_1281 : vector<16xf32>
        %add3A_1283 = arith.constant 216 : i32
        %add3A_1284 = arith.addi %add3A_1283, %scan3A_619 : i32
        %get3A_1285 = arith.constant 2 : i32
        %get3A_1286 = arith.index_cast %get3A_1285 : i32 to index
        %get3A_1287 = arith.index_cast %add3A_1284 : i32 to index
        %get3A_1288 = arith.constant 96 : index
        %get3A_1289 = tpu.vector_load %arg9[%get3A_1286, %get3A_1287, %get3A_1288] {strides = array<i32>} : memref<3x264x128xf32, #tpu.memory_space<vmem>>, vector<1x1x16xf32>,
        %get3A_1290 = vector.shape_cast %get3A_1289 : vector<1x1x16xf32> to vector<16xf32>
        %add3A_1291 = arith.addf %add3A_1282, %get3A_1290 : vector<16xf32>
        %add3A_1292 = arith.constant 240 : i32
        %add3A_1293 = arith.addi %add3A_1292, %scan3A_619 : i32
        %get3A_1294 = arith.constant 2 : i32
        %get3A_1295 = arith.index_cast %get3A_1294 : i32 to index
        %get3A_1296 = arith.index_cast %add3A_1293 : i32 to index
        %get3A_1297 = arith.constant 96 : index
        %get3A_1298 = tpu.vector_load %arg9[%get3A_1295, %get3A_1296, %get3A_1297] {strides = array<i32>} : memref<3x264x128xf32, #tpu.memory_space<vmem>>, vector<1x1x16xf32>,
        %get3A_1299 = vector.shape_cast %get3A_1298 : vector<1x1x16xf32> to vector<16xf32>
        %add3A_1300 = arith.addf %add3A_1291, %get3A_1299 : vector<16xf32>
        %mul3A_1301 = arith.constant 1.000000e-01 : f32
        %mul3A_1302 = vector.broadcast %mul3A_1301 : f32 to vector<16xf32>
        %mul3A_1303 = arith.mulf %add3A_1300, %mul3A_1302 : vector<16xf32>
        %swap3A_1304 = arith.constant 2 : i32
        %swap3A_1305 = arith.index_cast %swap3A_1304 : i32 to index
        %swap3A_1306 = arith.index_cast %scan3A_619 : i32 to index
        %swap3A_1307 = arith.constant 96 : index
        %swap3A_1308 = tpu.vector_load %arg10[%swap3A_1305, %swap3A_1306, %swap3A_1307] {strides = array<i32>} : memref<3x24x128xf32, #tpu.memory_space<vmem>>, vector<1x1x16xf32>,
        %swap3A_1309 = vector.shape_cast %swap3A_1308 : vector<1x1x16xf32> to vector<16xf32>
        %swap3A_1310 = vector.shape_cast %mul3A_1303 : vector<16xf32> to vector<1x1x16xf32>
        tpu.vector_store %arg10[%swap3A_1305, %swap3A_1306, %swap3A_1307], %swap3A_1310 {strides = array<i32>} : memref<3x24x128xf32, #tpu.memory_space<vmem>>, vector<1x1x16xf32>,
        %add3A_1311 = arith.constant 24 : i32
        %add3A_1312 = arith.addi %add3A_1311, %scan3A_619 : i32
        %get3A_1313 = arith.constant 2 : i32
        %get3A_1314 = arith.index_cast %get3A_1313 : i32 to index
        %get3A_1315 = arith.index_cast %add3A_1312 : i32 to index
        %get3A_1316 = arith.constant 112 : index
        %get3A_1317 = tpu.vector_load %arg9[%get3A_1314, %get3A_1315, %get3A_1316] {strides = array<i32>} : memref<3x264x128xf32, #tpu.memory_space<vmem>>, vector<1x1x16xf32>,
        %get3A_1318 = vector.shape_cast %get3A_1317 : vector<1x1x16xf32> to vector<16xf32>
        %add3A_1319 = arith.constant 48 : i32
        %add3A_1320 = arith.addi %add3A_1319, %scan3A_619 : i32
        %get3A_1321 = arith.constant 2 : i32
        %get3A_1322 = arith.index_cast %get3A_1321 : i32 to index
        %get3A_1323 = arith.index_cast %add3A_1320 : i32 to index
        %get3A_1324 = arith.constant 112 : index
        %get3A_1325 = tpu.vector_load %arg9[%get3A_1322, %get3A_1323, %get3A_1324] {strides = array<i32>} : memref<3x264x128xf32, #tpu.memory_space<vmem>>, vector<1x1x16xf32>,
        %get3A_1326 = vector.shape_cast %get3A_1325 : vector<1x1x16xf32> to vector<16xf32>
        %add3A_1327 = arith.addf %get3A_1318, %get3A_1326 : vector<16xf32>
        %add3A_1328 = arith.constant 72 : i32
        %add3A_1329 = arith.addi %add3A_1328, %scan3A_619 : i32
        %get3A_1330 = arith.constant 2 : i32
        %get3A_1331 = arith.index_cast %get3A_1330 : i32 to index
        %get3A_1332 = arith.index_cast %add3A_1329 : i32 to index
        %get3A_1333 = arith.constant 112 : index
        %get3A_1334 = tpu.vector_load %arg9[%get3A_1331, %get3A_1332, %get3A_1333] {strides = array<i32>} : memref<3x264x128xf32, #tpu.memory_space<vmem>>, vector<1x1x16xf32>,
        %get3A_1335 = vector.shape_cast %get3A_1334 : vector<1x1x16xf32> to vector<16xf32>
        %add3A_1336 = arith.addf %add3A_1327, %get3A_1335 : vector<16xf32>
        %add3A_1337 = arith.constant 96 : i32
        %add3A_1338 = arith.addi %add3A_1337, %scan3A_619 : i32
        %get3A_1339 = arith.constant 2 : i32
        %get3A_1340 = arith.index_cast %get3A_1339 : i32 to index
        %get3A_1341 = arith.index_cast %add3A_1338 : i32 to index
        %get3A_1342 = arith.constant 112 : index
        %get3A_1343 = tpu.vector_load %arg9[%get3A_1340, %get3A_1341, %get3A_1342] {strides = array<i32>} : memref<3x264x128xf32, #tpu.memory_space<vmem>>, vector<1x1x16xf32>,
        %get3A_1344 = vector.shape_cast %get3A_1343 : vector<1x1x16xf32> to vector<16xf32>
        %add3A_1345 = arith.addf %add3A_1336, %get3A_1344 : vector<16xf32>
        %add3A_1346 = arith.constant 120 : i32
        %add3A_1347 = arith.addi %add3A_1346, %scan3A_619 : i32
        %get3A_1348 = arith.constant 2 : i32
        %get3A_1349 = arith.index_cast %get3A_1348 : i32 to index
        %get3A_1350 = arith.index_cast %add3A_1347 : i32 to index
        %get3A_1351 = arith.constant 112 : index
        %get3A_1352 = tpu.vector_load %arg9[%get3A_1349, %get3A_1350, %get3A_1351] {strides = array<i32>} : memref<3x264x128xf32, #tpu.memory_space<vmem>>, vector<1x1x16xf32>,
        %get3A_1353 = vector.shape_cast %get3A_1352 : vector<1x1x16xf32> to vector<16xf32>
        %add3A_1354 = arith.addf %add3A_1345, %get3A_1353 : vector<16xf32>
        %add3A_1355 = arith.constant 144 : i32
        %add3A_1356 = arith.addi %add3A_1355, %scan3A_619 : i32
        %get3A_1357 = arith.constant 2 : i32
        %get3A_1358 = arith.index_cast %get3A_1357 : i32 to index
        %get3A_1359 = arith.index_cast %add3A_1356 : i32 to index
        %get3A_1360 = arith.constant 112 : index
        %get3A_1361 = tpu.vector_load %arg9[%get3A_1358, %get3A_1359, %get3A_1360] {strides = array<i32>} : memref<3x264x128xf32, #tpu.memory_space<vmem>>, vector<1x1x16xf32>,
        %get3A_1362 = vector.shape_cast %get3A_1361 : vector<1x1x16xf32> to vector<16xf32>
        %add3A_1363 = arith.addf %add3A_1354, %get3A_1362 : vector<16xf32>
        %add3A_1364 = arith.constant 168 : i32
        %add3A_1365 = arith.addi %add3A_1364, %scan3A_619 : i32
        %get3A_1366 = arith.constant 2 : i32
        %get3A_1367 = arith.index_cast %get3A_1366 : i32 to index
        %get3A_1368 = arith.index_cast %add3A_1365 : i32 to index
        %get3A_1369 = arith.constant 112 : index
        %get3A_1370 = tpu.vector_load %arg9[%get3A_1367, %get3A_1368, %get3A_1369] {strides = array<i32>} : memref<3x264x128xf32, #tpu.memory_space<vmem>>, vector<1x1x16xf32>,
        %get3A_1371 = vector.shape_cast %get3A_1370 : vector<1x1x16xf32> to vector<16xf32>
        %add3A_1372 = arith.addf %add3A_1363, %get3A_1371 : vector<16xf32>
        %add3A_1373 = arith.constant 192 : i32
        %add3A_1374 = arith.addi %add3A_1373, %scan3A_619 : i32
        %get3A_1375 = arith.constant 2 : i32
        %get3A_1376 = arith.index_cast %get3A_1375 : i32 to index
        %get3A_1377 = arith.index_cast %add3A_1374 : i32 to index
        %get3A_1378 = arith.constant 112 : index
        %get3A_1379 = tpu.vector_load %arg9[%get3A_1376, %get3A_1377, %get3A_1378] {strides = array<i32>} : memref<3x264x128xf32, #tpu.memory_space<vmem>>, vector<1x1x16xf32>,
        %get3A_1380 = vector.shape_cast %get3A_1379 : vector<1x1x16xf32> to vector<16xf32>
        %add3A_1381 = arith.addf %add3A_1372, %get3A_1380 : vector<16xf32>
        %add3A_1382 = arith.constant 216 : i32
        %add3A_1383 = arith.addi %add3A_1382, %scan3A_619 : i32
        %get3A_1384 = arith.constant 2 : i32
        %get3A_1385 = arith.index_cast %get3A_1384 : i32 to index
        %get3A_1386 = arith.index_cast %add3A_1383 : i32 to index
        %get3A_1387 = arith.constant 112 : index
        %get3A_1388 = tpu.vector_load %arg9[%get3A_1385, %get3A_1386, %get3A_1387] {strides = array<i32>} : memref<3x264x128xf32, #tpu.memory_space<vmem>>, vector<1x1x16xf32>,
        %get3A_1389 = vector.shape_cast %get3A_1388 : vector<1x1x16xf32> to vector<16xf32>
        %add3A_1390 = arith.addf %add3A_1381, %get3A_1389 : vector<16xf32>
        %add3A_1391 = arith.constant 240 : i32
        %add3A_1392 = arith.addi %add3A_1391, %scan3A_619 : i32
        %get3A_1393 = arith.constant 2 : i32
        %get3A_1394 = arith.index_cast %get3A_1393 : i32 to index
        %get3A_1395 = arith.index_cast %add3A_1392 : i32 to index
        %get3A_1396 = arith.constant 112 : index
        %get3A_1397 = tpu.vector_load %arg9[%get3A_1394, %get3A_1395, %get3A_1396] {strides = array<i32>} : memref<3x264x128xf32, #tpu.memory_space<vmem>>, vector<1x1x16xf32>,
        %get3A_1398 = vector.shape_cast %get3A_1397 : vector<1x1x16xf32> to vector<16xf32>
        %add3A_1399 = arith.addf %add3A_1390, %get3A_1398 : vector<16xf32>
        %mul3A_1400 = arith.constant 1.000000e-01 : f32
        %mul3A_1401 = vector.broadcast %mul3A_1400 : f32 to vector<16xf32>
        %mul3A_1402 = arith.mulf %add3A_1399, %mul3A_1401 : vector<16xf32>
        %swap3A_1403 = arith.constant 2 : i32
        %swap3A_1404 = arith.index_cast %swap3A_1403 : i32 to index
        %swap3A_1405 = arith.index_cast %scan3A_619 : i32 to index
        %swap3A_1406 = arith.constant 112 : index
        %swap3A_1407 = tpu.vector_load %arg10[%swap3A_1404, %swap3A_1405, %swap3A_1406] {strides = array<i32>} : memref<3x24x128xf32, #tpu.memory_space<vmem>>, vector<1x1x16xf32>,
        %swap3A_1408 = vector.shape_cast %swap3A_1407 : vector<1x1x16xf32> to vector<16xf32>
        %swap3A_1409 = vector.shape_cast %mul3A_1402 : vector<16xf32> to vector<1x1x16xf32>
        tpu.vector_store %arg10[%swap3A_1404, %swap3A_1405, %swap3A_1406], %swap3A_1409 {strides = array<i32>} : memref<3x24x128xf32, #tpu.memory_space<vmem>>, vector<1x1x16xf32>,
      }
      %scan3A_583 = arith.constant 24 : i32
      %add3A_584 = arith.addi %mul3A_2, %add3A_539 : i32
      %mul3A_585 = arith.constant 24 : i32
      %mul3A_586 = arith.muli %add3A_584, %mul3A_585 : i32
      %dma_start3A_587 = arith.constant 2 : i32
      %dma_start3A_588 = arith.constant 0 : i32
      %dma_start3A_589 = arith.constant 0 : i32
      %dma_start3A_590 = tpu.memref_slice %arg9[%dma_start3A_587, %dma_start3A_588, %dma_start3A_589] : memref<3x264x128xf32, #tpu.memory_space<vmem>> -> memref<1x264x128xf32, #tpu.memory_space<vmem>>
      %dma_start3A_591 = tpu.memref_squeeze %dma_start3A_590 : memref<1x264x128xf32, #tpu.memory_space<vmem>> -> memref<264x128xf32, #tpu.memory_space<vmem>>
      %dma_start3A_592 = arith.constant 0 : i32
      %dma_start3A_593 = arith.constant 0 : i32
      %dma_start3A_594 = tpu.memref_slice %dma_start3A_591[%dma_start3A_592, %dma_start3A_593] : memref<264x128xf32, #tpu.memory_space<vmem>> -> memref<24x128xf32, #tpu.memory_space<vmem>>
      %dma_start3A_595 = arith.constant 0 : i32
      %dma_start3A_596 = tpu.memref_slice %arg4[%mul3A_586, %dma_start3A_595] : memref<50688x128xf32, #tpu.memory_space<hbm>> -> memref<24x128xf32, #tpu.memory_space<hbm>>
      %dma_start3A_597 = arith.constant 0 : i32
      %dma_start3A_598 = tpu.memref_slice %arg4[%mul3A_586, %dma_start3A_597] : memref<50688x128xf32, #tpu.memory_space<hbm>> -> memref<24x128xf32, #tpu.memory_space<hbm>>
      %dma_start3A_599 = arith.constant 0 : i32
      %dma_start3A_600 = arith.constant 0 : i32
      %dma_start3A_601 = tpu.memref_slice %arg9[%dma_start3A_587, %dma_start3A_599, %dma_start3A_600] : memref<3x264x128xf32, #tpu.memory_space<vmem>> -> memref<1x264x128xf32, #tpu.memory_space<vmem>>
      %dma_start3A_602 = tpu.memref_squeeze %dma_start3A_601 : memref<1x264x128xf32, #tpu.memory_space<vmem>> -> memref<264x128xf32, #tpu.memory_space<vmem>>
      %dma_start3A_603 = arith.constant 0 : i32
      %dma_start3A_604 = arith.constant 0 : i32
      %dma_start3A_605 = tpu.memref_slice %dma_start3A_602[%dma_start3A_603, %dma_start3A_604] : memref<264x128xf32, #tpu.memory_space<vmem>> -> memref<24x128xf32, #tpu.memory_space<vmem>>
      tpu.enqueue_dma source(%dma_start3A_605 : memref<24x128xf32, #tpu.memory_space<vmem>>) target(%dma_start3A_598 : memref<24x128xf32, #tpu.memory_space<hbm>>) target_semaphore(%arg17 : memref<!tpu.dma_semaphore, #tpu.memory_space<semaphore_mem>>)
      %dma_start3A_606 = arith.constant 2 : i32
      %dma_start3A_607 = arith.constant 0 : i32
      %dma_start3A_608 = arith.constant 0 : i32
      %dma_start3A_609 = tpu.memref_slice %arg10[%dma_start3A_606, %dma_start3A_607, %dma_start3A_608] : memref<3x24x128xf32, #tpu.memory_space<vmem>> -> memref<1x24x128xf32, #tpu.memory_space<vmem>>
      %dma_start3A_610 = tpu.memref_squeeze %dma_start3A_609 : memref<1x24x128xf32, #tpu.memory_space<vmem>> -> memref<24x128xf32, #tpu.memory_space<vmem>>
      %dma_start3A_611 = arith.constant 0 : i32
      %dma_start3A_612 = tpu.memref_slice %arg5[%mul3A_586, %dma_start3A_611] : memref<50688x128xf32, #tpu.memory_space<hbm>> -> memref<24x128xf32, #tpu.memory_space<hbm>>
      %dma_start3A_613 = arith.constant 0 : i32
      %dma_start3A_614 = tpu.memref_slice %arg5[%mul3A_586, %dma_start3A_613] : memref<50688x128xf32, #tpu.memory_space<hbm>> -> memref<24x128xf32, #tpu.memory_space<hbm>>
      %dma_start3A_615 = arith.constant 0 : i32
      %dma_start3A_616 = arith.constant 0 : i32
      %dma_start3A_617 = tpu.memref_slice %arg10[%dma_start3A_606, %dma_start3A_615, %dma_start3A_616] : memref<3x24x128xf32, #tpu.memory_space<vmem>> -> memref<1x24x128xf32, #tpu.memory_space<vmem>>
      %dma_start3A_618 = tpu.memref_squeeze %dma_start3A_617 : memref<1x24x128xf32, #tpu.memory_space<vmem>> -> memref<24x128xf32, #tpu.memory_space<vmem>>
      tpu.enqueue_dma source(%dma_start3A_618 : memref<24x128xf32, #tpu.memory_space<vmem>>) target(%dma_start3A_614 : memref<24x128xf32, #tpu.memory_space<hbm>>) target_semaphore(%arg17 : memref<!tpu.dma_semaphore, #tpu.memory_space<semaphore_mem>>)
    }
    %scan3A_337 = arith.constant 22 : i32
    %dma_wait3A_338 = arith.constant 2 : i32
    "tpu.trace_stop"() : () -> ()
    "tpu.trace_start"() <{level = 10 : i32, message = "sc_epilog"}> : () -> ()
    %dma_wait3A_339 = arith.constant 0 : i32
    %dma_wait3A_340 = arith.constant 0 : i32
    %dma_wait3A_341 = tpu.memref_slice %arg9[%dma_wait3A_338, %dma_wait3A_339, %dma_wait3A_340] : memref<3x264x128xf32, #tpu.memory_space<vmem>> -> memref<1x264x128xf32, #tpu.memory_space<vmem>>
    %dma_wait3A_342 = tpu.memref_squeeze %dma_wait3A_341 : memref<1x264x128xf32, #tpu.memory_space<vmem>> -> memref<264x128xf32, #tpu.memory_space<vmem>>
    %dma_wait3A_343 = arith.constant 0 : i32
    %dma_wait3A_344 = arith.constant 0 : i32
    %dma_wait3A_345 = tpu.memref_slice %dma_wait3A_342[%dma_wait3A_343, %dma_wait3A_344] : memref<264x128xf32, #tpu.memory_space<vmem>> -> memref<24x128xf32, #tpu.memory_space<vmem>>
    %dma_wait3A_346 = arith.constant 0 : i32
    %dma_wait3A_347 = arith.constant 0 : i32
    %dma_wait3A_348 = tpu.memref_slice %arg4[%dma_wait3A_346, %dma_wait3A_347] : memref<50688x128xf32, #tpu.memory_space<hbm>> -> memref<24x128xf32, #tpu.memory_space<hbm>>
    %dma_wait3A_349 = arith.constant 0 : i32
    %dma_wait3A_350 = arith.constant 0 : i32
    %dma_wait3A_351 = tpu.memref_slice %arg4[%dma_wait3A_349, %dma_wait3A_350] : memref<50688x128xf32, #tpu.memory_space<hbm>> -> memref<24x128xf32, #tpu.memory_space<hbm>>
    %dma_wait3A_352 = arith.constant 0 : i32
    %dma_wait3A_353 = arith.constant 0 : i32
    %dma_wait3A_354 = tpu.memref_slice %arg9[%dma_wait3A_338, %dma_wait3A_352, %dma_wait3A_353] : memref<3x264x128xf32, #tpu.memory_space<vmem>> -> memref<1x264x128xf32, #tpu.memory_space<vmem>>
    %dma_wait3A_355 = tpu.memref_squeeze %dma_wait3A_354 : memref<1x264x128xf32, #tpu.memory_space<vmem>> -> memref<264x128xf32, #tpu.memory_space<vmem>>
    %dma_wait3A_356 = arith.constant 0 : i32
    %dma_wait3A_357 = arith.constant 0 : i32
    %dma_wait3A_358 = tpu.memref_slice %dma_wait3A_355[%dma_wait3A_356, %dma_wait3A_357] : memref<264x128xf32, #tpu.memory_space<vmem>> -> memref<24x128xf32, #tpu.memory_space<vmem>>
    tpu.wait_dma2 semaphore(%arg17 : memref<!tpu.dma_semaphore, #tpu.memory_space<semaphore_mem>>) src(%dma_wait3A_358 : memref<24x128xf32, #tpu.memory_space<vmem>>) dst(%dma_wait3A_351 : memref<24x128xf32, #tpu.memory_space<hbm>>)
    %dma_wait3A_359 = arith.constant 2 : i32
    %dma_wait3A_360 = arith.constant 0 : i32
    %dma_wait3A_361 = arith.constant 0 : i32
    %dma_wait3A_362 = tpu.memref_slice %arg10[%dma_wait3A_359, %dma_wait3A_360, %dma_wait3A_361] : memref<3x24x128xf32, #tpu.memory_space<vmem>> -> memref<1x24x128xf32, #tpu.memory_space<vmem>>
    %dma_wait3A_363 = tpu.memref_squeeze %dma_wait3A_362 : memref<1x24x128xf32, #tpu.memory_space<vmem>> -> memref<24x128xf32, #tpu.memory_space<vmem>>
    %dma_wait3A_364 = arith.constant 0 : i32
    %dma_wait3A_365 = arith.constant 0 : i32
    %dma_wait3A_366 = tpu.memref_slice %arg5[%dma_wait3A_364, %dma_wait3A_365] : memref<50688x128xf32, #tpu.memory_space<hbm>> -> memref<24x128xf32, #tpu.memory_space<hbm>>
    %dma_wait3A_367 = arith.constant 0 : i32
    %dma_wait3A_368 = arith.constant 0 : i32
    %dma_wait3A_369 = tpu.memref_slice %arg5[%dma_wait3A_367, %dma_wait3A_368] : memref<50688x128xf32, #tpu.memory_space<hbm>> -> memref<24x128xf32, #tpu.memory_space<hbm>>
    %dma_wait3A_370 = arith.constant 0 : i32
    %dma_wait3A_371 = arith.constant 0 : i32
    %dma_wait3A_372 = tpu.memref_slice %arg10[%dma_wait3A_359, %dma_wait3A_370, %dma_wait3A_371] : memref<3x24x128xf32, #tpu.memory_space<vmem>> -> memref<1x24x128xf32, #tpu.memory_space<vmem>>
    %dma_wait3A_373 = tpu.memref_squeeze %dma_wait3A_372 : memref<1x24x128xf32, #tpu.memory_space<vmem>> -> memref<24x128xf32, #tpu.memory_space<vmem>>
    tpu.wait_dma2 semaphore(%arg17 : memref<!tpu.dma_semaphore, #tpu.memory_space<semaphore_mem>>) src(%dma_wait3A_373 : memref<24x128xf32, #tpu.memory_space<vmem>>) dst(%dma_wait3A_369 : memref<24x128xf32, #tpu.memory_space<hbm>>)
    "tpu.trace_stop"() : () -> ()
    return
  }
}

module attributes {stable_mosaic.version = 14 : i64} {
  func.func @_mm_body(%arg0: i32, %arg1: memref<8192x128xf32, #tpu.memory_space<vmem>>, %arg2: memref<8192x128xf32, #tpu.memory_space<vmem>>, %arg3: memref<128x128xf32, #tpu.memory_space<vmem>>, %arg4: memref<128x128xf32, #tpu.memory_space<vmem>>, %arg5: memref<128x8192xf32, #tpu.memory_space<vmem>>) attributes {dimension_semantics = [#tpu.dimension_semantics<arbitrary>], iteration_bounds = array<i64: 7>, scalar_prefetch = 0 : i64, scratch_operands = 0 : i64, tpu.core_type = #tpu.core_type<tc>, window_params = [{transform_indices = @transform_0, window_bounds = array<i64: 8192, 128>}, {transform_indices = @transform_1, window_bounds = array<i64: 8192, 128>}, {pipeline_mode = #tpu.pipeline_mode<synchronous>, transform_indices = @transform_2, window_bounds = array<i64: 128, 128>}, {pipeline_mode = #tpu.pipeline_mode<synchronous>, transform_indices = @transform_3, window_bounds = array<i64: 128, 128>}, {transform_indices = @transform_4, window_bounds = array<i64: 128, 8192>}]} {
    %get3A = arith.constant 0 : index
    %get3A_0 = arith.constant 0 : index
    %get3A_1 = vector.load %arg3[%get3A, %get3A_0] : memref<128x128xf32, #tpu.memory_space<vmem>>, vector<128x128xf32>
    %get3A_2 = arith.constant 0 : index
    %get3A_3 = arith.constant 0 : index
    %get3A_4 = vector.load %arg1[%get3A_2, %get3A_3] : memref<8192x128xf32, #tpu.memory_space<vmem>>, vector<8192x128xf32>
    %dot_general3A = arith.constant dense<0.000000e+00> : vector<128x8192xf32>
    %dot_general3A_5 = tpu.matmul %get3A_1, %get3A_4, %dot_general3A {dimension_numbers = #tpu.dot_dimension_numbers<[1], [1], [0], [0], [0, 0, 1, 0], [], []>, transpose_lhs_hint = false} : vector<128x128xf32>, vector<8192x128xf32>, vector<128x8192xf32> -> vector<128x8192xf32>
    %get3A_6 = arith.constant 0 : index
    %get3A_7 = arith.constant 0 : index
    %get3A_8 = vector.load %arg4[%get3A_6, %get3A_7] : memref<128x128xf32, #tpu.memory_space<vmem>>, vector<128x128xf32>
    %get3A_9 = arith.constant 0 : index
    %get3A_10 = arith.constant 0 : index
    %get3A_11 = vector.load %arg2[%get3A_9, %get3A_10] : memref<8192x128xf32, #tpu.memory_space<vmem>>, vector<8192x128xf32>
    %dot_general3A_12 = arith.constant dense<0.000000e+00> : vector<128x8192xf32>
    %dot_general3A_13 = tpu.matmul %get3A_8, %get3A_11, %dot_general3A_12 {dimension_numbers = #tpu.dot_dimension_numbers<[1], [1], [0], [0], [0, 0, 1, 0], [], []>, transpose_lhs_hint = false} : vector<128x128xf32>, vector<8192x128xf32>, vector<128x8192xf32> -> vector<128x8192xf32>
    %add3A = arith.addf %dot_general3A_5, %dot_general3A_13 : vector<128x8192xf32>
    %max3A = arith.constant 0.000000e+00 : f32
    %max3A_14 = vector.broadcast %max3A : f32 to vector<128x8192xf32>
    %max3A_15 = arith.maximumf %add3A, %max3A_14 : vector<128x8192xf32>
    %swap3A = arith.constant 0 : index
    %swap3A_16 = arith.constant 0 : index
    %swap3A_17 = vector.load %arg5[%swap3A, %swap3A_16] : memref<128x8192xf32, #tpu.memory_space<vmem>>, vector<128x8192xf32>
    tpu.vector_store %arg5[%swap3A, %swap3A_16], %max3A_15 {strides = array<i32>} : memref<128x8192xf32, #tpu.memory_space<vmem>>, vector<128x8192xf32>,
    return
  }
  func.func @transform_0(%arg0: i32) -> (i32, i32) {
    %c0_i32 = arith.constant 0 : i32
    %c0_i32_0 = arith.constant 0 : i32
    return %arg0, %c0_i32 : i32, i32
  }
  func.func @transform_1(%arg0: i32) -> (i32, i32) {
    %c0_i32 = arith.constant 0 : i32
    %c0_i32_0 = arith.constant 0 : i32
    return %arg0, %c0_i32 : i32, i32
  }
  func.func @transform_2(%arg0: i32) -> (i32, i32) {
    %c0_i32 = arith.constant 0 : i32
    %c0_i32_0 = arith.constant 0 : i32
    %c0_i32_1 = arith.constant 0 : i32
    return %c0_i32, %c0_i32_0 : i32, i32
  }
  func.func @transform_3(%arg0: i32) -> (i32, i32) {
    %c0_i32 = arith.constant 0 : i32
    %c0_i32_0 = arith.constant 0 : i32
    %c0_i32_1 = arith.constant 0 : i32
    return %c0_i32, %c0_i32_0 : i32, i32
  }
  func.func @transform_4(%arg0: i32) -> (i32, i32) {
    %c0_i32 = arith.constant 0 : i32
    %c0_i32_0 = arith.constant 0 : i32
    return %c0_i32, %arg0 : i32, i32
  }
}

</mosaic_0001>

<sc_bundles>
// kernel: kernel.4.cloned.1.call-start
scs
__scs_entry_jumppad:
0x0: {  	(pc) =	sbr.rel $0x88, $3  }
0x1: {  	(tag) =	ssettag $0x0;
	lr =	simm.s32 $0x1  }
0x2: {  	[smem:$0x3F9D] =	sst lr;
	_ =	strace $0xD0000000  }
0x3: {  	_ = 	snop  }
0x4: {  	_ = 	snop  }
0x5: {  	_ = 	snop  }
0x6: {  	_ = 	snop  }
0x7: {  	_ = 	snop  }
__scs_overlays_trampoline_lowered:
0x8: {  	[smem:$0x3FAC] =	sst s0  }
0x9: {  	[smem:$0x3FAD] =	sst s1  }
0xa: {  	[smem:$0x3FAE] =	sst s2  }
0xb: {  	[smem:$0x3FAF] =	sst s3  }
0xc: {  	[smem:$0x3FB0] =	sst s4  }
0xd: {  	[smem:$0x3FB1] =	sst s5  }
0xe: {  	[smem:$0x3FB2] =	sst s6  }
0xf: {  	[smem:$0x3FB3] =	sst s7  }
0x10: {  	[smem:$0x3FB4] =	sst s8  }
0x11: {  	[smem:$0x3FB5] =	sst s9;
	s0 =	simm.s32 @!p0 $0x0  }
0x12: {  	s1 =	sld [smem:$0x3F9B];
	s0 =	simm.s32 @p0 $0x1  }
0x13: {  	[smem:$0x3FB6] =	sst s0;
	s0 =	simm.s32 @!p1 $0x0  }
0x14: {  	s2 =	sld [smem:$0x3F9A];
	s0 =	simm.s32 @p1 $0x1  }
0x15: {  	[smem:$0x3FB7] =	sst s0;
	s0 =	simm.s32 @!p2 $0x0  }
0x16: {  	s3 =	sld [smem:$0x3FDB];
	s0 =	simm.s32 @p2 $0x1  }
0x17: {  	s4 =	simm.s32 $0x1BF5;
	[smem:$0x3FB9] =	sst s0  }
0x18: {  	s0 =	sld [smem:$0x3F9C];
	_ =	swait.ge [sflag:s4], $0x0  }
0x19: {  	s7 =	sld [smem:$0x3F9D]  }
0x1a: {  	s8 =	sadd.s32 $0xFFFFE003, lr  }
0x1b: {  	s9 =	sadd.s32 $0xFFFFFEF7, lr;
	s5 =	simm.s32 $0xFFFFFFFF;
	p2 =	slt.u32 s8, $0xFFFFF086  }
0x1c: {  	p1 =	slt.u32 s9, $0xF7A;
	s5 =	simm.s32 @!p2 $0x0  }
0x1d: {  	s5 =	simm.s32 @p1 $0x1;
	p0 =	seq.s32 s7, s2  }
0x1e: {  	s7 =	smul.u32 @!p0 $0xF7A, s2;
	p2 =	seq.s32 @!p0 s5, $0x0  }
0x1f: {  	s9 =	smul.u32 $0xF7A, s1;
	s8 =	simm.s32 @!p0 $0x1BF5;
	p2 =	por !p2, p0  }
0x20: {  	[sflag:s8] =	ssyncset.s32 @!p0 $0xFFFFF086;
	s6 =	sadd.s32 @!p0 s3, s7;
	s7 =	simm.s32 @!p0 $0x108  }
0x21: {  	s3 =	sadd.s32 s3, s9;
	s6 =	sadd.s32 @!p0 $0x88, s6;
	s7 =	simm.s32 @p2 $0x1082  }
0x22: {  	[simem:s7], [sflag:s8] =	dma.local @!p0 [hbm:s6], $0xF7A  }
0x23: {  	s9 =	sor.u32 $0xD0000000, s2;
	s6 =	simm.s32 $0x108;
	_ =	swait.ge @!p0 [sflag:s8], $0x0  }
0x24: {  	s3 =	sadd.s32 $0x88, s3;
	s6 =	simm.s32 @!p1 $0x1082;
	[sflag:s4] =	ssyncset.s32 $0xFFFFF086  }
0x25: {  	[simem:s6], [sflag:s4] =	dma.local [hbm:s3], $0xF7A  }
0x26: {  	[smem:$0x3F9D] =	sst s1;
	(tag) =	ssettag s2;
	_ =	strace s9  }
0x27: {  	s1 =	sld [smem:$0x3FAD]  }
0x28: {  	s2 =	sld [smem:$0x3FAE]  }
0x29: {  	s4 =	sld [smem:$0x3FB0]  }
0x2a: {  	p0 =	seq.s32 s5, $0x0;
	s5 =	sld [smem:$0x3FB1]  }
0x2b: {  	s6 =	sld [smem:$0x3FB2]  }
0x2c: {  	s7 =	sld [smem:$0x3FB3]  }
0x2d: {  	s3 =	simm.s32 $0x108;
	s8 =	sld [smem:$0x3FB4]  }
0x2e: {  	s3 =	simm.s32 @!p0 $0x1082;
	s9 =	sld [smem:$0x3FB5]  }
0x2f: {  	lr =	sadd.s32 s0, s3;
	s0 =	sld [smem:$0x3FAC]  }
0x30: {  	s3 =	sld [smem:$0x3FAF]  }
0x31: {  	[smem:$0x3FB8] =	sst s10  }
0x32: {  	s10 =	sld [smem:$0x3FB6];
	_ =	sdelay $0x3  }
0x33: {  	p0 =	seq.s32 s10, $0x1;
	s10 =	sld [smem:$0x3FB8];
	_ =	sdelay $0x3  }
0x34: {  	[smem:$0x3FB8] =	sst s10  }
0x35: {  	s10 =	sld [smem:$0x3FB7];
	_ =	sdelay $0x3  }
0x36: {  	p1 =	seq.s32 s10, $0x1;
	s10 =	sld [smem:$0x3FB8];
	_ =	sdelay $0x3  }
0x37: {  	[smem:$0x3FB8] =	sst s10  }
0x38: {  	s10 =	sld [smem:$0x3FB9]  }
0x39: {  	_ = 	snop;
	(pc) =	sbr.ind lr, $3  }
0x3a: {  	_ = 	snop  }
0x3b: {  	_ = 	snop  }
0x3c: {  	p2 =	seq.s32 s10, $0x1;
	s10 =	sld [smem:$0x3FB8]  }
0x3d: {  	_ =	shalt  }
0x3e: {  	_ =	shalt  }
0x3f: {  	_ =	shalt  }
0x40: {  	_ =	shalt  }
0x41: {  	_ =	shalt  }
0x42: {  	_ =	shalt  }
0x43: {  	_ =	shalt  }
0x44: {  	_ =	shalt  }
0x45: {  	_ =	shalt  }
0x46: {  	_ =	shalt  }
0x47: {  	_ =	shalt  }
0x48: {  	_ =	shalt  }
0x49: {  	_ =	shalt  }
0x4a: {  	_ =	shalt  }
0x4b: {  	_ =	shalt  }
0x4c: {  	_ =	shalt  }
0x4d: {  	_ =	shalt  }
0x4e: {  	_ =	shalt  }
0x4f: {  	_ =	shalt  }
0x50: {  	_ =	shalt  }
0x51: {  	_ =	shalt  }
0x52: {  	_ =	shalt  }
0x53: {  	_ =	shalt  }
0x54: {  	_ =	shalt  }
0x55: {  	_ =	shalt  }
0x56: {  	_ =	shalt  }
0x57: {  	_ =	shalt  }
0x58: {  	_ =	shalt  }
0x59: {  	_ =	shalt  }
0x5a: {  	_ =	shalt  }
0x5b: {  	_ =	shalt  }
0x5c: {  	_ =	shalt  }
0x5d: {  	_ =	shalt  }
0x5e: {  	_ =	shalt  }
0x5f: {  	_ =	shalt  }
0x60: {  	_ =	shalt  }
0x61: {  	_ =	shalt  }
0x62: {  	_ =	shalt  }
0x63: {  	_ =	shalt  }
0x64: {  	_ =	shalt  }
0x65: {  	_ =	shalt  }
0x66: {  	_ =	shalt  }
0x67: {  	_ =	shalt  }
0x68: {  	_ =	shalt  }
0x69: {  	_ =	shalt  }
0x6a: {  	_ =	shalt  }
0x6b: {  	_ =	shalt  }
0x6c: {  	_ =	shalt  }
0x6d: {  	_ =	shalt  }
0x6e: {  	_ =	shalt  }
0x6f: {  	_ =	shalt  }
0x70: {  	_ =	shalt  }
0x71: {  	_ =	shalt  }
0x72: {  	_ =	shalt  }
0x73: {  	_ =	shalt  }
0x74: {  	_ =	shalt  }
0x75: {  	_ =	shalt  }
0x76: {  	_ =	shalt  }
0x77: {  	_ =	shalt  }
0x78: {  	_ =	shalt  }
0x79: {  	_ =	shalt  }
0x7a: {  	_ =	shalt  }
0x7b: {  	_ =	shalt  }
0x7c: {  	_ =	shalt  }
0x7d: {  	_ =	shalt  }
0x7e: {  	_ =	shalt  }
0x7f: {  	_ =	shalt  }
0x80: {  	_ =	shalt  }
0x81: {  	_ =	shalt  }
0x82: {  	_ =	shalt  }
0x83: {  	_ =	shalt  }
0x84: {  	_ =	shalt  }
0x85: {  	_ =	shalt  }
0x86: {  	_ =	shalt  }
0x87: {  	_ =	shalt  }
.Lfunc_end0:
.L_simem_size_0:
called_computation_lowered:
.L_overlay_start_0:
0x88: {  	s2 =	sld [smem:$0x3FD9]  }
0x89: {  	s3 =	sld [smem:$0x3FFE];
	_ =	sdelay $0x1  }
0x8a: {  	s1 =	srdreg.scid  }
0x8b: {  	s0 =	sand.u32 $0x1, s1  }
0x8c: {  	s17 =	sshll.u32 s0, $0xA;
	s2 =	sadd.s32 s3, s2  }
0x8d: {  	s2 =	sadd.s32 s2, s17  }
0x8e: {  	[smem:$0x3FC4] =	sst s2  }
0x8f: {  	_ = 	snop  }
0x90: {  	s2 =	sld [smem:$0x3FC7]  }
0x91: {  	s18 =	sld [smem:$0x3FD0];
	(tm) =	ssettm $0x1  }
0x92: {  	s4 =	sld [smem:$0x3FFB];
	_ =	sdelay $0x3  }
0x93: {  	_ =	strace s4  }
0x94: {  	s4 =	sld [smem:$0x3FFC];
	_ =	sdelay $0x3  }
0x95: {  	_ =	strace s4  }
0x96: {  	s4 =	sld [smem:$0x3FFD];
	_ =	sdelay $0x3  }
0x97: {  	_ =	strace s4  }
0x98: {  	_ =	strace $0x8FFFFFFF  }
0x99: {  	s19 =	sld [smem:$0x3FDB];
	_ =	sdelay $0x1  }
0x9a: {  	s5 =	simm.s32 $_scs_section_size  }
0x9b: {  	s6 =	simm.s32 $_size__tile_overlayer_lowered;
	s7 =	simm.s32 $_tile_overlayer_lowered  }
0x9c: {  	s22 =	simm.s32 $0x1BFF;
	s21 =	sshll.u32 s7, $0x1;
	s4 =	sadd.s32 s5, s19  }
0x9d: {  	s8 =	simm.s32 $0x0;
	s20 =	sshll.u32 s6, $0x1;
	s6 =	sadd.s32 s21, s4  }
0x9e: {  	[timem:s8], [sflag:s22] =	dma.local [hbm:s6], s20  }
0x9f: {  	_ =	swait.ge [sflag:s22], s20  }
0xa0: {  	s5 =	ssub.s32 $0x0, s20;
	[sflag:s22] =	ssyncset.done $0x0  }
0xa1: {  	[sflag:s22] =	ssyncadd.s32 s5;
	_ =	sdelay $0x1  }
0xa2: {  	s23 =	simm.s32 $0x1B8B  }
0xa3: {  	_ =	swait.ge [sflag:s23], $0x1  }
0xa4: {  	[sflag:s23] =	ssyncset.done $0x0  }
0xa5: {  	s25 =	simm.s32 $0x1B8E;
	s24 =	sld [smem:$0x3FFE];
	[sflag:s23] =	ssyncadd.s32 $0xFFFFFFFF  }
0xa6: {  	s26 =	simm.s32 $execute0_lowered;
	[smem:$0x3FD2] =	sst s25  }
0xa7: {  	s6 =	sshll.u32 s26, $0x1;
	_ =	strace $0x80000046;
	[dreg:$0x1] =	wrdreg $0xFFFFFFFF  }
0xa8: {  	s28 =	simm.s32 $_size_execute0_lowered;
	s4 =	sadd.s32 s4, s6;
	[dreg:$0x0] =	wrdreg $0x0  }
0xa9: {  	s6 =	sshll.u32 s28, $0x1;
	[dreg:$0x2] =	wrdreg s4  }
0xaa: {  	[dreg:$0x3] =	wrdreg s6  }
0xab: {  	[dreg:$0x4] =	wrdreg $0xC0  }
0xac: {  	_ =	task [dreg:s8], $0x5FFFF  }
0xad: {  	[dreg:$0x1] =	wrdreg $0xFFFFFFFF  }
0xae: {  	[dreg:$0x0] =	wrdreg $0x60  }
0xaf: {  	[dreg:$0x2] =	wrdreg s18  }
0xb0: {  	[dreg:$0x3] =	wrdreg s2  }
0xb1: {  	[dreg:$0x4] =	wrdreg s24  }
0xb2: {  	[dreg:$0x5] =	wrdreg $0x9  }
0xb3: {  	_ =	task.clear_ibuf [dreg:s8], $0x6FFFF;
	_ =	strace $0x90000046  }
0xb4: {  	s29 =	simm.s32 $0x9;
	_ =	strace $0x8000004B  }
0xb5: {  	_ =	swait.ge [sflag:s29], $0x1  }
0xb6: {  	[sflag:s29] =	ssyncadd.s32 $0xFFFFFFFF  }
0xb7: {  	_ =	strace $0x9000004B  }
0xb8: {  	_ =	sfence  }
0xb9: {  	s30 =	sld [smem:$0x0];
	_ =	sdelay $0x2  }
0xba: {  	s31 =	sshll.u32 s1, $0xD;
	s1 =	sshrl.u32 s1, $0x2  }
0xbb: {  	s3 =	sand.u32 $0x4000, s31;
	s1 =	sadd.s32 s1, s30  }
0xbc: {  	s0 =	sor.u32 s3, s0;
	s1 =	sshll.u32 s1, $0x11  }
0xbd: {  	s0 =	sor.u32 s1, s0  }
0xbe: {  	s0 =	sadd.s32 $0x8F2B, s0  }
0xbf: {  	[sflag:s0] =	ssyncadd.remote.s32 $0x1  }
0xc0: {  	_ =	sfence.sel $0xFFFF  }
0xc1: {  	[dreg:$0x0] =	wrdreg $0xFFFFFFFF;
	(pc) =	sbr.abs _section_cstart, $3  }
0xc2: {  	[dreg:$0x1] =	wrdreg $0xFFFFFFFF  }
0xc3: {  	_ =	task.clear_ibuf [dreg:s8], $0x2FFFF;
	_ =	strace $0x9FFFFFFF  }
0xc4: {  	(tm) =	ssettm $0x7FFFFFFF  }
0xc5: {  	_ =	shalt  }
tec
execute0_lowered:
.L_overlay_start_1:
0x0: {  	(tag) =	ssettag $0x1  }
0x1: {  	s1 =	rddreg [dreg:$0x0]  }
0x2: {  	s3 =	rddreg [dreg:$0x1]  }
0x3: {  	s0 =	srdreg.scid;
	s4 =	stileid.u32  }
0x4: {  	s2 =	rddreg [dreg:$0x2];
	s29 =	simm.s32 $0x108;
	s30 =	simm.s32 $0x480  }
0x5: {  	s31 =	simm.s32 $0x5;
	s0 =	sand.u32 $0x1, s0;
	s5 =	sshll.u32 s4, $0x1  }
0x6: {  	s4 =	simm.s32 $0x0;
	s6 =	sadd.s32 $0xC6C00, s2;
	s7 =	sor.u32 s0, s5  }
0x7: {  	[smem:$0x7FF] =	sst s4;
	s0 =	ssub.s32 $0x2, s0;
	s8 =	smul.u32 $0x630, s7  }
0x8: {  	s5 =	sadd.s32 $0xC00, s2;
	_ =	strace $0x80000047;
	s21 =	sshrl.u32 s0, $0x1  }
0x9: {  	s7 =	smul.u32 $0x42, s7;
	s0 =	ssub.s32 s0, s21;
	s9 =	sshrl.u32 s8, $0x3  }
0xa: {  	s26 =	sadd.s32 $0x18, s8;
	s28 =	sadd.s32 $0xC618, s8;
	s0 =	smax.u32 s0, $0x1  }
0xb: {  	s13 =	sadd.s32 $0x18C18, s8;
	s11 =	sadd.s32 s1, s9;
	[dreg:$0x15] =	wrdreg s0  }
0xc: {  	s14 =	sadd.s32 $0x25218, s8;
	s22 =	sadd.s32 $0x18C0, s11;
	[dreg:$0x4] =	wrdreg s11  }
0xd: {  	s15 =	sadd.s32 $0x31818, s8;
	s23 =	sadd.s32 $0x3180, s11;
	[dreg:$0x5] =	wrdreg s22  }
0xe: {  	s19 =	sadd.s32 $0x3DE18, s8;
	s24 =	sadd.s32 $0x4A40, s11;
	[dreg:$0x6] =	wrdreg s23  }
0xf: {  	s20 =	sadd.s32 $0x4A418, s8;
	s25 =	sadd.s32 $0x6300, s11;
	[dreg:$0x7] =	wrdreg s24  }
0x10: {  	s2 =	sshrl.u32 s26, $0x3;
	s10 =	sadd.s32 $0x7BC0, s11;
	[dreg:$0x8] =	wrdreg s25  }
0x11: {  	s9 =	sshrl.u32 s28, $0x3;
	s2 =	sadd.s32 s1, s2;
	[dreg:$0x9] =	wrdreg s10  }
0x12: {  	s17 =	sshrl.u32 s15, $0x3;
	s12 =	sadd.s32 s1, s9;
	[dreg:$0xa] =	wrdreg s2  }
0x13: {  	s21 =	sadd.s32 $0x56A18, s8;
	s18 =	sadd.s32 s1, s17;
	[dreg:$0xb] =	wrdreg s12  }
0x14: {  	s16 =	sshrl.u32 s14, $0x3;
	s9 =	sadd.s32 $0x9480, s11;
	[dreg:$0xe] =	wrdreg s18  }
0x15: {  	s26 =	sadd.s32 $0x6F618, s8;
	s14 =	sadd.s32 $0xF780, s11;
	[dreg:$0x16] =	wrdreg s9  }
0x16: {  	s0 =	simm.s32 $0x1;
	s15 =	sadd.s32 $0x6, s11;
	[dreg:$0x1a] =	wrdreg s14  }
0x17: {  	s28 =	sshrl.u32 s26, $0x3;
	s17 =	sadd.s32 $0x3186, s11;
	[dreg:$0x1b] =	wrdreg s15  }
0x18: {  	s26 =	sadd.s32 $0x4, s7;
	s2 =	sshrl.u32 s13, $0x3;
	[dreg:$0x1d] =	wrdreg s17  }
0x19: {  	s22 =	sshrl.u32 s20, $0x3;
	s10 =	sadd.s32 $0xAD40, s11;
	[smem:$0x7FC] =	sst s26  }
0x1a: {  	s23 =	sshrl.u32 s21, $0x3;
	s12 =	sadd.s32 $0xC600, s11;
	[dreg:$0x17] =	wrdreg s10  }
0x1b: {  	s25 =	sadd.s32 $0x63018, s8;
	s13 =	sadd.s32 $0xDEC0, s11;
	[dreg:$0x18] =	wrdreg s12  }
0x1c: {  	s8 =	sadd.s32 $0x7BC18, s8;
	s18 =	sadd.s32 $0x4A46, s11;
	[dreg:$0x19] =	wrdreg s13  }
0x1d: {  	s20 =	sadd.s32 $0x7BC6, s11;
	s21 =	sadd.s32 $0x9486, s11;
	[dreg:$0x1e] =	wrdreg s18  }
0x1e: {  	s9 =	simm.s32 $0x6;
	s14 =	simm.s32 $0x7;
	[smem:$0x7F6] =	sst s20  }
0x1f: {  	s15 =	simm.s32 $0x19C80;
	s2 =	sadd.s32 s1, s2;
	[smem:$0x7F7] =	sst s21  }
0x20: {  	s17 =	simm.s32 $0x1A880;
	s24 =	sadd.s32 s1, s23;
	[dreg:$0xc] =	wrdreg s2  }
0x21: {  	s8 =	sshrl.u32 s8, $0x3;
	s23 =	sadd.s32 $0xC606, s11;
	[dreg:$0x11] =	wrdreg s24  }
0x22: {  	s18 =	sadd.s32 $0x3, s7;
	s2 =	sadd.s32 s1, s16;
	[smem:$0x7F9] =	sst s23  }
0x23: {  	s20 =	sor.u32 $0x1, s7;
	s8 =	sadd.s32 s1, s8;
	[dreg:$0xd] =	wrdreg s2  }
0x24: {  	s10 =	simm.s32 $0x10C80;
	s16 =	sadd.s32 $0x18C6, s11;
	[dreg:$0x14] =	wrdreg s8  }
0x25: {  	s13 =	simm.s32 $0x2;
	s24 =	sadd.s32 $0xDEC6, s11;
	[dreg:$0x1c] =	wrdreg s16  }
0x26: {  	s2 =	sshrl.u32 s19, $0x3;
	s19 =	sadd.s32 $0x6306, s11;
	[smem:$0x7FA] =	sst s24  }
0x27: {  	s23 =	simm.s32 $0x8;
	s2 =	sadd.s32 s1, s2;
	[dreg:$0x1f] =	wrdreg s19  }
0x28: {  	s24 =	simm.s32 $0x180;
	[dreg:$0xf] =	wrdreg s2;
	s2 =	sadd.s32 s1, s22  }
0x29: {  	s16 =	simm.s32 $0x3;
	s22 =	sadd.s32 $0xAD46, s11;
	[dreg:$0x10] =	wrdreg s2  }
0x2a: {  	s2 =	sshrl.u32 s25, $0x3;
	[smem:$0x7F8] =	sst s22;
	s25 =	sadd.s32 $0xF786, s11  }
0x2b: {  	s8 =	simm.s32 $0x4;
	s2 =	sadd.s32 s1, s2;
	[smem:$0x7FB] =	sst s25  }
0x2c: {  	s19 =	simm.s32 $0x0;
	[dreg:$0x12] =	wrdreg s2;
	s2 =	sadd.s32 s1, s28  }
0x2d: {  	s22 =	sadd.s32 $0x2, s7;
	s28 =	sadd.s32 $0x5, s7;
	[dreg:$0x13] =	wrdreg s2  }
0x2e: {  	s11 =	simm.s32 $0x300;
	[smem:$0x7FD] =	sst s28;
	s2 =	simm.s32 $0x8880  }
.LBB2_1:
0x2f: {  	[smem:$0x7F5] =	sst s19  }
0x30: {  	_ =	strace $0x80000048  }
0x31: {  	s12 =	rddreg [dreg:$0x4]  }
0x32: {  	[tilespmem:s4], [sflag:$0x8] =	stream.linear.gather [hbm4b:s12+s4], $0x18, $0x200038;
	[tilespmem:$0x1B480] =	vst v63  }
0x33: {  	_ =	swait.ge [sflag:s23], $0x18  }
0x34: {  	[sflag:s23] =	ssyncset.done $0x0  }
0x35: {  	s25 =	simm.s32 $0x18;
	s21 =	rddreg [dreg:$0x5];
	[sflag:s23] =	ssyncadd.s32 $0xFFFFFFE8  }
0x36: {  	[tilespmem:s25], [sflag:$0x8] =	stream.linear.gather [hbm4b:s21+s4], $0x18, $0x200038;
	[tilespmem:$0x1B480] =	vst v63  }
0x37: {  	_ =	swait.ge [sflag:s23], $0x18  }
0x38: {  	[sflag:s23] =	ssyncset.done $0x0  }
0x39: {  	s28 =	simm.s32 $0x30;
	s26 =	rddreg [dreg:$0x6];
	[sflag:s23] =	ssyncadd.s32 $0xFFFFFFE8  }
0x3a: {  	[tilespmem:s28], [sflag:$0x8] =	stream.linear.gather [hbm4b:s26+s4], $0x18, $0x200038;
	[tilespmem:$0x1B480] =	vst v63  }
0x3b: {  	_ =	swait.ge [sflag:s23], $0x18  }
0x3c: {  	[sflag:s23] =	ssyncset.done $0x0  }
0x3d: {  	s25 =	simm.s32 $0x48;
	s21 =	rddreg [dreg:$0x7];
	[sflag:s23] =	ssyncadd.s32 $0xFFFFFFE8  }
0x3e: {  	[tilespmem:s25], [sflag:$0x8] =	stream.linear.gather [hbm4b:s21+s4], $0x18, $0x200038;
	[tilespmem:$0x1B480] =	vst v63  }
0x3f: {  	_ =	swait.ge [sflag:s23], $0x18  }
0x40: {  	[sflag:s23] =	ssyncset.done $0x0  }
0x41: {  	s28 =	simm.s32 $0x60;
	s26 =	rddreg [dreg:$0x8];
	[sflag:s23] =	ssyncadd.s32 $0xFFFFFFE8  }
0x42: {  	[tilespmem:s28], [sflag:$0x8] =	stream.linear.gather [hbm4b:s26+s4], $0x18, $0x200038;
	[tilespmem:$0x1B480] =	vst v63  }
0x43: {  	_ =	swait.ge [sflag:s23], $0x18  }
0x44: {  	[sflag:s23] =	ssyncset.done $0x0  }
0x45: {  	s25 =	simm.s32 $0x78;
	s21 =	rddreg [dreg:$0x9];
	[sflag:s23] =	ssyncadd.s32 $0xFFFFFFE8  }
0x46: {  	[tilespmem:s25], [sflag:$0x8] =	stream.linear.gather [hbm4b:s21+s4], $0x18, $0x200038;
	[tilespmem:$0x1B480] =	vst v63  }
0x47: {  	_ =	swait.ge [sflag:s23], $0x18  }
0x48: {  	[sflag:s23] =	ssyncset.done $0x0  }
0x49: {  	s28 =	simm.s32 $0x90;
	s26 =	rddreg [dreg:$0x16];
	[sflag:s23] =	ssyncadd.s32 $0xFFFFFFE8  }
0x4a: {  	[tilespmem:s28], [sflag:$0x8] =	stream.linear.gather [hbm4b:s26+s4], $0x18, $0x200038;
	[tilespmem:$0x1B480] =	vst v63  }
0x4b: {  	_ =	swait.ge [sflag:s23], $0x18  }
0x4c: {  	[sflag:s23] =	ssyncset.done $0x0  }
0x4d: {  	s25 =	simm.s32 $0xA8;
	s21 =	rddreg [dreg:$0x17];
	[sflag:s23] =	ssyncadd.s32 $0xFFFFFFE8  }
0x4e: {  	[tilespmem:s25], [sflag:$0x8] =	stream.linear.gather [hbm4b:s21+s4], $0x18, $0x200038;
	[tilespmem:$0x1B480] =	vst v63  }
0x4f: {  	_ =	swait.ge [sflag:s23], $0x18  }
0x50: {  	[sflag:s23] =	ssyncset.done $0x0  }
0x51: {  	s28 =	simm.s32 $0xC0;
	s26 =	rddreg [dreg:$0x18];
	[sflag:s23] =	ssyncadd.s32 $0xFFFFFFE8  }
0x52: {  	[tilespmem:s28], [sflag:$0x8] =	stream.linear.gather [hbm4b:s26+s4], $0x18, $0x200038;
	[tilespmem:$0x1B480] =	vst v63  }
0x53: {  	_ =	swait.ge [sflag:s23], $0x18  }
0x54: {  	[sflag:s23] =	ssyncset.done $0x0  }
0x55: {  	s25 =	simm.s32 $0xD8;
	s21 =	rddreg [dreg:$0x19];
	[sflag:s23] =	ssyncadd.s32 $0xFFFFFFE8  }
0x56: {  	[tilespmem:s25], [sflag:$0x8] =	stream.linear.gather [hbm4b:s21+s4], $0x18, $0x200038;
	[tilespmem:$0x1B480] =	vst v63  }
0x57: {  	_ =	swait.ge [sflag:s23], $0x18  }
0x58: {  	[sflag:s23] =	ssyncset.done $0x0  }
0x59: {  	s28 =	simm.s32 $0xF0;
	s26 =	rddreg [dreg:$0x1a];
	[sflag:s23] =	ssyncadd.s32 $0xFFFFFFE8  }
0x5a: {  	[tilespmem:s28], [sflag:$0x8] =	stream.linear.gather [hbm4b:s26+s4], $0x18, $0x200038;
	[tilespmem:$0x1B480] =	vst v63  }
0x5b: {  	_ =	swait.ge [sflag:s23], $0x18  }
0x5c: {  	[sflag:s23] =	ssyncset.done $0x0;
	s19 =	rddreg [dreg:$0xa]  }
0x5d: {  	s21 =	rddreg [dreg:$0xb];
	[sflag:s23] =	ssyncadd.s32 $0xFFFFFFE8  }
0x5e: {  	[tilespmem:s24], [sflag:$0x5] =	stream.linear.gather [hbm4b:s19+s4], $0x18, $0x200038;
	[tilespmem:$0x1B480] =	vst v63  }
0x5f: {  	s25 =	simm.s32 $0x198;
	s26 =	rddreg [dreg:$0xc]  }
0x60: {  	[tilespmem:s25], [sflag:$0x5] =	stream.linear.gather [hbm4b:s21+s4], $0x18, $0x200038;
	[tilespmem:$0x1B480] =	vst v63  }
0x61: {  	s28 =	simm.s32 $0x1B0;
	s19 =	rddreg [dreg:$0x1b]  }
0x62: {  	[tilespmem:s28], [sflag:$0x5] =	stream.linear.gather [hbm4b:s26+s4], $0x18, $0x200038;
	[tilespmem:$0x1B480] =	vst v63  }
0x63: {  	s21 =	rddreg [dreg:$0xd];
	s25 =	simm.s32 $0x1C8  }
0x64: {  	[tilespmem:s25], [sflag:$0x5] =	stream.linear.gather [hbm4b:s21+s4], $0x18, $0x200038;
	[tilespmem:$0x1B480] =	vst v63  }
0x65: {  	s26 =	rddreg [dreg:$0xe];
	s28 =	simm.s32 $0x1E0  }
0x66: {  	[tilespmem:s28], [sflag:$0x5] =	stream.linear.gather [hbm4b:s26+s4], $0x18, $0x200038;
	[tilespmem:$0x1B480] =	vst v63  }
0x67: {  	s21 =	rddreg [dreg:$0xf];
	s25 =	simm.s32 $0x1F8  }
0x68: {  	[tilespmem:s25], [sflag:$0x5] =	stream.linear.gather [hbm4b:s21+s4], $0x18, $0x200038;
	[tilespmem:$0x1B480] =	vst v63  }
0x69: {  	s26 =	rddreg [dreg:$0x10];
	s28 =	simm.s32 $0x210  }
0x6a: {  	[tilespmem:s28], [sflag:$0x5] =	stream.linear.gather [hbm4b:s26+s4], $0x18, $0x200038;
	[tilespmem:$0x1B480] =	vst v63  }
0x6b: {  	s21 =	rddreg [dreg:$0x11];
	s25 =	simm.s32 $0x228  }
0x6c: {  	[tilespmem:s25], [sflag:$0x5] =	stream.linear.gather [hbm4b:s21+s4], $0x18, $0x200038;
	[tilespmem:$0x1B480] =	vst v63  }
0x6d: {  	s26 =	rddreg [dreg:$0x12];
	s28 =	simm.s32 $0x240  }
0x6e: {  	[tilespmem:s28], [sflag:$0x5] =	stream.linear.gather [hbm4b:s26+s4], $0x18, $0x200038;
	[tilespmem:$0x1B480] =	vst v63  }
0x6f: {  	s21 =	rddreg [dreg:$0x13];
	s25 =	simm.s32 $0x258  }
0x70: {  	[tilespmem:s25], [sflag:$0x5] =	stream.linear.gather [hbm4b:s21+s4], $0x18, $0x200038;
	[tilespmem:$0x1B480] =	vst v63  }
0x71: {  	s26 =	rddreg [dreg:$0x14];
	s28 =	simm.s32 $0x270  }
0x72: {  	[tilespmem:s28], [sflag:$0x5] =	stream.linear.gather [hbm4b:s26+s4], $0x18, $0x200038;
	[tilespmem:$0x1B480] =	vst v63  }
0x73: {  	s21 =	rddreg [dreg:$0x1c]  }
0x74: {  	[tilespmem:s11], [sflag:$0x6] =	stream.linear.gather [hbm4b:s19+s4], $0x18, $0x200038;
	[tilespmem:$0x1B480] =	vst v63  }
0x75: {  	s25 =	simm.s32 $0x318;
	s26 =	rddreg [dreg:$0x1d]  }
0x76: {  	[tilespmem:s25], [sflag:$0x6] =	stream.linear.gather [hbm4b:s21+s4], $0x18, $0x200038;
	[tilespmem:$0x1B480] =	vst v63  }
0x77: {  	s28 =	simm.s32 $0x330;
	s21 =	rddreg [dreg:$0x1e]  }
0x78: {  	[tilespmem:s28], [sflag:$0x6] =	stream.linear.gather [hbm4b:s26+s4], $0x18, $0x200038;
	[tilespmem:$0x1B480] =	vst v63  }
0x79: {  	s25 =	simm.s32 $0x348;
	s26 =	rddreg [dreg:$0x1f]  }
0x7a: {  	[tilespmem:s25], [sflag:$0x6] =	stream.linear.gather [hbm4b:s21+s4], $0x18, $0x200038;
	[tilespmem:$0x1B480] =	vst v63  }
0x7b: {  	s28 =	simm.s32 $0x360;
	s21 =	sld [smem:$0x7F6]  }
0x7c: {  	[tilespmem:s28], [sflag:$0x6] =	stream.linear.gather [hbm4b:s26+s4], $0x18, $0x200038;
	[tilespmem:$0x1B480] =	vst v63  }
0x7d: {  	s25 =	simm.s32 $0x378;
	s26 =	sld [smem:$0x7F7]  }
0x7e: {  	[tilespmem:s25], [sflag:$0x6] =	stream.linear.gather [hbm4b:s21+s4], $0x18, $0x200038;
	[tilespmem:$0x1B480] =	vst v63  }
0x7f: {  	s28 =	simm.s32 $0x390;
	s21 =	sld [smem:$0x7F8]  }
0x80: {  	[tilespmem:s28], [sflag:$0x6] =	stream.linear.gather [hbm4b:s26+s4], $0x18, $0x200038;
	[tilespmem:$0x1B480] =	vst v63  }
0x81: {  	s25 =	simm.s32 $0x3A8;
	s26 =	sld [smem:$0x7F9]  }
0x82: {  	[tilespmem:s25], [sflag:$0x6] =	stream.linear.gather [hbm4b:s21+s4], $0x18, $0x200038;
	[tilespmem:$0x1B480] =	vst v63  }
0x83: {  	s28 =	simm.s32 $0x3C0;
	s21 =	sld [smem:$0x7FA]  }
0x84: {  	[tilespmem:s28], [sflag:$0x6] =	stream.linear.gather [hbm4b:s26+s4], $0x18, $0x200038;
	[tilespmem:$0x1B480] =	vst v63  }
0x85: {  	s25 =	simm.s32 $0x3D8;
	s26 =	sld [smem:$0x7FB]  }
0x86: {  	[tilespmem:s25], [sflag:$0x6] =	stream.linear.gather [hbm4b:s21+s4], $0x18, $0x200038;
	[tilespmem:$0x1B480] =	vst v63  }
0x87: {  	s28 =	simm.s32 $0x3F0  }
0x88: {  	[tilespmem:s28], [sflag:$0x6] =	stream.linear.gather [hbm4b:s26+s4], $0x18, $0x200038;
	[tilespmem:$0x1B480] =	vst v63  }
0x89: {  	_ = 	snop  }
0x8a: {  	[tilespmem:s30], [sflag:$0x1] =	stream.indirect.gather [hbm4b:s3+s29], $0x80, s4, s29, $0x2000b8;
	[tilespmem:$0x1B480] =	vst v63  }
0x8b: {  	_ =	swait.ge [sflag:s31], $0x18  }
0x8c: {  	[sflag:s31] =	ssyncset.done $0x0  }
0x8d: {  	[sflag:s31] =	ssyncadd.s32 $0xFFFFFFE8  }
0x8e: {  	_ =	swait.ge [sflag:s31], $0x18  }
0x8f: {  	[sflag:s31] =	ssyncset.done $0x0  }
0x90: {  	[sflag:s31] =	ssyncadd.s32 $0xFFFFFFE8  }
0x91: {  	_ =	swait.ge [sflag:s31], $0x18  }
0x92: {  	[sflag:s31] =	ssyncset.done $0x0  }
0x93: {  	[sflag:s31] =	ssyncadd.s32 $0xFFFFFFE8  }
0x94: {  	_ =	swait.ge [sflag:s31], $0x18  }
0x95: {  	[sflag:s31] =	ssyncset.done $0x0  }
0x96: {  	[sflag:s31] =	ssyncadd.s32 $0xFFFFFFE8  }
0x97: {  	_ =	swait.ge [sflag:s31], $0x18  }
0x98: {  	[sflag:s31] =	ssyncset.done $0x0  }
0x99: {  	[sflag:s31] =	ssyncadd.s32 $0xFFFFFFE8  }
0x9a: {  	_ =	swait.ge [sflag:s31], $0x18  }
0x9b: {  	[sflag:s31] =	ssyncset.done $0x0  }
0x9c: {  	[sflag:s31] =	ssyncadd.s32 $0xFFFFFFE8  }
0x9d: {  	_ =	swait.ge [sflag:s31], $0x18  }
0x9e: {  	[sflag:s31] =	ssyncset.done $0x0  }
0x9f: {  	[sflag:s31] =	ssyncadd.s32 $0xFFFFFFE8  }
0xa0: {  	_ =	swait.ge [sflag:s31], $0x18  }
0xa1: {  	[sflag:s31] =	ssyncset.done $0x0  }
0xa2: {  	[sflag:s31] =	ssyncadd.s32 $0xFFFFFFE8  }
0xa3: {  	_ =	swait.ge [sflag:s31], $0x18  }
0xa4: {  	[sflag:s31] =	ssyncset.done $0x0  }
0xa5: {  	[sflag:s31] =	ssyncadd.s32 $0xFFFFFFE8  }
0xa6: {  	_ =	swait.ge [sflag:s31], $0x18  }
0xa7: {  	[sflag:s31] =	ssyncset.done $0x0  }
0xa8: {  	[sflag:s31] =	ssyncadd.s32 $0xFFFFFFE8  }
0xa9: {  	_ =	swait.ge [sflag:s31], $0x18  }
0xaa: {  	[sflag:s31] =	ssyncset.done $0x0  }
0xab: {  	[sflag:s31] =	ssyncadd.s32 $0xFFFFFFE8  }
0xac: {  	[tilespmem:s2], [sflag:$0x2] =	stream.indirect.gather [hbm4b:s3+s29], $0x80, s24, s29, $0x2000b8;
	[tilespmem:$0x1B480] =	vst v63  }
0xad: {  	_ =	strace $0x90000048  }
0xae: {  	s25 =	simm.s32 $0x0;
	_ =	strace $0x80000049  }
.LBB2_2:
0xaf: {  	s26 =	smul.u32 $0x3, s25  }
0xb0: {  	p0 =	seq.s32 s25, $0x15  }
0xb1: {  	s19 =	sadd.s32 @!p0 s26, s18  }
0xb2: {  	s19 =	smul.u32 @!p0 $0x18, s19  }
0xb3: {  	_ =	swait.ge [sflag:s0], $0x8400  }
0xb4: {  	[sflag:s0] =	ssyncset.done $0x0;
	s19 =	sshrl.u32 @!p0 s19, $0x3  }
0xb5: {  	s21 =	simm.s32 @!p0 $0x0;
	[sflag:s0] =	ssyncadd.s32 $0xFFFF7C00;
	s19 =	sadd.s32 @!p0 s1, s19  }
0xb6: {  	[tilespmem:s21], [sflag:$0x4] =	stream.linear.gather @!p0 [hbm4b:s19+s21], $0x18, $0x200038;
	[tilespmem:$0x1B480] =	vst v63  }
0xb7: {  	s12 =	simm.s32 @!p0 $0x18;
	s28 =	sadd.s32 @!p0 $0x18C0, s19  }
0xb8: {  	[tilespmem:s12], [sflag:$0x4] =	stream.linear.gather @!p0 [hbm4b:s28+s21], $0x18, $0x200038;
	[tilespmem:$0x1B480] =	vst v63  }
0xb9: {  	s12 =	sadd.s32 @!p0 $0x3180, s19;
	s28 =	simm.s32 @!p0 $0x30  }
0xba: {  	[tilespmem:s28], [sflag:$0x4] =	stream.linear.gather @!p0 [hbm4b:s12+s21], $0x18, $0x200038;
	[tilespmem:$0x1B480] =	vst v63  }
0xbb: {  	s12 =	sadd.s32 @!p0 $0x4A40, s19;
	s28 =	simm.s32 @!p0 $0x48  }
0xbc: {  	[tilespmem:s28], [sflag:$0x4] =	stream.linear.gather @!p0 [hbm4b:s12+s21], $0x18, $0x200038;
	[tilespmem:$0x1B480] =	vst v63  }
0xbd: {  	s12 =	sadd.s32 @!p0 $0x6300, s19;
	s28 =	simm.s32 @!p0 $0x60  }
0xbe: {  	[tilespmem:s28], [sflag:$0x4] =	stream.linear.gather @!p0 [hbm4b:s12+s21], $0x18, $0x200038;
	[tilespmem:$0x1B480] =	vst v63  }
0xbf: {  	s12 =	sadd.s32 @!p0 $0x7BC0, s19;
	s28 =	simm.s32 @!p0 $0x78  }
0xc0: {  	[tilespmem:s28], [sflag:$0x4] =	stream.linear.gather @!p0 [hbm4b:s12+s21], $0x18, $0x200038;
	[tilespmem:$0x1B480] =	vst v63  }
0xc1: {  	s12 =	sadd.s32 @!p0 $0x9480, s19;
	s28 =	simm.s32 @!p0 $0x90  }
0xc2: {  	[tilespmem:s28], [sflag:$0x4] =	stream.linear.gather @!p0 [hbm4b:s12+s21], $0x18, $0x200038;
	[tilespmem:$0x1B480] =	vst v63  }
0xc3: {  	s12 =	sadd.s32 @!p0 $0xAD40, s19;
	s28 =	simm.s32 @!p0 $0xA8  }
0xc4: {  	[tilespmem:s28], [sflag:$0x4] =	stream.linear.gather @!p0 [hbm4b:s12+s21], $0x18, $0x200038;
	[tilespmem:$0x1B480] =	vst v63  }
0xc5: {  	s12 =	sadd.s32 @!p0 $0xC600, s19;
	s28 =	simm.s32 @!p0 $0xC0  }
0xc6: {  	[tilespmem:s28], [sflag:$0x4] =	stream.linear.gather @!p0 [hbm4b:s12+s21], $0x18, $0x200038;
	[tilespmem:$0x1B480] =	vst v63  }
0xc7: {  	p1 =	seq.s32 @!p0 s25, $0x0;
	s12 =	sadd.s32 @!p0 $0xDEC0, s19;
	s28 =	simm.s32 @!p0 $0xD8  }
0xc8: {  	[tilespmem:s28], [sflag:$0x4] =	stream.linear.gather @!p0 [hbm4b:s12+s21], $0x18, $0x200038;
	[tilespmem:$0x1B480] =	vst v63  }
0xc9: {  	p1 =	por p0, !p1;
	s12 =	sadd.s32 @!p0 $0xF780, s19;
	s19 =	simm.s32 @!p0 $0xF0  }
0xca: {  	[tilespmem:s19], [sflag:$0x4] =	stream.linear.gather @!p0 [hbm4b:s12+s21], $0x18, $0x200038;
	[tilespmem:$0x1B480] =	vst v63  }
0xcb: {  	_ =	swait.ge @p1 [sflag:s14], $0xC00  }
0xcc: {  	[sflag:s14] =	ssyncset.done @p1 $0x0  }
0xcd: {  	[sflag:s14] =	ssyncadd.s32 @p1 $0xFFFFF400  }
0xce: {  	_ =	swait.ge @p1 [sflag:s14], $0xC00  }
0xcf: {  	[sflag:s14] =	ssyncset.done @p1 $0x0  }
0xd0: {  	[sflag:s14] =	ssyncadd.s32 @p1 $0xFFFFF400  }
0xd1: {  	_ =	swait.ge [sflag:s9], $0x18  }
0xd2: {  	[sflag:s9] =	ssyncset.done $0x0  }
0xd3: {  	[sflag:s9] =	ssyncadd.s32 $0xFFFFFFE8  }
0xd4: {  	_ =	swait.ge [sflag:s9], $0x18  }
0xd5: {  	[sflag:s9] =	ssyncset.done $0x0  }
0xd6: {  	[sflag:s9] =	ssyncadd.s32 $0xFFFFFFE8  }
0xd7: {  	_ =	swait.ge [sflag:s9], $0x18  }
0xd8: {  	[sflag:s9] =	ssyncset.done $0x0  }
0xd9: {  	[sflag:s9] =	ssyncadd.s32 $0xFFFFFFE8  }
0xda: {  	_ =	swait.ge [sflag:s9], $0x18  }
0xdb: {  	[sflag:s9] =	ssyncset.done $0x0  }
0xdc: {  	[sflag:s9] =	ssyncadd.s32 $0xFFFFFFE8  }
0xdd: {  	_ =	swait.ge [sflag:s9], $0x18  }
0xde: {  	[sflag:s9] =	ssyncset.done $0x0  }
0xdf: {  	[sflag:s9] =	ssyncadd.s32 $0xFFFFFFE8  }
0xe0: {  	_ =	swait.ge [sflag:s9], $0x18  }
0xe1: {  	[sflag:s9] =	ssyncset.done $0x0  }
0xe2: {  	[sflag:s9] =	ssyncadd.s32 $0xFFFFFFE8  }
0xe3: {  	_ =	swait.ge [sflag:s9], $0x18  }
0xe4: {  	[sflag:s9] =	ssyncset.done $0x0  }
0xe5: {  	[sflag:s9] =	ssyncadd.s32 $0xFFFFFFE8  }
0xe6: {  	_ =	swait.ge [sflag:s9], $0x18  }
0xe7: {  	[sflag:s9] =	ssyncset.done $0x0  }
0xe8: {  	[sflag:s9] =	ssyncadd.s32 $0xFFFFFFE8  }
0xe9: {  	_ =	swait.ge [sflag:s9], $0x18  }
0xea: {  	[sflag:s9] =	ssyncset.done $0x0  }
0xeb: {  	[sflag:s9] =	ssyncadd.s32 $0xFFFFFFE8  }
0xec: {  	_ =	swait.ge [sflag:s9], $0x18  }
0xed: {  	[sflag:s9] =	ssyncset.done $0x0  }
0xee: {  	[sflag:s9] =	ssyncadd.s32 $0xFFFFFFE8  }
0xef: {  	_ =	swait.ge [sflag:s9], $0x18  }
0xf0: {  	[sflag:s9] =	ssyncset.done $0x0  }
0xf1: {  	s28 =	simm.s32 $0x0;
	[sflag:s9] =	ssyncadd.s32 $0xFFFFFFE8  }
0xf2: {  	[tilespmem:s10], [sflag:$0x3] =	stream.indirect.gather [hbm4b:s3+s29], $0x80, s11, s29, $0x2000b8;
	[tilespmem:$0x1B480] =	vst v63  }
0xf3: {  	v0 =	vld [tilespmem:s28+$0x10F0]  }
0xf4: {  	v1 =	vld [tilespmem:s28+$0x1CF0]  }
0xf5: {  	v2 =	vld [tilespmem:s28+$0x1080]  }
0xf6: {  	v3 =	vld [tilespmem:s28+$0x28F0]  }
0xf7: {  	v4 =	vld [tilespmem:s28+$0x1C80]  }
0xf8: {  	v5 =	vld [tilespmem:s28+$0x34F0]  }
0xf9: {  	v6 =	vld [tilespmem:s28+$0x1090]  }
0xfa: {  	v7 =	vld [tilespmem:s28+$0x1C90]  }
0xfb: {  	v8 =	vld [tilespmem:s28+$0x10A0]  }
0xfc: {  	v9 =	vld [tilespmem:s28+$0x1CA0]  }
0xfd: {  	v10 =	vld [tilespmem:s28+$0x10B0]  }
0xfe: {  	v11 =	vld [tilespmem:s28+$0x1CB0]  }
0xff: {  	v12 =	vld [tilespmem:s28+$0x10C0]  }
0x100: {  	v13 =	vld [tilespmem:s28+$0x10D0]  }
0x101: {  	v14 =	vld [tilespmem:s28+$0x10E0]  }
0x102: {  	v15 =	vld [tilespmem:s28+$0x2880]  }
0x103: {  	v16 =	vld [tilespmem:s28+$0x2890]  }
0x104: {  	v17 =	vld [tilespmem:s28+$0x28A0]  }
0x105: {  	v18 =	vld [tilespmem:s28+$0x28C0]  }
0x106: {  	v19 =	vld [tilespmem:s28+$0x28D0]  }
0x107: {  	v20 =	vld [tilespmem:s28+$0x28E0]  }
0x108: {  	v21 =	vld [tilespmem:s28+$0x3480]  }
0x109: {  	v22 =	vld [tilespmem:s28+$0x3490]  }
0x10a: {  	v23 =	vld [tilespmem:s28+$0x34A0]  }
0x10b: {  	v24 =	vld [tilespmem:s28+$0x34B0]  }
0x10c: {  	v25 =	vld [tilespmem:s28+$0x34C0]  }
0x10d: {  	v26 =	vld [tilespmem:s28+$0x34D0]  }
0x10e: {  	v27 =	vld [tilespmem:s28+$0x34E0]  }
0x10f: {  	v28 =	vld [tilespmem:s28+$0x4080]  }
0x110: {  	v29 =	vld [tilespmem:s28+$0x4090]  }
0x111: {  	v30 =	vld [tilespmem:s28+$0x40A0]  }
0x112: {  	v31 =	vld [tilespmem:s28+$0x40B0]  }
0x113: {  	v32 =	vld [tilespmem:s28+$0x40C0]  }
0x114: {  	v33 =	vld [tilespmem:s28+$0x40D0]  }
0x115: {  	v34 =	vld [tilespmem:s28+$0x40E0]  }
0x116: {  	v35 =	vld [tilespmem:s28+$0x4C80]  }
0x117: {  	v36 =	vld [tilespmem:s28+$0x4C90]  }
0x118: {  	v37 =	vld [tilespmem:s28+$0x4CA0]  }
0x119: {  	v38 =	vld [tilespmem:s28+$0x4CB0]  }
0x11a: {  	v39 =	vld [tilespmem:s28+$0x4CC0]  }
0x11b: {  	v40 =	vld [tilespmem:s28+$0x4CD0];
	v0 =	vadd.f32 v1, v0  }
0x11c: {  	v1 =	vld [tilespmem:s28+$0x40F0]  }
0x11d: {  	v45 =	vld [tilespmem:s28+$0x58B0];
	v0 =	vadd.f32 v3, v0  }
0x11e: {  	v3 =	vld [tilespmem:s28+$0x4CF0]  }
0x11f: {  	v46 =	vld [tilespmem:s28+$0x58D0];
	v0 =	vadd.f32 v5, v0  }
0x120: {  	v5 =	vld [tilespmem:s28+$0x58F0]  }
0x121: {  	v47 =	vld [tilespmem:s28+$0x58E0];
	v0 =	vadd.f32 v1, v0  }
0x122: {  	v1 =	vld [tilespmem:s28+$0x64F0]  }
0x123: {  	v48 =	vld [tilespmem:s28+$0x6480];
	v2 =	vadd.f32 v4, v2;
	v0 =	vadd.f32 v3, v0  }
0x124: {  	v6 =	vadd.f32 v7, v6;
	v7 =	vadd.f32 v9, v8;
	v3 =	vld [tilespmem:s28+$0x70F0]  }
0x125: {  	v49 =	vld [tilespmem:s28+$0x6490];
	v9 =	vadd.f32 v11, v10;
	v0 =	vadd.f32 v5, v0  }
0x126: {  	v2 =	vadd.f32 v15, v2;
	v6 =	vadd.f32 v16, v6;
	v5 =	vld [tilespmem:s28+$0x7CF0]  }
0x127: {  	v50 =	vld [tilespmem:s28+$0x64A0];
	v7 =	vadd.f32 v17, v7;
	v0 =	vadd.f32 v1, v0  }
0x128: {  	v8 =	vld [tilespmem:s28+$0x5880];
	v2 =	vadd.f32 v21, v2;
	v6 =	vadd.f32 v22, v6  }
0x129: {  	v10 =	vld [tilespmem:s28+$0x5890];
	v7 =	vadd.f32 v23, v7;
	v0 =	vadd.f32 v3, v0  }
0x12a: {  	v11 =	vld [tilespmem:s28+$0x58A0];
	v2 =	vadd.f32 v28, v2;
	v6 =	vadd.f32 v29, v6  }
0x12b: {  	v55 =	vld [tilespmem:s28+$0x7080];
	v7 =	vadd.f32 v30, v7;
	v0 =	vadd.f32 v5, v0  }
0x12c: {  	v2 =	vadd.f32 v35, v2;
	v6 =	vadd.f32 v36, v6;
	v3 =	vld [tilespmem:s28+$0x1CD0]  }
0x12d: {  	v7 =	vadd.f32 v37, v7;
	v1 =	vld [tilespmem:s28+$0x1CC0];
	v0 =	vmul.f32 $1.000000010e-01, v0  }
0x12e: {  	v2 =	vadd.f32 v8, v2;
	v6 =	vadd.f32 v10, v6;
	v5 =	vld [tilespmem:s28+$0x1CE0]  }
0x12f: {  	v7 =	vadd.f32 v11, v7;
	[tilespmem:s28+$0x190F0] =	vst v0;
	v0 =	vld [tilespmem:s28+$0x28B0]  }
0x130: {  	v51 =	vld [tilespmem:s28+$0x64B0];
	v2 =	vadd.f32 v48, v2;
	v6 =	vadd.f32 v49, v6  }
0x131: {  	v52 =	vld [tilespmem:s28+$0x64C0];
	v7 =	vadd.f32 v50, v7;
	v3 =	vadd.f32 v3, v13  }
0x132: {  	v53 =	vld [tilespmem:s28+$0x64D0];
	v2 =	vadd.f32 v55, v2;
	v1 =	vadd.f32 v1, v12  }
0x133: {  	v54 =	vld [tilespmem:s28+$0x64E0];
	v5 =	vadd.f32 v5, v14;
	v3 =	vadd.f32 v19, v3  }
0x134: {  	v56 =	vld [tilespmem:s28+$0x7090];
	v1 =	vadd.f32 v18, v1;
	v0 =	vadd.f32 v0, v9  }
0x135: {  	v57 =	vld [tilespmem:s28+$0x70E0];
	v5 =	vadd.f32 v20, v5;
	v3 =	vadd.f32 v26, v3  }
0x136: {  	v4 =	vld [tilespmem:s28+$0x4CE0];
	v1 =	vadd.f32 v25, v1;
	v0 =	vadd.f32 v24, v0  }
0x137: {  	v9 =	vld [tilespmem:s28+$0x58C0];
	v5 =	vadd.f32 v27, v5;
	v3 =	vadd.f32 v33, v3  }
0x138: {  	v58 =	vld [tilespmem:s28+$0x7C80];
	v1 =	vadd.f32 v32, v1;
	v0 =	vadd.f32 v31, v0  }
0x139: {  	v59 =	vld [tilespmem:s28+$0x7C90];
	v5 =	vadd.f32 v34, v5;
	v3 =	vadd.f32 v40, v3  }
0x13a: {  	v10 =	vld [tilespmem:s28+$0x70B0];
	v1 =	vadd.f32 v39, v1;
	v0 =	vadd.f32 v38, v0  }
0x13b: {  	v4 =	vadd.f32 v4, v5;
	v5 =	vld [tilespmem:s28+$0x70A0];
	v3 =	vadd.f32 v46, v3  }
0x13c: {  	v1 =	vadd.f32 v9, v1;
	v9 =	vld [tilespmem:s28+$0x70D0];
	v0 =	vadd.f32 v45, v0  }
0x13d: {  	v61 =	vld [tilespmem:s28+$0x7CA0];
	v62 =	vadd.f32 v56, v6;
	v4 =	vadd.f32 v47, v4  }
0x13e: {  	v11 =	vld [tilespmem:s28+$0x70C0];
	v60 =	vadd.f32 v53, v3;
	v0 =	vadd.f32 v51, v0  }
0x13f: {  	v8 =	vld [tilespmem:s28+$0x7CB0];
	v1 =	vadd.f32 v52, v1;
	v4 =	vadd.f32 v54, v4  }
0x140: {  	v63 =	vadd.f32 v5, v7;
	v7 =	vld [tilespmem:s28+$0x7CC0];
	v6 =	vadd.f32 v10, v0  }
0x141: {  	v5 =	vld [tilespmem:s28+$0x7CD0];
	v10 =	vadd.f32 v58, v2;
	v2 =	vadd.f32 v9, v60  }
0x142: {  	s21 =	simm.s32 $0x80;
	v0 =	vadd.f32 v57, v4;
	v4 =	vld [tilespmem:s28+$0x7CE0];
	v9 =	vadd.f32 v59, v62  }
0x143: {  	s19 =	simm.s32 $0x400;
	v3 =	vadd.f32 v11, v1;
	v1 =	vld [tilespmem:s21+$0x10F0];
	v11 =	vmul.f32 $1.000000010e-01, v10;
	v10 =	vadd.f32 v61, v63  }
.LBB2_3:
0x144: {  	p1 =	sne.s32 s19, $0x2E00;
	v12 =	vld [tilespmem:s21+$0x1CF0];
	v9 =	vmul.f32 $1.000000010e-01, v9;
	v6 =	vadd.f32 v8, v6  }
0x145: {  	v8 =	vld [tilespmem:s21+$0x1080];
	[tilespmem:s28+$0x19080] =	vst v11;
	v10 =	vmul.f32 $1.000000010e-01, v10;
	v3 =	vadd.f32 v7, v3  }
0x146: {  	v7 =	vld [tilespmem:s21+$0x28F0];
	[tilespmem:s28+$0x19090] =	vst v9;
	v6 =	vmul.f32 $1.000000010e-01, v6;
	v2 =	vadd.f32 v5, v2  }
0x147: {  	v5 =	vld [tilespmem:s21+$0x1C80];
	[tilespmem:s28+$0x190A0] =	vst v10;
	v3 =	vmul.f32 $1.000000010e-01, v3;
	v0 =	vadd.f32 v4, v0  }
0x148: {  	v4 =	vld [tilespmem:s21+$0x34F0];
	[tilespmem:s28+$0x190B0] =	vst v6;
	v2 =	vmul.f32 $1.000000010e-01, v2  }
0x149: {  	v6 =	vld [tilespmem:s21+$0x1090];
	v1 =	vadd.f32 v12, v1;
	[tilespmem:s28+$0x190C0] =	vst v3;
	v0 =	vmul.f32 $1.000000010e-01, v0  }
0x14a: {  	v3 =	vld [tilespmem:s21+$0x40F0];
	[tilespmem:s28+$0x190D0] =	vst v2  }
0x14b: {  	v2 =	vld [tilespmem:s21+$0x1C90];
	v1 =	vadd.f32 v7, v1;
	[tilespmem:s28+$0x190E0] =	vst v0;
	s28 =	smov.u32 s21  }
0x14c: {  	v0 =	vadd.f32 v5, v8;
	v5 =	vld [tilespmem:s28+$0x4CF0]  }
0x14d: {  	v7 =	vld [tilespmem:s28+$0x10A0];
	v1 =	vadd.f32 v4, v1  }
0x14e: {  	v4 =	vld [tilespmem:s28+$0x58F0]  }
0x14f: {  	v8 =	vld [tilespmem:s28+$0x1CA0];
	v1 =	vadd.f32 v3, v1  }
0x150: {  	v2 =	vadd.f32 v2, v6;
	v3 =	vld [tilespmem:s28+$0x64F0]  }
0x151: {  	v6 =	vld [tilespmem:s28+$0x10B0];
	v1 =	vadd.f32 v5, v1  }
0x152: {  	v5 =	vld [tilespmem:s28+$0x70F0]  }
0x153: {  	v9 =	vld [tilespmem:s28+$0x1CB0];
	v1 =	vadd.f32 v4, v1  }
0x154: {  	v4 =	vadd.f32 v8, v7;
	v7 =	vld [tilespmem:s28+$0x7CF0]  }
0x155: {  	v8 =	vld [tilespmem:s28+$0x10C0];
	v1 =	vadd.f32 v3, v1  }
0x156: {  	v3 =	vld [tilespmem:s28+$0x1CC0]  }
0x157: {  	v10 =	vld [tilespmem:s28+$0x10D0];
	v1 =	vadd.f32 v5, v1  }
0x158: {  	v5 =	vadd.f32 v9, v6;
	v6 =	vld [tilespmem:s28+$0x1CD0]  }
0x159: {  	v9 =	vld [tilespmem:s28+$0x10E0];
	v1 =	vadd.f32 v7, v1  }
0x15a: {  	v7 =	vld [tilespmem:s28+$0x1CE0]  }
0x15b: {  	v11 =	vld [tilespmem:s28+$0x2880];
	v3 =	vadd.f32 v3, v8;
	v1 =	vmul.f32 $1.000000010e-01, v1  }
0x15c: {  	v8 =	vld [tilespmem:s28+$0x2890]  }
0x15d: {  	v12 =	vld [tilespmem:s28+$0x28A0];
	v6 =	vadd.f32 v6, v10;
	[tilespmem:s28+$0x190F0] =	vst v1  }
0x15e: {  	v1 =	vld [tilespmem:s28+$0x28B0]  }
0x15f: {  	v10 =	vld [tilespmem:s28+$0x28C0];
	v7 =	vadd.f32 v7, v9  }
0x160: {  	v0 =	vadd.f32 v11, v0;
	v9 =	vld [tilespmem:s28+$0x28D0]  }
0x161: {  	v2 =	vadd.f32 v8, v2;
	v8 =	vld [tilespmem:s28+$0x28E0]  }
0x162: {  	v11 =	vld [tilespmem:s28+$0x3480];
	v4 =	vadd.f32 v12, v4  }
0x163: {  	v12 =	vld [tilespmem:s28+$0x3490];
	v1 =	vadd.f32 v1, v5  }
0x164: {  	v5 =	vld [tilespmem:s28+$0x34A0];
	v3 =	vadd.f32 v10, v3  }
0x165: {  	v10 =	vld [tilespmem:s28+$0x34B0];
	v6 =	vadd.f32 v9, v6  }
0x166: {  	v9 =	vld [tilespmem:s28+$0x34C0];
	v7 =	vadd.f32 v8, v7  }
0x167: {  	v0 =	vadd.f32 v11, v0;
	v8 =	vld [tilespmem:s28+$0x34D0]  }
0x168: {  	v2 =	vadd.f32 v12, v2;
	v11 =	vld [tilespmem:s28+$0x34E0]  }
0x169: {  	v12 =	vld [tilespmem:s28+$0x4080];
	v4 =	vadd.f32 v5, v4  }
0x16a: {  	v5 =	vld [tilespmem:s28+$0x4090];
	v1 =	vadd.f32 v10, v1  }
0x16b: {  	v10 =	vld [tilespmem:s28+$0x40A0];
	v3 =	vadd.f32 v9, v3  }
0x16c: {  	v9 =	vld [tilespmem:s28+$0x40B0];
	v6 =	vadd.f32 v8, v6  }
0x16d: {  	v8 =	vld [tilespmem:s28+$0x40C0];
	v7 =	vadd.f32 v11, v7  }
0x16e: {  	v0 =	vadd.f32 v12, v0;
	v11 =	vld [tilespmem:s28+$0x40D0]  }
0x16f: {  	v2 =	vadd.f32 v5, v2;
	v5 =	vld [tilespmem:s28+$0x40E0]  }
0x170: {  	v12 =	vld [tilespmem:s28+$0x4C80];
	v4 =	vadd.f32 v10, v4  }
0x171: {  	v10 =	vld [tilespmem:s28+$0x4C90];
	v1 =	vadd.f32 v9, v1  }
0x172: {  	v9 =	vld [tilespmem:s28+$0x4CA0];
	v3 =	vadd.f32 v8, v3  }
0x173: {  	v8 =	vld [tilespmem:s28+$0x4CB0];
	v6 =	vadd.f32 v11, v6  }
0x174: {  	v11 =	vld [tilespmem:s28+$0x4CC0];
	v5 =	vadd.f32 v5, v7  }
0x175: {  	v0 =	vadd.f32 v12, v0;
	v7 =	vld [tilespmem:s28+$0x4CD0]  }
0x176: {  	v2 =	vadd.f32 v10, v2;
	v10 =	vld [tilespmem:s28+$0x4CE0]  }
0x177: {  	v12 =	vld [tilespmem:s28+$0x5880];
	v4 =	vadd.f32 v9, v4  }
0x178: {  	v9 =	vld [tilespmem:s28+$0x5890];
	v1 =	vadd.f32 v8, v1  }
0x179: {  	v8 =	vld [tilespmem:s28+$0x58A0];
	v3 =	vadd.f32 v11, v3  }
0x17a: {  	v11 =	vld [tilespmem:s28+$0x58B0];
	v6 =	vadd.f32 v7, v6  }
0x17b: {  	v7 =	vld [tilespmem:s28+$0x58C0];
	v5 =	vadd.f32 v10, v5  }
0x17c: {  	v0 =	vadd.f32 v12, v0;
	v10 =	vld [tilespmem:s28+$0x58D0]  }
0x17d: {  	v2 =	vadd.f32 v9, v2;
	v9 =	vld [tilespmem:s28+$0x58E0]  }
0x17e: {  	v12 =	vld [tilespmem:s28+$0x6480];
	v4 =	vadd.f32 v8, v4  }
0x17f: {  	v8 =	vld [tilespmem:s28+$0x6490];
	v1 =	vadd.f32 v11, v1  }
0x180: {  	v11 =	vld [tilespmem:s28+$0x64A0];
	v3 =	vadd.f32 v7, v3  }
0x181: {  	v7 =	vld [tilespmem:s28+$0x64B0];
	v6 =	vadd.f32 v10, v6  }
0x182: {  	v10 =	vld [tilespmem:s28+$0x64C0];
	v5 =	vadd.f32 v9, v5  }
0x183: {  	v0 =	vadd.f32 v12, v0;
	v9 =	vld [tilespmem:s28+$0x64D0]  }
0x184: {  	v2 =	vadd.f32 v8, v2;
	v8 =	vld [tilespmem:s28+$0x64E0]  }
0x185: {  	v12 =	vld [tilespmem:s28+$0x7080];
	v4 =	vadd.f32 v11, v4  }
0x186: {  	v11 =	vld [tilespmem:s28+$0x7090];
	v1 =	vadd.f32 v7, v1  }
0x187: {  	v7 =	vld [tilespmem:s28+$0x70A0];
	v3 =	vadd.f32 v10, v3  }
0x188: {  	v10 =	vld [tilespmem:s28+$0x70B0];
	v9 =	vadd.f32 v9, v6  }
0x189: {  	v13 =	vld [tilespmem:s28+$0x70C0];
	v5 =	vadd.f32 v8, v5  }
0x18a: {  	v12 =	vadd.f32 v12, v0;
	v0 =	vld [tilespmem:s28+$0x70D0]  }
0x18b: {  	v11 =	vadd.f32 v11, v2;
	v14 =	vld [tilespmem:s28+$0x70E0]  }
0x18c: {  	v15 =	vld [tilespmem:s28+$0x7C80];
	v16 =	vadd.f32 v7, v4  }
0x18d: {  	v4 =	vld [tilespmem:s28+$0x7C90];
	v6 =	vadd.f32 v10, v1  }
0x18e: {  	v10 =	vld [tilespmem:s28+$0x7CA0];
	v3 =	vadd.f32 v13, v3  }
.Ltmp0:
0x18f: {  	v8 =	vld [tilespmem:s28+$0x7CB0];
	v2 =	vadd.f32 v0, v9;
	(pc) =	sbr.rel @p1 .LBB2_3-.Ltmp0, $4  }
0x190: {  	v7 =	vld [tilespmem:s28+$0x7CC0];
	v0 =	vadd.f32 v14, v5  }
0x191: {  	v12 =	vadd.f32 v15, v12;
	v5 =	vld [tilespmem:s28+$0x7CD0]  }
0x192: {  	s21 =	sshra.s32 s19, $0x2;
	v9 =	vadd.f32 v4, v11;
	v4 =	vld [tilespmem:s28+$0x7CE0]  }
0x193: {  	s19 =	sadd.s32 $0x200, s19;
	v1 =	vld [tilespmem:s21+$0x10F0];
	v11 =	vmul.f32 $1.000000010e-01, v12;
	v10 =	vadd.f32 v10, v16  }
0x194: {  	v12 =	vld [tilespmem:s21+$0x1CF0];
	v9 =	vmul.f32 $1.000000010e-01, v9;
	v6 =	vadd.f32 v8, v6  }
0x195: {  	v13 =	vld [tilespmem:s21+$0x1080];
	[tilespmem:s28+$0x19080] =	vst v11;
	v57 =	vmul.f32 $1.000000010e-01, v10;
	v3 =	vadd.f32 v7, v3  }
0x196: {  	v11 =	vld [tilespmem:s21+$0x28F0];
	[tilespmem:s28+$0x19090] =	vst v9;
	v6 =	vmul.f32 $1.000000010e-01, v6;
	v2 =	vadd.f32 v5, v2  }
0x197: {  	v9 =	vld [tilespmem:s21+$0x1C80];
	[tilespmem:s28+$0x190A0] =	vst v57;
	v3 =	vmul.f32 $1.000000010e-01, v3;
	v0 =	vadd.f32 v4, v0  }
0x198: {  	v58 =	vld [tilespmem:s21+$0x34F0];
	[tilespmem:s28+$0x190B0] =	vst v6;
	v2 =	vmul.f32 $1.000000010e-01, v2  }
0x199: {  	v59 =	vld [tilespmem:s21+$0x1090];
	[tilespmem:s28+$0x190C0] =	vst v3;
	v0 =	vmul.f32 $1.000000010e-01, v0  }
0x19a: {  	v3 =	vld [tilespmem:s21+$0x40F0];
	[tilespmem:s28+$0x190D0] =	vst v2  }
0x19b: {  	v2 =	vld [tilespmem:s21+$0x1C90];
	[tilespmem:s28+$0x190E0] =	vst v0  }
0x19c: {  	v61 =	vld [tilespmem:s21+$0x4CF0]  }
0x19d: {  	v62 =	vld [tilespmem:s21+$0x10A0]  }
0x19e: {  	v6 =	vld [tilespmem:s21+$0x58F0]  }
0x19f: {  	v63 =	vld [tilespmem:s21+$0x1CA0]  }
0x1a0: {  	v42 =	vld [tilespmem:s21+$0x64F0]  }
0x1a1: {  	v8 =	vld [tilespmem:s21+$0x10B0]  }
0x1a2: {  	v43 =	vld [tilespmem:s21+$0x70F0]  }
0x1a3: {  	v44 =	vld [tilespmem:s21+$0x1CB0]  }
0x1a4: {  	v45 =	vld [tilespmem:s21+$0x7CF0]  }
0x1a5: {  	v46 =	vld [tilespmem:s21+$0x10C0]  }
0x1a6: {  	v47 =	vld [tilespmem:s21+$0x1CC0]  }
0x1a7: {  	v48 =	vld [tilespmem:s21+$0x10D0]  }
0x1a8: {  	v49 =	vld [tilespmem:s21+$0x1CD0]  }
0x1a9: {  	v14 =	vld [tilespmem:s21+$0x10E0]  }
0x1aa: {  	v50 =	vld [tilespmem:s21+$0x1CE0]  }
0x1ab: {  	v15 =	vld [tilespmem:s21+$0x2880]  }
0x1ac: {  	v16 =	vld [tilespmem:s21+$0x2890]  }
0x1ad: {  	v17 =	vld [tilespmem:s21+$0x28A0]  }
0x1ae: {  	v51 =	vld [tilespmem:s21+$0x28B0]  }
0x1af: {  	v18 =	vld [tilespmem:s21+$0x28C0]  }
0x1b0: {  	v19 =	vld [tilespmem:s21+$0x28D0]  }
0x1b1: {  	v20 =	vld [tilespmem:s21+$0x28E0]  }
0x1b2: {  	v21 =	vld [tilespmem:s21+$0x3480]  }
0x1b3: {  	v22 =	vld [tilespmem:s21+$0x3490]  }
0x1b4: {  	v23 =	vld [tilespmem:s21+$0x34A0]  }
0x1b5: {  	v24 =	vld [tilespmem:s21+$0x34B0]  }
0x1b6: {  	v25 =	vld [tilespmem:s21+$0x34C0]  }
0x1b7: {  	v26 =	vld [tilespmem:s21+$0x34D0]  }
0x1b8: {  	v27 =	vld [tilespmem:s21+$0x34E0]  }
0x1b9: {  	v28 =	vld [tilespmem:s21+$0x4080]  }
0x1ba: {  	v29 =	vld [tilespmem:s21+$0x4090]  }
0x1bb: {  	v30 =	vld [tilespmem:s21+$0x40A0]  }
0x1bc: {  	v31 =	vld [tilespmem:s21+$0x40B0]  }
0x1bd: {  	v32 =	vld [tilespmem:s21+$0x40C0]  }
0x1be: {  	v1 =	vadd.f32 v12, v1;
	v33 =	vld [tilespmem:s21+$0x40D0]  }
0x1bf: {  	v34 =	vld [tilespmem:s21+$0x40E0]  }
0x1c0: {  	v60 =	vadd.f32 v11, v1;
	v35 =	vld [tilespmem:s21+$0x4C80]  }
0x1c1: {  	v36 =	vld [tilespmem:s21+$0x4C90]  }
0x1c2: {  	v37 =	vld [tilespmem:s21+$0x4CA0];
	v0 =	vadd.f32 v58, v60  }
0x1c3: {  	v38 =	vld [tilespmem:s21+$0x4CB0]  }
0x1c4: {  	v39 =	vld [tilespmem:s21+$0x4CC0];
	v0 =	vadd.f32 v3, v0  }
0x1c5: {  	v40 =	vld [tilespmem:s21+$0x4CD0];
	v9 =	vadd.f32 v9, v13;
	v2 =	vadd.f32 v2, v59  }
0x1c6: {  	v41 =	vld [tilespmem:s21+$0x4CE0];
	v0 =	vadd.f32 v61, v0;
	v4 =	vadd.f32 v63, v62  }
0x1c7: {  	v52 =	vld [tilespmem:s21+$0x5880];
	v54 =	vadd.f32 v44, v8;
	v3 =	vadd.f32 v47, v46  }
0x1c8: {  	v53 =	vld [tilespmem:s21+$0x5890];
	v1 =	vadd.f32 v49, v48;
	v9 =	vadd.f32 v15, v9  }
0x1c9: {  	v55 =	vld [tilespmem:s21+$0x58A0];
	v2 =	vadd.f32 v16, v2;
	v0 =	vadd.f32 v6, v0  }
0x1ca: {  	v56 =	vld [tilespmem:s21+$0x58B0];
	v6 =	vadd.f32 v50, v14;
	v4 =	vadd.f32 v17, v4  }
0x1cb: {  	v57 =	vld [tilespmem:s21+$0x58C0];
	v3 =	vadd.f32 v18, v3;
	v1 =	vadd.f32 v19, v1  }
0x1cc: {  	v58 =	vld [tilespmem:s21+$0x58D0];
	v9 =	vadd.f32 v21, v9;
	v2 =	vadd.f32 v22, v2  }
0x1cd: {  	v60 =	vld [tilespmem:s21+$0x6480];
	v0 =	vadd.f32 v42, v0;
	v6 =	vadd.f32 v20, v6  }
0x1ce: {  	v59 =	vld [tilespmem:s21+$0x58E0];
	v4 =	vadd.f32 v23, v4;
	v3 =	vadd.f32 v25, v3  }
0x1cf: {  	v61 =	vld [tilespmem:s21+$0x6490];
	v1 =	vadd.f32 v26, v1;
	v9 =	vadd.f32 v28, v9  }
0x1d0: {  	v62 =	vld [tilespmem:s21+$0x64A0];
	v2 =	vadd.f32 v29, v2;
	v0 =	vadd.f32 v43, v0  }
0x1d1: {  	v63 =	vld [tilespmem:s21+$0x64B0];
	v6 =	vadd.f32 v27, v6;
	v4 =	vadd.f32 v30, v4  }
0x1d2: {  	v44 =	vld [tilespmem:s21+$0x64E0];
	v3 =	vadd.f32 v32, v3;
	v1 =	vadd.f32 v33, v1  }
0x1d3: {  	v46 =	vld [tilespmem:s21+$0x7090];
	v9 =	vadd.f32 v35, v9;
	v2 =	vadd.f32 v36, v2  }
0x1d4: {  	v47 =	vld [tilespmem:s21+$0x70A0];
	v0 =	vadd.f32 v45, v0;
	v6 =	vadd.f32 v34, v6  }
0x1d5: {  	v48 =	vld [tilespmem:s21+$0x70B0];
	v4 =	vadd.f32 v37, v4;
	v3 =	vadd.f32 v39, v3  }
0x1d6: {  	v49 =	vld [tilespmem:s21+$0x70C0];
	v1 =	vadd.f32 v40, v1;
	v9 =	vadd.f32 v52, v9  }
0x1d7: {  	v42 =	vld [tilespmem:s21+$0x64C0];
	v2 =	vadd.f32 v53, v2;
	v0 =	vmul.f32 $1.000000010e-01, v0;
	v6 =	vadd.f32 v41, v6  }
0x1d8: {  	v43 =	vld [tilespmem:s21+$0x64D0];
	v4 =	vadd.f32 v55, v4;
	v3 =	vadd.f32 v57, v3  }
0x1d9: {  	v45 =	vld [tilespmem:s21+$0x7080];
	v1 =	vadd.f32 v58, v1;
	[tilespmem:s21+$0x190F0] =	vst v0;
	v0 =	vadd.f32 v51, v54  }
0x1da: {  	v50 =	vld [tilespmem:s21+$0x70D0];
	v9 =	vadd.f32 v60, v9;
	v2 =	vadd.f32 v61, v2  }
0x1db: {  	v52 =	vld [tilespmem:s21+$0x7C80];
	v6 =	vadd.f32 v59, v6;
	v0 =	vadd.f32 v24, v0  }
0x1dc: {  	v53 =	vld [tilespmem:s21+$0x7C90];
	v4 =	vadd.f32 v62, v4;
	v3 =	vadd.f32 v42, v3  }
0x1dd: {  	v57 =	vld [tilespmem:s21+$0x7CD0];
	v1 =	vadd.f32 v43, v1;
	v0 =	vadd.f32 v31, v0  }
0x1de: {  	v51 =	vld [tilespmem:s21+$0x70E0];
	v9 =	vadd.f32 v45, v9;
	v2 =	vadd.f32 v46, v2  }
0x1df: {  	v54 =	vld [tilespmem:s21+$0x7CA0];
	v6 =	vadd.f32 v44, v6;
	v0 =	vadd.f32 v38, v0  }
0x1e0: {  	v58 =	vld [tilespmem:s21+$0x7CE0];
	v4 =	vadd.f32 v47, v4;
	v1 =	vadd.f32 v50, v1  }
0x1e1: {  	v9 =	vadd.f32 v52, v9;
	v0 =	vadd.f32 v56, v0;
	v56 =	vld [tilespmem:s21+$0x7CC0]  }
0x1e2: {  	v55 =	vld [tilespmem:s21+$0x7CB0];
	v2 =	vadd.f32 v53, v2;
	v1 =	vadd.f32 v57, v1  }
0x1e3: {  	v59 =	vmul.f32 $1.000000010e-01, v9;
	v6 =	vadd.f32 v51, v6;
	v0 =	vadd.f32 v63, v0  }
0x1e4: {  	v3 =	vadd.f32 v49, v3;
	v4 =	vadd.f32 v54, v4;
	v2 =	vmul.f32 $1.000000010e-01, v2  }
0x1e5: {  	v62 =	vmul.f32 $1.000000010e-01, v1;
	[tilespmem:s21+$0x19080] =	vst v59;
	v61 =	vadd.f32 v58, v6;
	v0 =	vadd.f32 v48, v0  }
0x1e6: {  	v4 =	vmul.f32 $1.000000010e-01, v4;
	[tilespmem:s21+$0x19090] =	vst v2;
	v3 =	vadd.f32 v56, v3  }
0x1e7: {  	[tilespmem:s21+$0x190D0] =	vst v62;
	v63 =	vmul.f32 $1.000000010e-01, v61;
	v0 =	vadd.f32 v55, v0  }
0x1e8: {  	s12 =	sadd.s32 s7, s26;
	[tilespmem:s21+$0x190A0] =	vst v4;
	v60 =	vmul.f32 $1.000000010e-01, v3  }
0x1e9: {  	s12 =	smul.u32 $0x180, s12;
	[tilespmem:s21+$0x190E0] =	vst v63;
	v0 =	vmul.f32 $1.000000010e-01, v0  }
0x1ea: {  	[tilespmem:s21+$0x190C0] =	vst v60  }
0x1eb: {  	s19 =	sadd.s32 s5, s12;
	[tilespmem:s21+$0x190B0] =	vst v0  }
0x1ec: {  	[hbm4b:s19+s4] =	stream.linear.scatter [tilespmem:s30], [sflag:$0x7], $0xC00, $0x200038;
	[tilespmem:$0x1B480] =	vst v63  }
.Ltmp1:
0x1ed: {  	s12 =	sadd.s32 s6, s12;
	s28 =	simm.s32 $0x19080;
	(pc) =	sbr.rel @!p0 .LBB2_5-.Ltmp1, $4  }
0x1ee: {  	[hbm4b:s12+s4] =	stream.linear.scatter [tilespmem:s28], [sflag:$0x7], $0xC00, $0x200038;
	[tilespmem:$0x1B480] =	vst v63  }
0x1ef: {  	_ =	swait.ge [sflag:s13], $0x8400  }
0x1f0: {  	[sflag:s13] =	ssyncset.done $0x0  }
0x1f1: {  	[sflag:s13] =	ssyncadd.s32 $0xFFFF7C00  }
0x1f2: {  	_ =	swait.ge [sflag:s14], $0xC00  }
.Ltmp2:
0x1f3: {  	[sflag:s14] =	ssyncset.done $0x0;
	(pc) =	sbr.rel .LBB2_7-.Ltmp2, $4  }
0x1f4: {  	[sflag:s14] =	ssyncadd.s32 $0xFFFFF400  }
0x1f5: {  	_ =	swait.ge [sflag:s14], $0xC00  }
0x1f6: {  	[sflag:s14] =	ssyncset.done $0x0  }
0x1f7: {  	[sflag:s14] =	ssyncadd.s32 $0xFFFFF400  }
.LBB2_5:
0x1f8: {  	s12 =	sld [smem:$0x7FC];
	_ =	sdelay $0x2  }
0x1f9: {  	s12 =	sadd.s32 s26, s12  }
0x1fa: {  	s12 =	smul.u32 $0x18, s12;
	_ =	sdelay $0x1  }
0x1fb: {  	s12 =	sshrl.u32 s12, $0x3  }
0x1fc: {  	s12 =	sadd.s32 s1, s12  }
0x1fd: {  	[tilespmem:s24], [sflag:$0x5] =	stream.linear.gather [hbm4b:s12+s4], $0x18, $0x200038;
	[tilespmem:$0x1B480] =	vst v63  }
0x1fe: {  	s21 =	simm.s32 $0x198;
	s19 =	sadd.s32 $0x18C0, s12  }
0x1ff: {  	[tilespmem:s21], [sflag:$0x5] =	stream.linear.gather [hbm4b:s19+s4], $0x18, $0x200038;
	[tilespmem:$0x1B480] =	vst v63  }
0x200: {  	s28 =	simm.s32 $0x1B0;
	s21 =	sadd.s32 $0x3180, s12  }
0x201: {  	[tilespmem:s28], [sflag:$0x5] =	stream.linear.gather [hbm4b:s21+s4], $0x18, $0x200038;
	[tilespmem:$0x1B480] =	vst v63  }
0x202: {  	s21 =	sadd.s32 $0x4A40, s12;
	s28 =	simm.s32 $0x1C8  }
0x203: {  	[tilespmem:s28], [sflag:$0x5] =	stream.linear.gather [hbm4b:s21+s4], $0x18, $0x200038;
	[tilespmem:$0x1B480] =	vst v63  }
0x204: {  	s21 =	sadd.s32 $0x6300, s12;
	s28 =	simm.s32 $0x1E0  }
0x205: {  	[tilespmem:s28], [sflag:$0x5] =	stream.linear.gather [hbm4b:s21+s4], $0x18, $0x200038;
	[tilespmem:$0x1B480] =	vst v63  }
0x206: {  	s21 =	sadd.s32 $0x7BC0, s12;
	s28 =	simm.s32 $0x1F8  }
0x207: {  	[tilespmem:s28], [sflag:$0x5] =	stream.linear.gather [hbm4b:s21+s4], $0x18, $0x200038;
	[tilespmem:$0x1B480] =	vst v63  }
0x208: {  	s21 =	sadd.s32 $0x9480, s12;
	s28 =	simm.s32 $0x210  }
0x209: {  	[tilespmem:s28], [sflag:$0x5] =	stream.linear.gather [hbm4b:s21+s4], $0x18, $0x200038;
	[tilespmem:$0x1B480] =	vst v63  }
0x20a: {  	s21 =	sadd.s32 $0xAD40, s12;
	s28 =	simm.s32 $0x228  }
0x20b: {  	[tilespmem:s28], [sflag:$0x5] =	stream.linear.gather [hbm4b:s21+s4], $0x18, $0x200038;
	[tilespmem:$0x1B480] =	vst v63  }
0x20c: {  	s21 =	sadd.s32 $0xC600, s12;
	s28 =	simm.s32 $0x240  }
0x20d: {  	[tilespmem:s28], [sflag:$0x5] =	stream.linear.gather [hbm4b:s21+s4], $0x18, $0x200038;
	[tilespmem:$0x1B480] =	vst v63  }
0x20e: {  	s21 =	sadd.s32 $0xDEC0, s12;
	s28 =	simm.s32 $0x258  }
0x20f: {  	[tilespmem:s28], [sflag:$0x5] =	stream.linear.gather [hbm4b:s21+s4], $0x18, $0x200038;
	[tilespmem:$0x1B480] =	vst v63  }
0x210: {  	s12 =	sadd.s32 $0xF780, s12;
	s28 =	simm.s32 $0x270  }
0x211: {  	[tilespmem:s28], [sflag:$0x5] =	stream.linear.gather [hbm4b:s12+s4], $0x18, $0x200038;
	[tilespmem:$0x1B480] =	vst v63  }
0x212: {  	_ =	swait.ge [sflag:s14], $0xC00  }
0x213: {  	[sflag:s14] =	ssyncset.done $0x0  }
0x214: {  	[sflag:s14] =	ssyncadd.s32 $0xFFFFF400  }
0x215: {  	_ =	swait.ge [sflag:s14], $0xC00  }
0x216: {  	[sflag:s14] =	ssyncset.done $0x0  }
0x217: {  	[sflag:s14] =	ssyncadd.s32 $0xFFFFF400  }
0x218: {  	_ =	swait.ge [sflag:s8], $0x18  }
0x219: {  	[sflag:s8] =	ssyncset.done $0x0  }
0x21a: {  	[sflag:s8] =	ssyncadd.s32 $0xFFFFFFE8  }
0x21b: {  	_ =	swait.ge [sflag:s8], $0x18  }
0x21c: {  	[sflag:s8] =	ssyncset.done $0x0  }
0x21d: {  	[sflag:s8] =	ssyncadd.s32 $0xFFFFFFE8  }
0x21e: {  	_ =	swait.ge [sflag:s8], $0x18  }
0x21f: {  	[sflag:s8] =	ssyncset.done $0x0  }
0x220: {  	[sflag:s8] =	ssyncadd.s32 $0xFFFFFFE8  }
0x221: {  	_ =	swait.ge [sflag:s8], $0x18  }
0x222: {  	[sflag:s8] =	ssyncset.done $0x0  }
0x223: {  	[sflag:s8] =	ssyncadd.s32 $0xFFFFFFE8  }
0x224: {  	_ =	swait.ge [sflag:s8], $0x18  }
0x225: {  	[sflag:s8] =	ssyncset.done $0x0  }
0x226: {  	[sflag:s8] =	ssyncadd.s32 $0xFFFFFFE8  }
0x227: {  	_ =	swait.ge [sflag:s8], $0x18  }
0x228: {  	[sflag:s8] =	ssyncset.done $0x0  }
0x229: {  	[sflag:s8] =	ssyncadd.s32 $0xFFFFFFE8  }
0x22a: {  	_ =	swait.ge [sflag:s8], $0x18  }
0x22b: {  	[sflag:s8] =	ssyncset.done $0x0  }
0x22c: {  	[sflag:s8] =	ssyncadd.s32 $0xFFFFFFE8  }
0x22d: {  	_ =	swait.ge [sflag:s8], $0x18  }
0x22e: {  	[sflag:s8] =	ssyncset.done $0x0  }
0x22f: {  	[sflag:s8] =	ssyncadd.s32 $0xFFFFFFE8  }
0x230: {  	_ =	swait.ge [sflag:s8], $0x18  }
0x231: {  	[sflag:s8] =	ssyncset.done $0x0  }
0x232: {  	[sflag:s8] =	ssyncadd.s32 $0xFFFFFFE8  }
0x233: {  	_ =	swait.ge [sflag:s8], $0x18  }
0x234: {  	[sflag:s8] =	ssyncset.done $0x0  }
0x235: {  	[sflag:s8] =	ssyncadd.s32 $0xFFFFFFE8  }
0x236: {  	_ =	swait.ge [sflag:s8], $0x18  }
0x237: {  	[sflag:s8] =	ssyncset.done $0x0  }
0x238: {  	[sflag:s8] =	ssyncadd.s32 $0xFFFFFFE8  }
0x239: {  	[tilespmem:s30], [sflag:$0x1] =	stream.indirect.gather [hbm4b:s3+s29], $0x80, s4, s29, $0x2000b8;
	[tilespmem:$0x1B480] =	vst v63  }
.LBB2_7:
0x23a: {  	s28 =	simm.s32 $0x0  }
0x23b: {  	v0 =	vld [tilespmem:s28+$0x94F0]  }
0x23c: {  	v1 =	vld [tilespmem:s28+$0xA0F0]  }
0x23d: {  	v2 =	vld [tilespmem:s28+$0x9480]  }
0x23e: {  	v3 =	vld [tilespmem:s28+$0xACF0]  }
0x23f: {  	v4 =	vld [tilespmem:s28+$0xA080]  }
0x240: {  	v5 =	vld [tilespmem:s28+$0xB8F0]  }
0x241: {  	v6 =	vld [tilespmem:s28+$0x9490]  }
0x242: {  	v7 =	vld [tilespmem:s28+$0xA090]  }
0x243: {  	v8 =	vld [tilespmem:s28+$0x94A0]  }
0x244: {  	v9 =	vld [tilespmem:s28+$0xA0A0]  }
0x245: {  	v10 =	vld [tilespmem:s28+$0x94B0]  }
0x246: {  	v11 =	vld [tilespmem:s28+$0xA0B0]  }
0x247: {  	v12 =	vld [tilespmem:s28+$0x94C0]  }
0x248: {  	v13 =	vld [tilespmem:s28+$0x94D0]  }
0x249: {  	v14 =	vld [tilespmem:s28+$0x94E0]  }
0x24a: {  	v15 =	vld [tilespmem:s28+$0xAC80]  }
0x24b: {  	v16 =	vld [tilespmem:s28+$0xAC90]  }
0x24c: {  	v17 =	vld [tilespmem:s28+$0xACA0]  }
0x24d: {  	v18 =	vld [tilespmem:s28+$0xACC0]  }
0x24e: {  	v19 =	vld [tilespmem:s28+$0xACD0]  }
0x24f: {  	v20 =	vld [tilespmem:s28+$0xACE0]  }
0x250: {  	v21 =	vld [tilespmem:s28+$0xB880]  }
0x251: {  	v22 =	vld [tilespmem:s28+$0xB890]  }
0x252: {  	v23 =	vld [tilespmem:s28+$0xB8A0]  }
0x253: {  	v24 =	vld [tilespmem:s28+$0xB8B0]  }
0x254: {  	v25 =	vld [tilespmem:s28+$0xB8C0]  }
0x255: {  	v26 =	vld [tilespmem:s28+$0xB8D0]  }
0x256: {  	v27 =	vld [tilespmem:s28+$0xB8E0]  }
0x257: {  	v28 =	vld [tilespmem:s28+$0xC480]  }
0x258: {  	v29 =	vld [tilespmem:s28+$0xC490]  }
0x259: {  	v30 =	vld [tilespmem:s28+$0xC4A0]  }
0x25a: {  	v31 =	vld [tilespmem:s28+$0xC4B0]  }
0x25b: {  	v32 =	vld [tilespmem:s28+$0xC4C0]  }
0x25c: {  	v33 =	vld [tilespmem:s28+$0xC4D0]  }
0x25d: {  	v34 =	vld [tilespmem:s28+$0xC4E0]  }
0x25e: {  	v35 =	vld [tilespmem:s28+$0xD080]  }
0x25f: {  	v36 =	vld [tilespmem:s28+$0xD090]  }
0x260: {  	v37 =	vld [tilespmem:s28+$0xD0A0]  }
0x261: {  	v38 =	vld [tilespmem:s28+$0xD0B0]  }
0x262: {  	v39 =	vld [tilespmem:s28+$0xD0C0]  }
0x263: {  	v40 =	vld [tilespmem:s28+$0xD0D0];
	v0 =	vadd.f32 v1, v0  }
0x264: {  	v1 =	vld [tilespmem:s28+$0xC4F0]  }
0x265: {  	v45 =	vld [tilespmem:s28+$0xDCB0];
	v0 =	vadd.f32 v3, v0  }
0x266: {  	v3 =	vld [tilespmem:s28+$0xD0F0]  }
0x267: {  	v46 =	vld [tilespmem:s28+$0xDCD0];
	v0 =	vadd.f32 v5, v0  }
0x268: {  	v5 =	vld [tilespmem:s28+$0xDCF0]  }
0x269: {  	v47 =	vld [tilespmem:s28+$0xDCE0];
	v0 =	vadd.f32 v1, v0  }
0x26a: {  	v1 =	vld [tilespmem:s28+$0xE8F0]  }
0x26b: {  	v48 =	vld [tilespmem:s28+$0xE880];
	v2 =	vadd.f32 v4, v2;
	v0 =	vadd.f32 v3, v0  }
0x26c: {  	v6 =	vadd.f32 v7, v6;
	v7 =	vadd.f32 v9, v8;
	v3 =	vld [tilespmem:s28+$0xF4F0]  }
0x26d: {  	v49 =	vld [tilespmem:s28+$0xE890];
	v9 =	vadd.f32 v11, v10;
	v0 =	vadd.f32 v5, v0  }
0x26e: {  	v2 =	vadd.f32 v15, v2;
	v6 =	vadd.f32 v16, v6;
	v5 =	vld [tilespmem:s28+$0x100F0]  }
0x26f: {  	v50 =	vld [tilespmem:s28+$0xE8A0];
	v7 =	vadd.f32 v17, v7;
	v0 =	vadd.f32 v1, v0  }
0x270: {  	v8 =	vld [tilespmem:s28+$0xDC80];
	v2 =	vadd.f32 v21, v2;
	v6 =	vadd.f32 v22, v6  }
0x271: {  	v10 =	vld [tilespmem:s28+$0xDC90];
	v7 =	vadd.f32 v23, v7;
	v0 =	vadd.f32 v3, v0  }
0x272: {  	v11 =	vld [tilespmem:s28+$0xDCA0];
	v2 =	vadd.f32 v28, v2;
	v6 =	vadd.f32 v29, v6  }
0x273: {  	v55 =	vld [tilespmem:s28+$0xF480];
	v7 =	vadd.f32 v30, v7;
	v0 =	vadd.f32 v5, v0  }
0x274: {  	v2 =	vadd.f32 v35, v2;
	v6 =	vadd.f32 v36, v6;
	v3 =	vld [tilespmem:s28+$0xA0D0]  }
0x275: {  	v7 =	vadd.f32 v37, v7;
	v1 =	vld [tilespmem:s28+$0xA0C0];
	v0 =	vmul.f32 $1.000000010e-01, v0  }
0x276: {  	v2 =	vadd.f32 v8, v2;
	v6 =	vadd.f32 v10, v6;
	v5 =	vld [tilespmem:s28+$0xA0E0]  }
0x277: {  	v7 =	vadd.f32 v11, v7;
	[tilespmem:s28+$0x19CF0] =	vst v0;
	v0 =	vld [tilespmem:s28+$0xACB0]  }
0x278: {  	v51 =	vld [tilespmem:s28+$0xE8B0];
	v2 =	vadd.f32 v48, v2;
	v6 =	vadd.f32 v49, v6  }
0x279: {  	v52 =	vld [tilespmem:s28+$0xE8C0];
	v7 =	vadd.f32 v50, v7;
	v3 =	vadd.f32 v3, v13  }
0x27a: {  	v53 =	vld [tilespmem:s28+$0xE8D0];
	v2 =	vadd.f32 v55, v2;
	v1 =	vadd.f32 v1, v12  }
0x27b: {  	v54 =	vld [tilespmem:s28+$0xE8E0];
	v5 =	vadd.f32 v5, v14;
	v3 =	vadd.f32 v19, v3  }
0x27c: {  	v56 =	vld [tilespmem:s28+$0xF490];
	v1 =	vadd.f32 v18, v1;
	v0 =	vadd.f32 v0, v9  }
0x27d: {  	v57 =	vld [tilespmem:s28+$0xF4E0];
	v5 =	vadd.f32 v20, v5;
	v3 =	vadd.f32 v26, v3  }
0x27e: {  	v4 =	vld [tilespmem:s28+$0xD0E0];
	v1 =	vadd.f32 v25, v1;
	v0 =	vadd.f32 v24, v0  }
0x27f: {  	v9 =	vld [tilespmem:s28+$0xDCC0];
	v5 =	vadd.f32 v27, v5;
	v3 =	vadd.f32 v33, v3  }
0x280: {  	v58 =	vld [tilespmem:s28+$0x10080];
	v1 =	vadd.f32 v32, v1;
	v0 =	vadd.f32 v31, v0  }
0x281: {  	v59 =	vld [tilespmem:s28+$0x10090];
	v5 =	vadd.f32 v34, v5;
	v3 =	vadd.f32 v40, v3  }
0x282: {  	v10 =	vld [tilespmem:s28+$0xF4B0];
	v1 =	vadd.f32 v39, v1;
	v0 =	vadd.f32 v38, v0  }
0x283: {  	v4 =	vadd.f32 v4, v5;
	v5 =	vld [tilespmem:s28+$0xF4A0];
	v3 =	vadd.f32 v46, v3  }
0x284: {  	v1 =	vadd.f32 v9, v1;
	v9 =	vld [tilespmem:s28+$0xF4D0];
	v0 =	vadd.f32 v45, v0  }
0x285: {  	v61 =	vld [tilespmem:s28+$0x100A0];
	v62 =	vadd.f32 v56, v6;
	v4 =	vadd.f32 v47, v4  }
0x286: {  	v11 =	vld [tilespmem:s28+$0xF4C0];
	v60 =	vadd.f32 v53, v3;
	v0 =	vadd.f32 v51, v0  }
0x287: {  	v8 =	vld [tilespmem:s28+$0x100B0];
	v1 =	vadd.f32 v52, v1;
	v4 =	vadd.f32 v54, v4  }
0x288: {  	v63 =	vadd.f32 v5, v7;
	v7 =	vld [tilespmem:s28+$0x100C0];
	v6 =	vadd.f32 v10, v0  }
0x289: {  	v5 =	vld [tilespmem:s28+$0x100D0];
	v10 =	vadd.f32 v58, v2;
	v2 =	vadd.f32 v9, v60  }
0x28a: {  	s21 =	simm.s32 $0x80;
	v0 =	vadd.f32 v57, v4;
	v4 =	vld [tilespmem:s28+$0x100E0];
	v9 =	vadd.f32 v59, v62  }
0x28b: {  	s19 =	simm.s32 $0x400;
	v3 =	vadd.f32 v11, v1;
	v1 =	vld [tilespmem:s21+$0x94F0];
	v11 =	vmul.f32 $1.000000010e-01, v10;
	v10 =	vadd.f32 v61, v63  }
.LBB2_8:
0x28c: {  	p1 =	sne.s32 s19, $0x2E00;
	v12 =	vld [tilespmem:s21+$0xA0F0];
	v9 =	vmul.f32 $1.000000010e-01, v9;
	v6 =	vadd.f32 v8, v6  }
0x28d: {  	v8 =	vld [tilespmem:s21+$0x9480];
	[tilespmem:s28+$0x19C80] =	vst v11;
	v10 =	vmul.f32 $1.000000010e-01, v10;
	v3 =	vadd.f32 v7, v3  }
0x28e: {  	v7 =	vld [tilespmem:s21+$0xACF0];
	[tilespmem:s28+$0x19C90] =	vst v9;
	v6 =	vmul.f32 $1.000000010e-01, v6;
	v2 =	vadd.f32 v5, v2  }
0x28f: {  	v5 =	vld [tilespmem:s21+$0xA080];
	[tilespmem:s28+$0x19CA0] =	vst v10;
	v3 =	vmul.f32 $1.000000010e-01, v3;
	v0 =	vadd.f32 v4, v0  }
0x290: {  	v4 =	vld [tilespmem:s21+$0xB8F0];
	[tilespmem:s28+$0x19CB0] =	vst v6;
	v2 =	vmul.f32 $1.000000010e-01, v2  }
0x291: {  	v6 =	vld [tilespmem:s21+$0x9490];
	v1 =	vadd.f32 v12, v1;
	[tilespmem:s28+$0x19CC0] =	vst v3;
	v0 =	vmul.f32 $1.000000010e-01, v0  }
0x292: {  	v3 =	vld [tilespmem:s21+$0xC4F0];
	[tilespmem:s28+$0x19CD0] =	vst v2  }
0x293: {  	v2 =	vld [tilespmem:s21+$0xA090];
	v1 =	vadd.f32 v7, v1;
	[tilespmem:s28+$0x19CE0] =	vst v0;
	s28 =	smov.u32 s21  }
0x294: {  	v0 =	vadd.f32 v5, v8;
	v5 =	vld [tilespmem:s28+$0xD0F0]  }
0x295: {  	v7 =	vld [tilespmem:s28+$0x94A0];
	v1 =	vadd.f32 v4, v1  }
0x296: {  	v4 =	vld [tilespmem:s28+$0xDCF0]  }
0x297: {  	v8 =	vld [tilespmem:s28+$0xA0A0];
	v1 =	vadd.f32 v3, v1  }
0x298: {  	v2 =	vadd.f32 v2, v6;
	v3 =	vld [tilespmem:s28+$0xE8F0]  }
0x299: {  	v6 =	vld [tilespmem:s28+$0x94B0];
	v1 =	vadd.f32 v5, v1  }
0x29a: {  	v5 =	vld [tilespmem:s28+$0xF4F0]  }
0x29b: {  	v9 =	vld [tilespmem:s28+$0xA0B0];
	v1 =	vadd.f32 v4, v1  }
0x29c: {  	v4 =	vadd.f32 v8, v7;
	v7 =	vld [tilespmem:s28+$0x100F0]  }
0x29d: {  	v8 =	vld [tilespmem:s28+$0x94C0];
	v1 =	vadd.f32 v3, v1  }
0x29e: {  	v3 =	vld [tilespmem:s28+$0xA0C0]  }
0x29f: {  	v10 =	vld [tilespmem:s28+$0x94D0];
	v1 =	vadd.f32 v5, v1  }
0x2a0: {  	v5 =	vadd.f32 v9, v6;
	v6 =	vld [tilespmem:s28+$0xA0D0]  }
0x2a1: {  	v9 =	vld [tilespmem:s28+$0x94E0];
	v1 =	vadd.f32 v7, v1  }
0x2a2: {  	v7 =	vld [tilespmem:s28+$0xA0E0]  }
0x2a3: {  	v11 =	vld [tilespmem:s28+$0xAC80];
	v3 =	vadd.f32 v3, v8;
	v1 =	vmul.f32 $1.000000010e-01, v1  }
0x2a4: {  	v8 =	vld [tilespmem:s28+$0xAC90]  }
0x2a5: {  	v12 =	vld [tilespmem:s28+$0xACA0];
	v6 =	vadd.f32 v6, v10;
	[tilespmem:s28+$0x19CF0] =	vst v1  }
0x2a6: {  	v1 =	vld [tilespmem:s28+$0xACB0]  }
0x2a7: {  	v10 =	vld [tilespmem:s28+$0xACC0];
	v7 =	vadd.f32 v7, v9  }
0x2a8: {  	v0 =	vadd.f32 v11, v0;
	v9 =	vld [tilespmem:s28+$0xACD0]  }
0x2a9: {  	v2 =	vadd.f32 v8, v2;
	v8 =	vld [tilespmem:s28+$0xACE0]  }
0x2aa: {  	v11 =	vld [tilespmem:s28+$0xB880];
	v4 =	vadd.f32 v12, v4  }
0x2ab: {  	v12 =	vld [tilespmem:s28+$0xB890];
	v1 =	vadd.f32 v1, v5  }
0x2ac: {  	v5 =	vld [tilespmem:s28+$0xB8A0];
	v3 =	vadd.f32 v10, v3  }
0x2ad: {  	v10 =	vld [tilespmem:s28+$0xB8B0];
	v6 =	vadd.f32 v9, v6  }
0x2ae: {  	v9 =	vld [tilespmem:s28+$0xB8C0];
	v7 =	vadd.f32 v8, v7  }
0x2af: {  	v0 =	vadd.f32 v11, v0;
	v8 =	vld [tilespmem:s28+$0xB8D0]  }
0x2b0: {  	v2 =	vadd.f32 v12, v2;
	v11 =	vld [tilespmem:s28+$0xB8E0]  }
0x2b1: {  	v12 =	vld [tilespmem:s28+$0xC480];
	v4 =	vadd.f32 v5, v4  }
0x2b2: {  	v5 =	vld [tilespmem:s28+$0xC490];
	v1 =	vadd.f32 v10, v1  }
0x2b3: {  	v10 =	vld [tilespmem:s28+$0xC4A0];
	v3 =	vadd.f32 v9, v3  }
0x2b4: {  	v9 =	vld [tilespmem:s28+$0xC4B0];
	v6 =	vadd.f32 v8, v6  }
0x2b5: {  	v8 =	vld [tilespmem:s28+$0xC4C0];
	v7 =	vadd.f32 v11, v7  }
0x2b6: {  	v0 =	vadd.f32 v12, v0;
	v11 =	vld [tilespmem:s28+$0xC4D0]  }
0x2b7: {  	v2 =	vadd.f32 v5, v2;
	v5 =	vld [tilespmem:s28+$0xC4E0]  }
0x2b8: {  	v12 =	vld [tilespmem:s28+$0xD080];
	v4 =	vadd.f32 v10, v4  }
0x2b9: {  	v10 =	vld [tilespmem:s28+$0xD090];
	v1 =	vadd.f32 v9, v1  }
0x2ba: {  	v9 =	vld [tilespmem:s28+$0xD0A0];
	v3 =	vadd.f32 v8, v3  }
0x2bb: {  	v8 =	vld [tilespmem:s28+$0xD0B0];
	v6 =	vadd.f32 v11, v6  }
0x2bc: {  	v11 =	vld [tilespmem:s28+$0xD0C0];
	v5 =	vadd.f32 v5, v7  }
0x2bd: {  	v0 =	vadd.f32 v12, v0;
	v7 =	vld [tilespmem:s28+$0xD0D0]  }
0x2be: {  	v2 =	vadd.f32 v10, v2;
	v10 =	vld [tilespmem:s28+$0xD0E0]  }
0x2bf: {  	v12 =	vld [tilespmem:s28+$0xDC80];
	v4 =	vadd.f32 v9, v4  }
0x2c0: {  	v9 =	vld [tilespmem:s28+$0xDC90];
	v1 =	vadd.f32 v8, v1  }
0x2c1: {  	v8 =	vld [tilespmem:s28+$0xDCA0];
	v3 =	vadd.f32 v11, v3  }
0x2c2: {  	v11 =	vld [tilespmem:s28+$0xDCB0];
	v6 =	vadd.f32 v7, v6  }
0x2c3: {  	v7 =	vld [tilespmem:s28+$0xDCC0];
	v5 =	vadd.f32 v10, v5  }
0x2c4: {  	v0 =	vadd.f32 v12, v0;
	v10 =	vld [tilespmem:s28+$0xDCD0]  }
0x2c5: {  	v2 =	vadd.f32 v9, v2;
	v9 =	vld [tilespmem:s28+$0xDCE0]  }
0x2c6: {  	v12 =	vld [tilespmem:s28+$0xE880];
	v4 =	vadd.f32 v8, v4  }
0x2c7: {  	v8 =	vld [tilespmem:s28+$0xE890];
	v1 =	vadd.f32 v11, v1  }
0x2c8: {  	v11 =	vld [tilespmem:s28+$0xE8A0];
	v3 =	vadd.f32 v7, v3  }
0x2c9: {  	v7 =	vld [tilespmem:s28+$0xE8B0];
	v6 =	vadd.f32 v10, v6  }
0x2ca: {  	v10 =	vld [tilespmem:s28+$0xE8C0];
	v5 =	vadd.f32 v9, v5  }
0x2cb: {  	v0 =	vadd.f32 v12, v0;
	v9 =	vld [tilespmem:s28+$0xE8D0]  }
0x2cc: {  	v2 =	vadd.f32 v8, v2;
	v8 =	vld [tilespmem:s28+$0xE8E0]  }
0x2cd: {  	v12 =	vld [tilespmem:s28+$0xF480];
	v4 =	vadd.f32 v11, v4  }
0x2ce: {  	v11 =	vld [tilespmem:s28+$0xF490];
	v1 =	vadd.f32 v7, v1  }
0x2cf: {  	v7 =	vld [tilespmem:s28+$0xF4A0];
	v3 =	vadd.f32 v10, v3  }
0x2d0: {  	v10 =	vld [tilespmem:s28+$0xF4B0];
	v9 =	vadd.f32 v9, v6  }
0x2d1: {  	v13 =	vld [tilespmem:s28+$0xF4C0];
	v5 =	vadd.f32 v8, v5  }
0x2d2: {  	v12 =	vadd.f32 v12, v0;
	v0 =	vld [tilespmem:s28+$0xF4D0]  }
0x2d3: {  	v11 =	vadd.f32 v11, v2;
	v14 =	vld [tilespmem:s28+$0xF4E0]  }
0x2d4: {  	v15 =	vld [tilespmem:s28+$0x10080];
	v16 =	vadd.f32 v7, v4  }
0x2d5: {  	v4 =	vld [tilespmem:s28+$0x10090];
	v6 =	vadd.f32 v10, v1  }
0x2d6: {  	v10 =	vld [tilespmem:s28+$0x100A0];
	v3 =	vadd.f32 v13, v3  }
.Ltmp3:
0x2d7: {  	v8 =	vld [tilespmem:s28+$0x100B0];
	v2 =	vadd.f32 v0, v9;
	(pc) =	sbr.rel @p1 .LBB2_8-.Ltmp3, $4  }
0x2d8: {  	v7 =	vld [tilespmem:s28+$0x100C0];
	v0 =	vadd.f32 v14, v5  }
0x2d9: {  	v12 =	vadd.f32 v15, v12;
	v5 =	vld [tilespmem:s28+$0x100D0]  }
0x2da: {  	s21 =	sshra.s32 s19, $0x2;
	v9 =	vadd.f32 v4, v11;
	v4 =	vld [tilespmem:s28+$0x100E0]  }
0x2db: {  	s19 =	sadd.s32 $0x200, s19;
	v1 =	vld [tilespmem:s21+$0x94F0];
	v11 =	vmul.f32 $1.000000010e-01, v12;
	v10 =	vadd.f32 v10, v16  }
0x2dc: {  	v12 =	vld [tilespmem:s21+$0xA0F0];
	v9 =	vmul.f32 $1.000000010e-01, v9;
	v6 =	vadd.f32 v8, v6  }
0x2dd: {  	v13 =	vld [tilespmem:s21+$0x9480];
	[tilespmem:s28+$0x19C80] =	vst v11;
	v57 =	vmul.f32 $1.000000010e-01, v10;
	v3 =	vadd.f32 v7, v3  }
0x2de: {  	v11 =	vld [tilespmem:s21+$0xACF0];
	[tilespmem:s28+$0x19C90] =	vst v9;
	v6 =	vmul.f32 $1.000000010e-01, v6;
	v2 =	vadd.f32 v5, v2  }
0x2df: {  	v9 =	vld [tilespmem:s21+$0xA080];
	[tilespmem:s28+$0x19CA0] =	vst v57;
	v3 =	vmul.f32 $1.000000010e-01, v3;
	v0 =	vadd.f32 v4, v0  }
0x2e0: {  	v58 =	vld [tilespmem:s21+$0xB8F0];
	[tilespmem:s28+$0x19CB0] =	vst v6;
	v2 =	vmul.f32 $1.000000010e-01, v2  }
0x2e1: {  	v59 =	vld [tilespmem:s21+$0x9490];
	[tilespmem:s28+$0x19CC0] =	vst v3;
	v0 =	vmul.f32 $1.000000010e-01, v0  }
0x2e2: {  	v3 =	vld [tilespmem:s21+$0xC4F0];
	[tilespmem:s28+$0x19CD0] =	vst v2  }
0x2e3: {  	v2 =	vld [tilespmem:s21+$0xA090];
	[tilespmem:s28+$0x19CE0] =	vst v0  }
0x2e4: {  	v61 =	vld [tilespmem:s21+$0xD0F0]  }
0x2e5: {  	v62 =	vld [tilespmem:s21+$0x94A0]  }
0x2e6: {  	v6 =	vld [tilespmem:s21+$0xDCF0]  }
0x2e7: {  	v63 =	vld [tilespmem:s21+$0xA0A0]  }
0x2e8: {  	v42 =	vld [tilespmem:s21+$0xE8F0]  }
0x2e9: {  	v8 =	vld [tilespmem:s21+$0x94B0]  }
0x2ea: {  	v43 =	vld [tilespmem:s21+$0xF4F0]  }
0x2eb: {  	v44 =	vld [tilespmem:s21+$0xA0B0]  }
0x2ec: {  	v45 =	vld [tilespmem:s21+$0x100F0]  }
0x2ed: {  	v46 =	vld [tilespmem:s21+$0x94C0]  }
0x2ee: {  	v47 =	vld [tilespmem:s21+$0xA0C0]  }
0x2ef: {  	v48 =	vld [tilespmem:s21+$0x94D0]  }
0x2f0: {  	v49 =	vld [tilespmem:s21+$0xA0D0]  }
0x2f1: {  	v14 =	vld [tilespmem:s21+$0x94E0]  }
0x2f2: {  	v50 =	vld [tilespmem:s21+$0xA0E0]  }
0x2f3: {  	v15 =	vld [tilespmem:s21+$0xAC80]  }
0x2f4: {  	v16 =	vld [tilespmem:s21+$0xAC90]  }
0x2f5: {  	v17 =	vld [tilespmem:s21+$0xACA0]  }
0x2f6: {  	v51 =	vld [tilespmem:s21+$0xACB0]  }
0x2f7: {  	v18 =	vld [tilespmem:s21+$0xACC0]  }
0x2f8: {  	v19 =	vld [tilespmem:s21+$0xACD0]  }
0x2f9: {  	v20 =	vld [tilespmem:s21+$0xACE0]  }
0x2fa: {  	v21 =	vld [tilespmem:s21+$0xB880]  }
0x2fb: {  	v22 =	vld [tilespmem:s21+$0xB890]  }
0x2fc: {  	v23 =	vld [tilespmem:s21+$0xB8A0]  }
0x2fd: {  	v24 =	vld [tilespmem:s21+$0xB8B0]  }
0x2fe: {  	v25 =	vld [tilespmem:s21+$0xB8C0]  }
0x2ff: {  	v26 =	vld [tilespmem:s21+$0xB8D0]  }
0x300: {  	v27 =	vld [tilespmem:s21+$0xB8E0]  }
0x301: {  	v28 =	vld [tilespmem:s21+$0xC480]  }
0x302: {  	v29 =	vld [tilespmem:s21+$0xC490]  }
0x303: {  	v30 =	vld [tilespmem:s21+$0xC4A0]  }
0x304: {  	v31 =	vld [tilespmem:s21+$0xC4B0]  }
0x305: {  	v32 =	vld [tilespmem:s21+$0xC4C0]  }
0x306: {  	v1 =	vadd.f32 v12, v1;
	v33 =	vld [tilespmem:s21+$0xC4D0]  }
0x307: {  	v34 =	vld [tilespmem:s21+$0xC4E0]  }
0x308: {  	v60 =	vadd.f32 v11, v1;
	v35 =	vld [tilespmem:s21+$0xD080]  }
0x309: {  	v36 =	vld [tilespmem:s21+$0xD090]  }
0x30a: {  	v37 =	vld [tilespmem:s21+$0xD0A0];
	v0 =	vadd.f32 v58, v60  }
0x30b: {  	v38 =	vld [tilespmem:s21+$0xD0B0]  }
0x30c: {  	v39 =	vld [tilespmem:s21+$0xD0C0];
	v0 =	vadd.f32 v3, v0  }
0x30d: {  	v40 =	vld [tilespmem:s21+$0xD0D0];
	v9 =	vadd.f32 v9, v13;
	v2 =	vadd.f32 v2, v59  }
0x30e: {  	v41 =	vld [tilespmem:s21+$0xD0E0];
	v0 =	vadd.f32 v61, v0;
	v4 =	vadd.f32 v63, v62  }
0x30f: {  	v52 =	vld [tilespmem:s21+$0xDC80];
	v54 =	vadd.f32 v44, v8;
	v3 =	vadd.f32 v47, v46  }
0x310: {  	v53 =	vld [tilespmem:s21+$0xDC90];
	v1 =	vadd.f32 v49, v48;
	v9 =	vadd.f32 v15, v9  }
0x311: {  	v55 =	vld [tilespmem:s21+$0xDCA0];
	v2 =	vadd.f32 v16, v2;
	v0 =	vadd.f32 v6, v0  }
0x312: {  	v56 =	vld [tilespmem:s21+$0xDCB0];
	v6 =	vadd.f32 v50, v14;
	v4 =	vadd.f32 v17, v4  }
0x313: {  	v57 =	vld [tilespmem:s21+$0xDCC0];
	v3 =	vadd.f32 v18, v3;
	v1 =	vadd.f32 v19, v1  }
0x314: {  	v58 =	vld [tilespmem:s21+$0xDCD0];
	v9 =	vadd.f32 v21, v9;
	v2 =	vadd.f32 v22, v2  }
0x315: {  	v60 =	vld [tilespmem:s21+$0xE880];
	v0 =	vadd.f32 v42, v0;
	v6 =	vadd.f32 v20, v6  }
0x316: {  	v59 =	vld [tilespmem:s21+$0xDCE0];
	v4 =	vadd.f32 v23, v4;
	v3 =	vadd.f32 v25, v3  }
0x317: {  	v61 =	vld [tilespmem:s21+$0xE890];
	v1 =	vadd.f32 v26, v1;
	v9 =	vadd.f32 v28, v9  }
0x318: {  	v62 =	vld [tilespmem:s21+$0xE8A0];
	v2 =	vadd.f32 v29, v2;
	v0 =	vadd.f32 v43, v0  }
0x319: {  	v63 =	vld [tilespmem:s21+$0xE8B0];
	v6 =	vadd.f32 v27, v6;
	v4 =	vadd.f32 v30, v4  }
0x31a: {  	v44 =	vld [tilespmem:s21+$0xE8E0];
	v3 =	vadd.f32 v32, v3;
	v1 =	vadd.f32 v33, v1  }
0x31b: {  	v46 =	vld [tilespmem:s21+$0xF490];
	v9 =	vadd.f32 v35, v9;
	v2 =	vadd.f32 v36, v2  }
0x31c: {  	v47 =	vld [tilespmem:s21+$0xF4A0];
	v0 =	vadd.f32 v45, v0;
	v6 =	vadd.f32 v34, v6  }
0x31d: {  	v48 =	vld [tilespmem:s21+$0xF4B0];
	v4 =	vadd.f32 v37, v4;
	v3 =	vadd.f32 v39, v3  }
0x31e: {  	v49 =	vld [tilespmem:s21+$0xF4C0];
	v1 =	vadd.f32 v40, v1;
	v9 =	vadd.f32 v52, v9  }
0x31f: {  	v42 =	vld [tilespmem:s21+$0xE8C0];
	v2 =	vadd.f32 v53, v2;
	v0 =	vmul.f32 $1.000000010e-01, v0;
	v6 =	vadd.f32 v41, v6  }
0x320: {  	v43 =	vld [tilespmem:s21+$0xE8D0];
	v4 =	vadd.f32 v55, v4;
	v3 =	vadd.f32 v57, v3  }
0x321: {  	v45 =	vld [tilespmem:s21+$0xF480];
	v1 =	vadd.f32 v58, v1;
	[tilespmem:s21+$0x19CF0] =	vst v0;
	v0 =	vadd.f32 v51, v54  }
0x322: {  	v50 =	vld [tilespmem:s21+$0xF4D0];
	v9 =	vadd.f32 v60, v9;
	v2 =	vadd.f32 v61, v2  }
0x323: {  	v52 =	vld [tilespmem:s21+$0x10080];
	v6 =	vadd.f32 v59, v6;
	v0 =	vadd.f32 v24, v0  }
0x324: {  	v53 =	vld [tilespmem:s21+$0x10090];
	v4 =	vadd.f32 v62, v4;
	v3 =	vadd.f32 v42, v3  }
0x325: {  	v57 =	vld [tilespmem:s21+$0x100D0];
	v1 =	vadd.f32 v43, v1;
	v0 =	vadd.f32 v31, v0  }
0x326: {  	v51 =	vld [tilespmem:s21+$0xF4E0];
	v9 =	vadd.f32 v45, v9;
	v2 =	vadd.f32 v46, v2  }
0x327: {  	v54 =	vld [tilespmem:s21+$0x100A0];
	v6 =	vadd.f32 v44, v6;
	v0 =	vadd.f32 v38, v0  }
0x328: {  	v58 =	vld [tilespmem:s21+$0x100E0];
	v4 =	vadd.f32 v47, v4;
	v1 =	vadd.f32 v50, v1  }
0x329: {  	v9 =	vadd.f32 v52, v9;
	v0 =	vadd.f32 v56, v0;
	v56 =	vld [tilespmem:s21+$0x100C0]  }
0x32a: {  	v55 =	vld [tilespmem:s21+$0x100B0];
	v2 =	vadd.f32 v53, v2;
	v1 =	vadd.f32 v57, v1  }
0x32b: {  	v59 =	vmul.f32 $1.000000010e-01, v9;
	v6 =	vadd.f32 v51, v6;
	v0 =	vadd.f32 v63, v0  }
0x32c: {  	v3 =	vadd.f32 v49, v3;
	v4 =	vadd.f32 v54, v4;
	v2 =	vmul.f32 $1.000000010e-01, v2  }
0x32d: {  	v62 =	vmul.f32 $1.000000010e-01, v1;
	[tilespmem:s21+$0x19C80] =	vst v59;
	v61 =	vadd.f32 v58, v6;
	v0 =	vadd.f32 v48, v0  }
0x32e: {  	v4 =	vmul.f32 $1.000000010e-01, v4;
	[tilespmem:s21+$0x19C90] =	vst v2;
	v3 =	vadd.f32 v56, v3  }
0x32f: {  	[tilespmem:s21+$0x19CD0] =	vst v62;
	v63 =	vmul.f32 $1.000000010e-01, v61;
	v0 =	vadd.f32 v55, v0  }
0x330: {  	s12 =	sadd.s32 s26, s20;
	[tilespmem:s21+$0x19CA0] =	vst v4;
	v60 =	vmul.f32 $1.000000010e-01, v3  }
0x331: {  	s12 =	smul.u32 $0x180, s12;
	[tilespmem:s21+$0x19CE0] =	vst v63;
	v0 =	vmul.f32 $1.000000010e-01, v0  }
0x332: {  	[tilespmem:s21+$0x19CC0] =	vst v60  }
0x333: {  	s19 =	sadd.s32 s5, s12;
	[tilespmem:s21+$0x19CB0] =	vst v0  }
0x334: {  	[hbm4b:s19+s4] =	stream.linear.scatter [tilespmem:s2], [sflag:$0x7], $0xC00, $0x200038;
	[tilespmem:$0x1B480] =	vst v63  }
.Ltmp4:
0x335: {  	s12 =	sadd.s32 s6, s12;
	(pc) =	sbr.rel @!p0 .LBB2_10-.Ltmp4, $4  }
0x336: {  	[hbm4b:s12+s4] =	stream.linear.scatter [tilespmem:s15], [sflag:$0x7], $0xC00, $0x200038;
	[tilespmem:$0x1B480] =	vst v63  }
0x337: {  	_ =	swait.ge [sflag:s16], $0x8400  }
0x338: {  	[sflag:s16] =	ssyncset.done $0x0  }
0x339: {  	[sflag:s16] =	ssyncadd.s32 $0xFFFF7C00  }
0x33a: {  	_ =	swait.ge [sflag:s14], $0xC00  }
.Ltmp5:
0x33b: {  	[sflag:s14] =	ssyncset.done $0x0;
	(pc) =	sbr.rel .LBB2_12-.Ltmp5, $4  }
0x33c: {  	[sflag:s14] =	ssyncadd.s32 $0xFFFFF400  }
0x33d: {  	_ =	swait.ge [sflag:s14], $0xC00  }
0x33e: {  	[sflag:s14] =	ssyncset.done $0x0  }
0x33f: {  	[sflag:s14] =	ssyncadd.s32 $0xFFFFF400  }
.LBB2_10:
0x340: {  	s12 =	sld [smem:$0x7FD];
	_ =	sdelay $0x2  }
0x341: {  	s12 =	sadd.s32 s26, s12  }
0x342: {  	s12 =	smul.u32 $0x18, s12;
	_ =	sdelay $0x1  }
0x343: {  	s12 =	sshrl.u32 s12, $0x3  }
0x344: {  	s12 =	sadd.s32 s1, s12  }
0x345: {  	[tilespmem:s11], [sflag:$0x6] =	stream.linear.gather [hbm4b:s12+s4], $0x18, $0x200038;
	[tilespmem:$0x1B480] =	vst v63  }
0x346: {  	s21 =	simm.s32 $0x318;
	s19 =	sadd.s32 $0x18C0, s12  }
0x347: {  	[tilespmem:s21], [sflag:$0x6] =	stream.linear.gather [hbm4b:s19+s4], $0x18, $0x200038;
	[tilespmem:$0x1B480] =	vst v63  }
0x348: {  	s28 =	simm.s32 $0x330;
	s21 =	sadd.s32 $0x3180, s12  }
0x349: {  	[tilespmem:s28], [sflag:$0x6] =	stream.linear.gather [hbm4b:s21+s4], $0x18, $0x200038;
	[tilespmem:$0x1B480] =	vst v63  }
0x34a: {  	s21 =	sadd.s32 $0x4A40, s12;
	s28 =	simm.s32 $0x348  }
0x34b: {  	[tilespmem:s28], [sflag:$0x6] =	stream.linear.gather [hbm4b:s21+s4], $0x18, $0x200038;
	[tilespmem:$0x1B480] =	vst v63  }
0x34c: {  	s21 =	sadd.s32 $0x6300, s12;
	s28 =	simm.s32 $0x360  }
0x34d: {  	[tilespmem:s28], [sflag:$0x6] =	stream.linear.gather [hbm4b:s21+s4], $0x18, $0x200038;
	[tilespmem:$0x1B480] =	vst v63  }
0x34e: {  	s21 =	sadd.s32 $0x7BC0, s12;
	s28 =	simm.s32 $0x378  }
0x34f: {  	[tilespmem:s28], [sflag:$0x6] =	stream.linear.gather [hbm4b:s21+s4], $0x18, $0x200038;
	[tilespmem:$0x1B480] =	vst v63  }
0x350: {  	s21 =	sadd.s32 $0x9480, s12;
	s28 =	simm.s32 $0x390  }
0x351: {  	[tilespmem:s28], [sflag:$0x6] =	stream.linear.gather [hbm4b:s21+s4], $0x18, $0x200038;
	[tilespmem:$0x1B480] =	vst v63  }
0x352: {  	s21 =	sadd.s32 $0xAD40, s12;
	s28 =	simm.s32 $0x3A8  }
0x353: {  	[tilespmem:s28], [sflag:$0x6] =	stream.linear.gather [hbm4b:s21+s4], $0x18, $0x200038;
	[tilespmem:$0x1B480] =	vst v63  }
0x354: {  	s21 =	sadd.s32 $0xC600, s12;
	s28 =	simm.s32 $0x3C0  }
0x355: {  	[tilespmem:s28], [sflag:$0x6] =	stream.linear.gather [hbm4b:s21+s4], $0x18, $0x200038;
	[tilespmem:$0x1B480] =	vst v63  }
0x356: {  	s21 =	sadd.s32 $0xDEC0, s12;
	s28 =	simm.s32 $0x3D8  }
0x357: {  	[tilespmem:s28], [sflag:$0x6] =	stream.linear.gather [hbm4b:s21+s4], $0x18, $0x200038;
	[tilespmem:$0x1B480] =	vst v63  }
0x358: {  	s12 =	sadd.s32 $0xF780, s12;
	s28 =	simm.s32 $0x3F0  }
0x359: {  	[tilespmem:s28], [sflag:$0x6] =	stream.linear.gather [hbm4b:s12+s4], $0x18, $0x200038;
	[tilespmem:$0x1B480] =	vst v63  }
0x35a: {  	_ =	swait.ge [sflag:s14], $0xC00  }
0x35b: {  	[sflag:s14] =	ssyncset.done $0x0  }
0x35c: {  	[sflag:s14] =	ssyncadd.s32 $0xFFFFF400  }
0x35d: {  	_ =	swait.ge [sflag:s14], $0xC00  }
0x35e: {  	[sflag:s14] =	ssyncset.done $0x0  }
0x35f: {  	[sflag:s14] =	ssyncadd.s32 $0xFFFFF400  }
0x360: {  	_ =	swait.ge [sflag:s31], $0x18  }
0x361: {  	[sflag:s31] =	ssyncset.done $0x0  }
0x362: {  	[sflag:s31] =	ssyncadd.s32 $0xFFFFFFE8  }
0x363: {  	_ =	swait.ge [sflag:s31], $0x18  }
0x364: {  	[sflag:s31] =	ssyncset.done $0x0  }
0x365: {  	[sflag:s31] =	ssyncadd.s32 $0xFFFFFFE8  }
0x366: {  	_ =	swait.ge [sflag:s31], $0x18  }
0x367: {  	[sflag:s31] =	ssyncset.done $0x0  }
0x368: {  	[sflag:s31] =	ssyncadd.s32 $0xFFFFFFE8  }
0x369: {  	_ =	swait.ge [sflag:s31], $0x18  }
0x36a: {  	[sflag:s31] =	ssyncset.done $0x0  }
0x36b: {  	[sflag:s31] =	ssyncadd.s32 $0xFFFFFFE8  }
0x36c: {  	_ =	swait.ge [sflag:s31], $0x18  }
0x36d: {  	[sflag:s31] =	ssyncset.done $0x0  }
0x36e: {  	[sflag:s31] =	ssyncadd.s32 $0xFFFFFFE8  }
0x36f: {  	_ =	swait.ge [sflag:s31], $0x18  }
0x370: {  	[sflag:s31] =	ssyncset.done $0x0  }
0x371: {  	[sflag:s31] =	ssyncadd.s32 $0xFFFFFFE8  }
0x372: {  	_ =	swait.ge [sflag:s31], $0x18  }
0x373: {  	[sflag:s31] =	ssyncset.done $0x0  }
0x374: {  	[sflag:s31] =	ssyncadd.s32 $0xFFFFFFE8  }
0x375: {  	_ =	swait.ge [sflag:s31], $0x18  }
0x376: {  	[sflag:s31] =	ssyncset.done $0x0  }
0x377: {  	[sflag:s31] =	ssyncadd.s32 $0xFFFFFFE8  }
0x378: {  	_ =	swait.ge [sflag:s31], $0x18  }
0x379: {  	[sflag:s31] =	ssyncset.done $0x0  }
0x37a: {  	[sflag:s31] =	ssyncadd.s32 $0xFFFFFFE8  }
0x37b: {  	_ =	swait.ge [sflag:s31], $0x18  }
0x37c: {  	[sflag:s31] =	ssyncset.done $0x0  }
0x37d: {  	[sflag:s31] =	ssyncadd.s32 $0xFFFFFFE8  }
0x37e: {  	_ =	swait.ge [sflag:s31], $0x18  }
0x37f: {  	[sflag:s31] =	ssyncset.done $0x0  }
0x380: {  	[sflag:s31] =	ssyncadd.s32 $0xFFFFFFE8  }
0x381: {  	[tilespmem:s2], [sflag:$0x2] =	stream.indirect.gather [hbm4b:s3+s29], $0x80, s24, s29, $0x2000b8;
	[tilespmem:$0x1B480] =	vst v63  }
.LBB2_12:
0x382: {  	s28 =	simm.s32 $0x0  }
0x383: {  	v0 =	vld [tilespmem:s28+$0x118F0]  }
0x384: {  	v1 =	vld [tilespmem:s28+$0x124F0]  }
0x385: {  	v2 =	vld [tilespmem:s28+$0x11880]  }
0x386: {  	v3 =	vld [tilespmem:s28+$0x130F0]  }
0x387: {  	v4 =	vld [tilespmem:s28+$0x12480]  }
0x388: {  	v5 =	vld [tilespmem:s28+$0x13CF0]  }
0x389: {  	v6 =	vld [tilespmem:s28+$0x11890]  }
0x38a: {  	v7 =	vld [tilespmem:s28+$0x12490]  }
0x38b: {  	v8 =	vld [tilespmem:s28+$0x118A0]  }
0x38c: {  	v9 =	vld [tilespmem:s28+$0x124A0]  }
0x38d: {  	v10 =	vld [tilespmem:s28+$0x118B0]  }
0x38e: {  	v11 =	vld [tilespmem:s28+$0x124B0]  }
0x38f: {  	v12 =	vld [tilespmem:s28+$0x118C0]  }
0x390: {  	v13 =	vld [tilespmem:s28+$0x118D0]  }
0x391: {  	v14 =	vld [tilespmem:s28+$0x118E0]  }
0x392: {  	v15 =	vld [tilespmem:s28+$0x13080]  }
0x393: {  	v16 =	vld [tilespmem:s28+$0x13090]  }
0x394: {  	v17 =	vld [tilespmem:s28+$0x130A0]  }
0x395: {  	v18 =	vld [tilespmem:s28+$0x130C0]  }
0x396: {  	v19 =	vld [tilespmem:s28+$0x130D0]  }
0x397: {  	v20 =	vld [tilespmem:s28+$0x130E0]  }
0x398: {  	v21 =	vld [tilespmem:s28+$0x13C80]  }
0x399: {  	v22 =	vld [tilespmem:s28+$0x13C90]  }
0x39a: {  	v23 =	vld [tilespmem:s28+$0x13CA0]  }
0x39b: {  	v24 =	vld [tilespmem:s28+$0x13CB0]  }
0x39c: {  	v25 =	vld [tilespmem:s28+$0x13CC0]  }
0x39d: {  	v26 =	vld [tilespmem:s28+$0x13CD0]  }
0x39e: {  	v27 =	vld [tilespmem:s28+$0x13CE0]  }
0x39f: {  	v28 =	vld [tilespmem:s28+$0x14880]  }
0x3a0: {  	v29 =	vld [tilespmem:s28+$0x14890]  }
0x3a1: {  	v30 =	vld [tilespmem:s28+$0x148A0]  }
0x3a2: {  	v31 =	vld [tilespmem:s28+$0x148B0]  }
0x3a3: {  	v32 =	vld [tilespmem:s28+$0x148C0]  }
0x3a4: {  	v33 =	vld [tilespmem:s28+$0x148D0]  }
0x3a5: {  	v34 =	vld [tilespmem:s28+$0x148E0]  }
0x3a6: {  	v35 =	vld [tilespmem:s28+$0x15480]  }
0x3a7: {  	v36 =	vld [tilespmem:s28+$0x15490]  }
0x3a8: {  	v37 =	vld [tilespmem:s28+$0x154A0]  }
0x3a9: {  	v38 =	vld [tilespmem:s28+$0x154B0]  }
0x3aa: {  	v39 =	vld [tilespmem:s28+$0x154C0]  }
0x3ab: {  	v40 =	vld [tilespmem:s28+$0x154D0];
	v0 =	vadd.f32 v1, v0  }
0x3ac: {  	v1 =	vld [tilespmem:s28+$0x148F0]  }
0x3ad: {  	v45 =	vld [tilespmem:s28+$0x160B0];
	v0 =	vadd.f32 v3, v0  }
0x3ae: {  	v3 =	vld [tilespmem:s28+$0x154F0]  }
0x3af: {  	v46 =	vld [tilespmem:s28+$0x160D0];
	v0 =	vadd.f32 v5, v0  }
0x3b0: {  	v5 =	vld [tilespmem:s28+$0x160F0]  }
0x3b1: {  	v47 =	vld [tilespmem:s28+$0x160E0];
	v0 =	vadd.f32 v1, v0  }
0x3b2: {  	v1 =	vld [tilespmem:s28+$0x16CF0]  }
0x3b3: {  	v48 =	vld [tilespmem:s28+$0x16C80];
	v2 =	vadd.f32 v4, v2;
	v0 =	vadd.f32 v3, v0  }
0x3b4: {  	v6 =	vadd.f32 v7, v6;
	v7 =	vadd.f32 v9, v8;
	v3 =	vld [tilespmem:s28+$0x178F0]  }
0x3b5: {  	v49 =	vld [tilespmem:s28+$0x16C90];
	v9 =	vadd.f32 v11, v10;
	v0 =	vadd.f32 v5, v0  }
0x3b6: {  	v2 =	vadd.f32 v15, v2;
	v6 =	vadd.f32 v16, v6;
	v5 =	vld [tilespmem:s28+$0x184F0]  }
0x3b7: {  	v50 =	vld [tilespmem:s28+$0x16CA0];
	v7 =	vadd.f32 v17, v7;
	v0 =	vadd.f32 v1, v0  }
0x3b8: {  	v8 =	vld [tilespmem:s28+$0x16080];
	v2 =	vadd.f32 v21, v2;
	v6 =	vadd.f32 v22, v6  }
0x3b9: {  	v10 =	vld [tilespmem:s28+$0x16090];
	v7 =	vadd.f32 v23, v7;
	v0 =	vadd.f32 v3, v0  }
0x3ba: {  	v11 =	vld [tilespmem:s28+$0x160A0];
	v2 =	vadd.f32 v28, v2;
	v6 =	vadd.f32 v29, v6  }
0x3bb: {  	v55 =	vld [tilespmem:s28+$0x17880];
	v7 =	vadd.f32 v30, v7;
	v0 =	vadd.f32 v5, v0  }
0x3bc: {  	v2 =	vadd.f32 v35, v2;
	v6 =	vadd.f32 v36, v6;
	v3 =	vld [tilespmem:s28+$0x124D0]  }
0x3bd: {  	v7 =	vadd.f32 v37, v7;
	v1 =	vld [tilespmem:s28+$0x124C0];
	v0 =	vmul.f32 $1.000000010e-01, v0  }
0x3be: {  	v2 =	vadd.f32 v8, v2;
	v6 =	vadd.f32 v10, v6;
	v5 =	vld [tilespmem:s28+$0x124E0]  }
0x3bf: {  	v7 =	vadd.f32 v11, v7;
	[tilespmem:s28+$0x1A8F0] =	vst v0;
	v0 =	vld [tilespmem:s28+$0x130B0]  }
0x3c0: {  	v51 =	vld [tilespmem:s28+$0x16CB0];
	v2 =	vadd.f32 v48, v2;
	v6 =	vadd.f32 v49, v6  }
0x3c1: {  	v52 =	vld [tilespmem:s28+$0x16CC0];
	v7 =	vadd.f32 v50, v7;
	v3 =	vadd.f32 v3, v13  }
0x3c2: {  	v53 =	vld [tilespmem:s28+$0x16CD0];
	v2 =	vadd.f32 v55, v2;
	v1 =	vadd.f32 v1, v12  }
0x3c3: {  	v54 =	vld [tilespmem:s28+$0x16CE0];
	v5 =	vadd.f32 v5, v14;
	v3 =	vadd.f32 v19, v3  }
0x3c4: {  	v56 =	vld [tilespmem:s28+$0x17890];
	v1 =	vadd.f32 v18, v1;
	v0 =	vadd.f32 v0, v9  }
0x3c5: {  	v57 =	vld [tilespmem:s28+$0x178E0];
	v5 =	vadd.f32 v20, v5;
	v3 =	vadd.f32 v26, v3  }
0x3c6: {  	v4 =	vld [tilespmem:s28+$0x154E0];
	v1 =	vadd.f32 v25, v1;
	v0 =	vadd.f32 v24, v0  }
0x3c7: {  	v9 =	vld [tilespmem:s28+$0x160C0];
	v5 =	vadd.f32 v27, v5;
	v3 =	vadd.f32 v33, v3  }
0x3c8: {  	v58 =	vld [tilespmem:s28+$0x18480];
	v1 =	vadd.f32 v32, v1;
	v0 =	vadd.f32 v31, v0  }
0x3c9: {  	v59 =	vld [tilespmem:s28+$0x18490];
	v5 =	vadd.f32 v34, v5;
	v3 =	vadd.f32 v40, v3  }
0x3ca: {  	v10 =	vld [tilespmem:s28+$0x178B0];
	v1 =	vadd.f32 v39, v1;
	v0 =	vadd.f32 v38, v0  }
0x3cb: {  	v4 =	vadd.f32 v4, v5;
	v5 =	vld [tilespmem:s28+$0x178A0];
	v3 =	vadd.f32 v46, v3  }
0x3cc: {  	v1 =	vadd.f32 v9, v1;
	v9 =	vld [tilespmem:s28+$0x178D0];
	v0 =	vadd.f32 v45, v0  }
0x3cd: {  	v61 =	vld [tilespmem:s28+$0x184A0];
	v62 =	vadd.f32 v56, v6;
	v4 =	vadd.f32 v47, v4  }
0x3ce: {  	v11 =	vld [tilespmem:s28+$0x178C0];
	v60 =	vadd.f32 v53, v3;
	v0 =	vadd.f32 v51, v0  }
0x3cf: {  	v8 =	vld [tilespmem:s28+$0x184B0];
	v1 =	vadd.f32 v52, v1;
	v4 =	vadd.f32 v54, v4  }
0x3d0: {  	v63 =	vadd.f32 v5, v7;
	v7 =	vld [tilespmem:s28+$0x184C0];
	v6 =	vadd.f32 v10, v0  }
0x3d1: {  	v5 =	vld [tilespmem:s28+$0x184D0];
	v10 =	vadd.f32 v58, v2;
	v2 =	vadd.f32 v9, v60  }
0x3d2: {  	s21 =	simm.s32 $0x80;
	v0 =	vadd.f32 v57, v4;
	v4 =	vld [tilespmem:s28+$0x184E0];
	v9 =	vadd.f32 v59, v62  }
0x3d3: {  	s19 =	simm.s32 $0x400;
	v3 =	vadd.f32 v11, v1;
	v1 =	vld [tilespmem:s21+$0x118F0];
	v11 =	vmul.f32 $1.000000010e-01, v10;
	v10 =	vadd.f32 v61, v63  }
.LBB2_13:
0x3d4: {  	p0 =	sne.s32 s19, $0x2E00;
	v12 =	vld [tilespmem:s21+$0x124F0];
	v9 =	vmul.f32 $1.000000010e-01, v9;
	v6 =	vadd.f32 v8, v6  }
0x3d5: {  	v8 =	vld [tilespmem:s21+$0x11880];
	[tilespmem:s28+$0x1A880] =	vst v11;
	v10 =	vmul.f32 $1.000000010e-01, v10;
	v3 =	vadd.f32 v7, v3  }
0x3d6: {  	v7 =	vld [tilespmem:s21+$0x130F0];
	[tilespmem:s28+$0x1A890] =	vst v9;
	v6 =	vmul.f32 $1.000000010e-01, v6;
	v2 =	vadd.f32 v5, v2  }
0x3d7: {  	v5 =	vld [tilespmem:s21+$0x12480];
	[tilespmem:s28+$0x1A8A0] =	vst v10;
	v3 =	vmul.f32 $1.000000010e-01, v3;
	v0 =	vadd.f32 v4, v0  }
0x3d8: {  	v4 =	vld [tilespmem:s21+$0x13CF0];
	[tilespmem:s28+$0x1A8B0] =	vst v6;
	v2 =	vmul.f32 $1.000000010e-01, v2  }
0x3d9: {  	v6 =	vld [tilespmem:s21+$0x11890];
	v1 =	vadd.f32 v12, v1;
	[tilespmem:s28+$0x1A8C0] =	vst v3;
	v0 =	vmul.f32 $1.000000010e-01, v0  }
0x3da: {  	v3 =	vld [tilespmem:s21+$0x148F0];
	[tilespmem:s28+$0x1A8D0] =	vst v2  }
0x3db: {  	v2 =	vld [tilespmem:s21+$0x12490];
	v1 =	vadd.f32 v7, v1;
	[tilespmem:s28+$0x1A8E0] =	vst v0;
	s28 =	smov.u32 s21  }
0x3dc: {  	v0 =	vadd.f32 v5, v8;
	v5 =	vld [tilespmem:s28+$0x154F0]  }
0x3dd: {  	v7 =	vld [tilespmem:s28+$0x118A0];
	v1 =	vadd.f32 v4, v1  }
0x3de: {  	v4 =	vld [tilespmem:s28+$0x160F0]  }
0x3df: {  	v8 =	vld [tilespmem:s28+$0x124A0];
	v1 =	vadd.f32 v3, v1  }
0x3e0: {  	v2 =	vadd.f32 v2, v6;
	v3 =	vld [tilespmem:s28+$0x16CF0]  }
0x3e1: {  	v6 =	vld [tilespmem:s28+$0x118B0];
	v1 =	vadd.f32 v5, v1  }
0x3e2: {  	v5 =	vld [tilespmem:s28+$0x178F0]  }
0x3e3: {  	v9 =	vld [tilespmem:s28+$0x124B0];
	v1 =	vadd.f32 v4, v1  }
0x3e4: {  	v4 =	vadd.f32 v8, v7;
	v7 =	vld [tilespmem:s28+$0x184F0]  }
0x3e5: {  	v8 =	vld [tilespmem:s28+$0x118C0];
	v1 =	vadd.f32 v3, v1  }
0x3e6: {  	v3 =	vld [tilespmem:s28+$0x124C0]  }
0x3e7: {  	v10 =	vld [tilespmem:s28+$0x118D0];
	v1 =	vadd.f32 v5, v1  }
0x3e8: {  	v5 =	vadd.f32 v9, v6;
	v6 =	vld [tilespmem:s28+$0x124D0]  }
0x3e9: {  	v9 =	vld [tilespmem:s28+$0x118E0];
	v1 =	vadd.f32 v7, v1  }
0x3ea: {  	v7 =	vld [tilespmem:s28+$0x124E0]  }
0x3eb: {  	v11 =	vld [tilespmem:s28+$0x13080];
	v3 =	vadd.f32 v3, v8;
	v1 =	vmul.f32 $1.000000010e-01, v1  }
0x3ec: {  	v8 =	vld [tilespmem:s28+$0x13090]  }
0x3ed: {  	v12 =	vld [tilespmem:s28+$0x130A0];
	v6 =	vadd.f32 v6, v10;
	[tilespmem:s28+$0x1A8F0] =	vst v1  }
0x3ee: {  	v1 =	vld [tilespmem:s28+$0x130B0]  }
0x3ef: {  	v10 =	vld [tilespmem:s28+$0x130C0];
	v7 =	vadd.f32 v7, v9  }
0x3f0: {  	v0 =	vadd.f32 v11, v0;
	v9 =	vld [tilespmem:s28+$0x130D0]  }
0x3f1: {  	v2 =	vadd.f32 v8, v2;
	v8 =	vld [tilespmem:s28+$0x130E0]  }
0x3f2: {  	v11 =	vld [tilespmem:s28+$0x13C80];
	v4 =	vadd.f32 v12, v4  }
0x3f3: {  	v12 =	vld [tilespmem:s28+$0x13C90];
	v1 =	vadd.f32 v1, v5  }
0x3f4: {  	v5 =	vld [tilespmem:s28+$0x13CA0];
	v3 =	vadd.f32 v10, v3  }
0x3f5: {  	v10 =	vld [tilespmem:s28+$0x13CB0];
	v6 =	vadd.f32 v9, v6  }
0x3f6: {  	v9 =	vld [tilespmem:s28+$0x13CC0];
	v7 =	vadd.f32 v8, v7  }
0x3f7: {  	v0 =	vadd.f32 v11, v0;
	v8 =	vld [tilespmem:s28+$0x13CD0]  }
0x3f8: {  	v2 =	vadd.f32 v12, v2;
	v11 =	vld [tilespmem:s28+$0x13CE0]  }
0x3f9: {  	v12 =	vld [tilespmem:s28+$0x14880];
	v4 =	vadd.f32 v5, v4  }
0x3fa: {  	v5 =	vld [tilespmem:s28+$0x14890];
	v1 =	vadd.f32 v10, v1  }
0x3fb: {  	v10 =	vld [tilespmem:s28+$0x148A0];
	v3 =	vadd.f32 v9, v3  }
0x3fc: {  	v9 =	vld [tilespmem:s28+$0x148B0];
	v6 =	vadd.f32 v8, v6  }
0x3fd: {  	v8 =	vld [tilespmem:s28+$0x148C0];
	v7 =	vadd.f32 v11, v7  }
0x3fe: {  	v0 =	vadd.f32 v12, v0;
	v11 =	vld [tilespmem:s28+$0x148D0]  }
0x3ff: {  	v2 =	vadd.f32 v5, v2;
	v5 =	vld [tilespmem:s28+$0x148E0]  }
0x400: {  	v12 =	vld [tilespmem:s28+$0x15480];
	v4 =	vadd.f32 v10, v4  }
0x401: {  	v10 =	vld [tilespmem:s28+$0x15490];
	v1 =	vadd.f32 v9, v1  }
0x402: {  	v9 =	vld [tilespmem:s28+$0x154A0];
	v3 =	vadd.f32 v8, v3  }
0x403: {  	v8 =	vld [tilespmem:s28+$0x154B0];
	v6 =	vadd.f32 v11, v6  }
0x404: {  	v11 =	vld [tilespmem:s28+$0x154C0];
	v5 =	vadd.f32 v5, v7  }
0x405: {  	v0 =	vadd.f32 v12, v0;
	v7 =	vld [tilespmem:s28+$0x154D0]  }
0x406: {  	v2 =	vadd.f32 v10, v2;
	v10 =	vld [tilespmem:s28+$0x154E0]  }
0x407: {  	v12 =	vld [tilespmem:s28+$0x16080];
	v4 =	vadd.f32 v9, v4  }
0x408: {  	v9 =	vld [tilespmem:s28+$0x16090];
	v1 =	vadd.f32 v8, v1  }
0x409: {  	v8 =	vld [tilespmem:s28+$0x160A0];
	v3 =	vadd.f32 v11, v3  }
0x40a: {  	v11 =	vld [tilespmem:s28+$0x160B0];
	v6 =	vadd.f32 v7, v6  }
0x40b: {  	v7 =	vld [tilespmem:s28+$0x160C0];
	v5 =	vadd.f32 v10, v5  }
0x40c: {  	v0 =	vadd.f32 v12, v0;
	v10 =	vld [tilespmem:s28+$0x160D0]  }
0x40d: {  	v2 =	vadd.f32 v9, v2;
	v9 =	vld [tilespmem:s28+$0x160E0]  }
0x40e: {  	v12 =	vld [tilespmem:s28+$0x16C80];
	v4 =	vadd.f32 v8, v4  }
0x40f: {  	v8 =	vld [tilespmem:s28+$0x16C90];
	v1 =	vadd.f32 v11, v1  }
0x410: {  	v11 =	vld [tilespmem:s28+$0x16CA0];
	v3 =	vadd.f32 v7, v3  }
0x411: {  	v7 =	vld [tilespmem:s28+$0x16CB0];
	v6 =	vadd.f32 v10, v6  }
0x412: {  	v10 =	vld [tilespmem:s28+$0x16CC0];
	v5 =	vadd.f32 v9, v5  }
0x413: {  	v0 =	vadd.f32 v12, v0;
	v9 =	vld [tilespmem:s28+$0x16CD0]  }
0x414: {  	v2 =	vadd.f32 v8, v2;
	v8 =	vld [tilespmem:s28+$0x16CE0]  }
0x415: {  	v12 =	vld [tilespmem:s28+$0x17880];
	v4 =	vadd.f32 v11, v4  }
0x416: {  	v11 =	vld [tilespmem:s28+$0x17890];
	v1 =	vadd.f32 v7, v1  }
0x417: {  	v7 =	vld [tilespmem:s28+$0x178A0];
	v3 =	vadd.f32 v10, v3  }
0x418: {  	v10 =	vld [tilespmem:s28+$0x178B0];
	v9 =	vadd.f32 v9, v6  }
0x419: {  	v13 =	vld [tilespmem:s28+$0x178C0];
	v5 =	vadd.f32 v8, v5  }
0x41a: {  	v12 =	vadd.f32 v12, v0;
	v0 =	vld [tilespmem:s28+$0x178D0]  }
0x41b: {  	v11 =	vadd.f32 v11, v2;
	v14 =	vld [tilespmem:s28+$0x178E0]  }
0x41c: {  	v15 =	vld [tilespmem:s28+$0x18480];
	v16 =	vadd.f32 v7, v4  }
0x41d: {  	v4 =	vld [tilespmem:s28+$0x18490];
	v6 =	vadd.f32 v10, v1  }
0x41e: {  	v10 =	vld [tilespmem:s28+$0x184A0];
	v3 =	vadd.f32 v13, v3  }
.Ltmp6:
0x41f: {  	v8 =	vld [tilespmem:s28+$0x184B0];
	v2 =	vadd.f32 v0, v9;
	(pc) =	sbr.rel @p0 .LBB2_13-.Ltmp6, $4  }
0x420: {  	v7 =	vld [tilespmem:s28+$0x184C0];
	v0 =	vadd.f32 v14, v5  }
0x421: {  	v12 =	vadd.f32 v15, v12;
	v5 =	vld [tilespmem:s28+$0x184D0]  }
0x422: {  	s21 =	sshra.s32 s19, $0x2;
	v9 =	vadd.f32 v4, v11;
	v4 =	vld [tilespmem:s28+$0x184E0]  }
0x423: {  	s19 =	sadd.s32 $0x200, s19;
	v1 =	vld [tilespmem:s21+$0x118F0];
	v11 =	vmul.f32 $1.000000010e-01, v12;
	v10 =	vadd.f32 v10, v16  }
0x424: {  	v12 =	vld [tilespmem:s21+$0x124F0];
	v9 =	vmul.f32 $1.000000010e-01, v9;
	v6 =	vadd.f32 v8, v6  }
0x425: {  	v13 =	vld [tilespmem:s21+$0x11880];
	[tilespmem:s28+$0x1A880] =	vst v11;
	v57 =	vmul.f32 $1.000000010e-01, v10;
	v3 =	vadd.f32 v7, v3  }
0x426: {  	v11 =	vld [tilespmem:s21+$0x130F0];
	[tilespmem:s28+$0x1A890] =	vst v9;
	v6 =	vmul.f32 $1.000000010e-01, v6;
	v2 =	vadd.f32 v5, v2  }
0x427: {  	v9 =	vld [tilespmem:s21+$0x12480];
	[tilespmem:s28+$0x1A8A0] =	vst v57;
	v3 =	vmul.f32 $1.000000010e-01, v3;
	v0 =	vadd.f32 v4, v0  }
0x428: {  	v58 =	vld [tilespmem:s21+$0x13CF0];
	[tilespmem:s28+$0x1A8B0] =	vst v6;
	v2 =	vmul.f32 $1.000000010e-01, v2  }
0x429: {  	v59 =	vld [tilespmem:s21+$0x11890];
	[tilespmem:s28+$0x1A8C0] =	vst v3;
	v0 =	vmul.f32 $1.000000010e-01, v0  }
0x42a: {  	v3 =	vld [tilespmem:s21+$0x148F0];
	[tilespmem:s28+$0x1A8D0] =	vst v2  }
0x42b: {  	v2 =	vld [tilespmem:s21+$0x12490];
	[tilespmem:s28+$0x1A8E0] =	vst v0  }
0x42c: {  	v61 =	vld [tilespmem:s21+$0x154F0]  }
0x42d: {  	v62 =	vld [tilespmem:s21+$0x118A0]  }
0x42e: {  	v6 =	vld [tilespmem:s21+$0x160F0]  }
0x42f: {  	v63 =	vld [tilespmem:s21+$0x124A0]  }
0x430: {  	v42 =	vld [tilespmem:s21+$0x16CF0]  }
0x431: {  	v8 =	vld [tilespmem:s21+$0x118B0]  }
0x432: {  	v43 =	vld [tilespmem:s21+$0x178F0]  }
0x433: {  	v44 =	vld [tilespmem:s21+$0x124B0]  }
0x434: {  	v45 =	vld [tilespmem:s21+$0x184F0]  }
0x435: {  	v46 =	vld [tilespmem:s21+$0x118C0]  }
0x436: {  	v47 =	vld [tilespmem:s21+$0x124C0]  }
0x437: {  	v48 =	vld [tilespmem:s21+$0x118D0]  }
0x438: {  	v49 =	vld [tilespmem:s21+$0x124D0]  }
0x439: {  	v14 =	vld [tilespmem:s21+$0x118E0]  }
0x43a: {  	v50 =	vld [tilespmem:s21+$0x124E0]  }
0x43b: {  	v15 =	vld [tilespmem:s21+$0x13080]  }
0x43c: {  	v16 =	vld [tilespmem:s21+$0x13090]  }
0x43d: {  	v17 =	vld [tilespmem:s21+$0x130A0]  }
0x43e: {  	v51 =	vld [tilespmem:s21+$0x130B0]  }
0x43f: {  	v18 =	vld [tilespmem:s21+$0x130C0]  }
0x440: {  	v19 =	vld [tilespmem:s21+$0x130D0]  }
0x441: {  	v20 =	vld [tilespmem:s21+$0x130E0]  }
0x442: {  	v21 =	vld [tilespmem:s21+$0x13C80]  }
0x443: {  	v22 =	vld [tilespmem:s21+$0x13C90]  }
0x444: {  	v23 =	vld [tilespmem:s21+$0x13CA0]  }
0x445: {  	v24 =	vld [tilespmem:s21+$0x13CB0]  }
0x446: {  	v25 =	vld [tilespmem:s21+$0x13CC0]  }
0x447: {  	v26 =	vld [tilespmem:s21+$0x13CD0]  }
0x448: {  	v27 =	vld [tilespmem:s21+$0x13CE0]  }
0x449: {  	v28 =	vld [tilespmem:s21+$0x14880]  }
0x44a: {  	v29 =	vld [tilespmem:s21+$0x14890]  }
0x44b: {  	v30 =	vld [tilespmem:s21+$0x148A0]  }
0x44c: {  	v31 =	vld [tilespmem:s21+$0x148B0]  }
0x44d: {  	v32 =	vld [tilespmem:s21+$0x148C0]  }
0x44e: {  	v1 =	vadd.f32 v12, v1;
	v33 =	vld [tilespmem:s21+$0x148D0]  }
0x44f: {  	v34 =	vld [tilespmem:s21+$0x148E0]  }
0x450: {  	v60 =	vadd.f32 v11, v1;
	v35 =	vld [tilespmem:s21+$0x15480]  }
0x451: {  	v36 =	vld [tilespmem:s21+$0x15490]  }
0x452: {  	v37 =	vld [tilespmem:s21+$0x154A0];
	v0 =	vadd.f32 v58, v60  }
0x453: {  	v38 =	vld [tilespmem:s21+$0x154B0]  }
0x454: {  	v39 =	vld [tilespmem:s21+$0x154C0];
	v0 =	vadd.f32 v3, v0  }
0x455: {  	v40 =	vld [tilespmem:s21+$0x154D0];
	v9 =	vadd.f32 v9, v13;
	v2 =	vadd.f32 v2, v59  }
0x456: {  	v41 =	vld [tilespmem:s21+$0x154E0];
	v0 =	vadd.f32 v61, v0;
	v4 =	vadd.f32 v63, v62  }
0x457: {  	v52 =	vld [tilespmem:s21+$0x16080];
	v54 =	vadd.f32 v44, v8;
	v3 =	vadd.f32 v47, v46  }
0x458: {  	v53 =	vld [tilespmem:s21+$0x16090];
	v1 =	vadd.f32 v49, v48;
	v9 =	vadd.f32 v15, v9  }
0x459: {  	v55 =	vld [tilespmem:s21+$0x160A0];
	v2 =	vadd.f32 v16, v2;
	v0 =	vadd.f32 v6, v0  }
0x45a: {  	v56 =	vld [tilespmem:s21+$0x160B0];
	v6 =	vadd.f32 v50, v14;
	v4 =	vadd.f32 v17, v4  }
0x45b: {  	v57 =	vld [tilespmem:s21+$0x160C0];
	v3 =	vadd.f32 v18, v3;
	v1 =	vadd.f32 v19, v1  }
0x45c: {  	v58 =	vld [tilespmem:s21+$0x160D0];
	v9 =	vadd.f32 v21, v9;
	v2 =	vadd.f32 v22, v2  }
0x45d: {  	v60 =	vld [tilespmem:s21+$0x16C80];
	v0 =	vadd.f32 v42, v0;
	v6 =	vadd.f32 v20, v6  }
0x45e: {  	v59 =	vld [tilespmem:s21+$0x160E0];
	v4 =	vadd.f32 v23, v4;
	v3 =	vadd.f32 v25, v3  }
0x45f: {  	v61 =	vld [tilespmem:s21+$0x16C90];
	v1 =	vadd.f32 v26, v1;
	v9 =	vadd.f32 v28, v9  }
0x460: {  	v62 =	vld [tilespmem:s21+$0x16CA0];
	v2 =	vadd.f32 v29, v2;
	v0 =	vadd.f32 v43, v0  }
0x461: {  	v63 =	vld [tilespmem:s21+$0x16CB0];
	v6 =	vadd.f32 v27, v6;
	v4 =	vadd.f32 v30, v4  }
0x462: {  	v44 =	vld [tilespmem:s21+$0x16CE0];
	v3 =	vadd.f32 v32, v3;
	v1 =	vadd.f32 v33, v1  }
0x463: {  	v46 =	vld [tilespmem:s21+$0x17890];
	v9 =	vadd.f32 v35, v9;
	v2 =	vadd.f32 v36, v2  }
0x464: {  	v47 =	vld [tilespmem:s21+$0x178A0];
	v0 =	vadd.f32 v45, v0;
	v6 =	vadd.f32 v34, v6  }
0x465: {  	v48 =	vld [tilespmem:s21+$0x178B0];
	v4 =	vadd.f32 v37, v4;
	v3 =	vadd.f32 v39, v3  }
0x466: {  	v49 =	vld [tilespmem:s21+$0x178C0];
	v1 =	vadd.f32 v40, v1;
	v9 =	vadd.f32 v52, v9  }
0x467: {  	v42 =	vld [tilespmem:s21+$0x16CC0];
	v2 =	vadd.f32 v53, v2;
	v0 =	vmul.f32 $1.000000010e-01, v0;
	v6 =	vadd.f32 v41, v6  }
0x468: {  	v43 =	vld [tilespmem:s21+$0x16CD0];
	v4 =	vadd.f32 v55, v4;
	v3 =	vadd.f32 v57, v3  }
0x469: {  	v45 =	vld [tilespmem:s21+$0x17880];
	v1 =	vadd.f32 v58, v1;
	[tilespmem:s21+$0x1A8F0] =	vst v0;
	v0 =	vadd.f32 v51, v54  }
0x46a: {  	v50 =	vld [tilespmem:s21+$0x178D0];
	v9 =	vadd.f32 v60, v9;
	v2 =	vadd.f32 v61, v2  }
0x46b: {  	v52 =	vld [tilespmem:s21+$0x18480];
	v6 =	vadd.f32 v59, v6;
	v0 =	vadd.f32 v24, v0  }
0x46c: {  	v53 =	vld [tilespmem:s21+$0x18490];
	v4 =	vadd.f32 v62, v4;
	v3 =	vadd.f32 v42, v3  }
0x46d: {  	v57 =	vld [tilespmem:s21+$0x184D0];
	v1 =	vadd.f32 v43, v1;
	v0 =	vadd.f32 v31, v0  }
0x46e: {  	v51 =	vld [tilespmem:s21+$0x178E0];
	v9 =	vadd.f32 v45, v9;
	v2 =	vadd.f32 v46, v2  }
0x46f: {  	v54 =	vld [tilespmem:s21+$0x184A0];
	v6 =	vadd.f32 v44, v6;
	v0 =	vadd.f32 v38, v0  }
0x470: {  	v58 =	vld [tilespmem:s21+$0x184E0];
	v4 =	vadd.f32 v47, v4;
	v1 =	vadd.f32 v50, v1  }
0x471: {  	v9 =	vadd.f32 v52, v9;
	v0 =	vadd.f32 v56, v0;
	v56 =	vld [tilespmem:s21+$0x184C0]  }
0x472: {  	v55 =	vld [tilespmem:s21+$0x184B0];
	v2 =	vadd.f32 v53, v2;
	v1 =	vadd.f32 v57, v1  }
0x473: {  	v59 =	vmul.f32 $1.000000010e-01, v9;
	v6 =	vadd.f32 v51, v6;
	v0 =	vadd.f32 v63, v0  }
0x474: {  	v3 =	vadd.f32 v49, v3;
	v4 =	vadd.f32 v54, v4;
	v2 =	vmul.f32 $1.000000010e-01, v2  }
0x475: {  	v62 =	vmul.f32 $1.000000010e-01, v1;
	[tilespmem:s21+$0x1A880] =	vst v59;
	v61 =	vadd.f32 v58, v6;
	v0 =	vadd.f32 v48, v0  }
0x476: {  	v4 =	vmul.f32 $1.000000010e-01, v4;
	[tilespmem:s21+$0x1A890] =	vst v2;
	v3 =	vadd.f32 v56, v3  }
0x477: {  	[tilespmem:s21+$0x1A8D0] =	vst v62;
	v63 =	vmul.f32 $1.000000010e-01, v61;
	v0 =	vadd.f32 v55, v0  }
0x478: {  	s12 =	sadd.s32 s26, s22;
	s25 =	sadd.s32 $0x1, s25;
	[tilespmem:s21+$0x1A8A0] =	vst v4;
	v60 =	vmul.f32 $1.000000010e-01, v3  }
0x479: {  	s12 =	smul.u32 $0x180, s12;
	p0 =	sne.s32 s25, $0x16;
	[tilespmem:s21+$0x1A8E0] =	vst v63;
	v0 =	vmul.f32 $1.000000010e-01, v0  }
.Ltmp7:
0x47a: {  	[tilespmem:s21+$0x1A8C0] =	vst v60;
	(pc) =	sbr.rel @p0 .LBB2_2-.Ltmp7, $4  }
0x47b: {  	s19 =	sadd.s32 s5, s12;
	[tilespmem:s21+$0x1A8B0] =	vst v0  }
0x47c: {  	[hbm4b:s19+s4] =	stream.linear.scatter [tilespmem:s10], [sflag:$0x7], $0xC00, $0x200038;
	[tilespmem:$0x1B480] =	vst v63  }
0x47d: {  	s12 =	sadd.s32 s6, s12  }
0x47e: {  	[hbm4b:s12+s4] =	stream.linear.scatter [tilespmem:s17], [sflag:$0x7], $0xC00, $0x200038;
	[tilespmem:$0x1B480] =	vst v63  }
0x47f: {  	_ =	strace $0x90000049  }
0x480: {  	_ =	strace $0x8000004A  }
0x481: {  	_ =	swait.ge [sflag:s14], $0xC00  }
0x482: {  	[sflag:s14] =	ssyncset.done $0x0  }
0x483: {  	[sflag:s14] =	ssyncadd.s32 $0xFFFFF400  }
0x484: {  	_ =	swait.ge [sflag:s14], $0xC00  }
0x485: {  	s19 =	sld [smem:$0x7F5];
	_ =	sdelay $0x2  }
0x486: {  	s12 =	rddreg [dreg:$0x15];
	s19 =	sadd.s32 $0x1, s19  }
0x487: {  	p0 =	sne.s32 s19, s12  }
.Ltmp8:
0x488: {  	_ = 	snop;
	(pc) =	sbr.rel @p0 .LBB2_1-.Ltmp8, $4  }
0x489: {  	_ = 	snop  }
0x48a: {  	[sflag:s14] =	ssyncset.done $0x0  }
0x48b: {  	[sflag:s14] =	ssyncadd.s32 $0xFFFFF400  }
0x48c: {  	_ =	strace $0x9000004A  }
0x48d: {  	_ =	sfence.sel $0x180000  }
0x48e: {  	[bflag:$0x0] =	sbarrier.arrive $0xFFFF  }
0x48f: {  	_ =	strace $0x90000047  }
0x490: {  	s0 =	stileid.u32;
	[bflag:$0x2] =	sbarrier.arrive $0xFFFF  }
0x491: {  	p0 =	sne.s32 s0, $0x0;
	s0 =	rddreg [dreg:$0x3]  }
0x492: {  	s0 =	sadd.s32 @!p0 $0x100000, s0  }
0x493: {  	[sflag:s0] =	ssyncadd.tile.s32 @!p0 $0x1;
	_ =	shalt  }
.Lfunc_end2:
_tile_overlayer_lowered:
.L_overlay_start_2:
0x494: {  	(tag) =	ssettag $0x2  }
0x495: {  	s0 =	rddreg [dreg:$0x0];
	s2 =	stileid.u32  }
0x496: {  	s1 =	rddreg [dreg:$0x1];
	p0 =	sne.s32 s2, $0x0  }
0x497: {  	s3 =	rddreg [dreg:$0x2];
	[bflag:$0x3] =	sbarrier.arrive $0xFFFF;
	s2 =	simm.s32 @!p0 $0x1C08  }
0x498: {  	[timem:s3], [sflag:s2] =	dma.local @!p0 [hbm:s0], s1  }
0x499: {  	s0 =	simm.s32 @!p0 $0x8  }
0x49a: {  	_ =	swait.ge @!p0 [sflag:s0], s1  }
0x49b: {  	s1 =	ssub.s32 @!p0 $0x0, s1;
	[sflag:s0] =	ssyncset.done @!p0 $0x0  }
0x49c: {  	[sflag:s0] =	ssyncadd.s32 @!p0 s1  }
0x49d: {  	[bflag:$0x3] =	sbarrier.arrive $0xFFFF  }
0x49e: {  	_ =	shalt  }

</sc_bundles>
